<compile_context>
chip_gen: v7x
topology: tpu7x:2x2x1
jax: 0.10.2.dev20260603
libtpu: 0.0.44.dev20260713+nightly
codegen_flags: <defaults>
</compile_context>

<pallas_src>
import functools

import jax
import jax.numpy as jnp
from jax import lax
from jax.experimental import pallas as pl
from jax.experimental.pallas import tpu as pltpu
from jax.experimental.pallas import tpu_sc as plsc

N_NODES = 10000
H = 128
NC = 2
NS = 16
NT = NC * NS
CH = 128
LN_EPS = 1e-5


def _mesh():
    return plsc.VectorSubcoreMesh(
        core_axis_name="c", subcore_axis_name="s", num_cores=NC, num_subcores=NS)


def _fori(n, body):
    lax.fori_loop(0, n, lambda i, c: (body(i), c)[1], 0)


def _sc_degree(dst_flat, nacc, ept):
    nch = ept // CH
    rps = nacc // NS

    @functools.partial(
        pl.kernel,
        out_type=jax.ShapeDtypeStruct((NC, nacc, 16), jnp.float32),
        mesh=_mesh(),
        scratch_types=[
            pltpu.VMEM_SHARED((nacc, 16), jnp.float32),
            pltpu.VMEM((CH, 16), jnp.float32),
            pltpu.VMEM((CH, 16), jnp.float32),
            pltpu.VMEM((CH,), jnp.int32),
            pltpu.SemaphoreType.DMA,
        ],
    )
    def k(dstr, out, acc, ones, zbuf, idst, sem):
        c = lax.axis_index("c")
        s = lax.axis_index("s")
        t = c * NS + s
        base = s * rps

        def init_row(r):
            ones[r, :] = jnp.full((16,), 1.0, jnp.float32)
            zbuf[r, :] = jnp.zeros((16,), jnp.float32)
        _fori(CH, init_row)

        def zero_chunk(i):
            pltpu.sync_copy(zbuf, acc.at[pl.ds(base + i * CH, CH)])
        _fori(rps // CH, zero_chunk)
        plsc.subcore_barrier()

        ebase = t * ept

        def step(j):
            pltpu.sync_copy(dstr.at[pl.ds(ebase + j * CH, CH)], idst)
            pltpu.sync_copy(ones, acc.at[idst], add=True)
        _fori(nch, step)
        plsc.subcore_barrier()

        def wb(i):
            sl = pl.ds(base + i * CH, CH)
            pltpu.sync_copy(acc.at[sl], out.at[c, sl])
        _fori(rps // CH, wb)

    return k(dst_flat)


def _sc_scatter(table, src_flat, dst_flat, nacc, ept):
    nch = ept // CH
    hbs = [(nch + 1) // 2, nch - (nch + 1) // 2]
    hbmax = hbs[0]
    rps = nacc // NS

    @functools.partial(
        pl.kernel,
        out_type=jax.ShapeDtypeStruct((NC, nacc, H), jnp.float32),
        mesh=_mesh(),
        scratch_types=[
            pltpu.VMEM_SHARED((nacc, H), jnp.float32),
            pltpu.VMEM((CH, H), jnp.float32),
            pltpu.VMEM((CH, H), jnp.float32),
            pltpu.VMEM((hbmax, CH), jnp.int32),
            pltpu.VMEM((hbmax, CH), jnp.int32),
            pltpu.SemaphoreType.DMA,
            pltpu.SemaphoreType.DMA,
            pltpu.SemaphoreType.DMA,
        ],
    )
    def k(tab, srcr, dstr, out, acc, ra, rb, isrc, idst, semi, sa, sb):
        c = lax.axis_index("c")
        s = lax.axis_index("s")
        t = c * NS + s
        ebase = t * ept
        base = s * rps

        def zrow(r):
            for q in range(H // 16):
                ra[r, pl.ds(q * 16, 16)] = jnp.zeros((16,), jnp.float32)
        _fori(CH, zrow)

        def zero_chunk(i):
            pltpu.sync_copy(ra, acc.at[pl.ds(base + i * CH, CH)])
        _fori(rps // CH, zero_chunk)
        plsc.subcore_barrier()

        def fire(j, buf, sem):
            pltpu.async_copy(tab.at[isrc.at[j]], buf, sem)

        def drain_scatter(j, buf, sem):
            pltpu.make_async_copy(tab.at[isrc.at[j]], buf, sem).wait()
            pltpu.sync_copy(buf, acc.at[idst.at[j]], add=True)

        cb = 0
        for hb in hbs:
            cbase = ebase + cb * CH

            def ldidx(j):
                off = cbase + j * CH
                pltpu.async_copy(srcr.at[pl.ds(off, CH)], isrc.at[j], semi)
                pltpu.async_copy(dstr.at[pl.ds(off, CH)], idst.at[j], semi)
            _fori(hb, ldidx)

            def ldwait(j):
                pltpu.make_async_copy(srcr.at[pl.ds(0, CH)], isrc.at[0], semi).wait()
                pltpu.make_async_copy(dstr.at[pl.ds(0, CH)], idst.at[0], semi).wait()
            _fori(hb, ldwait)

            fire(0, ra, sa)
            if hb > 1:
                fire(1, rb, sb)

            def sstep(i):
                drain_scatter(2 * i, ra, sa)

                @pl.when(2 * i + 2 < hb)
                def _():
                    fire(2 * i + 2, ra, sa)

                @pl.when(2 * i + 1 < hb)
                def _():
                    drain_scatter(2 * i + 1, rb, sb)

                @pl.when(2 * i + 3 < hb)
                def _():
                    fire(2 * i + 3, rb, sb)
            _fori((hb + 1) // 2, sstep)
            cb += hb
        plsc.subcore_barrier()

        def wb(i):
            sl = pl.ds(base + i * CH, CH)
            pltpu.sync_copy(acc.at[sl], out.at[c, sl])
        _fori(rps // CH, wb)

    return k(table, src_flat, dst_flat)


def _sc_pair_gather(A, B, src_flat, dst_flat, e_pad, ept):
    nch = ept // CH

    @functools.partial(
        pl.kernel,
        out_type=jax.ShapeDtypeStruct((e_pad, H), jnp.float32),
        mesh=_mesh(),
        scratch_types=[
            pltpu.VMEM((CH, H), jnp.float32),
            pltpu.VMEM((CH, H), jnp.float32),
            pltpu.VMEM((CH, H), jnp.float32),
            pltpu.VMEM((CH, H), jnp.float32),
            pltpu.VMEM((nch, CH), jnp.int32),
            pltpu.VMEM((nch, CH), jnp.int32),
            pltpu.SemaphoreType.DMA,
            pltpu.SemaphoreType.DMA,
            pltpu.SemaphoreType.DMA,
        ],
    )
    def k(a_t, b_t, srcr, dstr, out, a0, b0, a1, b1, isrc, idst, semi, s0, s1):
        c = lax.axis_index("c")
        s = lax.axis_index("s")
        t = c * NS + s
        ebase = t * ept

        def ldidx(j):
            off = ebase + j * CH
            pltpu.async_copy(srcr.at[pl.ds(off, CH)], isrc.at[j], semi)
            pltpu.async_copy(dstr.at[pl.ds(off, CH)], idst.at[j], semi)
        _fori(nch, ldidx)

        def ldwait(j):
            pltpu.make_async_copy(srcr.at[pl.ds(0, CH)], isrc.at[0], semi).wait()
            pltpu.make_async_copy(dstr.at[pl.ds(0, CH)], idst.at[0], semi).wait()
        _fori(nch, ldwait)

        def fire(j, ab, bb, sem):
            pltpu.async_copy(a_t.at[isrc.at[j]], ab, sem)
            pltpu.async_copy(b_t.at[idst.at[j]], bb, sem)

        def finish(j, ab, bb, sem):
            pltpu.make_async_copy(a_t.at[isrc.at[j]], ab, sem).wait()
            pltpu.make_async_copy(a_t.at[isrc.at[j]], bb, sem).wait()

            def addrow(r):
                for q in range(H // 16):
                    sl = pl.ds(q * 16, 16)
                    ab[r, sl] = ab[r, sl] + bb[r, sl]
            _fori(CH, addrow)
            pltpu.sync_copy(ab, out.at[pl.ds(ebase + j * CH, CH)])

        fire(0, a0, b0, s0)

        def sstep(i):
            @pl.when(2 * i + 1 < nch)
            def _():
                fire(2 * i + 1, a1, b1, s1)
            finish(2 * i, a0, b0, s0)

            @pl.when(2 * i + 2 < nch)
            def _():
                fire(2 * i + 2, a0, b0, s0)

            @pl.when(2 * i + 1 < nch)
            def _():
                finish(2 * i + 1, a1, b1, s1)
        _fori((nch + 1) // 2, sstep)

    return k(A, B, src_flat, dst_flat)


def _dis_block(degp):
    deg = degp[0, :, 0:1] + degp[1, :, 0:1] + 1.0
    return lax.rsqrt(deg)


def _ln_relu(h, g, b):
    m = jnp.mean(h, axis=-1, keepdims=True)
    v = jnp.mean((h - m) ** 2, axis=-1, keepdims=True)
    return jnp.maximum((h - m) * lax.rsqrt(v + LN_EPS) * g + b, 0.0)


def _tc_enc(x, WencT, b_enc, g_enc, be_enc, W0T, degp, bn):
    n = x.shape[0]
    grid = (n // bn,)
    row = lambda i: (i, 0)
    full = lambda i: (0, 0)

    def body(x_r, wt_r, be_r, g_r, bb_r, w0_r, dg_r, h_r, hs_r):
        h = jnp.dot(x_r[...], wt_r[...], preferred_element_type=jnp.float32)
        h = _ln_relu(h + be_r[...], g_r[...], bb_r[...])
        h_r[...] = h
        dis = _dis_block(dg_r)
        hs_r[...] = jnp.dot(h, w0_r[...], preferred_element_type=jnp.float32) * dis

    return pl.pallas_call(
        body,
        grid=grid,
        in_specs=[
            pl.BlockSpec((bn, H), row),
            pl.BlockSpec((H, H), full),
            pl.BlockSpec((1, H), full),
            pl.BlockSpec((1, H), full),
            pl.BlockSpec((1, H), full),
            pl.BlockSpec((H, H), full),
            pl.BlockSpec((NC, bn, 16), lambda i: (0, i, 0)),
        ],
        out_specs=[pl.BlockSpec((bn, H), row), pl.BlockSpec((bn, H), row)],
        out_shape=[jax.ShapeDtypeStruct((n, H), jnp.float32)] * 2,
    )(x, WencT, b_enc, g_enc, be_enc, W0T, degp)


def _tc_mid(parts, hs, h_prev, degp, b_l, g_l, bln_l, WnT, bn, last, W1sT=None,
            b_c1=None, W1dT=None):
    n = hs.shape[0]
    grid = (n // bn,)
    row = lambda i: (i, 0)
    full = lambda i: (0, 0)
    part_spec = pl.BlockSpec((NC, bn, H), lambda i: (0, i, 0))

    def combine(p_r, hs_r, hp_r, dg_r, b_r, g_r, bb_r):
        dis = _dis_block(dg_r)
        o = (p_r[0] + p_r[1] + hs_r[...]) * dis + b_r[...]
        return _ln_relu(o, g_r[...], bb_r[...]) + hp_r[...], dis

    if last:
        def body(p_r, hs_r, hp_r, dg_r, b_r, g_r, bb_r, w1s_r, bc1_r, w1d_r,
                 a_r, bt_r):
            hn, _ = combine(p_r, hs_r, hp_r, dg_r, b_r, g_r, bb_r)
            a_r[...] = jnp.dot(hn, w1s_r[...], preferred_element_type=jnp.float32) + bc1_r[...]
            bt_r[...] = jnp.dot(hn, w1d_r[...], preferred_element_type=jnp.float32)
        extra_in = [W1sT, b_c1, W1dT]
        extra_specs = [pl.BlockSpec((H, H), full), pl.BlockSpec((1, H), full),
                       pl.BlockSpec((H, H), full)]
    else:
        def body(p_r, hs_r, hp_r, dg_r, b_r, g_r, bb_r, wn_r, h_r, hs2_r):
            hn, dis = combine(p_r, hs_r, hp_r, dg_r, b_r, g_r, bb_r)
            h_r[...] = hn
            hs2_r[...] = jnp.dot(hn, wn_r[...], preferred_element_type=jnp.float32) * dis
        extra_in = [WnT]
        extra_specs = [pl.BlockSpec((H, H), full)]

    return pl.pallas_call(
        body,
        grid=grid,
        in_specs=[
            part_spec,
            pl.BlockSpec((bn, H), row),
            pl.BlockSpec((bn, H), row),
            pl.BlockSpec((NC, bn, 16), lambda i: (0, i, 0)),
            pl.BlockSpec((1, H), full),
            pl.BlockSpec((1, H), full),
            pl.BlockSpec((1, H), full),
        ] + extra_specs,
        out_specs=[pl.BlockSpec((bn, H), row), pl.BlockSpec((bn, H), row)],
        out_shape=[jax.ShapeDtypeStruct((n, H), jnp.float32)] * 2,
    )(parts, hs, h_prev, degp, b_l, g_l, bln_l, *extra_in)


def _tc_cls(P, ea, W1eT, W2T, b_c2, w3row, b_c3, be):
    e_pad = P.shape[0]
    grid = (-(-e_pad // be),)
    row = lambda i: (i, 0)
    full = lambda i: (0, 0)

    def body(p_r, ea_r, w1e_r, w2_r, b2_r, w3_r, b3_r, o_r):
        o1 = p_r[...] + jnp.dot(ea_r[...], w1e_r[...],
                                preferred_element_type=jnp.float32)
        o1 = jnp.maximum(o1, 0.0)
        o2 = jnp.dot(o1, w2_r[...], preferred_element_type=jnp.float32) + b2_r[...]
        o2 = jnp.maximum(o2, 0.0)
        o_r[...] = jnp.sum(o2 * w3_r[...], axis=-1, keepdims=True) + b3_r[...]

    return pl.pallas_call(
        body,
        grid=grid,
        in_specs=[
            pl.BlockSpec((be, H), row),
            pl.BlockSpec((be, 16), row),
            pl.BlockSpec((16, H), full),
            pl.BlockSpec((H, H // 2), full),
            pl.BlockSpec((1, H // 2), full),
            pl.BlockSpec((1, H // 2), full),
            pl.BlockSpec((1, 1), full),
        ],
        out_specs=pl.BlockSpec((be, 1), row),
        out_shape=jax.ShapeDtypeStruct((e_pad, 1), jnp.float32),
    )(P, ea, W1eT, W2T, b_c2, w3row, b_c3)


def kernel(x, edge_index, edge_attr, W_enc, b_enc, g_enc, be_enc,
           W_gcn0, b_gcn0, g_ln0, b_ln0,
           W_gcn1, b_gcn1, g_ln1, b_ln1,
           W_gcn2, b_gcn2, g_ln2, b_ln2,
           W_c1, b_c1, W_c2, b_c2, W_c3, b_c3):
    n, h = x.shape
    e = edge_index.shape[1]
    ept = -(-e // (NT * CH)) * CH
    e_pad = ept * NT
    nch = ept // CH
    nacc = -(-n // (NS * CH)) * NS * CH

    src = edge_index[0]
    dst = edge_index[1]
    pad = e_pad - e
    ndum = nacc - n
    src_p = jnp.pad(src, (0, pad))
    ea_p = jnp.pad(edge_attr, ((0, pad), (0, 0)))
    dst_p = jnp.pad(dst, (0, pad))
    dst_s = jnp.pad(dst, (0, pad), constant_values=n)

    r2 = lambda v: v.reshape(1, -1)
    WencT = W_enc.T
    W0T, W1T, W2T_g = W_gcn0.T, W_gcn1.T, W_gcn2.T
    W1sT = W_c1[:, :h].T
    W1eT = W_c1[:, h:h + 16].T
    W1dT = W_c1[:, h + 16:].T
    Wc2T = W_c2.T

    bn = 1000

    degp = _sc_degree(dst_s, nacc, ept)

    h0, hs0 = _tc_enc(x, WencT, r2(b_enc), r2(g_enc), r2(be_enc), W0T, degp, bn)

    parts0 = _sc_scatter(hs0, src_p, dst_s, nacc, ept)
    h1, hs1 = _tc_mid(parts0, hs0, h0, degp, r2(b_gcn0), r2(g_ln0), r2(b_ln0),
                      W1T, bn, last=False)
    parts1 = _sc_scatter(hs1, src_p, dst_s, nacc, ept)
    h2, hs2 = _tc_mid(parts1, hs1, h1, degp, r2(b_gcn1), r2(g_ln1), r2(b_ln1),
                      W2T_g, bn, last=False)
    parts2 = _sc_scatter(hs2, src_p, dst_s, nacc, ept)
    A, B = _tc_mid(parts2, hs2, h2, degp, r2(b_gcn2), r2(g_ln2), r2(b_ln2),
                   None, bn, last=True, W1sT=W1sT, b_c1=r2(b_c1), W1dT=W1dT)

    P = _sc_pair_gather(A, B, src_p, dst_p, e_pad, ept)

    out = _tc_cls(P, ea_p, W1eT, Wc2T, r2(b_c2), W_c3, r2(b_c3), be=8192)
    return out[:e]

# --- scband reference (transcript-rebuilt; emitter-appended) ---
"""Pipeline reference for scband-notation-gcn-50483045597932 (READ-ONLY COPY).

The authoritative reference and input builder live on the scoring server;
editing this copy changes nothing except your own understanding.
"""

import jax, jax.numpy as jnp
import numpy as np

N = 10000
E = 320000
H = 128
D_EDGE = 16


def _layer_norm(x, g, b):
    m = jnp.mean(x, axis=-1, keepdims=True)
    v = jnp.var(x, axis=-1, keepdims=True)
    return (x - m) * jax.lax.rsqrt(v + 1e-5) * g + b


def _gcn_conv(x, edge_index, W, b):
    # PyG GCNConv: linear -> add self-loops -> symmetric norm -> scatter-add -> bias
    h = x @ W.T
    loop = jnp.arange(N, dtype=edge_index.dtype)
    src = jnp.concatenate([edge_index[0], loop])
    dst = jnp.concatenate([edge_index[1], loop])
    deg = jnp.zeros((N,), x.dtype).at[dst].add(1.0)
    dis = jnp.where(deg > 0, jax.lax.rsqrt(deg), 0.0)
    norm = dis[src] * dis[dst]
    msg = h[src] * norm[:, None]
    out = jnp.zeros_like(h).at[dst].add(msg)
    return out + b


def _lin_init(k, out_d, in_d):
    s = 1.0 / np.sqrt(in_d)
    kw, kb = jax.random.split(k)
    W = jax.random.uniform(kw, (out_d, in_d), jnp.float32, -s, s)
    b = jax.random.uniform(kb, (out_d,), jnp.float32, -s, s)
    return W, b


def setup_inputs(seed: int = 0):
    key = jax.random.key(seed)
    ks = jax.random.split(key, 16)
    inp = {}
    inp["x"] = jax.random.normal(ks[0], (N, H), jnp.float32)
    inp["edge_index"] = jax.random.randint(ks[1], (2, E), 0, N, dtype=jnp.int32)
    inp["edge_attr"] = jax.random.normal(ks[2], (E, D_EDGE), jnp.float32)
    inp["W_enc"], inp["b_enc"] = _lin_init(ks[3], H, H)
    inp["g_enc"] = jnp.ones((H,), jnp.float32)
    inp["be_enc"] = jnp.zeros((H,), jnp.float32)
    for i in range(3):
        W, b = _lin_init(ks[4 + i], H, H)
        inp[f"W_gcn{i}"] = W
        inp[f"b_gcn{i}"] = b
        inp[f"g_ln{i}"] = jnp.ones((H,), jnp.float32)
        inp[f"b_ln{i}"] = jnp.zeros((H,), jnp.float32)
    inp["W_c1"], inp["b_c1"] = _lin_init(ks[8], H, 2 * H + D_EDGE)
    inp["W_c2"], inp["b_c2"] = _lin_init(ks[9], H // 2, H)
    inp["W_c3"], inp["b_c3"] = _lin_init(ks[10], 1, H // 2)
    return inp


def reference(x, edge_index, edge_attr, W_enc, b_enc, g_enc, be_enc,
              W_gcn0, b_gcn0, g_ln0, b_ln0,
              W_gcn1, b_gcn1, g_ln1, b_ln1,
              W_gcn2, b_gcn2, g_ln2, b_ln2,
              W_c1, b_c1, W_c2, b_c2, W_c3, b_c3):
    h = jax.nn.relu(_layer_norm(x @ W_enc.T + b_enc, g_enc, be_enc))
    for W, b, g, bb in ((W_gcn0, b_gcn0, g_ln0, b_ln0),
                        (W_gcn1, b_gcn1, g_ln1, b_ln1),
                        (W_gcn2, b_gcn2, g_ln2, b_ln2)):
        h_prev = h
        h = _gcn_conv(h, edge_index, W, b)
        h = jax.nn.relu(_layer_norm(h, g, bb))
        h = h + h_prev
    src = edge_index[0]
    dst = edge_index[1]
    edge_repr = jnp.concatenate([h[src], edge_attr, h[dst]], axis=-1)
    o = jax.nn.relu(edge_repr @ W_c1.T + b_c1)
    o = jax.nn.relu(o @ W_c2.T + b_c2)
    return o @ W_c3.T + b_c3

if __name__ == "__main__":
    import jax
    _d = setup_inputs()
    print(jax.jit(kernel)(*tuple(_d.values())))

</pallas_src>

<mosaic_0001>
#map = affine_map<(d0, d1) -> (0, 0)>
#map1 = affine_map<(d0, d1) -> (0)>
#map2 = affine_map<(d0, d1) -> (0, 0, 0)>
module attributes {stable_mosaic.version = 14 : i64} {
  func.func @k(%arg0: i32, %arg1: i32, %arg2: memref<10000x128xf32, #tpu.memory_space<hbm>>, %arg3: memref<323584xi32, #tpu.memory_space<hbm>>, %arg4: memref<323584xi32, #tpu.memory_space<hbm>>, %arg5: memref<2x10240x128xf32, #tpu.memory_space<hbm>>, %arg6: memref<10240x128xf32, #tpu.memory_space<vmem_shared>>, %arg7: memref<128x128xf32, #tpu.memory_space<vmem>>, %arg8: memref<128x128xf32, #tpu.memory_space<vmem>>, %arg9: memref<40x128xi32, #tpu.memory_space<vmem>>, %arg10: memref<40x128xi32, #tpu.memory_space<vmem>>, %arg11: memref<!tpu.dma_semaphore, #tpu.memory_space<semaphore_mem>>, %arg12: memref<!tpu.dma_semaphore, #tpu.memory_space<semaphore_mem>>, %arg13: memref<!tpu.dma_semaphore, #tpu.memory_space<semaphore_mem>>) attributes {dimension_semantics = [#tpu.dimension_semantics<core_parallel>, #tpu.dimension_semantics<subcore_parallel>], iteration_bounds = array<i64: 2, 16>, scalar_prefetch = 0 : i64, scratch_operands = 8 : i64, tpu.core_type = #tpu.core_type<sc_vector_subcore>, window_params = [{transform_indices = #map}, {transform_indices = #map1}, {transform_indices = #map1}, {transform_indices = #map2}]} {
    %mul3A = arith.constant 16 : i32
    %mul3A_0 = arith.muli %arg0, %mul3A : i32
    %add3A = arith.addi %mul3A_0, %arg1 : i32
    %mul3A_1 = arith.constant 10112 : i32
    %mul3A_2 = arith.muli %add3A, %mul3A_1 : i32
    %mul3A_3 = arith.constant 640 : i32
    %mul3A_4 = arith.muli %arg1, %mul3A_3 : i32
    %scan3A = arith.constant 0 : i32
    %scan3A_5 = arith.constant 0 : i32
    %scan3A_6 = arith.constant 128 : i32
    %scan3A_7 = arith.addi %scan3A_5, %scan3A_6 : i32
    %scan3A_8 = arith.constant 1 : i32
    scf.for %scan3A_90 = %scan3A_5 to %scan3A_7 step %scan3A_8  : i32 {
      %broadcast_in_dim3A = arith.constant 0.000000e+00 : f32
      %broadcast_in_dim3A_91 = vector.broadcast %broadcast_in_dim3A : f32 to vector<16xf32>
      %swap3A = arith.index_cast %scan3A_90 : i32 to index
      %swap3A_92 = arith.constant 0 : index
      %swap3A_93 = tpu.vector_load %arg7[%swap3A, %swap3A_92] {strides = array<i32>} : memref<128x128xf32, #tpu.memory_space<vmem>>, vector<1x16xf32>,
      %swap3A_94 = vector.shape_cast %swap3A_93 : vector<1x16xf32> to vector<16xf32>
      %swap3A_95 = vector.shape_cast %broadcast_in_dim3A_91 : vector<16xf32> to vector<1x16xf32>
      tpu.vector_store %arg7[%swap3A, %swap3A_92], %swap3A_95 {strides = array<i32>} : memref<128x128xf32, #tpu.memory_space<vmem>>, vector<1x16xf32>,
      %broadcast_in_dim3A_96 = arith.constant 0.000000e+00 : f32
      %broadcast_in_dim3A_97 = vector.broadcast %broadcast_in_dim3A_96 : f32 to vector<16xf32>
      %swap3A_98 = arith.index_cast %scan3A_90 : i32 to index
      %swap3A_99 = arith.constant 16 : index
      %swap3A_100 = tpu.vector_load %arg7[%swap3A_98, %swap3A_99] {strides = array<i32>} : memref<128x128xf32, #tpu.memory_space<vmem>>, vector<1x16xf32>,
      %swap3A_101 = vector.shape_cast %swap3A_100 : vector<1x16xf32> to vector<16xf32>
      %swap3A_102 = vector.shape_cast %broadcast_in_dim3A_97 : vector<16xf32> to vector<1x16xf32>
      tpu.vector_store %arg7[%swap3A_98, %swap3A_99], %swap3A_102 {strides = array<i32>} : memref<128x128xf32, #tpu.memory_space<vmem>>, vector<1x16xf32>,
      %broadcast_in_dim3A_103 = arith.constant 0.000000e+00 : f32
      %broadcast_in_dim3A_104 = vector.broadcast %broadcast_in_dim3A_103 : f32 to vector<16xf32>
      %swap3A_105 = arith.index_cast %scan3A_90 : i32 to index
      %swap3A_106 = arith.constant 32 : index
      %swap3A_107 = tpu.vector_load %arg7[%swap3A_105, %swap3A_106] {strides = array<i32>} : memref<128x128xf32, #tpu.memory_space<vmem>>, vector<1x16xf32>,
      %swap3A_108 = vector.shape_cast %swap3A_107 : vector<1x16xf32> to vector<16xf32>
      %swap3A_109 = vector.shape_cast %broadcast_in_dim3A_104 : vector<16xf32> to vector<1x16xf32>
      tpu.vector_store %arg7[%swap3A_105, %swap3A_106], %swap3A_109 {strides = array<i32>} : memref<128x128xf32, #tpu.memory_space<vmem>>, vector<1x16xf32>,
      %broadcast_in_dim3A_110 = arith.constant 0.000000e+00 : f32
      %broadcast_in_dim3A_111 = vector.broadcast %broadcast_in_dim3A_110 : f32 to vector<16xf32>
      %swap3A_112 = arith.index_cast %scan3A_90 : i32 to index
      %swap3A_113 = arith.constant 48 : index
      %swap3A_114 = tpu.vector_load %arg7[%swap3A_112, %swap3A_113] {strides = array<i32>} : memref<128x128xf32, #tpu.memory_space<vmem>>, vector<1x16xf32>,
      %swap3A_115 = vector.shape_cast %swap3A_114 : vector<1x16xf32> to vector<16xf32>
      %swap3A_116 = vector.shape_cast %broadcast_in_dim3A_111 : vector<16xf32> to vector<1x16xf32>
      tpu.vector_store %arg7[%swap3A_112, %swap3A_113], %swap3A_116 {strides = array<i32>} : memref<128x128xf32, #tpu.memory_space<vmem>>, vector<1x16xf32>,
      %broadcast_in_dim3A_117 = arith.constant 0.000000e+00 : f32
      %broadcast_in_dim3A_118 = vector.broadcast %broadcast_in_dim3A_117 : f32 to vector<16xf32>
      %swap3A_119 = arith.index_cast %scan3A_90 : i32 to index
      %swap3A_120 = arith.constant 64 : index
      %swap3A_121 = tpu.vector_load %arg7[%swap3A_119, %swap3A_120] {strides = array<i32>} : memref<128x128xf32, #tpu.memory_space<vmem>>, vector<1x16xf32>,
      %swap3A_122 = vector.shape_cast %swap3A_121 : vector<1x16xf32> to vector<16xf32>
      %swap3A_123 = vector.shape_cast %broadcast_in_dim3A_118 : vector<16xf32> to vector<1x16xf32>
      tpu.vector_store %arg7[%swap3A_119, %swap3A_120], %swap3A_123 {strides = array<i32>} : memref<128x128xf32, #tpu.memory_space<vmem>>, vector<1x16xf32>,
      %broadcast_in_dim3A_124 = arith.constant 0.000000e+00 : f32
      %broadcast_in_dim3A_125 = vector.broadcast %broadcast_in_dim3A_124 : f32 to vector<16xf32>
      %swap3A_126 = arith.index_cast %scan3A_90 : i32 to index
      %swap3A_127 = arith.constant 80 : index
      %swap3A_128 = tpu.vector_load %arg7[%swap3A_126, %swap3A_127] {strides = array<i32>} : memref<128x128xf32, #tpu.memory_space<vmem>>, vector<1x16xf32>,
      %swap3A_129 = vector.shape_cast %swap3A_128 : vector<1x16xf32> to vector<16xf32>
      %swap3A_130 = vector.shape_cast %broadcast_in_dim3A_125 : vector<16xf32> to vector<1x16xf32>
      tpu.vector_store %arg7[%swap3A_126, %swap3A_127], %swap3A_130 {strides = array<i32>} : memref<128x128xf32, #tpu.memory_space<vmem>>, vector<1x16xf32>,
      %broadcast_in_dim3A_131 = arith.constant 0.000000e+00 : f32
      %broadcast_in_dim3A_132 = vector.broadcast %broadcast_in_dim3A_131 : f32 to vector<16xf32>
      %swap3A_133 = arith.index_cast %scan3A_90 : i32 to index
      %swap3A_134 = arith.constant 96 : index
      %swap3A_135 = tpu.vector_load %arg7[%swap3A_133, %swap3A_134] {strides = array<i32>} : memref<128x128xf32, #tpu.memory_space<vmem>>, vector<1x16xf32>,
      %swap3A_136 = vector.shape_cast %swap3A_135 : vector<1x16xf32> to vector<16xf32>
      %swap3A_137 = vector.shape_cast %broadcast_in_dim3A_132 : vector<16xf32> to vector<1x16xf32>
      tpu.vector_store %arg7[%swap3A_133, %swap3A_134], %swap3A_137 {strides = array<i32>} : memref<128x128xf32, #tpu.memory_space<vmem>>, vector<1x16xf32>,
      %broadcast_in_dim3A_138 = arith.constant 0.000000e+00 : f32
      %broadcast_in_dim3A_139 = vector.broadcast %broadcast_in_dim3A_138 : f32 to vector<16xf32>
      %swap3A_140 = arith.index_cast %scan3A_90 : i32 to index
      %swap3A_141 = arith.constant 112 : index
      %swap3A_142 = tpu.vector_load %arg7[%swap3A_140, %swap3A_141] {strides = array<i32>} : memref<128x128xf32, #tpu.memory_space<vmem>>, vector<1x16xf32>,
      %swap3A_143 = vector.shape_cast %swap3A_142 : vector<1x16xf32> to vector<16xf32>
      %swap3A_144 = vector.shape_cast %broadcast_in_dim3A_139 : vector<16xf32> to vector<1x16xf32>
      tpu.vector_store %arg7[%swap3A_140, %swap3A_141], %swap3A_144 {strides = array<i32>} : memref<128x128xf32, #tpu.memory_space<vmem>>, vector<1x16xf32>,
    }
    %scan3A_9 = arith.constant 128 : i32
    %scan3A_10 = arith.constant 0 : i32
    %scan3A_11 = arith.constant 0 : i32
    %scan3A_12 = arith.constant 5 : i32
    %scan3A_13 = arith.addi %scan3A_11, %scan3A_12 : i32
    %scan3A_14 = arith.constant 1 : i32
    scf.for %scan3A_90 = %scan3A_11 to %scan3A_13 step %scan3A_14  : i32 {
      %mul3A_91 = arith.constant 128 : i32
      %mul3A_92 = arith.muli %scan3A_90, %mul3A_91 : i32
      %add3A_93 = arith.addi %mul3A_4, %mul3A_92 : i32
      "tpu.region"() ({
        %run_scoped3A = tpu.sem_alloc : memref<!tpu.dma_semaphore, #tpu.memory_space<semaphore_mem>>
        %dma_start3A_94 = arith.constant 0 : i32
        %dma_start3A_95 = tpu.memref_slice %arg6[%add3A_93, %dma_start3A_94] : memref<10240x128xf32, #tpu.memory_space<vmem_shared>> -> memref<128x128xf32, #tpu.memory_space<vmem_shared>>
        %dma_start3A_96 = arith.constant 0 : i32
        %dma_start3A_97 = tpu.memref_slice %arg6[%add3A_93, %dma_start3A_96] : memref<10240x128xf32, #tpu.memory_space<vmem_shared>> -> memref<128x128xf32, #tpu.memory_space<vmem_shared>>
        tpu.enqueue_dma source(%arg7 : memref<128x128xf32, #tpu.memory_space<vmem>>) target(%dma_start3A_97 : memref<128x128xf32, #tpu.memory_space<vmem_shared>>) target_semaphore(%run_scoped3A : memref<!tpu.dma_semaphore, #tpu.memory_space<semaphore_mem>>)
        %dma_wait3A = arith.constant 0 : i32
        %dma_wait3A_98 = tpu.memref_slice %arg6[%add3A_93, %dma_wait3A] : memref<10240x128xf32, #tpu.memory_space<vmem_shared>> -> memref<128x128xf32, #tpu.memory_space<vmem_shared>>
        %dma_wait3A_99 = arith.constant 0 : i32
        %dma_wait3A_100 = tpu.memref_slice %arg6[%add3A_93, %dma_wait3A_99] : memref<10240x128xf32, #tpu.memory_space<vmem_shared>> -> memref<128x128xf32, #tpu.memory_space<vmem_shared>>
        tpu.wait_dma2 semaphore(%run_scoped3A : memref<!tpu.dma_semaphore, #tpu.memory_space<semaphore_mem>>) src(%arg7 : memref<128x128xf32, #tpu.memory_space<vmem>>) dst(%dma_wait3A_100 : memref<128x128xf32, #tpu.memory_space<vmem_shared>>)
        tpu.yield
      }) : () -> ()
    }
    %scan3A_15 = arith.constant 5 : i32
    %barrier3A = arith.constant 0 : index
    tpu.barrier barrier_id(%barrier3A)
    %add3A_16 = arith.constant 0 : i32
    %add3A_17 = arith.addi %mul3A_2, %add3A_16 : i32
    %scan3A_18 = arith.constant 0 : i32
    %scan3A_19 = arith.constant 0 : i32
    %scan3A_20 = arith.constant 40 : i32
    %scan3A_21 = arith.addi %scan3A_19, %scan3A_20 : i32
    %scan3A_22 = arith.constant 1 : i32
    scf.for %scan3A_90 = %scan3A_19 to %scan3A_21 step %scan3A_22  : i32 {
      %mul3A_91 = arith.constant 128 : i32
      %mul3A_92 = arith.muli %scan3A_90, %mul3A_91 : i32
      %add3A_93 = arith.addi %add3A_17, %mul3A_92 : i32
      %dma_start3A_94 = arith.constant 0 : i32
      %dma_start3A_95 = tpu.memref_slice %arg9[%scan3A_90, %dma_start3A_94] : memref<40x128xi32, #tpu.memory_space<vmem>> -> memref<1x128xi32, #tpu.memory_space<vmem>>
      %dma_start3A_96 = tpu.memref_squeeze %dma_start3A_95 : memref<1x128xi32, #tpu.memory_space<vmem>> -> memref<128xi32, #tpu.memory_space<vmem>>
      %dma_start3A_97 = tpu.memref_slice %arg3[%add3A_93] : memref<323584xi32, #tpu.memory_space<hbm>> -> memref<128xi32, #tpu.memory_space<hbm>>
      %dma_start3A_98 = arith.constant 0 : i32
      %dma_start3A_99 = tpu.memref_slice %arg9[%scan3A_90, %dma_start3A_98] : memref<40x128xi32, #tpu.memory_space<vmem>> -> memref<1x128xi32, #tpu.memory_space<vmem>>
      %dma_start3A_100 = tpu.memref_squeeze %dma_start3A_99 : memref<1x128xi32, #tpu.memory_space<vmem>> -> memref<128xi32, #tpu.memory_space<vmem>>
      %dma_start3A_101 = tpu.memref_slice %arg3[%add3A_93] : memref<323584xi32, #tpu.memory_space<hbm>> -> memref<128xi32, #tpu.memory_space<hbm>>
      tpu.enqueue_dma source(%dma_start3A_101 : memref<128xi32, #tpu.memory_space<hbm>>) target(%dma_start3A_100 : memref<128xi32, #tpu.memory_space<vmem>>) target_semaphore(%arg11 : memref<!tpu.dma_semaphore, #tpu.memory_space<semaphore_mem>>)
      %dma_start3A_102 = arith.constant 0 : i32
      %dma_start3A_103 = tpu.memref_slice %arg10[%scan3A_90, %dma_start3A_102] : memref<40x128xi32, #tpu.memory_space<vmem>> -> memref<1x128xi32, #tpu.memory_space<vmem>>
      %dma_start3A_104 = tpu.memref_squeeze %dma_start3A_103 : memref<1x128xi32, #tpu.memory_space<vmem>> -> memref<128xi32, #tpu.memory_space<vmem>>
      %dma_start3A_105 = tpu.memref_slice %arg4[%add3A_93] : memref<323584xi32, #tpu.memory_space<hbm>> -> memref<128xi32, #tpu.memory_space<hbm>>
      %dma_start3A_106 = arith.constant 0 : i32
      %dma_start3A_107 = tpu.memref_slice %arg10[%scan3A_90, %dma_start3A_106] : memref<40x128xi32, #tpu.memory_space<vmem>> -> memref<1x128xi32, #tpu.memory_space<vmem>>
      %dma_start3A_108 = tpu.memref_squeeze %dma_start3A_107 : memref<1x128xi32, #tpu.memory_space<vmem>> -> memref<128xi32, #tpu.memory_space<vmem>>
      %dma_start3A_109 = tpu.memref_slice %arg4[%add3A_93] : memref<323584xi32, #tpu.memory_space<hbm>> -> memref<128xi32, #tpu.memory_space<hbm>>
      tpu.enqueue_dma source(%dma_start3A_109 : memref<128xi32, #tpu.memory_space<hbm>>) target(%dma_start3A_108 : memref<128xi32, #tpu.memory_space<vmem>>) target_semaphore(%arg11 : memref<!tpu.dma_semaphore, #tpu.memory_space<semaphore_mem>>)
    }
    %scan3A_23 = arith.constant 40 : i32
    %scan3A_24 = arith.constant 0 : i32
    %scan3A_25 = arith.constant 0 : i32
    %scan3A_26 = arith.constant 40 : i32
    %scan3A_27 = arith.addi %scan3A_25, %scan3A_26 : i32
    %scan3A_28 = arith.constant 1 : i32
    scf.for %scan3A_90 = %scan3A_25 to %scan3A_27 step %scan3A_28  : i32 {
      %dma_wait3A = arith.constant 0 : i32
      %dma_wait3A_91 = arith.constant 0 : i32
      %dma_wait3A_92 = tpu.memref_slice %arg9[%dma_wait3A, %dma_wait3A_91] : memref<40x128xi32, #tpu.memory_space<vmem>> -> memref<1x128xi32, #tpu.memory_space<vmem>>
      %dma_wait3A_93 = tpu.memref_squeeze %dma_wait3A_92 : memref<1x128xi32, #tpu.memory_space<vmem>> -> memref<128xi32, #tpu.memory_space<vmem>>
      %dma_wait3A_94 = arith.constant 0 : i32
      %dma_wait3A_95 = tpu.memref_slice %arg3[%dma_wait3A_94] : memref<323584xi32, #tpu.memory_space<hbm>> -> memref<128xi32, #tpu.memory_space<hbm>>
      %dma_wait3A_96 = arith.constant 0 : i32
      %dma_wait3A_97 = tpu.memref_slice %arg9[%dma_wait3A, %dma_wait3A_96] : memref<40x128xi32, #tpu.memory_space<vmem>> -> memref<1x128xi32, #tpu.memory_space<vmem>>
      %dma_wait3A_98 = tpu.memref_squeeze %dma_wait3A_97 : memref<1x128xi32, #tpu.memory_space<vmem>> -> memref<128xi32, #tpu.memory_space<vmem>>
      %dma_wait3A_99 = arith.constant 0 : i32
      %dma_wait3A_100 = tpu.memref_slice %arg3[%dma_wait3A_99] : memref<323584xi32, #tpu.memory_space<hbm>> -> memref<128xi32, #tpu.memory_space<hbm>>
      tpu.wait_dma2 semaphore(%arg11 : memref<!tpu.dma_semaphore, #tpu.memory_space<semaphore_mem>>) src(%dma_wait3A_100 : memref<128xi32, #tpu.memory_space<hbm>>) dst(%dma_wait3A_98 : memref<128xi32, #tpu.memory_space<vmem>>)
      %dma_wait3A_101 = arith.constant 0 : i32
      %dma_wait3A_102 = arith.constant 0 : i32
      %dma_wait3A_103 = tpu.memref_slice %arg10[%dma_wait3A_101, %dma_wait3A_102] : memref<40x128xi32, #tpu.memory_space<vmem>> -> memref<1x128xi32, #tpu.memory_space<vmem>>
      %dma_wait3A_104 = tpu.memref_squeeze %dma_wait3A_103 : memref<1x128xi32, #tpu.memory_space<vmem>> -> memref<128xi32, #tpu.memory_space<vmem>>
      %dma_wait3A_105 = arith.constant 0 : i32
      %dma_wait3A_106 = tpu.memref_slice %arg4[%dma_wait3A_105] : memref<323584xi32, #tpu.memory_space<hbm>> -> memref<128xi32, #tpu.memory_space<hbm>>
      %dma_wait3A_107 = arith.constant 0 : i32
      %dma_wait3A_108 = tpu.memref_slice %arg10[%dma_wait3A_101, %dma_wait3A_107] : memref<40x128xi32, #tpu.memory_space<vmem>> -> memref<1x128xi32, #tpu.memory_space<vmem>>
      %dma_wait3A_109 = tpu.memref_squeeze %dma_wait3A_108 : memref<1x128xi32, #tpu.memory_space<vmem>> -> memref<128xi32, #tpu.memory_space<vmem>>
      %dma_wait3A_110 = arith.constant 0 : i32
      %dma_wait3A_111 = tpu.memref_slice %arg4[%dma_wait3A_110] : memref<323584xi32, #tpu.memory_space<hbm>> -> memref<128xi32, #tpu.memory_space<hbm>>
      tpu.wait_dma2 semaphore(%arg11 : memref<!tpu.dma_semaphore, #tpu.memory_space<semaphore_mem>>) src(%dma_wait3A_111 : memref<128xi32, #tpu.memory_space<hbm>>) dst(%dma_wait3A_109 : memref<128xi32, #tpu.memory_space<vmem>>)
    }
    %scan3A_29 = arith.constant 40 : i32
    %dma_start3A = arith.constant 0 : i32
    %dma_start3A_30 = arith.constant 0 : i32
    %dma_start3A_31 = tpu.memref_slice %arg9[%dma_start3A, %dma_start3A_30] : memref<40x128xi32, #tpu.memory_space<vmem>> -> memref<1x128xi32, #tpu.memory_space<vmem>>
    %dma_start3A_32 = tpu.memref_squeeze %dma_start3A_31 : memref<1x128xi32, #tpu.memory_space<vmem>> -> memref<128xi32, #tpu.memory_space<vmem>>
    %dma_start3A_33 = arith.constant 0 : i32
    %dma_start3A_34 = arith.constant 0 : i32
    %dma_start3A_35 = tpu.memref_slice %arg2[%dma_start3A_33, %dma_start3A_34] : memref<10000x128xf32, #tpu.memory_space<hbm>> -> memref<10000x128xf32, #tpu.memory_space<hbm>>
    tpu.enqueue_indirect_dma source(%dma_start3A_35 : memref<10000x128xf32, #tpu.memory_space<hbm>>) target(%arg7 : memref<128x128xf32, #tpu.memory_space<vmem>>) offsets(%dma_start3A_32 : memref<128xi32, #tpu.memory_space<vmem>>) semaphore(%arg12 : memref<!tpu.dma_semaphore, #tpu.memory_space<semaphore_mem>>)
    %dma_start3A_36 = arith.constant 1 : i32
    %dma_start3A_37 = arith.constant 0 : i32
    %dma_start3A_38 = tpu.memref_slice %arg9[%dma_start3A_36, %dma_start3A_37] : memref<40x128xi32, #tpu.memory_space<vmem>> -> memref<1x128xi32, #tpu.memory_space<vmem>>
    %dma_start3A_39 = tpu.memref_squeeze %dma_start3A_38 : memref<1x128xi32, #tpu.memory_space<vmem>> -> memref<128xi32, #tpu.memory_space<vmem>>
    %dma_start3A_40 = arith.constant 0 : i32
    %dma_start3A_41 = arith.constant 0 : i32
    %dma_start3A_42 = tpu.memref_slice %arg2[%dma_start3A_40, %dma_start3A_41] : memref<10000x128xf32, #tpu.memory_space<hbm>> -> memref<10000x128xf32, #tpu.memory_space<hbm>>
    tpu.enqueue_indirect_dma source(%dma_start3A_42 : memref<10000x128xf32, #tpu.memory_space<hbm>>) target(%arg8 : memref<128x128xf32, #tpu.memory_space<vmem>>) offsets(%dma_start3A_39 : memref<128xi32, #tpu.memory_space<vmem>>) semaphore(%arg13 : memref<!tpu.dma_semaphore, #tpu.memory_space<semaphore_mem>>)
    %scan3A_43 = arith.constant 0 : i32
    %scan3A_44 = arith.constant 0 : i32
    %scan3A_45 = arith.constant 20 : i32
    %scan3A_46 = arith.addi %scan3A_44, %scan3A_45 : i32
    %scan3A_47 = arith.constant 1 : i32
    scf.for %scan3A_90 = %scan3A_44 to %scan3A_46 step %scan3A_47  : i32 {
      %mul3A_91 = arith.constant 2 : i32
      %mul3A_92 = arith.muli %mul3A_91, %scan3A_90 : i32
      %dma_wait3A = arith.constant 0 : i32
      %dma_wait3A_93 = tpu.memref_slice %arg9[%mul3A_92, %dma_wait3A] : memref<40x128xi32, #tpu.memory_space<vmem>> -> memref<1x128xi32, #tpu.memory_space<vmem>>
      %dma_wait3A_94 = tpu.memref_squeeze %dma_wait3A_93 : memref<1x128xi32, #tpu.memory_space<vmem>> -> memref<128xi32, #tpu.memory_space<vmem>>
      %dma_wait3A_95 = arith.constant 0 : i32
      %dma_wait3A_96 = arith.constant 0 : i32
      %dma_wait3A_97 = tpu.memref_slice %arg2[%dma_wait3A_95, %dma_wait3A_96] : memref<10000x128xf32, #tpu.memory_space<hbm>> -> memref<10000x128xf32, #tpu.memory_space<hbm>>
      tpu.wait_indirect_dma semaphore(%arg12 : memref<!tpu.dma_semaphore, #tpu.memory_space<semaphore_mem>>) src(%dma_wait3A_97 : memref<10000x128xf32, #tpu.memory_space<hbm>>) dst(%arg7 : memref<128x128xf32, #tpu.memory_space<vmem>>)
      "tpu.region"() ({
        %run_scoped3A = tpu.sem_alloc : memref<!tpu.dma_semaphore, #tpu.memory_space<semaphore_mem>>
        %dma_start3A_122 = arith.constant 0 : i32
        %dma_start3A_123 = tpu.memref_slice %arg10[%mul3A_92, %dma_start3A_122] : memref<40x128xi32, #tpu.memory_space<vmem>> -> memref<1x128xi32, #tpu.memory_space<vmem>>
        %dma_start3A_124 = tpu.memref_squeeze %dma_start3A_123 : memref<1x128xi32, #tpu.memory_space<vmem>> -> memref<128xi32, #tpu.memory_space<vmem>>
        %dma_start3A_125 = arith.constant 0 : i32
        %dma_start3A_126 = arith.constant 0 : i32
        %dma_start3A_127 = tpu.memref_slice %arg6[%dma_start3A_125, %dma_start3A_126] : memref<10240x128xf32, #tpu.memory_space<vmem_shared>> -> memref<10240x128xf32, #tpu.memory_space<vmem_shared>>
        tpu.enqueue_indirect_dma source(%arg7 : memref<128x128xf32, #tpu.memory_space<vmem>>) target(%dma_start3A_127 : memref<10240x128xf32, #tpu.memory_space<vmem_shared>>) offsets(%dma_start3A_124 : memref<128xi32, #tpu.memory_space<vmem>>) semaphore(%run_scoped3A : memref<!tpu.dma_semaphore, #tpu.memory_space<semaphore_mem>>) {add = true}
        %dma_wait3A_128 = arith.constant 0 : i32
        %dma_wait3A_129 = tpu.memref_slice %arg10[%mul3A_92, %dma_wait3A_128] : memref<40x128xi32, #tpu.memory_space<vmem>> -> memref<1x128xi32, #tpu.memory_space<vmem>>
        %dma_wait3A_130 = tpu.memref_squeeze %dma_wait3A_129 : memref<1x128xi32, #tpu.memory_space<vmem>> -> memref<128xi32, #tpu.memory_space<vmem>>
        %dma_wait3A_131 = arith.constant 0 : i32
        %dma_wait3A_132 = arith.constant 0 : i32
        %dma_wait3A_133 = tpu.memref_slice %arg6[%dma_wait3A_131, %dma_wait3A_132] : memref<10240x128xf32, #tpu.memory_space<vmem_shared>> -> memref<10240x128xf32, #tpu.memory_space<vmem_shared>>
        tpu.wait_indirect_dma semaphore(%run_scoped3A : memref<!tpu.dma_semaphore, #tpu.memory_space<semaphore_mem>>) src(%arg7 : memref<128x128xf32, #tpu.memory_space<vmem>>) dst(%dma_wait3A_133 : memref<10240x128xf32, #tpu.memory_space<vmem_shared>>)
        tpu.yield
      }) : () -> ()
      %mul3A_98 = arith.constant 2 : i32
      %mul3A_99 = arith.muli %mul3A_98, %scan3A_90 : i32
      %add3A_100 = arith.constant 2 : i32
      %add3A_101 = arith.addi %mul3A_99, %add3A_100 : i32
      %lt3A = arith.constant 40 : i32
      %lt3A_102 = arith.cmpi slt, %add3A_101, %lt3A : i32
      %convert_element_type3A = arith.extui %lt3A_102 : i1 to i32
      %cond3A = arith.constant 0 : i32
      %cond3A_103 = arith.cmpi ne, %convert_element_type3A, %cond3A : i32
      scf.if %cond3A_103 {
        %mul3A_122 = arith.constant 2 : i32
        %mul3A_123 = arith.muli %mul3A_122, %scan3A_90 : i32
        %add3A_124 = arith.constant 2 : i32
        %add3A_125 = arith.addi %mul3A_123, %add3A_124 : i32
        %dma_start3A_126 = arith.constant 0 : i32
        %dma_start3A_127 = tpu.memref_slice %arg9[%add3A_125, %dma_start3A_126] : memref<40x128xi32, #tpu.memory_space<vmem>> -> memref<1x128xi32, #tpu.memory_space<vmem>>
        %dma_start3A_128 = tpu.memref_squeeze %dma_start3A_127 : memref<1x128xi32, #tpu.memory_space<vmem>> -> memref<128xi32, #tpu.memory_space<vmem>>
        %dma_start3A_129 = arith.constant 0 : i32
        %dma_start3A_130 = arith.constant 0 : i32
        %dma_start3A_131 = tpu.memref_slice %arg2[%dma_start3A_129, %dma_start3A_130] : memref<10000x128xf32, #tpu.memory_space<hbm>> -> memref<10000x128xf32, #tpu.memory_space<hbm>>
        tpu.enqueue_indirect_dma source(%dma_start3A_131 : memref<10000x128xf32, #tpu.memory_space<hbm>>) target(%arg7 : memref<128x128xf32, #tpu.memory_space<vmem>>) offsets(%dma_start3A_128 : memref<128xi32, #tpu.memory_space<vmem>>) semaphore(%arg12 : memref<!tpu.dma_semaphore, #tpu.memory_space<semaphore_mem>>)
      } else {
      }
      %mul3A_104 = arith.constant 2 : i32
      %mul3A_105 = arith.muli %mul3A_104, %scan3A_90 : i32
      %add3A_106 = arith.constant 1 : i32
      %add3A_107 = arith.addi %mul3A_105, %add3A_106 : i32
      %lt3A_108 = arith.constant 40 : i32
      %lt3A_109 = arith.cmpi slt, %add3A_107, %lt3A_108 : i32
      %convert_element_type3A_110 = arith.extui %lt3A_109 : i1 to i32
      %cond3A_111 = arith.constant 0 : i32
      %cond3A_112 = arith.cmpi ne, %convert_element_type3A_110, %cond3A_111 : i32
      scf.if %cond3A_112 {
        %mul3A_122 = arith.constant 2 : i32
        %mul3A_123 = arith.muli %mul3A_122, %scan3A_90 : i32
        %add3A_124 = arith.constant 1 : i32
        %add3A_125 = arith.addi %mul3A_123, %add3A_124 : i32
        %dma_wait3A_126 = arith.constant 0 : i32
        %dma_wait3A_127 = tpu.memref_slice %arg9[%add3A_125, %dma_wait3A_126] : memref<40x128xi32, #tpu.memory_space<vmem>> -> memref<1x128xi32, #tpu.memory_space<vmem>>
        %dma_wait3A_128 = tpu.memref_squeeze %dma_wait3A_127 : memref<1x128xi32, #tpu.memory_space<vmem>> -> memref<128xi32, #tpu.memory_space<vmem>>
        %dma_wait3A_129 = arith.constant 0 : i32
        %dma_wait3A_130 = arith.constant 0 : i32
        %dma_wait3A_131 = tpu.memref_slice %arg2[%dma_wait3A_129, %dma_wait3A_130] : memref<10000x128xf32, #tpu.memory_space<hbm>> -> memref<10000x128xf32, #tpu.memory_space<hbm>>
        tpu.wait_indirect_dma semaphore(%arg13 : memref<!tpu.dma_semaphore, #tpu.memory_space<semaphore_mem>>) src(%dma_wait3A_131 : memref<10000x128xf32, #tpu.memory_space<hbm>>) dst(%arg8 : memref<128x128xf32, #tpu.memory_space<vmem>>)
        "tpu.region"() ({
          %run_scoped3A = tpu.sem_alloc : memref<!tpu.dma_semaphore, #tpu.memory_space<semaphore_mem>>
          %dma_start3A_132 = arith.constant 0 : i32
          %dma_start3A_133 = tpu.memref_slice %arg10[%add3A_125, %dma_start3A_132] : memref<40x128xi32, #tpu.memory_space<vmem>> -> memref<1x128xi32, #tpu.memory_space<vmem>>
          %dma_start3A_134 = tpu.memref_squeeze %dma_start3A_133 : memref<1x128xi32, #tpu.memory_space<vmem>> -> memref<128xi32, #tpu.memory_space<vmem>>
          %dma_start3A_135 = arith.constant 0 : i32
          %dma_start3A_136 = arith.constant 0 : i32
          %dma_start3A_137 = tpu.memref_slice %arg6[%dma_start3A_135, %dma_start3A_136] : memref<10240x128xf32, #tpu.memory_space<vmem_shared>> -> memref<10240x128xf32, #tpu.memory_space<vmem_shared>>
          tpu.enqueue_indirect_dma source(%arg8 : memref<128x128xf32, #tpu.memory_space<vmem>>) target(%dma_start3A_137 : memref<10240x128xf32, #tpu.memory_space<vmem_shared>>) offsets(%dma_start3A_134 : memref<128xi32, #tpu.memory_space<vmem>>) semaphore(%run_scoped3A : memref<!tpu.dma_semaphore, #tpu.memory_space<semaphore_mem>>) {add = true}
          %dma_wait3A_138 = arith.constant 0 : i32
          %dma_wait3A_139 = tpu.memref_slice %arg10[%add3A_125, %dma_wait3A_138] : memref<40x128xi32, #tpu.memory_space<vmem>> -> memref<1x128xi32, #tpu.memory_space<vmem>>
          %dma_wait3A_140 = tpu.memref_squeeze %dma_wait3A_139 : memref<1x128xi32, #tpu.memory_space<vmem>> -> memref<128xi32, #tpu.memory_space<vmem>>
          %dma_wait3A_141 = arith.constant 0 : i32
          %dma_wait3A_142 = arith.constant 0 : i32
          %dma_wait3A_143 = tpu.memref_slice %arg6[%dma_wait3A_141, %dma_wait3A_142] : memref<10240x128xf32, #tpu.memory_space<vmem_shared>> -> memref<10240x128xf32, #tpu.memory_space<vmem_shared>>
          tpu.wait_indirect_dma semaphore(%run_scoped3A : memref<!tpu.dma_semaphore, #tpu.memory_space<semaphore_mem>>) src(%arg8 : memref<128x128xf32, #tpu.memory_space<vmem>>) dst(%dma_wait3A_143 : memref<10240x128xf32, #tpu.memory_space<vmem_shared>>)
          tpu.yield
        }) : () -> ()
      } else {
      }
      %mul3A_113 = arith.constant 2 : i32
      %mul3A_114 = arith.muli %mul3A_113, %scan3A_90 : i32
      %add3A_115 = arith.constant 3 : i32
      %add3A_116 = arith.addi %mul3A_114, %add3A_115 : i32
      %lt3A_117 = arith.constant 40 : i32
      %lt3A_118 = arith.cmpi slt, %add3A_116, %lt3A_117 : i32
      %convert_element_type3A_119 = arith.extui %lt3A_118 : i1 to i32
      %cond3A_120 = arith.constant 0 : i32
      %cond3A_121 = arith.cmpi ne, %convert_element_type3A_119, %cond3A_120 : i32
      scf.if %cond3A_121 {
        %mul3A_122 = arith.constant 2 : i32
        %mul3A_123 = arith.muli %mul3A_122, %scan3A_90 : i32
        %add3A_124 = arith.constant 3 : i32
        %add3A_125 = arith.addi %mul3A_123, %add3A_124 : i32
        %dma_start3A_126 = arith.constant 0 : i32
        %dma_start3A_127 = tpu.memref_slice %arg9[%add3A_125, %dma_start3A_126] : memref<40x128xi32, #tpu.memory_space<vmem>> -> memref<1x128xi32, #tpu.memory_space<vmem>>
        %dma_start3A_128 = tpu.memref_squeeze %dma_start3A_127 : memref<1x128xi32, #tpu.memory_space<vmem>> -> memref<128xi32, #tpu.memory_space<vmem>>
        %dma_start3A_129 = arith.constant 0 : i32
        %dma_start3A_130 = arith.constant 0 : i32
        %dma_start3A_131 = tpu.memref_slice %arg2[%dma_start3A_129, %dma_start3A_130] : memref<10000x128xf32, #tpu.memory_space<hbm>> -> memref<10000x128xf32, #tpu.memory_space<hbm>>
        tpu.enqueue_indirect_dma source(%dma_start3A_131 : memref<10000x128xf32, #tpu.memory_space<hbm>>) target(%arg8 : memref<128x128xf32, #tpu.memory_space<vmem>>) offsets(%dma_start3A_128 : memref<128xi32, #tpu.memory_space<vmem>>) semaphore(%arg13 : memref<!tpu.dma_semaphore, #tpu.memory_space<semaphore_mem>>)
      } else {
      }
    }
    %scan3A_48 = arith.constant 20 : i32
    %add3A_49 = arith.constant 5120 : i32
    %add3A_50 = arith.addi %mul3A_2, %add3A_49 : i32
    %scan3A_51 = arith.constant 0 : i32
    %scan3A_52 = arith.constant 0 : i32
    %scan3A_53 = arith.constant 39 : i32
    %scan3A_54 = arith.addi %scan3A_52, %scan3A_53 : i32
    %scan3A_55 = arith.constant 1 : i32
    scf.for %scan3A_90 = %scan3A_52 to %scan3A_54 step %scan3A_55  : i32 {
      %mul3A_91 = arith.constant 128 : i32
      %mul3A_92 = arith.muli %scan3A_90, %mul3A_91 : i32
      %add3A_93 = arith.addi %add3A_50, %mul3A_92 : i32
      %dma_start3A_94 = arith.constant 0 : i32
      %dma_start3A_95 = tpu.memref_slice %arg9[%scan3A_90, %dma_start3A_94] : memref<40x128xi32, #tpu.memory_space<vmem>> -> memref<1x128xi32, #tpu.memory_space<vmem>>
      %dma_start3A_96 = tpu.memref_squeeze %dma_start3A_95 : memref<1x128xi32, #tpu.memory_space<vmem>> -> memref<128xi32, #tpu.memory_space<vmem>>
      %dma_start3A_97 = tpu.memref_slice %arg3[%add3A_93] : memref<323584xi32, #tpu.memory_space<hbm>> -> memref<128xi32, #tpu.memory_space<hbm>>
      %dma_start3A_98 = arith.constant 0 : i32
      %dma_start3A_99 = tpu.memref_slice %arg9[%scan3A_90, %dma_start3A_98] : memref<40x128xi32, #tpu.memory_space<vmem>> -> memref<1x128xi32, #tpu.memory_space<vmem>>
      %dma_start3A_100 = tpu.memref_squeeze %dma_start3A_99 : memref<1x128xi32, #tpu.memory_space<vmem>> -> memref<128xi32, #tpu.memory_space<vmem>>
      %dma_start3A_101 = tpu.memref_slice %arg3[%add3A_93] : memref<323584xi32, #tpu.memory_space<hbm>> -> memref<128xi32, #tpu.memory_space<hbm>>
      tpu.enqueue_dma source(%dma_start3A_101 : memref<128xi32, #tpu.memory_space<hbm>>) target(%dma_start3A_100 : memref<128xi32, #tpu.memory_space<vmem>>) target_semaphore(%arg11 : memref<!tpu.dma_semaphore, #tpu.memory_space<semaphore_mem>>)
      %dma_start3A_102 = arith.constant 0 : i32
      %dma_start3A_103 = tpu.memref_slice %arg10[%scan3A_90, %dma_start3A_102] : memref<40x128xi32, #tpu.memory_space<vmem>> -> memref<1x128xi32, #tpu.memory_space<vmem>>
      %dma_start3A_104 = tpu.memref_squeeze %dma_start3A_103 : memref<1x128xi32, #tpu.memory_space<vmem>> -> memref<128xi32, #tpu.memory_space<vmem>>
      %dma_start3A_105 = tpu.memref_slice %arg4[%add3A_93] : memref<323584xi32, #tpu.memory_space<hbm>> -> memref<128xi32, #tpu.memory_space<hbm>>
      %dma_start3A_106 = arith.constant 0 : i32
      %dma_start3A_107 = tpu.memref_slice %arg10[%scan3A_90, %dma_start3A_106] : memref<40x128xi32, #tpu.memory_space<vmem>> -> memref<1x128xi32, #tpu.memory_space<vmem>>
      %dma_start3A_108 = tpu.memref_squeeze %dma_start3A_107 : memref<1x128xi32, #tpu.memory_space<vmem>> -> memref<128xi32, #tpu.memory_space<vmem>>
      %dma_start3A_109 = tpu.memref_slice %arg4[%add3A_93] : memref<323584xi32, #tpu.memory_space<hbm>> -> memref<128xi32, #tpu.memory_space<hbm>>
      tpu.enqueue_dma source(%dma_start3A_109 : memref<128xi32, #tpu.memory_space<hbm>>) target(%dma_start3A_108 : memref<128xi32, #tpu.memory_space<vmem>>) target_semaphore(%arg11 : memref<!tpu.dma_semaphore, #tpu.memory_space<semaphore_mem>>)
    }
    %scan3A_56 = arith.constant 39 : i32
    %scan3A_57 = arith.constant 0 : i32
    %scan3A_58 = arith.constant 0 : i32
    %scan3A_59 = arith.constant 39 : i32
    %scan3A_60 = arith.addi %scan3A_58, %scan3A_59 : i32
    %scan3A_61 = arith.constant 1 : i32
    scf.for %scan3A_90 = %scan3A_58 to %scan3A_60 step %scan3A_61  : i32 {
      %dma_wait3A = arith.constant 0 : i32
      %dma_wait3A_91 = arith.constant 0 : i32
      %dma_wait3A_92 = tpu.memref_slice %arg9[%dma_wait3A, %dma_wait3A_91] : memref<40x128xi32, #tpu.memory_space<vmem>> -> memref<1x128xi32, #tpu.memory_space<vmem>>
      %dma_wait3A_93 = tpu.memref_squeeze %dma_wait3A_92 : memref<1x128xi32, #tpu.memory_space<vmem>> -> memref<128xi32, #tpu.memory_space<vmem>>
      %dma_wait3A_94 = arith.constant 0 : i32
      %dma_wait3A_95 = tpu.memref_slice %arg3[%dma_wait3A_94] : memref<323584xi32, #tpu.memory_space<hbm>> -> memref<128xi32, #tpu.memory_space<hbm>>
      %dma_wait3A_96 = arith.constant 0 : i32
      %dma_wait3A_97 = tpu.memref_slice %arg9[%dma_wait3A, %dma_wait3A_96] : memref<40x128xi32, #tpu.memory_space<vmem>> -> memref<1x128xi32, #tpu.memory_space<vmem>>
      %dma_wait3A_98 = tpu.memref_squeeze %dma_wait3A_97 : memref<1x128xi32, #tpu.memory_space<vmem>> -> memref<128xi32, #tpu.memory_space<vmem>>
      %dma_wait3A_99 = arith.constant 0 : i32
      %dma_wait3A_100 = tpu.memref_slice %arg3[%dma_wait3A_99] : memref<323584xi32, #tpu.memory_space<hbm>> -> memref<128xi32, #tpu.memory_space<hbm>>
      tpu.wait_dma2 semaphore(%arg11 : memref<!tpu.dma_semaphore, #tpu.memory_space<semaphore_mem>>) src(%dma_wait3A_100 : memref<128xi32, #tpu.memory_space<hbm>>) dst(%dma_wait3A_98 : memref<128xi32, #tpu.memory_space<vmem>>)
      %dma_wait3A_101 = arith.constant 0 : i32
      %dma_wait3A_102 = arith.constant 0 : i32
      %dma_wait3A_103 = tpu.memref_slice %arg10[%dma_wait3A_101, %dma_wait3A_102] : memref<40x128xi32, #tpu.memory_space<vmem>> -> memref<1x128xi32, #tpu.memory_space<vmem>>
      %dma_wait3A_104 = tpu.memref_squeeze %dma_wait3A_103 : memref<1x128xi32, #tpu.memory_space<vmem>> -> memref<128xi32, #tpu.memory_space<vmem>>
      %dma_wait3A_105 = arith.constant 0 : i32
      %dma_wait3A_106 = tpu.memref_slice %arg4[%dma_wait3A_105] : memref<323584xi32, #tpu.memory_space<hbm>> -> memref<128xi32, #tpu.memory_space<hbm>>
      %dma_wait3A_107 = arith.constant 0 : i32
      %dma_wait3A_108 = tpu.memref_slice %arg10[%dma_wait3A_101, %dma_wait3A_107] : memref<40x128xi32, #tpu.memory_space<vmem>> -> memref<1x128xi32, #tpu.memory_space<vmem>>
      %dma_wait3A_109 = tpu.memref_squeeze %dma_wait3A_108 : memref<1x128xi32, #tpu.memory_space<vmem>> -> memref<128xi32, #tpu.memory_space<vmem>>
      %dma_wait3A_110 = arith.constant 0 : i32
      %dma_wait3A_111 = tpu.memref_slice %arg4[%dma_wait3A_110] : memref<323584xi32, #tpu.memory_space<hbm>> -> memref<128xi32, #tpu.memory_space<hbm>>
      tpu.wait_dma2 semaphore(%arg11 : memref<!tpu.dma_semaphore, #tpu.memory_space<semaphore_mem>>) src(%dma_wait3A_111 : memref<128xi32, #tpu.memory_space<hbm>>) dst(%dma_wait3A_109 : memref<128xi32, #tpu.memory_space<vmem>>)
    }
    %scan3A_62 = arith.constant 39 : i32
    %dma_start3A_63 = arith.constant 0 : i32
    %dma_start3A_64 = arith.constant 0 : i32
    %dma_start3A_65 = tpu.memref_slice %arg9[%dma_start3A_63, %dma_start3A_64] : memref<40x128xi32, #tpu.memory_space<vmem>> -> memref<1x128xi32, #tpu.memory_space<vmem>>
    %dma_start3A_66 = tpu.memref_squeeze %dma_start3A_65 : memref<1x128xi32, #tpu.memory_space<vmem>> -> memref<128xi32, #tpu.memory_space<vmem>>
    %dma_start3A_67 = arith.constant 0 : i32
    %dma_start3A_68 = arith.constant 0 : i32
    %dma_start3A_69 = tpu.memref_slice %arg2[%dma_start3A_67, %dma_start3A_68] : memref<10000x128xf32, #tpu.memory_space<hbm>> -> memref<10000x128xf32, #tpu.memory_space<hbm>>
    tpu.enqueue_indirect_dma source(%dma_start3A_69 : memref<10000x128xf32, #tpu.memory_space<hbm>>) target(%arg7 : memref<128x128xf32, #tpu.memory_space<vmem>>) offsets(%dma_start3A_66 : memref<128xi32, #tpu.memory_space<vmem>>) semaphore(%arg12 : memref<!tpu.dma_semaphore, #tpu.memory_space<semaphore_mem>>)
    %dma_start3A_70 = arith.constant 1 : i32
    %dma_start3A_71 = arith.constant 0 : i32
    %dma_start3A_72 = tpu.memref_slice %arg9[%dma_start3A_70, %dma_start3A_71] : memref<40x128xi32, #tpu.memory_space<vmem>> -> memref<1x128xi32, #tpu.memory_space<vmem>>
    %dma_start3A_73 = tpu.memref_squeeze %dma_start3A_72 : memref<1x128xi32, #tpu.memory_space<vmem>> -> memref<128xi32, #tpu.memory_space<vmem>>
    %dma_start3A_74 = arith.constant 0 : i32
    %dma_start3A_75 = arith.constant 0 : i32
    %dma_start3A_76 = tpu.memref_slice %arg2[%dma_start3A_74, %dma_start3A_75] : memref<10000x128xf32, #tpu.memory_space<hbm>> -> memref<10000x128xf32, #tpu.memory_space<hbm>>
    tpu.enqueue_indirect_dma source(%dma_start3A_76 : memref<10000x128xf32, #tpu.memory_space<hbm>>) target(%arg8 : memref<128x128xf32, #tpu.memory_space<vmem>>) offsets(%dma_start3A_73 : memref<128xi32, #tpu.memory_space<vmem>>) semaphore(%arg13 : memref<!tpu.dma_semaphore, #tpu.memory_space<semaphore_mem>>)
    %scan3A_77 = arith.constant 0 : i32
    %scan3A_78 = arith.constant 0 : i32
    %scan3A_79 = arith.constant 20 : i32
    %scan3A_80 = arith.addi %scan3A_78, %scan3A_79 : i32
    %scan3A_81 = arith.constant 1 : i32
    scf.for %scan3A_90 = %scan3A_78 to %scan3A_80 step %scan3A_81  : i32 {
      %mul3A_91 = arith.constant 2 : i32
      %mul3A_92 = arith.muli %mul3A_91, %scan3A_90 : i32
      %dma_wait3A = arith.constant 0 : i32
      %dma_wait3A_93 = tpu.memref_slice %arg9[%mul3A_92, %dma_wait3A] : memref<40x128xi32, #tpu.memory_space<vmem>> -> memref<1x128xi32, #tpu.memory_space<vmem>>
      %dma_wait3A_94 = tpu.memref_squeeze %dma_wait3A_93 : memref<1x128xi32, #tpu.memory_space<vmem>> -> memref<128xi32, #tpu.memory_space<vmem>>
      %dma_wait3A_95 = arith.constant 0 : i32
      %dma_wait3A_96 = arith.constant 0 : i32
      %dma_wait3A_97 = tpu.memref_slice %arg2[%dma_wait3A_95, %dma_wait3A_96] : memref<10000x128xf32, #tpu.memory_space<hbm>> -> memref<10000x128xf32, #tpu.memory_space<hbm>>
      tpu.wait_indirect_dma semaphore(%arg12 : memref<!tpu.dma_semaphore, #tpu.memory_space<semaphore_mem>>) src(%dma_wait3A_97 : memref<10000x128xf32, #tpu.memory_space<hbm>>) dst(%arg7 : memref<128x128xf32, #tpu.memory_space<vmem>>)
      "tpu.region"() ({
        %run_scoped3A = tpu.sem_alloc : memref<!tpu.dma_semaphore, #tpu.memory_space<semaphore_mem>>
        %dma_start3A_122 = arith.constant 0 : i32
        %dma_start3A_123 = tpu.memref_slice %arg10[%mul3A_92, %dma_start3A_122] : memref<40x128xi32, #tpu.memory_space<vmem>> -> memref<1x128xi32, #tpu.memory_space<vmem>>
        %dma_start3A_124 = tpu.memref_squeeze %dma_start3A_123 : memref<1x128xi32, #tpu.memory_space<vmem>> -> memref<128xi32, #tpu.memory_space<vmem>>
        %dma_start3A_125 = arith.constant 0 : i32
        %dma_start3A_126 = arith.constant 0 : i32
        %dma_start3A_127 = tpu.memref_slice %arg6[%dma_start3A_125, %dma_start3A_126] : memref<10240x128xf32, #tpu.memory_space<vmem_shared>> -> memref<10240x128xf32, #tpu.memory_space<vmem_shared>>
        tpu.enqueue_indirect_dma source(%arg7 : memref<128x128xf32, #tpu.memory_space<vmem>>) target(%dma_start3A_127 : memref<10240x128xf32, #tpu.memory_space<vmem_shared>>) offsets(%dma_start3A_124 : memref<128xi32, #tpu.memory_space<vmem>>) semaphore(%run_scoped3A : memref<!tpu.dma_semaphore, #tpu.memory_space<semaphore_mem>>) {add = true}
        %dma_wait3A_128 = arith.constant 0 : i32
        %dma_wait3A_129 = tpu.memref_slice %arg10[%mul3A_92, %dma_wait3A_128] : memref<40x128xi32, #tpu.memory_space<vmem>> -> memref<1x128xi32, #tpu.memory_space<vmem>>
        %dma_wait3A_130 = tpu.memref_squeeze %dma_wait3A_129 : memref<1x128xi32, #tpu.memory_space<vmem>> -> memref<128xi32, #tpu.memory_space<vmem>>
        %dma_wait3A_131 = arith.constant 0 : i32
        %dma_wait3A_132 = arith.constant 0 : i32
        %dma_wait3A_133 = tpu.memref_slice %arg6[%dma_wait3A_131, %dma_wait3A_132] : memref<10240x128xf32, #tpu.memory_space<vmem_shared>> -> memref<10240x128xf32, #tpu.memory_space<vmem_shared>>
        tpu.wait_indirect_dma semaphore(%run_scoped3A : memref<!tpu.dma_semaphore, #tpu.memory_space<semaphore_mem>>) src(%arg7 : memref<128x128xf32, #tpu.memory_space<vmem>>) dst(%dma_wait3A_133 : memref<10240x128xf32, #tpu.memory_space<vmem_shared>>)
        tpu.yield
      }) : () -> ()
      %mul3A_98 = arith.constant 2 : i32
      %mul3A_99 = arith.muli %mul3A_98, %scan3A_90 : i32
      %add3A_100 = arith.constant 2 : i32
      %add3A_101 = arith.addi %mul3A_99, %add3A_100 : i32
      %lt3A = arith.constant 39 : i32
      %lt3A_102 = arith.cmpi slt, %add3A_101, %lt3A : i32
      %convert_element_type3A = arith.extui %lt3A_102 : i1 to i32
      %cond3A = arith.constant 0 : i32
      %cond3A_103 = arith.cmpi ne, %convert_element_type3A, %cond3A : i32
      scf.if %cond3A_103 {
        %mul3A_122 = arith.constant 2 : i32
        %mul3A_123 = arith.muli %mul3A_122, %scan3A_90 : i32
        %add3A_124 = arith.constant 2 : i32
        %add3A_125 = arith.addi %mul3A_123, %add3A_124 : i32
        %dma_start3A_126 = arith.constant 0 : i32
        %dma_start3A_127 = tpu.memref_slice %arg9[%add3A_125, %dma_start3A_126] : memref<40x128xi32, #tpu.memory_space<vmem>> -> memref<1x128xi32, #tpu.memory_space<vmem>>
        %dma_start3A_128 = tpu.memref_squeeze %dma_start3A_127 : memref<1x128xi32, #tpu.memory_space<vmem>> -> memref<128xi32, #tpu.memory_space<vmem>>
        %dma_start3A_129 = arith.constant 0 : i32
        %dma_start3A_130 = arith.constant 0 : i32
        %dma_start3A_131 = tpu.memref_slice %arg2[%dma_start3A_129, %dma_start3A_130] : memref<10000x128xf32, #tpu.memory_space<hbm>> -> memref<10000x128xf32, #tpu.memory_space<hbm>>
        tpu.enqueue_indirect_dma source(%dma_start3A_131 : memref<10000x128xf32, #tpu.memory_space<hbm>>) target(%arg7 : memref<128x128xf32, #tpu.memory_space<vmem>>) offsets(%dma_start3A_128 : memref<128xi32, #tpu.memory_space<vmem>>) semaphore(%arg12 : memref<!tpu.dma_semaphore, #tpu.memory_space<semaphore_mem>>)
      } else {
      }
      %mul3A_104 = arith.constant 2 : i32
      %mul3A_105 = arith.muli %mul3A_104, %scan3A_90 : i32
      %add3A_106 = arith.constant 1 : i32
      %add3A_107 = arith.addi %mul3A_105, %add3A_106 : i32
      %lt3A_108 = arith.constant 39 : i32
      %lt3A_109 = arith.cmpi slt, %add3A_107, %lt3A_108 : i32
      %convert_element_type3A_110 = arith.extui %lt3A_109 : i1 to i32
      %cond3A_111 = arith.constant 0 : i32
      %cond3A_112 = arith.cmpi ne, %convert_element_type3A_110, %cond3A_111 : i32
      scf.if %cond3A_112 {
        %mul3A_122 = arith.constant 2 : i32
        %mul3A_123 = arith.muli %mul3A_122, %scan3A_90 : i32
        %add3A_124 = arith.constant 1 : i32
        %add3A_125 = arith.addi %mul3A_123, %add3A_124 : i32
        %dma_wait3A_126 = arith.constant 0 : i32
        %dma_wait3A_127 = tpu.memref_slice %arg9[%add3A_125, %dma_wait3A_126] : memref<40x128xi32, #tpu.memory_space<vmem>> -> memref<1x128xi32, #tpu.memory_space<vmem>>
        %dma_wait3A_128 = tpu.memref_squeeze %dma_wait3A_127 : memref<1x128xi32, #tpu.memory_space<vmem>> -> memref<128xi32, #tpu.memory_space<vmem>>
        %dma_wait3A_129 = arith.constant 0 : i32
        %dma_wait3A_130 = arith.constant 0 : i32
        %dma_wait3A_131 = tpu.memref_slice %arg2[%dma_wait3A_129, %dma_wait3A_130] : memref<10000x128xf32, #tpu.memory_space<hbm>> -> memref<10000x128xf32, #tpu.memory_space<hbm>>
        tpu.wait_indirect_dma semaphore(%arg13 : memref<!tpu.dma_semaphore, #tpu.memory_space<semaphore_mem>>) src(%dma_wait3A_131 : memref<10000x128xf32, #tpu.memory_space<hbm>>) dst(%arg8 : memref<128x128xf32, #tpu.memory_space<vmem>>)
        "tpu.region"() ({
          %run_scoped3A = tpu.sem_alloc : memref<!tpu.dma_semaphore, #tpu.memory_space<semaphore_mem>>
          %dma_start3A_132 = arith.constant 0 : i32
          %dma_start3A_133 = tpu.memref_slice %arg10[%add3A_125, %dma_start3A_132] : memref<40x128xi32, #tpu.memory_space<vmem>> -> memref<1x128xi32, #tpu.memory_space<vmem>>
          %dma_start3A_134 = tpu.memref_squeeze %dma_start3A_133 : memref<1x128xi32, #tpu.memory_space<vmem>> -> memref<128xi32, #tpu.memory_space<vmem>>
          %dma_start3A_135 = arith.constant 0 : i32
          %dma_start3A_136 = arith.constant 0 : i32
          %dma_start3A_137 = tpu.memref_slice %arg6[%dma_start3A_135, %dma_start3A_136] : memref<10240x128xf32, #tpu.memory_space<vmem_shared>> -> memref<10240x128xf32, #tpu.memory_space<vmem_shared>>
          tpu.enqueue_indirect_dma source(%arg8 : memref<128x128xf32, #tpu.memory_space<vmem>>) target(%dma_start3A_137 : memref<10240x128xf32, #tpu.memory_space<vmem_shared>>) offsets(%dma_start3A_134 : memref<128xi32, #tpu.memory_space<vmem>>) semaphore(%run_scoped3A : memref<!tpu.dma_semaphore, #tpu.memory_space<semaphore_mem>>) {add = true}
          %dma_wait3A_138 = arith.constant 0 : i32
          %dma_wait3A_139 = tpu.memref_slice %arg10[%add3A_125, %dma_wait3A_138] : memref<40x128xi32, #tpu.memory_space<vmem>> -> memref<1x128xi32, #tpu.memory_space<vmem>>
          %dma_wait3A_140 = tpu.memref_squeeze %dma_wait3A_139 : memref<1x128xi32, #tpu.memory_space<vmem>> -> memref<128xi32, #tpu.memory_space<vmem>>
          %dma_wait3A_141 = arith.constant 0 : i32
          %dma_wait3A_142 = arith.constant 0 : i32
          %dma_wait3A_143 = tpu.memref_slice %arg6[%dma_wait3A_141, %dma_wait3A_142] : memref<10240x128xf32, #tpu.memory_space<vmem_shared>> -> memref<10240x128xf32, #tpu.memory_space<vmem_shared>>
          tpu.wait_indirect_dma semaphore(%run_scoped3A : memref<!tpu.dma_semaphore, #tpu.memory_space<semaphore_mem>>) src(%arg8 : memref<128x128xf32, #tpu.memory_space<vmem>>) dst(%dma_wait3A_143 : memref<10240x128xf32, #tpu.memory_space<vmem_shared>>)
          tpu.yield
        }) : () -> ()
      } else {
      }
      %mul3A_113 = arith.constant 2 : i32
      %mul3A_114 = arith.muli %mul3A_113, %scan3A_90 : i32
      %add3A_115 = arith.constant 3 : i32
      %add3A_116 = arith.addi %mul3A_114, %add3A_115 : i32
      %lt3A_117 = arith.constant 39 : i32
      %lt3A_118 = arith.cmpi slt, %add3A_116, %lt3A_117 : i32
      %convert_element_type3A_119 = arith.extui %lt3A_118 : i1 to i32
      %cond3A_120 = arith.constant 0 : i32
      %cond3A_121 = arith.cmpi ne, %convert_element_type3A_119, %cond3A_120 : i32
      scf.if %cond3A_121 {
        %mul3A_122 = arith.constant 2 : i32
        %mul3A_123 = arith.muli %mul3A_122, %scan3A_90 : i32
        %add3A_124 = arith.constant 3 : i32
        %add3A_125 = arith.addi %mul3A_123, %add3A_124 : i32
        %dma_start3A_126 = arith.constant 0 : i32
        %dma_start3A_127 = tpu.memref_slice %arg9[%add3A_125, %dma_start3A_126] : memref<40x128xi32, #tpu.memory_space<vmem>> -> memref<1x128xi32, #tpu.memory_space<vmem>>
        %dma_start3A_128 = tpu.memref_squeeze %dma_start3A_127 : memref<1x128xi32, #tpu.memory_space<vmem>> -> memref<128xi32, #tpu.memory_space<vmem>>
        %dma_start3A_129 = arith.constant 0 : i32
        %dma_start3A_130 = arith.constant 0 : i32
        %dma_start3A_131 = tpu.memref_slice %arg2[%dma_start3A_129, %dma_start3A_130] : memref<10000x128xf32, #tpu.memory_space<hbm>> -> memref<10000x128xf32, #tpu.memory_space<hbm>>
        tpu.enqueue_indirect_dma source(%dma_start3A_131 : memref<10000x128xf32, #tpu.memory_space<hbm>>) target(%arg8 : memref<128x128xf32, #tpu.memory_space<vmem>>) offsets(%dma_start3A_128 : memref<128xi32, #tpu.memory_space<vmem>>) semaphore(%arg13 : memref<!tpu.dma_semaphore, #tpu.memory_space<semaphore_mem>>)
      } else {
      }
    }
    %scan3A_82 = arith.constant 20 : i32
    %barrier3A_83 = arith.constant 0 : index
    tpu.barrier barrier_id(%barrier3A_83)
    %scan3A_84 = arith.constant 0 : i32
    %scan3A_85 = arith.constant 0 : i32
    %scan3A_86 = arith.constant 5 : i32
    %scan3A_87 = arith.addi %scan3A_85, %scan3A_86 : i32
    %scan3A_88 = arith.constant 1 : i32
    scf.for %scan3A_90 = %scan3A_85 to %scan3A_87 step %scan3A_88  : i32 {
      %mul3A_91 = arith.constant 128 : i32
      %mul3A_92 = arith.muli %scan3A_90, %mul3A_91 : i32
      %add3A_93 = arith.addi %mul3A_4, %mul3A_92 : i32
      "tpu.region"() ({
        %run_scoped3A = tpu.sem_alloc : memref<!tpu.dma_semaphore, #tpu.memory_space<semaphore_mem>>
        %dma_start3A_94 = arith.constant 0 : i32
        %dma_start3A_95 = tpu.memref_slice %arg5[%arg0, %add3A_93, %dma_start3A_94] : memref<2x10240x128xf32, #tpu.memory_space<hbm>> -> memref<1x128x128xf32, #tpu.memory_space<hbm>>
        %dma_start3A_96 = tpu.memref_squeeze %dma_start3A_95 : memref<1x128x128xf32, #tpu.memory_space<hbm>> -> memref<128x128xf32, #tpu.memory_space<hbm>>
        %dma_start3A_97 = arith.constant 0 : i32
        %dma_start3A_98 = tpu.memref_slice %arg6[%add3A_93, %dma_start3A_97] : memref<10240x128xf32, #tpu.memory_space<vmem_shared>> -> memref<128x128xf32, #tpu.memory_space<vmem_shared>>
        tpu.enqueue_dma source(%dma_start3A_98 : memref<128x128xf32, #tpu.memory_space<vmem_shared>>) target(%dma_start3A_96 : memref<128x128xf32, #tpu.memory_space<hbm>>) target_semaphore(%run_scoped3A : memref<!tpu.dma_semaphore, #tpu.memory_space<semaphore_mem>>)
        %dma_wait3A = arith.constant 0 : i32
        %dma_wait3A_99 = tpu.memref_slice %arg5[%arg0, %add3A_93, %dma_wait3A] : memref<2x10240x128xf32, #tpu.memory_space<hbm>> -> memref<1x128x128xf32, #tpu.memory_space<hbm>>
        %dma_wait3A_100 = tpu.memref_squeeze %dma_wait3A_99 : memref<1x128x128xf32, #tpu.memory_space<hbm>> -> memref<128x128xf32, #tpu.memory_space<hbm>>
        %dma_wait3A_101 = arith.constant 0 : i32
        %dma_wait3A_102 = tpu.memref_slice %arg6[%add3A_93, %dma_wait3A_101] : memref<10240x128xf32, #tpu.memory_space<vmem_shared>> -> memref<128x128xf32, #tpu.memory_space<vmem_shared>>
        tpu.wait_dma2 semaphore(%run_scoped3A : memref<!tpu.dma_semaphore, #tpu.memory_space<semaphore_mem>>) src(%dma_wait3A_102 : memref<128x128xf32, #tpu.memory_space<vmem_shared>>) dst(%dma_wait3A_100 : memref<128x128xf32, #tpu.memory_space<hbm>>)
        tpu.yield
      }) : () -> ()
    }
    %scan3A_89 = arith.constant 5 : i32
    return
  }
}

#map = affine_map<(d0, d1) -> (0)>
#map1 = affine_map<(d0, d1) -> (0, 0, 0)>
module attributes {stable_mosaic.version = 14 : i64} {
  func.func @k(%arg0: i32, %arg1: i32, %arg2: memref<323584xi32, #tpu.memory_space<hbm>>, %arg3: memref<2x10240x16xf32, #tpu.memory_space<hbm>>, %arg4: memref<10240x16xf32, #tpu.memory_space<vmem_shared>>, %arg5: memref<128x16xf32, #tpu.memory_space<vmem>>, %arg6: memref<128x16xf32, #tpu.memory_space<vmem>>, %arg7: memref<128xi32, #tpu.memory_space<vmem>>, %arg8: memref<!tpu.dma_semaphore, #tpu.memory_space<semaphore_mem>>) attributes {dimension_semantics = [#tpu.dimension_semantics<core_parallel>, #tpu.dimension_semantics<subcore_parallel>], iteration_bounds = array<i64: 2, 16>, scalar_prefetch = 0 : i64, scratch_operands = 5 : i64, tpu.core_type = #tpu.core_type<sc_vector_subcore>, window_params = [{transform_indices = #map}, {transform_indices = #map1}]} {
    %mul3A = arith.constant 16 : i32
    %mul3A_0 = arith.muli %arg0, %mul3A : i32
    %add3A = arith.addi %mul3A_0, %arg1 : i32
    %mul3A_1 = arith.constant 640 : i32
    %mul3A_2 = arith.muli %arg1, %mul3A_1 : i32
    %scan3A = arith.constant 0 : i32
    %scan3A_3 = arith.constant 0 : i32
    %scan3A_4 = arith.constant 128 : i32
    %scan3A_5 = arith.addi %scan3A_3, %scan3A_4 : i32
    %scan3A_6 = arith.constant 1 : i32
    scf.for %scan3A_29 = %scan3A_3 to %scan3A_5 step %scan3A_6  : i32 {
      %broadcast_in_dim3A = arith.constant 1.000000e+00 : f32
      %broadcast_in_dim3A_30 = vector.broadcast %broadcast_in_dim3A : f32 to vector<16xf32>
      %swap3A = arith.index_cast %scan3A_29 : i32 to index
      %swap3A_31 = arith.constant 0 : index
      %swap3A_32 = tpu.vector_load %arg5[%swap3A, %swap3A_31] {strides = array<i32>} : memref<128x16xf32, #tpu.memory_space<vmem>>, vector<1x16xf32>,
      %swap3A_33 = vector.shape_cast %swap3A_32 : vector<1x16xf32> to vector<16xf32>
      %swap3A_34 = vector.shape_cast %broadcast_in_dim3A_30 : vector<16xf32> to vector<1x16xf32>
      tpu.vector_store %arg5[%swap3A, %swap3A_31], %swap3A_34 {strides = array<i32>} : memref<128x16xf32, #tpu.memory_space<vmem>>, vector<1x16xf32>,
      %broadcast_in_dim3A_35 = arith.constant 0.000000e+00 : f32
      %broadcast_in_dim3A_36 = vector.broadcast %broadcast_in_dim3A_35 : f32 to vector<16xf32>
      %swap3A_37 = arith.index_cast %scan3A_29 : i32 to index
      %swap3A_38 = arith.constant 0 : index
      %swap3A_39 = tpu.vector_load %arg6[%swap3A_37, %swap3A_38] {strides = array<i32>} : memref<128x16xf32, #tpu.memory_space<vmem>>, vector<1x16xf32>,
      %swap3A_40 = vector.shape_cast %swap3A_39 : vector<1x16xf32> to vector<16xf32>
      %swap3A_41 = vector.shape_cast %broadcast_in_dim3A_36 : vector<16xf32> to vector<1x16xf32>
      tpu.vector_store %arg6[%swap3A_37, %swap3A_38], %swap3A_41 {strides = array<i32>} : memref<128x16xf32, #tpu.memory_space<vmem>>, vector<1x16xf32>,
    }
    %scan3A_7 = arith.constant 128 : i32
    %scan3A_8 = arith.constant 0 : i32
    %scan3A_9 = arith.constant 0 : i32
    %scan3A_10 = arith.constant 5 : i32
    %scan3A_11 = arith.addi %scan3A_9, %scan3A_10 : i32
    %scan3A_12 = arith.constant 1 : i32
    scf.for %scan3A_29 = %scan3A_9 to %scan3A_11 step %scan3A_12  : i32 {
      %mul3A_30 = arith.constant 128 : i32
      %mul3A_31 = arith.muli %scan3A_29, %mul3A_30 : i32
      %add3A_32 = arith.addi %mul3A_2, %mul3A_31 : i32
      "tpu.region"() ({
        %run_scoped3A = tpu.sem_alloc : memref<!tpu.dma_semaphore, #tpu.memory_space<semaphore_mem>>
        %dma_start3A = arith.constant 0 : i32
        %dma_start3A_33 = tpu.memref_slice %arg4[%add3A_32, %dma_start3A] : memref<10240x16xf32, #tpu.memory_space<vmem_shared>> -> memref<128x16xf32, #tpu.memory_space<vmem_shared>>
        %dma_start3A_34 = arith.constant 0 : i32
        %dma_start3A_35 = tpu.memref_slice %arg4[%add3A_32, %dma_start3A_34] : memref<10240x16xf32, #tpu.memory_space<vmem_shared>> -> memref<128x16xf32, #tpu.memory_space<vmem_shared>>
        tpu.enqueue_dma source(%arg6 : memref<128x16xf32, #tpu.memory_space<vmem>>) target(%dma_start3A_35 : memref<128x16xf32, #tpu.memory_space<vmem_shared>>) target_semaphore(%run_scoped3A : memref<!tpu.dma_semaphore, #tpu.memory_space<semaphore_mem>>)
        %dma_wait3A = arith.constant 0 : i32
        %dma_wait3A_36 = tpu.memref_slice %arg4[%add3A_32, %dma_wait3A] : memref<10240x16xf32, #tpu.memory_space<vmem_shared>> -> memref<128x16xf32, #tpu.memory_space<vmem_shared>>
        %dma_wait3A_37 = arith.constant 0 : i32
        %dma_wait3A_38 = tpu.memref_slice %arg4[%add3A_32, %dma_wait3A_37] : memref<10240x16xf32, #tpu.memory_space<vmem_shared>> -> memref<128x16xf32, #tpu.memory_space<vmem_shared>>
        tpu.wait_dma2 semaphore(%run_scoped3A : memref<!tpu.dma_semaphore, #tpu.memory_space<semaphore_mem>>) src(%arg6 : memref<128x16xf32, #tpu.memory_space<vmem>>) dst(%dma_wait3A_38 : memref<128x16xf32, #tpu.memory_space<vmem_shared>>)
        tpu.yield
      }) : () -> ()
    }
    %scan3A_13 = arith.constant 5 : i32
    %barrier3A = arith.constant 0 : index
    tpu.barrier barrier_id(%barrier3A)
    %mul3A_14 = arith.constant 10112 : i32
    %mul3A_15 = arith.muli %add3A, %mul3A_14 : i32
    %scan3A_16 = arith.constant 0 : i32
    %scan3A_17 = arith.constant 0 : i32
    %scan3A_18 = arith.constant 79 : i32
    %scan3A_19 = arith.addi %scan3A_17, %scan3A_18 : i32
    %scan3A_20 = arith.constant 1 : i32
    scf.for %scan3A_29 = %scan3A_17 to %scan3A_19 step %scan3A_20  : i32 {
      %mul3A_30 = arith.constant 128 : i32
      %mul3A_31 = arith.muli %scan3A_29, %mul3A_30 : i32
      %add3A_32 = arith.addi %mul3A_15, %mul3A_31 : i32
      "tpu.region"() ({
        %run_scoped3A = tpu.sem_alloc : memref<!tpu.dma_semaphore, #tpu.memory_space<semaphore_mem>>
        %dma_start3A = tpu.memref_slice %arg2[%add3A_32] : memref<323584xi32, #tpu.memory_space<hbm>> -> memref<128xi32, #tpu.memory_space<hbm>>
        %dma_start3A_33 = tpu.memref_slice %arg2[%add3A_32] : memref<323584xi32, #tpu.memory_space<hbm>> -> memref<128xi32, #tpu.memory_space<hbm>>
        tpu.enqueue_dma source(%dma_start3A_33 : memref<128xi32, #tpu.memory_space<hbm>>) target(%arg7 : memref<128xi32, #tpu.memory_space<vmem>>) target_semaphore(%run_scoped3A : memref<!tpu.dma_semaphore, #tpu.memory_space<semaphore_mem>>)
        %dma_wait3A = tpu.memref_slice %arg2[%add3A_32] : memref<323584xi32, #tpu.memory_space<hbm>> -> memref<128xi32, #tpu.memory_space<hbm>>
        %dma_wait3A_34 = tpu.memref_slice %arg2[%add3A_32] : memref<323584xi32, #tpu.memory_space<hbm>> -> memref<128xi32, #tpu.memory_space<hbm>>
        tpu.wait_dma2 semaphore(%run_scoped3A : memref<!tpu.dma_semaphore, #tpu.memory_space<semaphore_mem>>) src(%dma_wait3A_34 : memref<128xi32, #tpu.memory_space<hbm>>) dst(%arg7 : memref<128xi32, #tpu.memory_space<vmem>>)
        tpu.yield
      }) : () -> ()
      "tpu.region"() ({
        %run_scoped3A = tpu.sem_alloc : memref<!tpu.dma_semaphore, #tpu.memory_space<semaphore_mem>>
        %dma_start3A = arith.constant 0 : i32
        %dma_start3A_33 = arith.constant 0 : i32
        %dma_start3A_34 = tpu.memref_slice %arg4[%dma_start3A, %dma_start3A_33] : memref<10240x16xf32, #tpu.memory_space<vmem_shared>> -> memref<10240x16xf32, #tpu.memory_space<vmem_shared>>
        tpu.enqueue_indirect_dma source(%arg5 : memref<128x16xf32, #tpu.memory_space<vmem>>) target(%dma_start3A_34 : memref<10240x16xf32, #tpu.memory_space<vmem_shared>>) offsets(%arg7 : memref<128xi32, #tpu.memory_space<vmem>>) semaphore(%run_scoped3A : memref<!tpu.dma_semaphore, #tpu.memory_space<semaphore_mem>>) {add = true}
        %dma_wait3A = arith.constant 0 : i32
        %dma_wait3A_35 = arith.constant 0 : i32
        %dma_wait3A_36 = tpu.memref_slice %arg4[%dma_wait3A, %dma_wait3A_35] : memref<10240x16xf32, #tpu.memory_space<vmem_shared>> -> memref<10240x16xf32, #tpu.memory_space<vmem_shared>>
        tpu.wait_indirect_dma semaphore(%run_scoped3A : memref<!tpu.dma_semaphore, #tpu.memory_space<semaphore_mem>>) src(%arg5 : memref<128x16xf32, #tpu.memory_space<vmem>>) dst(%dma_wait3A_36 : memref<10240x16xf32, #tpu.memory_space<vmem_shared>>)
        tpu.yield
      }) : () -> ()
    }
    %scan3A_21 = arith.constant 79 : i32
    %barrier3A_22 = arith.constant 0 : index
    tpu.barrier barrier_id(%barrier3A_22)
    %scan3A_23 = arith.constant 0 : i32
    %scan3A_24 = arith.constant 0 : i32
    %scan3A_25 = arith.constant 5 : i32
    %scan3A_26 = arith.addi %scan3A_24, %scan3A_25 : i32
    %scan3A_27 = arith.constant 1 : i32
    scf.for %scan3A_29 = %scan3A_24 to %scan3A_26 step %scan3A_27  : i32 {
      %mul3A_30 = arith.constant 128 : i32
      %mul3A_31 = arith.muli %scan3A_29, %mul3A_30 : i32
      %add3A_32 = arith.addi %mul3A_2, %mul3A_31 : i32
      "tpu.region"() ({
        %run_scoped3A = tpu.sem_alloc : memref<!tpu.dma_semaphore, #tpu.memory_space<semaphore_mem>>
        %dma_start3A = arith.constant 0 : i32
        %dma_start3A_33 = tpu.memref_slice %arg3[%arg0, %add3A_32, %dma_start3A] : memref<2x10240x16xf32, #tpu.memory_space<hbm>> -> memref<1x128x16xf32, #tpu.memory_space<hbm>>
        %dma_start3A_34 = tpu.memref_squeeze %dma_start3A_33 : memref<1x128x16xf32, #tpu.memory_space<hbm>> -> memref<128x16xf32, #tpu.memory_space<hbm>>
        %dma_start3A_35 = arith.constant 0 : i32
        %dma_start3A_36 = tpu.memref_slice %arg4[%add3A_32, %dma_start3A_35] : memref<10240x16xf32, #tpu.memory_space<vmem_shared>> -> memref<128x16xf32, #tpu.memory_space<vmem_shared>>
        tpu.enqueue_dma source(%dma_start3A_36 : memref<128x16xf32, #tpu.memory_space<vmem_shared>>) target(%dma_start3A_34 : memref<128x16xf32, #tpu.memory_space<hbm>>) target_semaphore(%run_scoped3A : memref<!tpu.dma_semaphore, #tpu.memory_space<semaphore_mem>>)
        %dma_wait3A = arith.constant 0 : i32
        %dma_wait3A_37 = tpu.memref_slice %arg3[%arg0, %add3A_32, %dma_wait3A] : memref<2x10240x16xf32, #tpu.memory_space<hbm>> -> memref<1x128x16xf32, #tpu.memory_space<hbm>>
        %dma_wait3A_38 = tpu.memref_squeeze %dma_wait3A_37 : memref<1x128x16xf32, #tpu.memory_space<hbm>> -> memref<128x16xf32, #tpu.memory_space<hbm>>
        %dma_wait3A_39 = arith.constant 0 : i32
        %dma_wait3A_40 = tpu.memref_slice %arg4[%add3A_32, %dma_wait3A_39] : memref<10240x16xf32, #tpu.memory_space<vmem_shared>> -> memref<128x16xf32, #tpu.memory_space<vmem_shared>>
        tpu.wait_dma2 semaphore(%run_scoped3A : memref<!tpu.dma_semaphore, #tpu.memory_space<semaphore_mem>>) src(%dma_wait3A_40 : memref<128x16xf32, #tpu.memory_space<vmem_shared>>) dst(%dma_wait3A_38 : memref<128x16xf32, #tpu.memory_space<hbm>>)
        tpu.yield
      }) : () -> ()
    }
    %scan3A_28 = arith.constant 5 : i32
    return
  }
}

#map = affine_map<(d0, d1) -> (0, 0)>
#map1 = affine_map<(d0, d1) -> (0)>
#map2 = affine_map<(d0, d1) -> (0, 0, 0)>
module attributes {stable_mosaic.version = 14 : i64} {
  func.func @k(%arg0: i32, %arg1: i32, %arg2: memref<10000x128xf32, #tpu.memory_space<hbm>>, %arg3: memref<323584xi32, #tpu.memory_space<hbm>>, %arg4: memref<323584xi32, #tpu.memory_space<hbm>>, %arg5: memref<2x10240x128xf32, #tpu.memory_space<hbm>>, %arg6: memref<10240x128xf32, #tpu.memory_space<vmem_shared>>, %arg7: memref<128x128xf32, #tpu.memory_space<vmem>>, %arg8: memref<128x128xf32, #tpu.memory_space<vmem>>, %arg9: memref<40x128xi32, #tpu.memory_space<vmem>>, %arg10: memref<40x128xi32, #tpu.memory_space<vmem>>, %arg11: memref<!tpu.dma_semaphore, #tpu.memory_space<semaphore_mem>>, %arg12: memref<!tpu.dma_semaphore, #tpu.memory_space<semaphore_mem>>, %arg13: memref<!tpu.dma_semaphore, #tpu.memory_space<semaphore_mem>>) attributes {dimension_semantics = [#tpu.dimension_semantics<core_parallel>, #tpu.dimension_semantics<subcore_parallel>], iteration_bounds = array<i64: 2, 16>, scalar_prefetch = 0 : i64, scratch_operands = 8 : i64, tpu.core_type = #tpu.core_type<sc_vector_subcore>, window_params = [{transform_indices = #map}, {transform_indices = #map1}, {transform_indices = #map1}, {transform_indices = #map2}]} {
    %mul3A = arith.constant 16 : i32
    %mul3A_0 = arith.muli %arg0, %mul3A : i32
    %add3A = arith.addi %mul3A_0, %arg1 : i32
    %mul3A_1 = arith.constant 10112 : i32
    %mul3A_2 = arith.muli %add3A, %mul3A_1 : i32
    %mul3A_3 = arith.constant 640 : i32
    %mul3A_4 = arith.muli %arg1, %mul3A_3 : i32
    %scan3A = arith.constant 0 : i32
    %scan3A_5 = arith.constant 0 : i32
    %scan3A_6 = arith.constant 128 : i32
    %scan3A_7 = arith.addi %scan3A_5, %scan3A_6 : i32
    %scan3A_8 = arith.constant 1 : i32
    scf.for %scan3A_90 = %scan3A_5 to %scan3A_7 step %scan3A_8  : i32 {
      %broadcast_in_dim3A = arith.constant 0.000000e+00 : f32
      %broadcast_in_dim3A_91 = vector.broadcast %broadcast_in_dim3A : f32 to vector<16xf32>
      %swap3A = arith.index_cast %scan3A_90 : i32 to index
      %swap3A_92 = arith.constant 0 : index
      %swap3A_93 = tpu.vector_load %arg7[%swap3A, %swap3A_92] {strides = array<i32>} : memref<128x128xf32, #tpu.memory_space<vmem>>, vector<1x16xf32>,
      %swap3A_94 = vector.shape_cast %swap3A_93 : vector<1x16xf32> to vector<16xf32>
      %swap3A_95 = vector.shape_cast %broadcast_in_dim3A_91 : vector<16xf32> to vector<1x16xf32>
      tpu.vector_store %arg7[%swap3A, %swap3A_92], %swap3A_95 {strides = array<i32>} : memref<128x128xf32, #tpu.memory_space<vmem>>, vector<1x16xf32>,
      %broadcast_in_dim3A_96 = arith.constant 0.000000e+00 : f32
      %broadcast_in_dim3A_97 = vector.broadcast %broadcast_in_dim3A_96 : f32 to vector<16xf32>
      %swap3A_98 = arith.index_cast %scan3A_90 : i32 to index
      %swap3A_99 = arith.constant 16 : index
      %swap3A_100 = tpu.vector_load %arg7[%swap3A_98, %swap3A_99] {strides = array<i32>} : memref<128x128xf32, #tpu.memory_space<vmem>>, vector<1x16xf32>,
      %swap3A_101 = vector.shape_cast %swap3A_100 : vector<1x16xf32> to vector<16xf32>
      %swap3A_102 = vector.shape_cast %broadcast_in_dim3A_97 : vector<16xf32> to vector<1x16xf32>
      tpu.vector_store %arg7[%swap3A_98, %swap3A_99], %swap3A_102 {strides = array<i32>} : memref<128x128xf32, #tpu.memory_space<vmem>>, vector<1x16xf32>,
      %broadcast_in_dim3A_103 = arith.constant 0.000000e+00 : f32
      %broadcast_in_dim3A_104 = vector.broadcast %broadcast_in_dim3A_103 : f32 to vector<16xf32>
      %swap3A_105 = arith.index_cast %scan3A_90 : i32 to index
      %swap3A_106 = arith.constant 32 : index
      %swap3A_107 = tpu.vector_load %arg7[%swap3A_105, %swap3A_106] {strides = array<i32>} : memref<128x128xf32, #tpu.memory_space<vmem>>, vector<1x16xf32>,
      %swap3A_108 = vector.shape_cast %swap3A_107 : vector<1x16xf32> to vector<16xf32>
      %swap3A_109 = vector.shape_cast %broadcast_in_dim3A_104 : vector<16xf32> to vector<1x16xf32>
      tpu.vector_store %arg7[%swap3A_105, %swap3A_106], %swap3A_109 {strides = array<i32>} : memref<128x128xf32, #tpu.memory_space<vmem>>, vector<1x16xf32>,
      %broadcast_in_dim3A_110 = arith.constant 0.000000e+00 : f32
      %broadcast_in_dim3A_111 = vector.broadcast %broadcast_in_dim3A_110 : f32 to vector<16xf32>
      %swap3A_112 = arith.index_cast %scan3A_90 : i32 to index
      %swap3A_113 = arith.constant 48 : index
      %swap3A_114 = tpu.vector_load %arg7[%swap3A_112, %swap3A_113] {strides = array<i32>} : memref<128x128xf32, #tpu.memory_space<vmem>>, vector<1x16xf32>,
      %swap3A_115 = vector.shape_cast %swap3A_114 : vector<1x16xf32> to vector<16xf32>
      %swap3A_116 = vector.shape_cast %broadcast_in_dim3A_111 : vector<16xf32> to vector<1x16xf32>
      tpu.vector_store %arg7[%swap3A_112, %swap3A_113], %swap3A_116 {strides = array<i32>} : memref<128x128xf32, #tpu.memory_space<vmem>>, vector<1x16xf32>,
      %broadcast_in_dim3A_117 = arith.constant 0.000000e+00 : f32
      %broadcast_in_dim3A_118 = vector.broadcast %broadcast_in_dim3A_117 : f32 to vector<16xf32>
      %swap3A_119 = arith.index_cast %scan3A_90 : i32 to index
      %swap3A_120 = arith.constant 64 : index
      %swap3A_121 = tpu.vector_load %arg7[%swap3A_119, %swap3A_120] {strides = array<i32>} : memref<128x128xf32, #tpu.memory_space<vmem>>, vector<1x16xf32>,
      %swap3A_122 = vector.shape_cast %swap3A_121 : vector<1x16xf32> to vector<16xf32>
      %swap3A_123 = vector.shape_cast %broadcast_in_dim3A_118 : vector<16xf32> to vector<1x16xf32>
      tpu.vector_store %arg7[%swap3A_119, %swap3A_120], %swap3A_123 {strides = array<i32>} : memref<128x128xf32, #tpu.memory_space<vmem>>, vector<1x16xf32>,
      %broadcast_in_dim3A_124 = arith.constant 0.000000e+00 : f32
      %broadcast_in_dim3A_125 = vector.broadcast %broadcast_in_dim3A_124 : f32 to vector<16xf32>
      %swap3A_126 = arith.index_cast %scan3A_90 : i32 to index
      %swap3A_127 = arith.constant 80 : index
      %swap3A_128 = tpu.vector_load %arg7[%swap3A_126, %swap3A_127] {strides = array<i32>} : memref<128x128xf32, #tpu.memory_space<vmem>>, vector<1x16xf32>,
      %swap3A_129 = vector.shape_cast %swap3A_128 : vector<1x16xf32> to vector<16xf32>
      %swap3A_130 = vector.shape_cast %broadcast_in_dim3A_125 : vector<16xf32> to vector<1x16xf32>
      tpu.vector_store %arg7[%swap3A_126, %swap3A_127], %swap3A_130 {strides = array<i32>} : memref<128x128xf32, #tpu.memory_space<vmem>>, vector<1x16xf32>,
      %broadcast_in_dim3A_131 = arith.constant 0.000000e+00 : f32
      %broadcast_in_dim3A_132 = vector.broadcast %broadcast_in_dim3A_131 : f32 to vector<16xf32>
      %swap3A_133 = arith.index_cast %scan3A_90 : i32 to index
      %swap3A_134 = arith.constant 96 : index
      %swap3A_135 = tpu.vector_load %arg7[%swap3A_133, %swap3A_134] {strides = array<i32>} : memref<128x128xf32, #tpu.memory_space<vmem>>, vector<1x16xf32>,
      %swap3A_136 = vector.shape_cast %swap3A_135 : vector<1x16xf32> to vector<16xf32>
      %swap3A_137 = vector.shape_cast %broadcast_in_dim3A_132 : vector<16xf32> to vector<1x16xf32>
      tpu.vector_store %arg7[%swap3A_133, %swap3A_134], %swap3A_137 {strides = array<i32>} : memref<128x128xf32, #tpu.memory_space<vmem>>, vector<1x16xf32>,
      %broadcast_in_dim3A_138 = arith.constant 0.000000e+00 : f32
      %broadcast_in_dim3A_139 = vector.broadcast %broadcast_in_dim3A_138 : f32 to vector<16xf32>
      %swap3A_140 = arith.index_cast %scan3A_90 : i32 to index
      %swap3A_141 = arith.constant 112 : index
      %swap3A_142 = tpu.vector_load %arg7[%swap3A_140, %swap3A_141] {strides = array<i32>} : memref<128x128xf32, #tpu.memory_space<vmem>>, vector<1x16xf32>,
      %swap3A_143 = vector.shape_cast %swap3A_142 : vector<1x16xf32> to vector<16xf32>
      %swap3A_144 = vector.shape_cast %broadcast_in_dim3A_139 : vector<16xf32> to vector<1x16xf32>
      tpu.vector_store %arg7[%swap3A_140, %swap3A_141], %swap3A_144 {strides = array<i32>} : memref<128x128xf32, #tpu.memory_space<vmem>>, vector<1x16xf32>,
    }
    %scan3A_9 = arith.constant 128 : i32
    %scan3A_10 = arith.constant 0 : i32
    %scan3A_11 = arith.constant 0 : i32
    %scan3A_12 = arith.constant 5 : i32
    %scan3A_13 = arith.addi %scan3A_11, %scan3A_12 : i32
    %scan3A_14 = arith.constant 1 : i32
    scf.for %scan3A_90 = %scan3A_11 to %scan3A_13 step %scan3A_14  : i32 {
      %mul3A_91 = arith.constant 128 : i32
      %mul3A_92 = arith.muli %scan3A_90, %mul3A_91 : i32
      %add3A_93 = arith.addi %mul3A_4, %mul3A_92 : i32
      "tpu.region"() ({
        %run_scoped3A = tpu.sem_alloc : memref<!tpu.dma_semaphore, #tpu.memory_space<semaphore_mem>>
        %dma_start3A_94 = arith.constant 0 : i32
        %dma_start3A_95 = tpu.memref_slice %arg6[%add3A_93, %dma_start3A_94] : memref<10240x128xf32, #tpu.memory_space<vmem_shared>> -> memref<128x128xf32, #tpu.memory_space<vmem_shared>>
        %dma_start3A_96 = arith.constant 0 : i32
        %dma_start3A_97 = tpu.memref_slice %arg6[%add3A_93, %dma_start3A_96] : memref<10240x128xf32, #tpu.memory_space<vmem_shared>> -> memref<128x128xf32, #tpu.memory_space<vmem_shared>>
        tpu.enqueue_dma source(%arg7 : memref<128x128xf32, #tpu.memory_space<vmem>>) target(%dma_start3A_97 : memref<128x128xf32, #tpu.memory_space<vmem_shared>>) target_semaphore(%run_scoped3A : memref<!tpu.dma_semaphore, #tpu.memory_space<semaphore_mem>>)
        %dma_wait3A = arith.constant 0 : i32
        %dma_wait3A_98 = tpu.memref_slice %arg6[%add3A_93, %dma_wait3A] : memref<10240x128xf32, #tpu.memory_space<vmem_shared>> -> memref<128x128xf32, #tpu.memory_space<vmem_shared>>
        %dma_wait3A_99 = arith.constant 0 : i32
        %dma_wait3A_100 = tpu.memref_slice %arg6[%add3A_93, %dma_wait3A_99] : memref<10240x128xf32, #tpu.memory_space<vmem_shared>> -> memref<128x128xf32, #tpu.memory_space<vmem_shared>>
        tpu.wait_dma2 semaphore(%run_scoped3A : memref<!tpu.dma_semaphore, #tpu.memory_space<semaphore_mem>>) src(%arg7 : memref<128x128xf32, #tpu.memory_space<vmem>>) dst(%dma_wait3A_100 : memref<128x128xf32, #tpu.memory_space<vmem_shared>>)
        tpu.yield
      }) : () -> ()
    }
    %scan3A_15 = arith.constant 5 : i32
    %barrier3A = arith.constant 0 : index
    tpu.barrier barrier_id(%barrier3A)
    %add3A_16 = arith.constant 0 : i32
    %add3A_17 = arith.addi %mul3A_2, %add3A_16 : i32
    %scan3A_18 = arith.constant 0 : i32
    %scan3A_19 = arith.constant 0 : i32
    %scan3A_20 = arith.constant 40 : i32
    %scan3A_21 = arith.addi %scan3A_19, %scan3A_20 : i32
    %scan3A_22 = arith.constant 1 : i32
    scf.for %scan3A_90 = %scan3A_19 to %scan3A_21 step %scan3A_22  : i32 {
      %mul3A_91 = arith.constant 128 : i32
      %mul3A_92 = arith.muli %scan3A_90, %mul3A_91 : i32
      %add3A_93 = arith.addi %add3A_17, %mul3A_92 : i32
      %dma_start3A_94 = arith.constant 0 : i32
      %dma_start3A_95 = tpu.memref_slice %arg9[%scan3A_90, %dma_start3A_94] : memref<40x128xi32, #tpu.memory_space<vmem>> -> memref<1x128xi32, #tpu.memory_space<vmem>>
      %dma_start3A_96 = tpu.memref_squeeze %dma_start3A_95 : memref<1x128xi32, #tpu.memory_space<vmem>> -> memref<128xi32, #tpu.memory_space<vmem>>
      %dma_start3A_97 = tpu.memref_slice %arg3[%add3A_93] : memref<323584xi32, #tpu.memory_space<hbm>> -> memref<128xi32, #tpu.memory_space<hbm>>
      %dma_start3A_98 = arith.constant 0 : i32
      %dma_start3A_99 = tpu.memref_slice %arg9[%scan3A_90, %dma_start3A_98] : memref<40x128xi32, #tpu.memory_space<vmem>> -> memref<1x128xi32, #tpu.memory_space<vmem>>
      %dma_start3A_100 = tpu.memref_squeeze %dma_start3A_99 : memref<1x128xi32, #tpu.memory_space<vmem>> -> memref<128xi32, #tpu.memory_space<vmem>>
      %dma_start3A_101 = tpu.memref_slice %arg3[%add3A_93] : memref<323584xi32, #tpu.memory_space<hbm>> -> memref<128xi32, #tpu.memory_space<hbm>>
      tpu.enqueue_dma source(%dma_start3A_101 : memref<128xi32, #tpu.memory_space<hbm>>) target(%dma_start3A_100 : memref<128xi32, #tpu.memory_space<vmem>>) target_semaphore(%arg11 : memref<!tpu.dma_semaphore, #tpu.memory_space<semaphore_mem>>)
      %dma_start3A_102 = arith.constant 0 : i32
      %dma_start3A_103 = tpu.memref_slice %arg10[%scan3A_90, %dma_start3A_102] : memref<40x128xi32, #tpu.memory_space<vmem>> -> memref<1x128xi32, #tpu.memory_space<vmem>>
      %dma_start3A_104 = tpu.memref_squeeze %dma_start3A_103 : memref<1x128xi32, #tpu.memory_space<vmem>> -> memref<128xi32, #tpu.memory_space<vmem>>
      %dma_start3A_105 = tpu.memref_slice %arg4[%add3A_93] : memref<323584xi32, #tpu.memory_space<hbm>> -> memref<128xi32, #tpu.memory_space<hbm>>
      %dma_start3A_106 = arith.constant 0 : i32
      %dma_start3A_107 = tpu.memref_slice %arg10[%scan3A_90, %dma_start3A_106] : memref<40x128xi32, #tpu.memory_space<vmem>> -> memref<1x128xi32, #tpu.memory_space<vmem>>
      %dma_start3A_108 = tpu.memref_squeeze %dma_start3A_107 : memref<1x128xi32, #tpu.memory_space<vmem>> -> memref<128xi32, #tpu.memory_space<vmem>>
      %dma_start3A_109 = tpu.memref_slice %arg4[%add3A_93] : memref<323584xi32, #tpu.memory_space<hbm>> -> memref<128xi32, #tpu.memory_space<hbm>>
      tpu.enqueue_dma source(%dma_start3A_109 : memref<128xi32, #tpu.memory_space<hbm>>) target(%dma_start3A_108 : memref<128xi32, #tpu.memory_space<vmem>>) target_semaphore(%arg11 : memref<!tpu.dma_semaphore, #tpu.memory_space<semaphore_mem>>)
    }
    %scan3A_23 = arith.constant 40 : i32
    %scan3A_24 = arith.constant 0 : i32
    %scan3A_25 = arith.constant 0 : i32
    %scan3A_26 = arith.constant 40 : i32
    %scan3A_27 = arith.addi %scan3A_25, %scan3A_26 : i32
    %scan3A_28 = arith.constant 1 : i32
    scf.for %scan3A_90 = %scan3A_25 to %scan3A_27 step %scan3A_28  : i32 {
      %dma_wait3A = arith.constant 0 : i32
      %dma_wait3A_91 = arith.constant 0 : i32
      %dma_wait3A_92 = tpu.memref_slice %arg9[%dma_wait3A, %dma_wait3A_91] : memref<40x128xi32, #tpu.memory_space<vmem>> -> memref<1x128xi32, #tpu.memory_space<vmem>>
      %dma_wait3A_93 = tpu.memref_squeeze %dma_wait3A_92 : memref<1x128xi32, #tpu.memory_space<vmem>> -> memref<128xi32, #tpu.memory_space<vmem>>
      %dma_wait3A_94 = arith.constant 0 : i32
      %dma_wait3A_95 = tpu.memref_slice %arg3[%dma_wait3A_94] : memref<323584xi32, #tpu.memory_space<hbm>> -> memref<128xi32, #tpu.memory_space<hbm>>
      %dma_wait3A_96 = arith.constant 0 : i32
      %dma_wait3A_97 = tpu.memref_slice %arg9[%dma_wait3A, %dma_wait3A_96] : memref<40x128xi32, #tpu.memory_space<vmem>> -> memref<1x128xi32, #tpu.memory_space<vmem>>
      %dma_wait3A_98 = tpu.memref_squeeze %dma_wait3A_97 : memref<1x128xi32, #tpu.memory_space<vmem>> -> memref<128xi32, #tpu.memory_space<vmem>>
      %dma_wait3A_99 = arith.constant 0 : i32
      %dma_wait3A_100 = tpu.memref_slice %arg3[%dma_wait3A_99] : memref<323584xi32, #tpu.memory_space<hbm>> -> memref<128xi32, #tpu.memory_space<hbm>>
      tpu.wait_dma2 semaphore(%arg11 : memref<!tpu.dma_semaphore, #tpu.memory_space<semaphore_mem>>) src(%dma_wait3A_100 : memref<128xi32, #tpu.memory_space<hbm>>) dst(%dma_wait3A_98 : memref<128xi32, #tpu.memory_space<vmem>>)
      %dma_wait3A_101 = arith.constant 0 : i32
      %dma_wait3A_102 = arith.constant 0 : i32
      %dma_wait3A_103 = tpu.memref_slice %arg10[%dma_wait3A_101, %dma_wait3A_102] : memref<40x128xi32, #tpu.memory_space<vmem>> -> memref<1x128xi32, #tpu.memory_space<vmem>>
      %dma_wait3A_104 = tpu.memref_squeeze %dma_wait3A_103 : memref<1x128xi32, #tpu.memory_space<vmem>> -> memref<128xi32, #tpu.memory_space<vmem>>
      %dma_wait3A_105 = arith.constant 0 : i32
      %dma_wait3A_106 = tpu.memref_slice %arg4[%dma_wait3A_105] : memref<323584xi32, #tpu.memory_space<hbm>> -> memref<128xi32, #tpu.memory_space<hbm>>
      %dma_wait3A_107 = arith.constant 0 : i32
      %dma_wait3A_108 = tpu.memref_slice %arg10[%dma_wait3A_101, %dma_wait3A_107] : memref<40x128xi32, #tpu.memory_space<vmem>> -> memref<1x128xi32, #tpu.memory_space<vmem>>
      %dma_wait3A_109 = tpu.memref_squeeze %dma_wait3A_108 : memref<1x128xi32, #tpu.memory_space<vmem>> -> memref<128xi32, #tpu.memory_space<vmem>>
      %dma_wait3A_110 = arith.constant 0 : i32
      %dma_wait3A_111 = tpu.memref_slice %arg4[%dma_wait3A_110] : memref<323584xi32, #tpu.memory_space<hbm>> -> memref<128xi32, #tpu.memory_space<hbm>>
      tpu.wait_dma2 semaphore(%arg11 : memref<!tpu.dma_semaphore, #tpu.memory_space<semaphore_mem>>) src(%dma_wait3A_111 : memref<128xi32, #tpu.memory_space<hbm>>) dst(%dma_wait3A_109 : memref<128xi32, #tpu.memory_space<vmem>>)
    }
    %scan3A_29 = arith.constant 40 : i32
    %dma_start3A = arith.constant 0 : i32
    %dma_start3A_30 = arith.constant 0 : i32
    %dma_start3A_31 = tpu.memref_slice %arg9[%dma_start3A, %dma_start3A_30] : memref<40x128xi32, #tpu.memory_space<vmem>> -> memref<1x128xi32, #tpu.memory_space<vmem>>
    %dma_start3A_32 = tpu.memref_squeeze %dma_start3A_31 : memref<1x128xi32, #tpu.memory_space<vmem>> -> memref<128xi32, #tpu.memory_space<vmem>>
    %dma_start3A_33 = arith.constant 0 : i32
    %dma_start3A_34 = arith.constant 0 : i32
    %dma_start3A_35 = tpu.memref_slice %arg2[%dma_start3A_33, %dma_start3A_34] : memref<10000x128xf32, #tpu.memory_space<hbm>> -> memref<10000x128xf32, #tpu.memory_space<hbm>>
    tpu.enqueue_indirect_dma source(%dma_start3A_35 : memref<10000x128xf32, #tpu.memory_space<hbm>>) target(%arg7 : memref<128x128xf32, #tpu.memory_space<vmem>>) offsets(%dma_start3A_32 : memref<128xi32, #tpu.memory_space<vmem>>) semaphore(%arg12 : memref<!tpu.dma_semaphore, #tpu.memory_space<semaphore_mem>>)
    %dma_start3A_36 = arith.constant 1 : i32
    %dma_start3A_37 = arith.constant 0 : i32
    %dma_start3A_38 = tpu.memref_slice %arg9[%dma_start3A_36, %dma_start3A_37] : memref<40x128xi32, #tpu.memory_space<vmem>> -> memref<1x128xi32, #tpu.memory_space<vmem>>
    %dma_start3A_39 = tpu.memref_squeeze %dma_start3A_38 : memref<1x128xi32, #tpu.memory_space<vmem>> -> memref<128xi32, #tpu.memory_space<vmem>>
    %dma_start3A_40 = arith.constant 0 : i32
    %dma_start3A_41 = arith.constant 0 : i32
    %dma_start3A_42 = tpu.memref_slice %arg2[%dma_start3A_40, %dma_start3A_41] : memref<10000x128xf32, #tpu.memory_space<hbm>> -> memref<10000x128xf32, #tpu.memory_space<hbm>>
    tpu.enqueue_indirect_dma source(%dma_start3A_42 : memref<10000x128xf32, #tpu.memory_space<hbm>>) target(%arg8 : memref<128x128xf32, #tpu.memory_space<vmem>>) offsets(%dma_start3A_39 : memref<128xi32, #tpu.memory_space<vmem>>) semaphore(%arg13 : memref<!tpu.dma_semaphore, #tpu.memory_space<semaphore_mem>>)
    %scan3A_43 = arith.constant 0 : i32
    %scan3A_44 = arith.constant 0 : i32
    %scan3A_45 = arith.constant 20 : i32
    %scan3A_46 = arith.addi %scan3A_44, %scan3A_45 : i32
    %scan3A_47 = arith.constant 1 : i32
    scf.for %scan3A_90 = %scan3A_44 to %scan3A_46 step %scan3A_47  : i32 {
      %mul3A_91 = arith.constant 2 : i32
      %mul3A_92 = arith.muli %mul3A_91, %scan3A_90 : i32
      %dma_wait3A = arith.constant 0 : i32
      %dma_wait3A_93 = tpu.memref_slice %arg9[%mul3A_92, %dma_wait3A] : memref<40x128xi32, #tpu.memory_space<vmem>> -> memref<1x128xi32, #tpu.memory_space<vmem>>
      %dma_wait3A_94 = tpu.memref_squeeze %dma_wait3A_93 : memref<1x128xi32, #tpu.memory_space<vmem>> -> memref<128xi32, #tpu.memory_space<vmem>>
      %dma_wait3A_95 = arith.constant 0 : i32
      %dma_wait3A_96 = arith.constant 0 : i32
      %dma_wait3A_97 = tpu.memref_slice %arg2[%dma_wait3A_95, %dma_wait3A_96] : memref<10000x128xf32, #tpu.memory_space<hbm>> -> memref<10000x128xf32, #tpu.memory_space<hbm>>
      tpu.wait_indirect_dma semaphore(%arg12 : memref<!tpu.dma_semaphore, #tpu.memory_space<semaphore_mem>>) src(%dma_wait3A_97 : memref<10000x128xf32, #tpu.memory_space<hbm>>) dst(%arg7 : memref<128x128xf32, #tpu.memory_space<vmem>>)
      "tpu.region"() ({
        %run_scoped3A = tpu.sem_alloc : memref<!tpu.dma_semaphore, #tpu.memory_space<semaphore_mem>>
        %dma_start3A_122 = arith.constant 0 : i32
        %dma_start3A_123 = tpu.memref_slice %arg10[%mul3A_92, %dma_start3A_122] : memref<40x128xi32, #tpu.memory_space<vmem>> -> memref<1x128xi32, #tpu.memory_space<vmem>>
        %dma_start3A_124 = tpu.memref_squeeze %dma_start3A_123 : memref<1x128xi32, #tpu.memory_space<vmem>> -> memref<128xi32, #tpu.memory_space<vmem>>
        %dma_start3A_125 = arith.constant 0 : i32
        %dma_start3A_126 = arith.constant 0 : i32
        %dma_start3A_127 = tpu.memref_slice %arg6[%dma_start3A_125, %dma_start3A_126] : memref<10240x128xf32, #tpu.memory_space<vmem_shared>> -> memref<10240x128xf32, #tpu.memory_space<vmem_shared>>
        tpu.enqueue_indirect_dma source(%arg7 : memref<128x128xf32, #tpu.memory_space<vmem>>) target(%dma_start3A_127 : memref<10240x128xf32, #tpu.memory_space<vmem_shared>>) offsets(%dma_start3A_124 : memref<128xi32, #tpu.memory_space<vmem>>) semaphore(%run_scoped3A : memref<!tpu.dma_semaphore, #tpu.memory_space<semaphore_mem>>) {add = true}
        %dma_wait3A_128 = arith.constant 0 : i32
        %dma_wait3A_129 = tpu.memref_slice %arg10[%mul3A_92, %dma_wait3A_128] : memref<40x128xi32, #tpu.memory_space<vmem>> -> memref<1x128xi32, #tpu.memory_space<vmem>>
        %dma_wait3A_130 = tpu.memref_squeeze %dma_wait3A_129 : memref<1x128xi32, #tpu.memory_space<vmem>> -> memref<128xi32, #tpu.memory_space<vmem>>
        %dma_wait3A_131 = arith.constant 0 : i32
        %dma_wait3A_132 = arith.constant 0 : i32
        %dma_wait3A_133 = tpu.memref_slice %arg6[%dma_wait3A_131, %dma_wait3A_132] : memref<10240x128xf32, #tpu.memory_space<vmem_shared>> -> memref<10240x128xf32, #tpu.memory_space<vmem_shared>>
        tpu.wait_indirect_dma semaphore(%run_scoped3A : memref<!tpu.dma_semaphore, #tpu.memory_space<semaphore_mem>>) src(%arg7 : memref<128x128xf32, #tpu.memory_space<vmem>>) dst(%dma_wait3A_133 : memref<10240x128xf32, #tpu.memory_space<vmem_shared>>)
        tpu.yield
      }) : () -> ()
      %mul3A_98 = arith.constant 2 : i32
      %mul3A_99 = arith.muli %mul3A_98, %scan3A_90 : i32
      %add3A_100 = arith.constant 2 : i32
      %add3A_101 = arith.addi %mul3A_99, %add3A_100 : i32
      %lt3A = arith.constant 40 : i32
      %lt3A_102 = arith.cmpi slt, %add3A_101, %lt3A : i32
      %convert_element_type3A = arith.extui %lt3A_102 : i1 to i32
      %cond3A = arith.constant 0 : i32
      %cond3A_103 = arith.cmpi ne, %convert_element_type3A, %cond3A : i32
      scf.if %cond3A_103 {
        %mul3A_122 = arith.constant 2 : i32
        %mul3A_123 = arith.muli %mul3A_122, %scan3A_90 : i32
        %add3A_124 = arith.constant 2 : i32
        %add3A_125 = arith.addi %mul3A_123, %add3A_124 : i32
        %dma_start3A_126 = arith.constant 0 : i32
        %dma_start3A_127 = tpu.memref_slice %arg9[%add3A_125, %dma_start3A_126] : memref<40x128xi32, #tpu.memory_space<vmem>> -> memref<1x128xi32, #tpu.memory_space<vmem>>
        %dma_start3A_128 = tpu.memref_squeeze %dma_start3A_127 : memref<1x128xi32, #tpu.memory_space<vmem>> -> memref<128xi32, #tpu.memory_space<vmem>>
        %dma_start3A_129 = arith.constant 0 : i32
        %dma_start3A_130 = arith.constant 0 : i32
        %dma_start3A_131 = tpu.memref_slice %arg2[%dma_start3A_129, %dma_start3A_130] : memref<10000x128xf32, #tpu.memory_space<hbm>> -> memref<10000x128xf32, #tpu.memory_space<hbm>>
        tpu.enqueue_indirect_dma source(%dma_start3A_131 : memref<10000x128xf32, #tpu.memory_space<hbm>>) target(%arg7 : memref<128x128xf32, #tpu.memory_space<vmem>>) offsets(%dma_start3A_128 : memref<128xi32, #tpu.memory_space<vmem>>) semaphore(%arg12 : memref<!tpu.dma_semaphore, #tpu.memory_space<semaphore_mem>>)
      } else {
      }
      %mul3A_104 = arith.constant 2 : i32
      %mul3A_105 = arith.muli %mul3A_104, %scan3A_90 : i32
      %add3A_106 = arith.constant 1 : i32
      %add3A_107 = arith.addi %mul3A_105, %add3A_106 : i32
      %lt3A_108 = arith.constant 40 : i32
      %lt3A_109 = arith.cmpi slt, %add3A_107, %lt3A_108 : i32
      %convert_element_type3A_110 = arith.extui %lt3A_109 : i1 to i32
      %cond3A_111 = arith.constant 0 : i32
      %cond3A_112 = arith.cmpi ne, %convert_element_type3A_110, %cond3A_111 : i32
      scf.if %cond3A_112 {
        %mul3A_122 = arith.constant 2 : i32
        %mul3A_123 = arith.muli %mul3A_122, %scan3A_90 : i32
        %add3A_124 = arith.constant 1 : i32
        %add3A_125 = arith.addi %mul3A_123, %add3A_124 : i32
        %dma_wait3A_126 = arith.constant 0 : i32
        %dma_wait3A_127 = tpu.memref_slice %arg9[%add3A_125, %dma_wait3A_126] : memref<40x128xi32, #tpu.memory_space<vmem>> -> memref<1x128xi32, #tpu.memory_space<vmem>>
        %dma_wait3A_128 = tpu.memref_squeeze %dma_wait3A_127 : memref<1x128xi32, #tpu.memory_space<vmem>> -> memref<128xi32, #tpu.memory_space<vmem>>
        %dma_wait3A_129 = arith.constant 0 : i32
        %dma_wait3A_130 = arith.constant 0 : i32
        %dma_wait3A_131 = tpu.memref_slice %arg2[%dma_wait3A_129, %dma_wait3A_130] : memref<10000x128xf32, #tpu.memory_space<hbm>> -> memref<10000x128xf32, #tpu.memory_space<hbm>>
        tpu.wait_indirect_dma semaphore(%arg13 : memref<!tpu.dma_semaphore, #tpu.memory_space<semaphore_mem>>) src(%dma_wait3A_131 : memref<10000x128xf32, #tpu.memory_space<hbm>>) dst(%arg8 : memref<128x128xf32, #tpu.memory_space<vmem>>)
        "tpu.region"() ({
          %run_scoped3A = tpu.sem_alloc : memref<!tpu.dma_semaphore, #tpu.memory_space<semaphore_mem>>
          %dma_start3A_132 = arith.constant 0 : i32
          %dma_start3A_133 = tpu.memref_slice %arg10[%add3A_125, %dma_start3A_132] : memref<40x128xi32, #tpu.memory_space<vmem>> -> memref<1x128xi32, #tpu.memory_space<vmem>>
          %dma_start3A_134 = tpu.memref_squeeze %dma_start3A_133 : memref<1x128xi32, #tpu.memory_space<vmem>> -> memref<128xi32, #tpu.memory_space<vmem>>
          %dma_start3A_135 = arith.constant 0 : i32
          %dma_start3A_136 = arith.constant 0 : i32
          %dma_start3A_137 = tpu.memref_slice %arg6[%dma_start3A_135, %dma_start3A_136] : memref<10240x128xf32, #tpu.memory_space<vmem_shared>> -> memref<10240x128xf32, #tpu.memory_space<vmem_shared>>
          tpu.enqueue_indirect_dma source(%arg8 : memref<128x128xf32, #tpu.memory_space<vmem>>) target(%dma_start3A_137 : memref<10240x128xf32, #tpu.memory_space<vmem_shared>>) offsets(%dma_start3A_134 : memref<128xi32, #tpu.memory_space<vmem>>) semaphore(%run_scoped3A : memref<!tpu.dma_semaphore, #tpu.memory_space<semaphore_mem>>) {add = true}
          %dma_wait3A_138 = arith.constant 0 : i32
          %dma_wait3A_139 = tpu.memref_slice %arg10[%add3A_125, %dma_wait3A_138] : memref<40x128xi32, #tpu.memory_space<vmem>> -> memref<1x128xi32, #tpu.memory_space<vmem>>
          %dma_wait3A_140 = tpu.memref_squeeze %dma_wait3A_139 : memref<1x128xi32, #tpu.memory_space<vmem>> -> memref<128xi32, #tpu.memory_space<vmem>>
          %dma_wait3A_141 = arith.constant 0 : i32
          %dma_wait3A_142 = arith.constant 0 : i32
          %dma_wait3A_143 = tpu.memref_slice %arg6[%dma_wait3A_141, %dma_wait3A_142] : memref<10240x128xf32, #tpu.memory_space<vmem_shared>> -> memref<10240x128xf32, #tpu.memory_space<vmem_shared>>
          tpu.wait_indirect_dma semaphore(%run_scoped3A : memref<!tpu.dma_semaphore, #tpu.memory_space<semaphore_mem>>) src(%arg8 : memref<128x128xf32, #tpu.memory_space<vmem>>) dst(%dma_wait3A_143 : memref<10240x128xf32, #tpu.memory_space<vmem_shared>>)
          tpu.yield
        }) : () -> ()
      } else {
      }
      %mul3A_113 = arith.constant 2 : i32
      %mul3A_114 = arith.muli %mul3A_113, %scan3A_90 : i32
      %add3A_115 = arith.constant 3 : i32
      %add3A_116 = arith.addi %mul3A_114, %add3A_115 : i32
      %lt3A_117 = arith.constant 40 : i32
      %lt3A_118 = arith.cmpi slt, %add3A_116, %lt3A_117 : i32
      %convert_element_type3A_119 = arith.extui %lt3A_118 : i1 to i32
      %cond3A_120 = arith.constant 0 : i32
      %cond3A_121 = arith.cmpi ne, %convert_element_type3A_119, %cond3A_120 : i32
      scf.if %cond3A_121 {
        %mul3A_122 = arith.constant 2 : i32
        %mul3A_123 = arith.muli %mul3A_122, %scan3A_90 : i32
        %add3A_124 = arith.constant 3 : i32
        %add3A_125 = arith.addi %mul3A_123, %add3A_124 : i32
        %dma_start3A_126 = arith.constant 0 : i32
        %dma_start3A_127 = tpu.memref_slice %arg9[%add3A_125, %dma_start3A_126] : memref<40x128xi32, #tpu.memory_space<vmem>> -> memref<1x128xi32, #tpu.memory_space<vmem>>
        %dma_start3A_128 = tpu.memref_squeeze %dma_start3A_127 : memref<1x128xi32, #tpu.memory_space<vmem>> -> memref<128xi32, #tpu.memory_space<vmem>>
        %dma_start3A_129 = arith.constant 0 : i32
        %dma_start3A_130 = arith.constant 0 : i32
        %dma_start3A_131 = tpu.memref_slice %arg2[%dma_start3A_129, %dma_start3A_130] : memref<10000x128xf32, #tpu.memory_space<hbm>> -> memref<10000x128xf32, #tpu.memory_space<hbm>>
        tpu.enqueue_indirect_dma source(%dma_start3A_131 : memref<10000x128xf32, #tpu.memory_space<hbm>>) target(%arg8 : memref<128x128xf32, #tpu.memory_space<vmem>>) offsets(%dma_start3A_128 : memref<128xi32, #tpu.memory_space<vmem>>) semaphore(%arg13 : memref<!tpu.dma_semaphore, #tpu.memory_space<semaphore_mem>>)
      } else {
      }
    }
    %scan3A_48 = arith.constant 20 : i32
    %add3A_49 = arith.constant 5120 : i32
    %add3A_50 = arith.addi %mul3A_2, %add3A_49 : i32
    %scan3A_51 = arith.constant 0 : i32
    %scan3A_52 = arith.constant 0 : i32
    %scan3A_53 = arith.constant 39 : i32
    %scan3A_54 = arith.addi %scan3A_52, %scan3A_53 : i32
    %scan3A_55 = arith.constant 1 : i32
    scf.for %scan3A_90 = %scan3A_52 to %scan3A_54 step %scan3A_55  : i32 {
      %mul3A_91 = arith.constant 128 : i32
      %mul3A_92 = arith.muli %scan3A_90, %mul3A_91 : i32
      %add3A_93 = arith.addi %add3A_50, %mul3A_92 : i32
      %dma_start3A_94 = arith.constant 0 : i32
      %dma_start3A_95 = tpu.memref_slice %arg9[%scan3A_90, %dma_start3A_94] : memref<40x128xi32, #tpu.memory_space<vmem>> -> memref<1x128xi32, #tpu.memory_space<vmem>>
      %dma_start3A_96 = tpu.memref_squeeze %dma_start3A_95 : memref<1x128xi32, #tpu.memory_space<vmem>> -> memref<128xi32, #tpu.memory_space<vmem>>
      %dma_start3A_97 = tpu.memref_slice %arg3[%add3A_93] : memref<323584xi32, #tpu.memory_space<hbm>> -> memref<128xi32, #tpu.memory_space<hbm>>
      %dma_start3A_98 = arith.constant 0 : i32
      %dma_start3A_99 = tpu.memref_slice %arg9[%scan3A_90, %dma_start3A_98] : memref<40x128xi32, #tpu.memory_space<vmem>> -> memref<1x128xi32, #tpu.memory_space<vmem>>
      %dma_start3A_100 = tpu.memref_squeeze %dma_start3A_99 : memref<1x128xi32, #tpu.memory_space<vmem>> -> memref<128xi32, #tpu.memory_space<vmem>>
      %dma_start3A_101 = tpu.memref_slice %arg3[%add3A_93] : memref<323584xi32, #tpu.memory_space<hbm>> -> memref<128xi32, #tpu.memory_space<hbm>>
      tpu.enqueue_dma source(%dma_start3A_101 : memref<128xi32, #tpu.memory_space<hbm>>) target(%dma_start3A_100 : memref<128xi32, #tpu.memory_space<vmem>>) target_semaphore(%arg11 : memref<!tpu.dma_semaphore, #tpu.memory_space<semaphore_mem>>)
      %dma_start3A_102 = arith.constant 0 : i32
      %dma_start3A_103 = tpu.memref_slice %arg10[%scan3A_90, %dma_start3A_102] : memref<40x128xi32, #tpu.memory_space<vmem>> -> memref<1x128xi32, #tpu.memory_space<vmem>>
      %dma_start3A_104 = tpu.memref_squeeze %dma_start3A_103 : memref<1x128xi32, #tpu.memory_space<vmem>> -> memref<128xi32, #tpu.memory_space<vmem>>
      %dma_start3A_105 = tpu.memref_slice %arg4[%add3A_93] : memref<323584xi32, #tpu.memory_space<hbm>> -> memref<128xi32, #tpu.memory_space<hbm>>
      %dma_start3A_106 = arith.constant 0 : i32
      %dma_start3A_107 = tpu.memref_slice %arg10[%scan3A_90, %dma_start3A_106] : memref<40x128xi32, #tpu.memory_space<vmem>> -> memref<1x128xi32, #tpu.memory_space<vmem>>
      %dma_start3A_108 = tpu.memref_squeeze %dma_start3A_107 : memref<1x128xi32, #tpu.memory_space<vmem>> -> memref<128xi32, #tpu.memory_space<vmem>>
      %dma_start3A_109 = tpu.memref_slice %arg4[%add3A_93] : memref<323584xi32, #tpu.memory_space<hbm>> -> memref<128xi32, #tpu.memory_space<hbm>>
      tpu.enqueue_dma source(%dma_start3A_109 : memref<128xi32, #tpu.memory_space<hbm>>) target(%dma_start3A_108 : memref<128xi32, #tpu.memory_space<vmem>>) target_semaphore(%arg11 : memref<!tpu.dma_semaphore, #tpu.memory_space<semaphore_mem>>)
    }
    %scan3A_56 = arith.constant 39 : i32
    %scan3A_57 = arith.constant 0 : i32
    %scan3A_58 = arith.constant 0 : i32
    %scan3A_59 = arith.constant 39 : i32
    %scan3A_60 = arith.addi %scan3A_58, %scan3A_59 : i32
    %scan3A_61 = arith.constant 1 : i32
    scf.for %scan3A_90 = %scan3A_58 to %scan3A_60 step %scan3A_61  : i32 {
      %dma_wait3A = arith.constant 0 : i32
      %dma_wait3A_91 = arith.constant 0 : i32
      %dma_wait3A_92 = tpu.memref_slice %arg9[%dma_wait3A, %dma_wait3A_91] : memref<40x128xi32, #tpu.memory_space<vmem>> -> memref<1x128xi32, #tpu.memory_space<vmem>>
      %dma_wait3A_93 = tpu.memref_squeeze %dma_wait3A_92 : memref<1x128xi32, #tpu.memory_space<vmem>> -> memref<128xi32, #tpu.memory_space<vmem>>
      %dma_wait3A_94 = arith.constant 0 : i32
      %dma_wait3A_95 = tpu.memref_slice %arg3[%dma_wait3A_94] : memref<323584xi32, #tpu.memory_space<hbm>> -> memref<128xi32, #tpu.memory_space<hbm>>
      %dma_wait3A_96 = arith.constant 0 : i32
      %dma_wait3A_97 = tpu.memref_slice %arg9[%dma_wait3A, %dma_wait3A_96] : memref<40x128xi32, #tpu.memory_space<vmem>> -> memref<1x128xi32, #tpu.memory_space<vmem>>
      %dma_wait3A_98 = tpu.memref_squeeze %dma_wait3A_97 : memref<1x128xi32, #tpu.memory_space<vmem>> -> memref<128xi32, #tpu.memory_space<vmem>>
      %dma_wait3A_99 = arith.constant 0 : i32
      %dma_wait3A_100 = tpu.memref_slice %arg3[%dma_wait3A_99] : memref<323584xi32, #tpu.memory_space<hbm>> -> memref<128xi32, #tpu.memory_space<hbm>>
      tpu.wait_dma2 semaphore(%arg11 : memref<!tpu.dma_semaphore, #tpu.memory_space<semaphore_mem>>) src(%dma_wait3A_100 : memref<128xi32, #tpu.memory_space<hbm>>) dst(%dma_wait3A_98 : memref<128xi32, #tpu.memory_space<vmem>>)
      %dma_wait3A_101 = arith.constant 0 : i32
      %dma_wait3A_102 = arith.constant 0 : i32
      %dma_wait3A_103 = tpu.memref_slice %arg10[%dma_wait3A_101, %dma_wait3A_102] : memref<40x128xi32, #tpu.memory_space<vmem>> -> memref<1x128xi32, #tpu.memory_space<vmem>>
      %dma_wait3A_104 = tpu.memref_squeeze %dma_wait3A_103 : memref<1x128xi32, #tpu.memory_space<vmem>> -> memref<128xi32, #tpu.memory_space<vmem>>
      %dma_wait3A_105 = arith.constant 0 : i32
      %dma_wait3A_106 = tpu.memref_slice %arg4[%dma_wait3A_105] : memref<323584xi32, #tpu.memory_space<hbm>> -> memref<128xi32, #tpu.memory_space<hbm>>
      %dma_wait3A_107 = arith.constant 0 : i32
      %dma_wait3A_108 = tpu.memref_slice %arg10[%dma_wait3A_101, %dma_wait3A_107] : memref<40x128xi32, #tpu.memory_space<vmem>> -> memref<1x128xi32, #tpu.memory_space<vmem>>
      %dma_wait3A_109 = tpu.memref_squeeze %dma_wait3A_108 : memref<1x128xi32, #tpu.memory_space<vmem>> -> memref<128xi32, #tpu.memory_space<vmem>>
      %dma_wait3A_110 = arith.constant 0 : i32
      %dma_wait3A_111 = tpu.memref_slice %arg4[%dma_wait3A_110] : memref<323584xi32, #tpu.memory_space<hbm>> -> memref<128xi32, #tpu.memory_space<hbm>>
      tpu.wait_dma2 semaphore(%arg11 : memref<!tpu.dma_semaphore, #tpu.memory_space<semaphore_mem>>) src(%dma_wait3A_111 : memref<128xi32, #tpu.memory_space<hbm>>) dst(%dma_wait3A_109 : memref<128xi32, #tpu.memory_space<vmem>>)
    }
    %scan3A_62 = arith.constant 39 : i32
    %dma_start3A_63 = arith.constant 0 : i32
    %dma_start3A_64 = arith.constant 0 : i32
    %dma_start3A_65 = tpu.memref_slice %arg9[%dma_start3A_63, %dma_start3A_64] : memref<40x128xi32, #tpu.memory_space<vmem>> -> memref<1x128xi32, #tpu.memory_space<vmem>>
    %dma_start3A_66 = tpu.memref_squeeze %dma_start3A_65 : memref<1x128xi32, #tpu.memory_space<vmem>> -> memref<128xi32, #tpu.memory_space<vmem>>
    %dma_start3A_67 = arith.constant 0 : i32
    %dma_start3A_68 = arith.constant 0 : i32
    %dma_start3A_69 = tpu.memref_slice %arg2[%dma_start3A_67, %dma_start3A_68] : memref<10000x128xf32, #tpu.memory_space<hbm>> -> memref<10000x128xf32, #tpu.memory_space<hbm>>
    tpu.enqueue_indirect_dma source(%dma_start3A_69 : memref<10000x128xf32, #tpu.memory_space<hbm>>) target(%arg7 : memref<128x128xf32, #tpu.memory_space<vmem>>) offsets(%dma_start3A_66 : memref<128xi32, #tpu.memory_space<vmem>>) semaphore(%arg12 : memref<!tpu.dma_semaphore, #tpu.memory_space<semaphore_mem>>)
    %dma_start3A_70 = arith.constant 1 : i32
    %dma_start3A_71 = arith.constant 0 : i32
    %dma_start3A_72 = tpu.memref_slice %arg9[%dma_start3A_70, %dma_start3A_71] : memref<40x128xi32, #tpu.memory_space<vmem>> -> memref<1x128xi32, #tpu.memory_space<vmem>>
    %dma_start3A_73 = tpu.memref_squeeze %dma_start3A_72 : memref<1x128xi32, #tpu.memory_space<vmem>> -> memref<128xi32, #tpu.memory_space<vmem>>
    %dma_start3A_74 = arith.constant 0 : i32
    %dma_start3A_75 = arith.constant 0 : i32
    %dma_start3A_76 = tpu.memref_slice %arg2[%dma_start3A_74, %dma_start3A_75] : memref<10000x128xf32, #tpu.memory_space<hbm>> -> memref<10000x128xf32, #tpu.memory_space<hbm>>
    tpu.enqueue_indirect_dma source(%dma_start3A_76 : memref<10000x128xf32, #tpu.memory_space<hbm>>) target(%arg8 : memref<128x128xf32, #tpu.memory_space<vmem>>) offsets(%dma_start3A_73 : memref<128xi32, #tpu.memory_space<vmem>>) semaphore(%arg13 : memref<!tpu.dma_semaphore, #tpu.memory_space<semaphore_mem>>)
    %scan3A_77 = arith.constant 0 : i32
    %scan3A_78 = arith.constant 0 : i32
    %scan3A_79 = arith.constant 20 : i32
    %scan3A_80 = arith.addi %scan3A_78, %scan3A_79 : i32
    %scan3A_81 = arith.constant 1 : i32
    scf.for %scan3A_90 = %scan3A_78 to %scan3A_80 step %scan3A_81  : i32 {
      %mul3A_91 = arith.constant 2 : i32
      %mul3A_92 = arith.muli %mul3A_91, %scan3A_90 : i32
      %dma_wait3A = arith.constant 0 : i32
      %dma_wait3A_93 = tpu.memref_slice %arg9[%mul3A_92, %dma_wait3A] : memref<40x128xi32, #tpu.memory_space<vmem>> -> memref<1x128xi32, #tpu.memory_space<vmem>>
      %dma_wait3A_94 = tpu.memref_squeeze %dma_wait3A_93 : memref<1x128xi32, #tpu.memory_space<vmem>> -> memref<128xi32, #tpu.memory_space<vmem>>
      %dma_wait3A_95 = arith.constant 0 : i32
      %dma_wait3A_96 = arith.constant 0 : i32
      %dma_wait3A_97 = tpu.memref_slice %arg2[%dma_wait3A_95, %dma_wait3A_96] : memref<10000x128xf32, #tpu.memory_space<hbm>> -> memref<10000x128xf32, #tpu.memory_space<hbm>>
      tpu.wait_indirect_dma semaphore(%arg12 : memref<!tpu.dma_semaphore, #tpu.memory_space<semaphore_mem>>) src(%dma_wait3A_97 : memref<10000x128xf32, #tpu.memory_space<hbm>>) dst(%arg7 : memref<128x128xf32, #tpu.memory_space<vmem>>)
      "tpu.region"() ({
        %run_scoped3A = tpu.sem_alloc : memref<!tpu.dma_semaphore, #tpu.memory_space<semaphore_mem>>
        %dma_start3A_122 = arith.constant 0 : i32
        %dma_start3A_123 = tpu.memref_slice %arg10[%mul3A_92, %dma_start3A_122] : memref<40x128xi32, #tpu.memory_space<vmem>> -> memref<1x128xi32, #tpu.memory_space<vmem>>
        %dma_start3A_124 = tpu.memref_squeeze %dma_start3A_123 : memref<1x128xi32, #tpu.memory_space<vmem>> -> memref<128xi32, #tpu.memory_space<vmem>>
        %dma_start3A_125 = arith.constant 0 : i32
        %dma_start3A_126 = arith.constant 0 : i32
        %dma_start3A_127 = tpu.memref_slice %arg6[%dma_start3A_125, %dma_start3A_126] : memref<10240x128xf32, #tpu.memory_space<vmem_shared>> -> memref<10240x128xf32, #tpu.memory_space<vmem_shared>>
        tpu.enqueue_indirect_dma source(%arg7 : memref<128x128xf32, #tpu.memory_space<vmem>>) target(%dma_start3A_127 : memref<10240x128xf32, #tpu.memory_space<vmem_shared>>) offsets(%dma_start3A_124 : memref<128xi32, #tpu.memory_space<vmem>>) semaphore(%run_scoped3A : memref<!tpu.dma_semaphore, #tpu.memory_space<semaphore_mem>>) {add = true}
        %dma_wait3A_128 = arith.constant 0 : i32
        %dma_wait3A_129 = tpu.memref_slice %arg10[%mul3A_92, %dma_wait3A_128] : memref<40x128xi32, #tpu.memory_space<vmem>> -> memref<1x128xi32, #tpu.memory_space<vmem>>
        %dma_wait3A_130 = tpu.memref_squeeze %dma_wait3A_129 : memref<1x128xi32, #tpu.memory_space<vmem>> -> memref<128xi32, #tpu.memory_space<vmem>>
        %dma_wait3A_131 = arith.constant 0 : i32
        %dma_wait3A_132 = arith.constant 0 : i32
        %dma_wait3A_133 = tpu.memref_slice %arg6[%dma_wait3A_131, %dma_wait3A_132] : memref<10240x128xf32, #tpu.memory_space<vmem_shared>> -> memref<10240x128xf32, #tpu.memory_space<vmem_shared>>
        tpu.wait_indirect_dma semaphore(%run_scoped3A : memref<!tpu.dma_semaphore, #tpu.memory_space<semaphore_mem>>) src(%arg7 : memref<128x128xf32, #tpu.memory_space<vmem>>) dst(%dma_wait3A_133 : memref<10240x128xf32, #tpu.memory_space<vmem_shared>>)
        tpu.yield
      }) : () -> ()
      %mul3A_98 = arith.constant 2 : i32
      %mul3A_99 = arith.muli %mul3A_98, %scan3A_90 : i32
      %add3A_100 = arith.constant 2 : i32
      %add3A_101 = arith.addi %mul3A_99, %add3A_100 : i32
      %lt3A = arith.constant 39 : i32
      %lt3A_102 = arith.cmpi slt, %add3A_101, %lt3A : i32
      %convert_element_type3A = arith.extui %lt3A_102 : i1 to i32
      %cond3A = arith.constant 0 : i32
      %cond3A_103 = arith.cmpi ne, %convert_element_type3A, %cond3A : i32
      scf.if %cond3A_103 {
        %mul3A_122 = arith.constant 2 : i32
        %mul3A_123 = arith.muli %mul3A_122, %scan3A_90 : i32
        %add3A_124 = arith.constant 2 : i32
        %add3A_125 = arith.addi %mul3A_123, %add3A_124 : i32
        %dma_start3A_126 = arith.constant 0 : i32
        %dma_start3A_127 = tpu.memref_slice %arg9[%add3A_125, %dma_start3A_126] : memref<40x128xi32, #tpu.memory_space<vmem>> -> memref<1x128xi32, #tpu.memory_space<vmem>>
        %dma_start3A_128 = tpu.memref_squeeze %dma_start3A_127 : memref<1x128xi32, #tpu.memory_space<vmem>> -> memref<128xi32, #tpu.memory_space<vmem>>
        %dma_start3A_129 = arith.constant 0 : i32
        %dma_start3A_130 = arith.constant 0 : i32
        %dma_start3A_131 = tpu.memref_slice %arg2[%dma_start3A_129, %dma_start3A_130] : memref<10000x128xf32, #tpu.memory_space<hbm>> -> memref<10000x128xf32, #tpu.memory_space<hbm>>
        tpu.enqueue_indirect_dma source(%dma_start3A_131 : memref<10000x128xf32, #tpu.memory_space<hbm>>) target(%arg7 : memref<128x128xf32, #tpu.memory_space<vmem>>) offsets(%dma_start3A_128 : memref<128xi32, #tpu.memory_space<vmem>>) semaphore(%arg12 : memref<!tpu.dma_semaphore, #tpu.memory_space<semaphore_mem>>)
      } else {
      }
      %mul3A_104 = arith.constant 2 : i32
      %mul3A_105 = arith.muli %mul3A_104, %scan3A_90 : i32
      %add3A_106 = arith.constant 1 : i32
      %add3A_107 = arith.addi %mul3A_105, %add3A_106 : i32
      %lt3A_108 = arith.constant 39 : i32
      %lt3A_109 = arith.cmpi slt, %add3A_107, %lt3A_108 : i32
      %convert_element_type3A_110 = arith.extui %lt3A_109 : i1 to i32
      %cond3A_111 = arith.constant 0 : i32
      %cond3A_112 = arith.cmpi ne, %convert_element_type3A_110, %cond3A_111 : i32
      scf.if %cond3A_112 {
        %mul3A_122 = arith.constant 2 : i32
        %mul3A_123 = arith.muli %mul3A_122, %scan3A_90 : i32
        %add3A_124 = arith.constant 1 : i32
        %add3A_125 = arith.addi %mul3A_123, %add3A_124 : i32
        %dma_wait3A_126 = arith.constant 0 : i32
        %dma_wait3A_127 = tpu.memref_slice %arg9[%add3A_125, %dma_wait3A_126] : memref<40x128xi32, #tpu.memory_space<vmem>> -> memref<1x128xi32, #tpu.memory_space<vmem>>
        %dma_wait3A_128 = tpu.memref_squeeze %dma_wait3A_127 : memref<1x128xi32, #tpu.memory_space<vmem>> -> memref<128xi32, #tpu.memory_space<vmem>>
        %dma_wait3A_129 = arith.constant 0 : i32
        %dma_wait3A_130 = arith.constant 0 : i32
        %dma_wait3A_131 = tpu.memref_slice %arg2[%dma_wait3A_129, %dma_wait3A_130] : memref<10000x128xf32, #tpu.memory_space<hbm>> -> memref<10000x128xf32, #tpu.memory_space<hbm>>
        tpu.wait_indirect_dma semaphore(%arg13 : memref<!tpu.dma_semaphore, #tpu.memory_space<semaphore_mem>>) src(%dma_wait3A_131 : memref<10000x128xf32, #tpu.memory_space<hbm>>) dst(%arg8 : memref<128x128xf32, #tpu.memory_space<vmem>>)
        "tpu.region"() ({
          %run_scoped3A = tpu.sem_alloc : memref<!tpu.dma_semaphore, #tpu.memory_space<semaphore_mem>>
          %dma_start3A_132 = arith.constant 0 : i32
          %dma_start3A_133 = tpu.memref_slice %arg10[%add3A_125, %dma_start3A_132] : memref<40x128xi32, #tpu.memory_space<vmem>> -> memref<1x128xi32, #tpu.memory_space<vmem>>
          %dma_start3A_134 = tpu.memref_squeeze %dma_start3A_133 : memref<1x128xi32, #tpu.memory_space<vmem>> -> memref<128xi32, #tpu.memory_space<vmem>>
          %dma_start3A_135 = arith.constant 0 : i32
          %dma_start3A_136 = arith.constant 0 : i32
          %dma_start3A_137 = tpu.memref_slice %arg6[%dma_start3A_135, %dma_start3A_136] : memref<10240x128xf32, #tpu.memory_space<vmem_shared>> -> memref<10240x128xf32, #tpu.memory_space<vmem_shared>>
          tpu.enqueue_indirect_dma source(%arg8 : memref<128x128xf32, #tpu.memory_space<vmem>>) target(%dma_start3A_137 : memref<10240x128xf32, #tpu.memory_space<vmem_shared>>) offsets(%dma_start3A_134 : memref<128xi32, #tpu.memory_space<vmem>>) semaphore(%run_scoped3A : memref<!tpu.dma_semaphore, #tpu.memory_space<semaphore_mem>>) {add = true}
          %dma_wait3A_138 = arith.constant 0 : i32
          %dma_wait3A_139 = tpu.memref_slice %arg10[%add3A_125, %dma_wait3A_138] : memref<40x128xi32, #tpu.memory_space<vmem>> -> memref<1x128xi32, #tpu.memory_space<vmem>>
          %dma_wait3A_140 = tpu.memref_squeeze %dma_wait3A_139 : memref<1x128xi32, #tpu.memory_space<vmem>> -> memref<128xi32, #tpu.memory_space<vmem>>
          %dma_wait3A_141 = arith.constant 0 : i32
          %dma_wait3A_142 = arith.constant 0 : i32
          %dma_wait3A_143 = tpu.memref_slice %arg6[%dma_wait3A_141, %dma_wait3A_142] : memref<10240x128xf32, #tpu.memory_space<vmem_shared>> -> memref<10240x128xf32, #tpu.memory_space<vmem_shared>>
          tpu.wait_indirect_dma semaphore(%run_scoped3A : memref<!tpu.dma_semaphore, #tpu.memory_space<semaphore_mem>>) src(%arg8 : memref<128x128xf32, #tpu.memory_space<vmem>>) dst(%dma_wait3A_143 : memref<10240x128xf32, #tpu.memory_space<vmem_shared>>)
          tpu.yield
        }) : () -> ()
      } else {
      }
      %mul3A_113 = arith.constant 2 : i32
      %mul3A_114 = arith.muli %mul3A_113, %scan3A_90 : i32
      %add3A_115 = arith.constant 3 : i32
      %add3A_116 = arith.addi %mul3A_114, %add3A_115 : i32
      %lt3A_117 = arith.constant 39 : i32
      %lt3A_118 = arith.cmpi slt, %add3A_116, %lt3A_117 : i32
      %convert_element_type3A_119 = arith.extui %lt3A_118 : i1 to i32
      %cond3A_120 = arith.constant 0 : i32
      %cond3A_121 = arith.cmpi ne, %convert_element_type3A_119, %cond3A_120 : i32
      scf.if %cond3A_121 {
        %mul3A_122 = arith.constant 2 : i32
        %mul3A_123 = arith.muli %mul3A_122, %scan3A_90 : i32
        %add3A_124 = arith.constant 3 : i32
        %add3A_125 = arith.addi %mul3A_123, %add3A_124 : i32
        %dma_start3A_126 = arith.constant 0 : i32
        %dma_start3A_127 = tpu.memref_slice %arg9[%add3A_125, %dma_start3A_126] : memref<40x128xi32, #tpu.memory_space<vmem>> -> memref<1x128xi32, #tpu.memory_space<vmem>>
        %dma_start3A_128 = tpu.memref_squeeze %dma_start3A_127 : memref<1x128xi32, #tpu.memory_space<vmem>> -> memref<128xi32, #tpu.memory_space<vmem>>
        %dma_start3A_129 = arith.constant 0 : i32
        %dma_start3A_130 = arith.constant 0 : i32
        %dma_start3A_131 = tpu.memref_slice %arg2[%dma_start3A_129, %dma_start3A_130] : memref<10000x128xf32, #tpu.memory_space<hbm>> -> memref<10000x128xf32, #tpu.memory_space<hbm>>
        tpu.enqueue_indirect_dma source(%dma_start3A_131 : memref<10000x128xf32, #tpu.memory_space<hbm>>) target(%arg8 : memref<128x128xf32, #tpu.memory_space<vmem>>) offsets(%dma_start3A_128 : memref<128xi32, #tpu.memory_space<vmem>>) semaphore(%arg13 : memref<!tpu.dma_semaphore, #tpu.memory_space<semaphore_mem>>)
      } else {
      }
    }
    %scan3A_82 = arith.constant 20 : i32
    %barrier3A_83 = arith.constant 0 : index
    tpu.barrier barrier_id(%barrier3A_83)
    %scan3A_84 = arith.constant 0 : i32
    %scan3A_85 = arith.constant 0 : i32
    %scan3A_86 = arith.constant 5 : i32
    %scan3A_87 = arith.addi %scan3A_85, %scan3A_86 : i32
    %scan3A_88 = arith.constant 1 : i32
    scf.for %scan3A_90 = %scan3A_85 to %scan3A_87 step %scan3A_88  : i32 {
      %mul3A_91 = arith.constant 128 : i32
      %mul3A_92 = arith.muli %scan3A_90, %mul3A_91 : i32
      %add3A_93 = arith.addi %mul3A_4, %mul3A_92 : i32
      "tpu.region"() ({
        %run_scoped3A = tpu.sem_alloc : memref<!tpu.dma_semaphore, #tpu.memory_space<semaphore_mem>>
        %dma_start3A_94 = arith.constant 0 : i32
        %dma_start3A_95 = tpu.memref_slice %arg5[%arg0, %add3A_93, %dma_start3A_94] : memref<2x10240x128xf32, #tpu.memory_space<hbm>> -> memref<1x128x128xf32, #tpu.memory_space<hbm>>
        %dma_start3A_96 = tpu.memref_squeeze %dma_start3A_95 : memref<1x128x128xf32, #tpu.memory_space<hbm>> -> memref<128x128xf32, #tpu.memory_space<hbm>>
        %dma_start3A_97 = arith.constant 0 : i32
        %dma_start3A_98 = tpu.memref_slice %arg6[%add3A_93, %dma_start3A_97] : memref<10240x128xf32, #tpu.memory_space<vmem_shared>> -> memref<128x128xf32, #tpu.memory_space<vmem_shared>>
        tpu.enqueue_dma source(%dma_start3A_98 : memref<128x128xf32, #tpu.memory_space<vmem_shared>>) target(%dma_start3A_96 : memref<128x128xf32, #tpu.memory_space<hbm>>) target_semaphore(%run_scoped3A : memref<!tpu.dma_semaphore, #tpu.memory_space<semaphore_mem>>)
        %dma_wait3A = arith.constant 0 : i32
        %dma_wait3A_99 = tpu.memref_slice %arg5[%arg0, %add3A_93, %dma_wait3A] : memref<2x10240x128xf32, #tpu.memory_space<hbm>> -> memref<1x128x128xf32, #tpu.memory_space<hbm>>
        %dma_wait3A_100 = tpu.memref_squeeze %dma_wait3A_99 : memref<1x128x128xf32, #tpu.memory_space<hbm>> -> memref<128x128xf32, #tpu.memory_space<hbm>>
        %dma_wait3A_101 = arith.constant 0 : i32
        %dma_wait3A_102 = tpu.memref_slice %arg6[%add3A_93, %dma_wait3A_101] : memref<10240x128xf32, #tpu.memory_space<vmem_shared>> -> memref<128x128xf32, #tpu.memory_space<vmem_shared>>
        tpu.wait_dma2 semaphore(%run_scoped3A : memref<!tpu.dma_semaphore, #tpu.memory_space<semaphore_mem>>) src(%dma_wait3A_102 : memref<128x128xf32, #tpu.memory_space<vmem_shared>>) dst(%dma_wait3A_100 : memref<128x128xf32, #tpu.memory_space<hbm>>)
        tpu.yield
      }) : () -> ()
    }
    %scan3A_89 = arith.constant 5 : i32
    return
  }
}

#map = affine_map<(d0, d1) -> (0, 0)>
#map1 = affine_map<(d0, d1) -> (0)>
#map2 = affine_map<(d0, d1) -> (0, 0, 0)>
module attributes {stable_mosaic.version = 14 : i64} {
  func.func @k(%arg0: i32, %arg1: i32, %arg2: memref<10000x128xf32, #tpu.memory_space<hbm>>, %arg3: memref<323584xi32, #tpu.memory_space<hbm>>, %arg4: memref<323584xi32, #tpu.memory_space<hbm>>, %arg5: memref<2x10240x128xf32, #tpu.memory_space<hbm>>, %arg6: memref<10240x128xf32, #tpu.memory_space<vmem_shared>>, %arg7: memref<128x128xf32, #tpu.memory_space<vmem>>, %arg8: memref<128x128xf32, #tpu.memory_space<vmem>>, %arg9: memref<40x128xi32, #tpu.memory_space<vmem>>, %arg10: memref<40x128xi32, #tpu.memory_space<vmem>>, %arg11: memref<!tpu.dma_semaphore, #tpu.memory_space<semaphore_mem>>, %arg12: memref<!tpu.dma_semaphore, #tpu.memory_space<semaphore_mem>>, %arg13: memref<!tpu.dma_semaphore, #tpu.memory_space<semaphore_mem>>) attributes {dimension_semantics = [#tpu.dimension_semantics<core_parallel>, #tpu.dimension_semantics<subcore_parallel>], iteration_bounds = array<i64: 2, 16>, scalar_prefetch = 0 : i64, scratch_operands = 8 : i64, tpu.core_type = #tpu.core_type<sc_vector_subcore>, window_params = [{transform_indices = #map}, {transform_indices = #map1}, {transform_indices = #map1}, {transform_indices = #map2}]} {
    %mul3A = arith.constant 16 : i32
    %mul3A_0 = arith.muli %arg0, %mul3A : i32
    %add3A = arith.addi %mul3A_0, %arg1 : i32
    %mul3A_1 = arith.constant 10112 : i32
    %mul3A_2 = arith.muli %add3A, %mul3A_1 : i32
    %mul3A_3 = arith.constant 640 : i32
    %mul3A_4 = arith.muli %arg1, %mul3A_3 : i32
    %scan3A = arith.constant 0 : i32
    %scan3A_5 = arith.constant 0 : i32
    %scan3A_6 = arith.constant 128 : i32
    %scan3A_7 = arith.addi %scan3A_5, %scan3A_6 : i32
    %scan3A_8 = arith.constant 1 : i32
    scf.for %scan3A_90 = %scan3A_5 to %scan3A_7 step %scan3A_8  : i32 {
      %broadcast_in_dim3A = arith.constant 0.000000e+00 : f32
      %broadcast_in_dim3A_91 = vector.broadcast %broadcast_in_dim3A : f32 to vector<16xf32>
      %swap3A = arith.index_cast %scan3A_90 : i32 to index
      %swap3A_92 = arith.constant 0 : index
      %swap3A_93 = tpu.vector_load %arg7[%swap3A, %swap3A_92] {strides = array<i32>} : memref<128x128xf32, #tpu.memory_space<vmem>>, vector<1x16xf32>,
      %swap3A_94 = vector.shape_cast %swap3A_93 : vector<1x16xf32> to vector<16xf32>
      %swap3A_95 = vector.shape_cast %broadcast_in_dim3A_91 : vector<16xf32> to vector<1x16xf32>
      tpu.vector_store %arg7[%swap3A, %swap3A_92], %swap3A_95 {strides = array<i32>} : memref<128x128xf32, #tpu.memory_space<vmem>>, vector<1x16xf32>,
      %broadcast_in_dim3A_96 = arith.constant 0.000000e+00 : f32
      %broadcast_in_dim3A_97 = vector.broadcast %broadcast_in_dim3A_96 : f32 to vector<16xf32>
      %swap3A_98 = arith.index_cast %scan3A_90 : i32 to index
      %swap3A_99 = arith.constant 16 : index
      %swap3A_100 = tpu.vector_load %arg7[%swap3A_98, %swap3A_99] {strides = array<i32>} : memref<128x128xf32, #tpu.memory_space<vmem>>, vector<1x16xf32>,
      %swap3A_101 = vector.shape_cast %swap3A_100 : vector<1x16xf32> to vector<16xf32>
      %swap3A_102 = vector.shape_cast %broadcast_in_dim3A_97 : vector<16xf32> to vector<1x16xf32>
      tpu.vector_store %arg7[%swap3A_98, %swap3A_99], %swap3A_102 {strides = array<i32>} : memref<128x128xf32, #tpu.memory_space<vmem>>, vector<1x16xf32>,
      %broadcast_in_dim3A_103 = arith.constant 0.000000e+00 : f32
      %broadcast_in_dim3A_104 = vector.broadcast %broadcast_in_dim3A_103 : f32 to vector<16xf32>
      %swap3A_105 = arith.index_cast %scan3A_90 : i32 to index
      %swap3A_106 = arith.constant 32 : index
      %swap3A_107 = tpu.vector_load %arg7[%swap3A_105, %swap3A_106] {strides = array<i32>} : memref<128x128xf32, #tpu.memory_space<vmem>>, vector<1x16xf32>,
      %swap3A_108 = vector.shape_cast %swap3A_107 : vector<1x16xf32> to vector<16xf32>
      %swap3A_109 = vector.shape_cast %broadcast_in_dim3A_104 : vector<16xf32> to vector<1x16xf32>
      tpu.vector_store %arg7[%swap3A_105, %swap3A_106], %swap3A_109 {strides = array<i32>} : memref<128x128xf32, #tpu.memory_space<vmem>>, vector<1x16xf32>,
      %broadcast_in_dim3A_110 = arith.constant 0.000000e+00 : f32
      %broadcast_in_dim3A_111 = vector.broadcast %broadcast_in_dim3A_110 : f32 to vector<16xf32>
      %swap3A_112 = arith.index_cast %scan3A_90 : i32 to index
      %swap3A_113 = arith.constant 48 : index
      %swap3A_114 = tpu.vector_load %arg7[%swap3A_112, %swap3A_113] {strides = array<i32>} : memref<128x128xf32, #tpu.memory_space<vmem>>, vector<1x16xf32>,
      %swap3A_115 = vector.shape_cast %swap3A_114 : vector<1x16xf32> to vector<16xf32>
      %swap3A_116 = vector.shape_cast %broadcast_in_dim3A_111 : vector<16xf32> to vector<1x16xf32>
      tpu.vector_store %arg7[%swap3A_112, %swap3A_113], %swap3A_116 {strides = array<i32>} : memref<128x128xf32, #tpu.memory_space<vmem>>, vector<1x16xf32>,
      %broadcast_in_dim3A_117 = arith.constant 0.000000e+00 : f32
      %broadcast_in_dim3A_118 = vector.broadcast %broadcast_in_dim3A_117 : f32 to vector<16xf32>
      %swap3A_119 = arith.index_cast %scan3A_90 : i32 to index
      %swap3A_120 = arith.constant 64 : index
      %swap3A_121 = tpu.vector_load %arg7[%swap3A_119, %swap3A_120] {strides = array<i32>} : memref<128x128xf32, #tpu.memory_space<vmem>>, vector<1x16xf32>,
      %swap3A_122 = vector.shape_cast %swap3A_121 : vector<1x16xf32> to vector<16xf32>
      %swap3A_123 = vector.shape_cast %broadcast_in_dim3A_118 : vector<16xf32> to vector<1x16xf32>
      tpu.vector_store %arg7[%swap3A_119, %swap3A_120], %swap3A_123 {strides = array<i32>} : memref<128x128xf32, #tpu.memory_space<vmem>>, vector<1x16xf32>,
      %broadcast_in_dim3A_124 = arith.constant 0.000000e+00 : f32
      %broadcast_in_dim3A_125 = vector.broadcast %broadcast_in_dim3A_124 : f32 to vector<16xf32>
      %swap3A_126 = arith.index_cast %scan3A_90 : i32 to index
      %swap3A_127 = arith.constant 80 : index
      %swap3A_128 = tpu.vector_load %arg7[%swap3A_126, %swap3A_127] {strides = array<i32>} : memref<128x128xf32, #tpu.memory_space<vmem>>, vector<1x16xf32>,
      %swap3A_129 = vector.shape_cast %swap3A_128 : vector<1x16xf32> to vector<16xf32>
      %swap3A_130 = vector.shape_cast %broadcast_in_dim3A_125 : vector<16xf32> to vector<1x16xf32>
      tpu.vector_store %arg7[%swap3A_126, %swap3A_127], %swap3A_130 {strides = array<i32>} : memref<128x128xf32, #tpu.memory_space<vmem>>, vector<1x16xf32>,
      %broadcast_in_dim3A_131 = arith.constant 0.000000e+00 : f32
      %broadcast_in_dim3A_132 = vector.broadcast %broadcast_in_dim3A_131 : f32 to vector<16xf32>
      %swap3A_133 = arith.index_cast %scan3A_90 : i32 to index
      %swap3A_134 = arith.constant 96 : index
      %swap3A_135 = tpu.vector_load %arg7[%swap3A_133, %swap3A_134] {strides = array<i32>} : memref<128x128xf32, #tpu.memory_space<vmem>>, vector<1x16xf32>,
      %swap3A_136 = vector.shape_cast %swap3A_135 : vector<1x16xf32> to vector<16xf32>
      %swap3A_137 = vector.shape_cast %broadcast_in_dim3A_132 : vector<16xf32> to vector<1x16xf32>
      tpu.vector_store %arg7[%swap3A_133, %swap3A_134], %swap3A_137 {strides = array<i32>} : memref<128x128xf32, #tpu.memory_space<vmem>>, vector<1x16xf32>,
      %broadcast_in_dim3A_138 = arith.constant 0.000000e+00 : f32
      %broadcast_in_dim3A_139 = vector.broadcast %broadcast_in_dim3A_138 : f32 to vector<16xf32>
      %swap3A_140 = arith.index_cast %scan3A_90 : i32 to index
      %swap3A_141 = arith.constant 112 : index
      %swap3A_142 = tpu.vector_load %arg7[%swap3A_140, %swap3A_141] {strides = array<i32>} : memref<128x128xf32, #tpu.memory_space<vmem>>, vector<1x16xf32>,
      %swap3A_143 = vector.shape_cast %swap3A_142 : vector<1x16xf32> to vector<16xf32>
      %swap3A_144 = vector.shape_cast %broadcast_in_dim3A_139 : vector<16xf32> to vector<1x16xf32>
      tpu.vector_store %arg7[%swap3A_140, %swap3A_141], %swap3A_144 {strides = array<i32>} : memref<128x128xf32, #tpu.memory_space<vmem>>, vector<1x16xf32>,
    }
    %scan3A_9 = arith.constant 128 : i32
    %scan3A_10 = arith.constant 0 : i32
    %scan3A_11 = arith.constant 0 : i32
    %scan3A_12 = arith.constant 5 : i32
    %scan3A_13 = arith.addi %scan3A_11, %scan3A_12 : i32
    %scan3A_14 = arith.constant 1 : i32
    scf.for %scan3A_90 = %scan3A_11 to %scan3A_13 step %scan3A_14  : i32 {
      %mul3A_91 = arith.constant 128 : i32
      %mul3A_92 = arith.muli %scan3A_90, %mul3A_91 : i32
      %add3A_93 = arith.addi %mul3A_4, %mul3A_92 : i32
      "tpu.region"() ({
        %run_scoped3A = tpu.sem_alloc : memref<!tpu.dma_semaphore, #tpu.memory_space<semaphore_mem>>
        %dma_start3A_94 = arith.constant 0 : i32
        %dma_start3A_95 = tpu.memref_slice %arg6[%add3A_93, %dma_start3A_94] : memref<10240x128xf32, #tpu.memory_space<vmem_shared>> -> memref<128x128xf32, #tpu.memory_space<vmem_shared>>
        %dma_start3A_96 = arith.constant 0 : i32
        %dma_start3A_97 = tpu.memref_slice %arg6[%add3A_93, %dma_start3A_96] : memref<10240x128xf32, #tpu.memory_space<vmem_shared>> -> memref<128x128xf32, #tpu.memory_space<vmem_shared>>
        tpu.enqueue_dma source(%arg7 : memref<128x128xf32, #tpu.memory_space<vmem>>) target(%dma_start3A_97 : memref<128x128xf32, #tpu.memory_space<vmem_shared>>) target_semaphore(%run_scoped3A : memref<!tpu.dma_semaphore, #tpu.memory_space<semaphore_mem>>)
        %dma_wait3A = arith.constant 0 : i32
        %dma_wait3A_98 = tpu.memref_slice %arg6[%add3A_93, %dma_wait3A] : memref<10240x128xf32, #tpu.memory_space<vmem_shared>> -> memref<128x128xf32, #tpu.memory_space<vmem_shared>>
        %dma_wait3A_99 = arith.constant 0 : i32
        %dma_wait3A_100 = tpu.memref_slice %arg6[%add3A_93, %dma_wait3A_99] : memref<10240x128xf32, #tpu.memory_space<vmem_shared>> -> memref<128x128xf32, #tpu.memory_space<vmem_shared>>
        tpu.wait_dma2 semaphore(%run_scoped3A : memref<!tpu.dma_semaphore, #tpu.memory_space<semaphore_mem>>) src(%arg7 : memref<128x128xf32, #tpu.memory_space<vmem>>) dst(%dma_wait3A_100 : memref<128x128xf32, #tpu.memory_space<vmem_shared>>)
        tpu.yield
      }) : () -> ()
    }
    %scan3A_15 = arith.constant 5 : i32
    %barrier3A = arith.constant 0 : index
    tpu.barrier barrier_id(%barrier3A)
    %add3A_16 = arith.constant 0 : i32
    %add3A_17 = arith.addi %mul3A_2, %add3A_16 : i32
    %scan3A_18 = arith.constant 0 : i32
    %scan3A_19 = arith.constant 0 : i32
    %scan3A_20 = arith.constant 40 : i32
    %scan3A_21 = arith.addi %scan3A_19, %scan3A_20 : i32
    %scan3A_22 = arith.constant 1 : i32
    scf.for %scan3A_90 = %scan3A_19 to %scan3A_21 step %scan3A_22  : i32 {
      %mul3A_91 = arith.constant 128 : i32
      %mul3A_92 = arith.muli %scan3A_90, %mul3A_91 : i32
      %add3A_93 = arith.addi %add3A_17, %mul3A_92 : i32
      %dma_start3A_94 = arith.constant 0 : i32
      %dma_start3A_95 = tpu.memref_slice %arg9[%scan3A_90, %dma_start3A_94] : memref<40x128xi32, #tpu.memory_space<vmem>> -> memref<1x128xi32, #tpu.memory_space<vmem>>
      %dma_start3A_96 = tpu.memref_squeeze %dma_start3A_95 : memref<1x128xi32, #tpu.memory_space<vmem>> -> memref<128xi32, #tpu.memory_space<vmem>>
      %dma_start3A_97 = tpu.memref_slice %arg3[%add3A_93] : memref<323584xi32, #tpu.memory_space<hbm>> -> memref<128xi32, #tpu.memory_space<hbm>>
      %dma_start3A_98 = arith.constant 0 : i32
      %dma_start3A_99 = tpu.memref_slice %arg9[%scan3A_90, %dma_start3A_98] : memref<40x128xi32, #tpu.memory_space<vmem>> -> memref<1x128xi32, #tpu.memory_space<vmem>>
      %dma_start3A_100 = tpu.memref_squeeze %dma_start3A_99 : memref<1x128xi32, #tpu.memory_space<vmem>> -> memref<128xi32, #tpu.memory_space<vmem>>
      %dma_start3A_101 = tpu.memref_slice %arg3[%add3A_93] : memref<323584xi32, #tpu.memory_space<hbm>> -> memref<128xi32, #tpu.memory_space<hbm>>
      tpu.enqueue_dma source(%dma_start3A_101 : memref<128xi32, #tpu.memory_space<hbm>>) target(%dma_start3A_100 : memref<128xi32, #tpu.memory_space<vmem>>) target_semaphore(%arg11 : memref<!tpu.dma_semaphore, #tpu.memory_space<semaphore_mem>>)
      %dma_start3A_102 = arith.constant 0 : i32
      %dma_start3A_103 = tpu.memref_slice %arg10[%scan3A_90, %dma_start3A_102] : memref<40x128xi32, #tpu.memory_space<vmem>> -> memref<1x128xi32, #tpu.memory_space<vmem>>
      %dma_start3A_104 = tpu.memref_squeeze %dma_start3A_103 : memref<1x128xi32, #tpu.memory_space<vmem>> -> memref<128xi32, #tpu.memory_space<vmem>>
      %dma_start3A_105 = tpu.memref_slice %arg4[%add3A_93] : memref<323584xi32, #tpu.memory_space<hbm>> -> memref<128xi32, #tpu.memory_space<hbm>>
      %dma_start3A_106 = arith.constant 0 : i32
      %dma_start3A_107 = tpu.memref_slice %arg10[%scan3A_90, %dma_start3A_106] : memref<40x128xi32, #tpu.memory_space<vmem>> -> memref<1x128xi32, #tpu.memory_space<vmem>>
      %dma_start3A_108 = tpu.memref_squeeze %dma_start3A_107 : memref<1x128xi32, #tpu.memory_space<vmem>> -> memref<128xi32, #tpu.memory_space<vmem>>
      %dma_start3A_109 = tpu.memref_slice %arg4[%add3A_93] : memref<323584xi32, #tpu.memory_space<hbm>> -> memref<128xi32, #tpu.memory_space<hbm>>
      tpu.enqueue_dma source(%dma_start3A_109 : memref<128xi32, #tpu.memory_space<hbm>>) target(%dma_start3A_108 : memref<128xi32, #tpu.memory_space<vmem>>) target_semaphore(%arg11 : memref<!tpu.dma_semaphore, #tpu.memory_space<semaphore_mem>>)
    }
    %scan3A_23 = arith.constant 40 : i32
    %scan3A_24 = arith.constant 0 : i32
    %scan3A_25 = arith.constant 0 : i32
    %scan3A_26 = arith.constant 40 : i32
    %scan3A_27 = arith.addi %scan3A_25, %scan3A_26 : i32
    %scan3A_28 = arith.constant 1 : i32
    scf.for %scan3A_90 = %scan3A_25 to %scan3A_27 step %scan3A_28  : i32 {
      %dma_wait3A = arith.constant 0 : i32
      %dma_wait3A_91 = arith.constant 0 : i32
      %dma_wait3A_92 = tpu.memref_slice %arg9[%dma_wait3A, %dma_wait3A_91] : memref<40x128xi32, #tpu.memory_space<vmem>> -> memref<1x128xi32, #tpu.memory_space<vmem>>
      %dma_wait3A_93 = tpu.memref_squeeze %dma_wait3A_92 : memref<1x128xi32, #tpu.memory_space<vmem>> -> memref<128xi32, #tpu.memory_space<vmem>>
      %dma_wait3A_94 = arith.constant 0 : i32
      %dma_wait3A_95 = tpu.memref_slice %arg3[%dma_wait3A_94] : memref<323584xi32, #tpu.memory_space<hbm>> -> memref<128xi32, #tpu.memory_space<hbm>>
      %dma_wait3A_96 = arith.constant 0 : i32
      %dma_wait3A_97 = tpu.memref_slice %arg9[%dma_wait3A, %dma_wait3A_96] : memref<40x128xi32, #tpu.memory_space<vmem>> -> memref<1x128xi32, #tpu.memory_space<vmem>>
      %dma_wait3A_98 = tpu.memref_squeeze %dma_wait3A_97 : memref<1x128xi32, #tpu.memory_space<vmem>> -> memref<128xi32, #tpu.memory_space<vmem>>
      %dma_wait3A_99 = arith.constant 0 : i32
      %dma_wait3A_100 = tpu.memref_slice %arg3[%dma_wait3A_99] : memref<323584xi32, #tpu.memory_space<hbm>> -> memref<128xi32, #tpu.memory_space<hbm>>
      tpu.wait_dma2 semaphore(%arg11 : memref<!tpu.dma_semaphore, #tpu.memory_space<semaphore_mem>>) src(%dma_wait3A_100 : memref<128xi32, #tpu.memory_space<hbm>>) dst(%dma_wait3A_98 : memref<128xi32, #tpu.memory_space<vmem>>)
      %dma_wait3A_101 = arith.constant 0 : i32
      %dma_wait3A_102 = arith.constant 0 : i32
      %dma_wait3A_103 = tpu.memref_slice %arg10[%dma_wait3A_101, %dma_wait3A_102] : memref<40x128xi32, #tpu.memory_space<vmem>> -> memref<1x128xi32, #tpu.memory_space<vmem>>
      %dma_wait3A_104 = tpu.memref_squeeze %dma_wait3A_103 : memref<1x128xi32, #tpu.memory_space<vmem>> -> memref<128xi32, #tpu.memory_space<vmem>>
      %dma_wait3A_105 = arith.constant 0 : i32
      %dma_wait3A_106 = tpu.memref_slice %arg4[%dma_wait3A_105] : memref<323584xi32, #tpu.memory_space<hbm>> -> memref<128xi32, #tpu.memory_space<hbm>>
      %dma_wait3A_107 = arith.constant 0 : i32
      %dma_wait3A_108 = tpu.memref_slice %arg10[%dma_wait3A_101, %dma_wait3A_107] : memref<40x128xi32, #tpu.memory_space<vmem>> -> memref<1x128xi32, #tpu.memory_space<vmem>>
      %dma_wait3A_109 = tpu.memref_squeeze %dma_wait3A_108 : memref<1x128xi32, #tpu.memory_space<vmem>> -> memref<128xi32, #tpu.memory_space<vmem>>
      %dma_wait3A_110 = arith.constant 0 : i32
      %dma_wait3A_111 = tpu.memref_slice %arg4[%dma_wait3A_110] : memref<323584xi32, #tpu.memory_space<hbm>> -> memref<128xi32, #tpu.memory_space<hbm>>
      tpu.wait_dma2 semaphore(%arg11 : memref<!tpu.dma_semaphore, #tpu.memory_space<semaphore_mem>>) src(%dma_wait3A_111 : memref<128xi32, #tpu.memory_space<hbm>>) dst(%dma_wait3A_109 : memref<128xi32, #tpu.memory_space<vmem>>)
    }
    %scan3A_29 = arith.constant 40 : i32
    %dma_start3A = arith.constant 0 : i32
    %dma_start3A_30 = arith.constant 0 : i32
    %dma_start3A_31 = tpu.memref_slice %arg9[%dma_start3A, %dma_start3A_30] : memref<40x128xi32, #tpu.memory_space<vmem>> -> memref<1x128xi32, #tpu.memory_space<vmem>>
    %dma_start3A_32 = tpu.memref_squeeze %dma_start3A_31 : memref<1x128xi32, #tpu.memory_space<vmem>> -> memref<128xi32, #tpu.memory_space<vmem>>
    %dma_start3A_33 = arith.constant 0 : i32
    %dma_start3A_34 = arith.constant 0 : i32
    %dma_start3A_35 = tpu.memref_slice %arg2[%dma_start3A_33, %dma_start3A_34] : memref<10000x128xf32, #tpu.memory_space<hbm>> -> memref<10000x128xf32, #tpu.memory_space<hbm>>
    tpu.enqueue_indirect_dma source(%dma_start3A_35 : memref<10000x128xf32, #tpu.memory_space<hbm>>) target(%arg7 : memref<128x128xf32, #tpu.memory_space<vmem>>) offsets(%dma_start3A_32 : memref<128xi32, #tpu.memory_space<vmem>>) semaphore(%arg12 : memref<!tpu.dma_semaphore, #tpu.memory_space<semaphore_mem>>)
    %dma_start3A_36 = arith.constant 1 : i32
    %dma_start3A_37 = arith.constant 0 : i32
    %dma_start3A_38 = tpu.memref_slice %arg9[%dma_start3A_36, %dma_start3A_37] : memref<40x128xi32, #tpu.memory_space<vmem>> -> memref<1x128xi32, #tpu.memory_space<vmem>>
    %dma_start3A_39 = tpu.memref_squeeze %dma_start3A_38 : memref<1x128xi32, #tpu.memory_space<vmem>> -> memref<128xi32, #tpu.memory_space<vmem>>
    %dma_start3A_40 = arith.constant 0 : i32
    %dma_start3A_41 = arith.constant 0 : i32
    %dma_start3A_42 = tpu.memref_slice %arg2[%dma_start3A_40, %dma_start3A_41] : memref<10000x128xf32, #tpu.memory_space<hbm>> -> memref<10000x128xf32, #tpu.memory_space<hbm>>
    tpu.enqueue_indirect_dma source(%dma_start3A_42 : memref<10000x128xf32, #tpu.memory_space<hbm>>) target(%arg8 : memref<128x128xf32, #tpu.memory_space<vmem>>) offsets(%dma_start3A_39 : memref<128xi32, #tpu.memory_space<vmem>>) semaphore(%arg13 : memref<!tpu.dma_semaphore, #tpu.memory_space<semaphore_mem>>)
    %scan3A_43 = arith.constant 0 : i32
    %scan3A_44 = arith.constant 0 : i32
    %scan3A_45 = arith.constant 20 : i32
    %scan3A_46 = arith.addi %scan3A_44, %scan3A_45 : i32
    %scan3A_47 = arith.constant 1 : i32
    scf.for %scan3A_90 = %scan3A_44 to %scan3A_46 step %scan3A_47  : i32 {
      %mul3A_91 = arith.constant 2 : i32
      %mul3A_92 = arith.muli %mul3A_91, %scan3A_90 : i32
      %dma_wait3A = arith.constant 0 : i32
      %dma_wait3A_93 = tpu.memref_slice %arg9[%mul3A_92, %dma_wait3A] : memref<40x128xi32, #tpu.memory_space<vmem>> -> memref<1x128xi32, #tpu.memory_space<vmem>>
      %dma_wait3A_94 = tpu.memref_squeeze %dma_wait3A_93 : memref<1x128xi32, #tpu.memory_space<vmem>> -> memref<128xi32, #tpu.memory_space<vmem>>
      %dma_wait3A_95 = arith.constant 0 : i32
      %dma_wait3A_96 = arith.constant 0 : i32
      %dma_wait3A_97 = tpu.memref_slice %arg2[%dma_wait3A_95, %dma_wait3A_96] : memref<10000x128xf32, #tpu.memory_space<hbm>> -> memref<10000x128xf32, #tpu.memory_space<hbm>>
      tpu.wait_indirect_dma semaphore(%arg12 : memref<!tpu.dma_semaphore, #tpu.memory_space<semaphore_mem>>) src(%dma_wait3A_97 : memref<10000x128xf32, #tpu.memory_space<hbm>>) dst(%arg7 : memref<128x128xf32, #tpu.memory_space<vmem>>)
      "tpu.region"() ({
        %run_scoped3A = tpu.sem_alloc : memref<!tpu.dma_semaphore, #tpu.memory_space<semaphore_mem>>
        %dma_start3A_122 = arith.constant 0 : i32
        %dma_start3A_123 = tpu.memref_slice %arg10[%mul3A_92, %dma_start3A_122] : memref<40x128xi32, #tpu.memory_space<vmem>> -> memref<1x128xi32, #tpu.memory_space<vmem>>
        %dma_start3A_124 = tpu.memref_squeeze %dma_start3A_123 : memref<1x128xi32, #tpu.memory_space<vmem>> -> memref<128xi32, #tpu.memory_space<vmem>>
        %dma_start3A_125 = arith.constant 0 : i32
        %dma_start3A_126 = arith.constant 0 : i32
        %dma_start3A_127 = tpu.memref_slice %arg6[%dma_start3A_125, %dma_start3A_126] : memref<10240x128xf32, #tpu.memory_space<vmem_shared>> -> memref<10240x128xf32, #tpu.memory_space<vmem_shared>>
        tpu.enqueue_indirect_dma source(%arg7 : memref<128x128xf32, #tpu.memory_space<vmem>>) target(%dma_start3A_127 : memref<10240x128xf32, #tpu.memory_space<vmem_shared>>) offsets(%dma_start3A_124 : memref<128xi32, #tpu.memory_space<vmem>>) semaphore(%run_scoped3A : memref<!tpu.dma_semaphore, #tpu.memory_space<semaphore_mem>>) {add = true}
        %dma_wait3A_128 = arith.constant 0 : i32
        %dma_wait3A_129 = tpu.memref_slice %arg10[%mul3A_92, %dma_wait3A_128] : memref<40x128xi32, #tpu.memory_space<vmem>> -> memref<1x128xi32, #tpu.memory_space<vmem>>
        %dma_wait3A_130 = tpu.memref_squeeze %dma_wait3A_129 : memref<1x128xi32, #tpu.memory_space<vmem>> -> memref<128xi32, #tpu.memory_space<vmem>>
        %dma_wait3A_131 = arith.constant 0 : i32
        %dma_wait3A_132 = arith.constant 0 : i32
        %dma_wait3A_133 = tpu.memref_slice %arg6[%dma_wait3A_131, %dma_wait3A_132] : memref<10240x128xf32, #tpu.memory_space<vmem_shared>> -> memref<10240x128xf32, #tpu.memory_space<vmem_shared>>
        tpu.wait_indirect_dma semaphore(%run_scoped3A : memref<!tpu.dma_semaphore, #tpu.memory_space<semaphore_mem>>) src(%arg7 : memref<128x128xf32, #tpu.memory_space<vmem>>) dst(%dma_wait3A_133 : memref<10240x128xf32, #tpu.memory_space<vmem_shared>>)
        tpu.yield
      }) : () -> ()
      %mul3A_98 = arith.constant 2 : i32
      %mul3A_99 = arith.muli %mul3A_98, %scan3A_90 : i32
      %add3A_100 = arith.constant 2 : i32
      %add3A_101 = arith.addi %mul3A_99, %add3A_100 : i32
      %lt3A = arith.constant 40 : i32
      %lt3A_102 = arith.cmpi slt, %add3A_101, %lt3A : i32
      %convert_element_type3A = arith.extui %lt3A_102 : i1 to i32
      %cond3A = arith.constant 0 : i32
      %cond3A_103 = arith.cmpi ne, %convert_element_type3A, %cond3A : i32
      scf.if %cond3A_103 {
        %mul3A_122 = arith.constant 2 : i32
        %mul3A_123 = arith.muli %mul3A_122, %scan3A_90 : i32
        %add3A_124 = arith.constant 2 : i32
        %add3A_125 = arith.addi %mul3A_123, %add3A_124 : i32
        %dma_start3A_126 = arith.constant 0 : i32
        %dma_start3A_127 = tpu.memref_slice %arg9[%add3A_125, %dma_start3A_126] : memref<40x128xi32, #tpu.memory_space<vmem>> -> memref<1x128xi32, #tpu.memory_space<vmem>>
        %dma_start3A_128 = tpu.memref_squeeze %dma_start3A_127 : memref<1x128xi32, #tpu.memory_space<vmem>> -> memref<128xi32, #tpu.memory_space<vmem>>
        %dma_start3A_129 = arith.constant 0 : i32
        %dma_start3A_130 = arith.constant 0 : i32
        %dma_start3A_131 = tpu.memref_slice %arg2[%dma_start3A_129, %dma_start3A_130] : memref<10000x128xf32, #tpu.memory_space<hbm>> -> memref<10000x128xf32, #tpu.memory_space<hbm>>
        tpu.enqueue_indirect_dma source(%dma_start3A_131 : memref<10000x128xf32, #tpu.memory_space<hbm>>) target(%arg7 : memref<128x128xf32, #tpu.memory_space<vmem>>) offsets(%dma_start3A_128 : memref<128xi32, #tpu.memory_space<vmem>>) semaphore(%arg12 : memref<!tpu.dma_semaphore, #tpu.memory_space<semaphore_mem>>)
      } else {
      }
      %mul3A_104 = arith.constant 2 : i32
      %mul3A_105 = arith.muli %mul3A_104, %scan3A_90 : i32
      %add3A_106 = arith.constant 1 : i32
      %add3A_107 = arith.addi %mul3A_105, %add3A_106 : i32
      %lt3A_108 = arith.constant 40 : i32
      %lt3A_109 = arith.cmpi slt, %add3A_107, %lt3A_108 : i32
      %convert_element_type3A_110 = arith.extui %lt3A_109 : i1 to i32
      %cond3A_111 = arith.constant 0 : i32
      %cond3A_112 = arith.cmpi ne, %convert_element_type3A_110, %cond3A_111 : i32
      scf.if %cond3A_112 {
        %mul3A_122 = arith.constant 2 : i32
        %mul3A_123 = arith.muli %mul3A_122, %scan3A_90 : i32
        %add3A_124 = arith.constant 1 : i32
        %add3A_125 = arith.addi %mul3A_123, %add3A_124 : i32
        %dma_wait3A_126 = arith.constant 0 : i32
        %dma_wait3A_127 = tpu.memref_slice %arg9[%add3A_125, %dma_wait3A_126] : memref<40x128xi32, #tpu.memory_space<vmem>> -> memref<1x128xi32, #tpu.memory_space<vmem>>
        %dma_wait3A_128 = tpu.memref_squeeze %dma_wait3A_127 : memref<1x128xi32, #tpu.memory_space<vmem>> -> memref<128xi32, #tpu.memory_space<vmem>>
        %dma_wait3A_129 = arith.constant 0 : i32
        %dma_wait3A_130 = arith.constant 0 : i32
        %dma_wait3A_131 = tpu.memref_slice %arg2[%dma_wait3A_129, %dma_wait3A_130] : memref<10000x128xf32, #tpu.memory_space<hbm>> -> memref<10000x128xf32, #tpu.memory_space<hbm>>
        tpu.wait_indirect_dma semaphore(%arg13 : memref<!tpu.dma_semaphore, #tpu.memory_space<semaphore_mem>>) src(%dma_wait3A_131 : memref<10000x128xf32, #tpu.memory_space<hbm>>) dst(%arg8 : memref<128x128xf32, #tpu.memory_space<vmem>>)
        "tpu.region"() ({
          %run_scoped3A = tpu.sem_alloc : memref<!tpu.dma_semaphore, #tpu.memory_space<semaphore_mem>>
          %dma_start3A_132 = arith.constant 0 : i32
          %dma_start3A_133 = tpu.memref_slice %arg10[%add3A_125, %dma_start3A_132] : memref<40x128xi32, #tpu.memory_space<vmem>> -> memref<1x128xi32, #tpu.memory_space<vmem>>
          %dma_start3A_134 = tpu.memref_squeeze %dma_start3A_133 : memref<1x128xi32, #tpu.memory_space<vmem>> -> memref<128xi32, #tpu.memory_space<vmem>>
          %dma_start3A_135 = arith.constant 0 : i32
          %dma_start3A_136 = arith.constant 0 : i32
          %dma_start3A_137 = tpu.memref_slice %arg6[%dma_start3A_135, %dma_start3A_136] : memref<10240x128xf32, #tpu.memory_space<vmem_shared>> -> memref<10240x128xf32, #tpu.memory_space<vmem_shared>>
          tpu.enqueue_indirect_dma source(%arg8 : memref<128x128xf32, #tpu.memory_space<vmem>>) target(%dma_start3A_137 : memref<10240x128xf32, #tpu.memory_space<vmem_shared>>) offsets(%dma_start3A_134 : memref<128xi32, #tpu.memory_space<vmem>>) semaphore(%run_scoped3A : memref<!tpu.dma_semaphore, #tpu.memory_space<semaphore_mem>>) {add = true}
          %dma_wait3A_138 = arith.constant 0 : i32
          %dma_wait3A_139 = tpu.memref_slice %arg10[%add3A_125, %dma_wait3A_138] : memref<40x128xi32, #tpu.memory_space<vmem>> -> memref<1x128xi32, #tpu.memory_space<vmem>>
          %dma_wait3A_140 = tpu.memref_squeeze %dma_wait3A_139 : memref<1x128xi32, #tpu.memory_space<vmem>> -> memref<128xi32, #tpu.memory_space<vmem>>
          %dma_wait3A_141 = arith.constant 0 : i32
          %dma_wait3A_142 = arith.constant 0 : i32
          %dma_wait3A_143 = tpu.memref_slice %arg6[%dma_wait3A_141, %dma_wait3A_142] : memref<10240x128xf32, #tpu.memory_space<vmem_shared>> -> memref<10240x128xf32, #tpu.memory_space<vmem_shared>>
          tpu.wait_indirect_dma semaphore(%run_scoped3A : memref<!tpu.dma_semaphore, #tpu.memory_space<semaphore_mem>>) src(%arg8 : memref<128x128xf32, #tpu.memory_space<vmem>>) dst(%dma_wait3A_143 : memref<10240x128xf32, #tpu.memory_space<vmem_shared>>)
          tpu.yield
        }) : () -> ()
      } else {
      }
      %mul3A_113 = arith.constant 2 : i32
      %mul3A_114 = arith.muli %mul3A_113, %scan3A_90 : i32
      %add3A_115 = arith.constant 3 : i32
      %add3A_116 = arith.addi %mul3A_114, %add3A_115 : i32
      %lt3A_117 = arith.constant 40 : i32
      %lt3A_118 = arith.cmpi slt, %add3A_116, %lt3A_117 : i32
      %convert_element_type3A_119 = arith.extui %lt3A_118 : i1 to i32
      %cond3A_120 = arith.constant 0 : i32
      %cond3A_121 = arith.cmpi ne, %convert_element_type3A_119, %cond3A_120 : i32
      scf.if %cond3A_121 {
        %mul3A_122 = arith.constant 2 : i32
        %mul3A_123 = arith.muli %mul3A_122, %scan3A_90 : i32
        %add3A_124 = arith.constant 3 : i32
        %add3A_125 = arith.addi %mul3A_123, %add3A_124 : i32
        %dma_start3A_126 = arith.constant 0 : i32
        %dma_start3A_127 = tpu.memref_slice %arg9[%add3A_125, %dma_start3A_126] : memref<40x128xi32, #tpu.memory_space<vmem>> -> memref<1x128xi32, #tpu.memory_space<vmem>>
        %dma_start3A_128 = tpu.memref_squeeze %dma_start3A_127 : memref<1x128xi32, #tpu.memory_space<vmem>> -> memref<128xi32, #tpu.memory_space<vmem>>
        %dma_start3A_129 = arith.constant 0 : i32
        %dma_start3A_130 = arith.constant 0 : i32
        %dma_start3A_131 = tpu.memref_slice %arg2[%dma_start3A_129, %dma_start3A_130] : memref<10000x128xf32, #tpu.memory_space<hbm>> -> memref<10000x128xf32, #tpu.memory_space<hbm>>
        tpu.enqueue_indirect_dma source(%dma_start3A_131 : memref<10000x128xf32, #tpu.memory_space<hbm>>) target(%arg8 : memref<128x128xf32, #tpu.memory_space<vmem>>) offsets(%dma_start3A_128 : memref<128xi32, #tpu.memory_space<vmem>>) semaphore(%arg13 : memref<!tpu.dma_semaphore, #tpu.memory_space<semaphore_mem>>)
      } else {
      }
    }
    %scan3A_48 = arith.constant 20 : i32
    %add3A_49 = arith.constant 5120 : i32
    %add3A_50 = arith.addi %mul3A_2, %add3A_49 : i32
    %scan3A_51 = arith.constant 0 : i32
    %scan3A_52 = arith.constant 0 : i32
    %scan3A_53 = arith.constant 39 : i32
    %scan3A_54 = arith.addi %scan3A_52, %scan3A_53 : i32
    %scan3A_55 = arith.constant 1 : i32
    scf.for %scan3A_90 = %scan3A_52 to %scan3A_54 step %scan3A_55  : i32 {
      %mul3A_91 = arith.constant 128 : i32
      %mul3A_92 = arith.muli %scan3A_90, %mul3A_91 : i32
      %add3A_93 = arith.addi %add3A_50, %mul3A_92 : i32
      %dma_start3A_94 = arith.constant 0 : i32
      %dma_start3A_95 = tpu.memref_slice %arg9[%scan3A_90, %dma_start3A_94] : memref<40x128xi32, #tpu.memory_space<vmem>> -> memref<1x128xi32, #tpu.memory_space<vmem>>
      %dma_start3A_96 = tpu.memref_squeeze %dma_start3A_95 : memref<1x128xi32, #tpu.memory_space<vmem>> -> memref<128xi32, #tpu.memory_space<vmem>>
      %dma_start3A_97 = tpu.memref_slice %arg3[%add3A_93] : memref<323584xi32, #tpu.memory_space<hbm>> -> memref<128xi32, #tpu.memory_space<hbm>>
      %dma_start3A_98 = arith.constant 0 : i32
      %dma_start3A_99 = tpu.memref_slice %arg9[%scan3A_90, %dma_start3A_98] : memref<40x128xi32, #tpu.memory_space<vmem>> -> memref<1x128xi32, #tpu.memory_space<vmem>>
      %dma_start3A_100 = tpu.memref_squeeze %dma_start3A_99 : memref<1x128xi32, #tpu.memory_space<vmem>> -> memref<128xi32, #tpu.memory_space<vmem>>
      %dma_start3A_101 = tpu.memref_slice %arg3[%add3A_93] : memref<323584xi32, #tpu.memory_space<hbm>> -> memref<128xi32, #tpu.memory_space<hbm>>
      tpu.enqueue_dma source(%dma_start3A_101 : memref<128xi32, #tpu.memory_space<hbm>>) target(%dma_start3A_100 : memref<128xi32, #tpu.memory_space<vmem>>) target_semaphore(%arg11 : memref<!tpu.dma_semaphore, #tpu.memory_space<semaphore_mem>>)
      %dma_start3A_102 = arith.constant 0 : i32
      %dma_start3A_103 = tpu.memref_slice %arg10[%scan3A_90, %dma_start3A_102] : memref<40x128xi32, #tpu.memory_space<vmem>> -> memref<1x128xi32, #tpu.memory_space<vmem>>
      %dma_start3A_104 = tpu.memref_squeeze %dma_start3A_103 : memref<1x128xi32, #tpu.memory_space<vmem>> -> memref<128xi32, #tpu.memory_space<vmem>>
      %dma_start3A_105 = tpu.memref_slice %arg4[%add3A_93] : memref<323584xi32, #tpu.memory_space<hbm>> -> memref<128xi32, #tpu.memory_space<hbm>>
      %dma_start3A_106 = arith.constant 0 : i32
      %dma_start3A_107 = tpu.memref_slice %arg10[%scan3A_90, %dma_start3A_106] : memref<40x128xi32, #tpu.memory_space<vmem>> -> memref<1x128xi32, #tpu.memory_space<vmem>>
      %dma_start3A_108 = tpu.memref_squeeze %dma_start3A_107 : memref<1x128xi32, #tpu.memory_space<vmem>> -> memref<128xi32, #tpu.memory_space<vmem>>
      %dma_start3A_109 = tpu.memref_slice %arg4[%add3A_93] : memref<323584xi32, #tpu.memory_space<hbm>> -> memref<128xi32, #tpu.memory_space<hbm>>
      tpu.enqueue_dma source(%dma_start3A_109 : memref<128xi32, #tpu.memory_space<hbm>>) target(%dma_start3A_108 : memref<128xi32, #tpu.memory_space<vmem>>) target_semaphore(%arg11 : memref<!tpu.dma_semaphore, #tpu.memory_space<semaphore_mem>>)
    }
    %scan3A_56 = arith.constant 39 : i32
    %scan3A_57 = arith.constant 0 : i32
    %scan3A_58 = arith.constant 0 : i32
    %scan3A_59 = arith.constant 39 : i32
    %scan3A_60 = arith.addi %scan3A_58, %scan3A_59 : i32
    %scan3A_61 = arith.constant 1 : i32
    scf.for %scan3A_90 = %scan3A_58 to %scan3A_60 step %scan3A_61  : i32 {
      %dma_wait3A = arith.constant 0 : i32
      %dma_wait3A_91 = arith.constant 0 : i32
      %dma_wait3A_92 = tpu.memref_slice %arg9[%dma_wait3A, %dma_wait3A_91] : memref<40x128xi32, #tpu.memory_space<vmem>> -> memref<1x128xi32, #tpu.memory_space<vmem>>
      %dma_wait3A_93 = tpu.memref_squeeze %dma_wait3A_92 : memref<1x128xi32, #tpu.memory_space<vmem>> -> memref<128xi32, #tpu.memory_space<vmem>>
      %dma_wait3A_94 = arith.constant 0 : i32
      %dma_wait3A_95 = tpu.memref_slice %arg3[%dma_wait3A_94] : memref<323584xi32, #tpu.memory_space<hbm>> -> memref<128xi32, #tpu.memory_space<hbm>>
      %dma_wait3A_96 = arith.constant 0 : i32
      %dma_wait3A_97 = tpu.memref_slice %arg9[%dma_wait3A, %dma_wait3A_96] : memref<40x128xi32, #tpu.memory_space<vmem>> -> memref<1x128xi32, #tpu.memory_space<vmem>>
      %dma_wait3A_98 = tpu.memref_squeeze %dma_wait3A_97 : memref<1x128xi32, #tpu.memory_space<vmem>> -> memref<128xi32, #tpu.memory_space<vmem>>
      %dma_wait3A_99 = arith.constant 0 : i32
      %dma_wait3A_100 = tpu.memref_slice %arg3[%dma_wait3A_99] : memref<323584xi32, #tpu.memory_space<hbm>> -> memref<128xi32, #tpu.memory_space<hbm>>
      tpu.wait_dma2 semaphore(%arg11 : memref<!tpu.dma_semaphore, #tpu.memory_space<semaphore_mem>>) src(%dma_wait3A_100 : memref<128xi32, #tpu.memory_space<hbm>>) dst(%dma_wait3A_98 : memref<128xi32, #tpu.memory_space<vmem>>)
      %dma_wait3A_101 = arith.constant 0 : i32
      %dma_wait3A_102 = arith.constant 0 : i32
      %dma_wait3A_103 = tpu.memref_slice %arg10[%dma_wait3A_101, %dma_wait3A_102] : memref<40x128xi32, #tpu.memory_space<vmem>> -> memref<1x128xi32, #tpu.memory_space<vmem>>
      %dma_wait3A_104 = tpu.memref_squeeze %dma_wait3A_103 : memref<1x128xi32, #tpu.memory_space<vmem>> -> memref<128xi32, #tpu.memory_space<vmem>>
      %dma_wait3A_105 = arith.constant 0 : i32
      %dma_wait3A_106 = tpu.memref_slice %arg4[%dma_wait3A_105] : memref<323584xi32, #tpu.memory_space<hbm>> -> memref<128xi32, #tpu.memory_space<hbm>>
      %dma_wait3A_107 = arith.constant 0 : i32
      %dma_wait3A_108 = tpu.memref_slice %arg10[%dma_wait3A_101, %dma_wait3A_107] : memref<40x128xi32, #tpu.memory_space<vmem>> -> memref<1x128xi32, #tpu.memory_space<vmem>>
      %dma_wait3A_109 = tpu.memref_squeeze %dma_wait3A_108 : memref<1x128xi32, #tpu.memory_space<vmem>> -> memref<128xi32, #tpu.memory_space<vmem>>
      %dma_wait3A_110 = arith.constant 0 : i32
      %dma_wait3A_111 = tpu.memref_slice %arg4[%dma_wait3A_110] : memref<323584xi32, #tpu.memory_space<hbm>> -> memref<128xi32, #tpu.memory_space<hbm>>
      tpu.wait_dma2 semaphore(%arg11 : memref<!tpu.dma_semaphore, #tpu.memory_space<semaphore_mem>>) src(%dma_wait3A_111 : memref<128xi32, #tpu.memory_space<hbm>>) dst(%dma_wait3A_109 : memref<128xi32, #tpu.memory_space<vmem>>)
    }
    %scan3A_62 = arith.constant 39 : i32
    %dma_start3A_63 = arith.constant 0 : i32
    %dma_start3A_64 = arith.constant 0 : i32
    %dma_start3A_65 = tpu.memref_slice %arg9[%dma_start3A_63, %dma_start3A_64] : memref<40x128xi32, #tpu.memory_space<vmem>> -> memref<1x128xi32, #tpu.memory_space<vmem>>
    %dma_start3A_66 = tpu.memref_squeeze %dma_start3A_65 : memref<1x128xi32, #tpu.memory_space<vmem>> -> memref<128xi32, #tpu.memory_space<vmem>>
    %dma_start3A_67 = arith.constant 0 : i32
    %dma_start3A_68 = arith.constant 0 : i32
    %dma_start3A_69 = tpu.memref_slice %arg2[%dma_start3A_67, %dma_start3A_68] : memref<10000x128xf32, #tpu.memory_space<hbm>> -> memref<10000x128xf32, #tpu.memory_space<hbm>>
    tpu.enqueue_indirect_dma source(%dma_start3A_69 : memref<10000x128xf32, #tpu.memory_space<hbm>>) target(%arg7 : memref<128x128xf32, #tpu.memory_space<vmem>>) offsets(%dma_start3A_66 : memref<128xi32, #tpu.memory_space<vmem>>) semaphore(%arg12 : memref<!tpu.dma_semaphore, #tpu.memory_space<semaphore_mem>>)
    %dma_start3A_70 = arith.constant 1 : i32
    %dma_start3A_71 = arith.constant 0 : i32
    %dma_start3A_72 = tpu.memref_slice %arg9[%dma_start3A_70, %dma_start3A_71] : memref<40x128xi32, #tpu.memory_space<vmem>> -> memref<1x128xi32, #tpu.memory_space<vmem>>
    %dma_start3A_73 = tpu.memref_squeeze %dma_start3A_72 : memref<1x128xi32, #tpu.memory_space<vmem>> -> memref<128xi32, #tpu.memory_space<vmem>>
    %dma_start3A_74 = arith.constant 0 : i32
    %dma_start3A_75 = arith.constant 0 : i32
    %dma_start3A_76 = tpu.memref_slice %arg2[%dma_start3A_74, %dma_start3A_75] : memref<10000x128xf32, #tpu.memory_space<hbm>> -> memref<10000x128xf32, #tpu.memory_space<hbm>>
    tpu.enqueue_indirect_dma source(%dma_start3A_76 : memref<10000x128xf32, #tpu.memory_space<hbm>>) target(%arg8 : memref<128x128xf32, #tpu.memory_space<vmem>>) offsets(%dma_start3A_73 : memref<128xi32, #tpu.memory_space<vmem>>) semaphore(%arg13 : memref<!tpu.dma_semaphore, #tpu.memory_space<semaphore_mem>>)
    %scan3A_77 = arith.constant 0 : i32
    %scan3A_78 = arith.constant 0 : i32
    %scan3A_79 = arith.constant 20 : i32
    %scan3A_80 = arith.addi %scan3A_78, %scan3A_79 : i32
    %scan3A_81 = arith.constant 1 : i32
    scf.for %scan3A_90 = %scan3A_78 to %scan3A_80 step %scan3A_81  : i32 {
      %mul3A_91 = arith.constant 2 : i32
      %mul3A_92 = arith.muli %mul3A_91, %scan3A_90 : i32
      %dma_wait3A = arith.constant 0 : i32
      %dma_wait3A_93 = tpu.memref_slice %arg9[%mul3A_92, %dma_wait3A] : memref<40x128xi32, #tpu.memory_space<vmem>> -> memref<1x128xi32, #tpu.memory_space<vmem>>
      %dma_wait3A_94 = tpu.memref_squeeze %dma_wait3A_93 : memref<1x128xi32, #tpu.memory_space<vmem>> -> memref<128xi32, #tpu.memory_space<vmem>>
      %dma_wait3A_95 = arith.constant 0 : i32
      %dma_wait3A_96 = arith.constant 0 : i32
      %dma_wait3A_97 = tpu.memref_slice %arg2[%dma_wait3A_95, %dma_wait3A_96] : memref<10000x128xf32, #tpu.memory_space<hbm>> -> memref<10000x128xf32, #tpu.memory_space<hbm>>
      tpu.wait_indirect_dma semaphore(%arg12 : memref<!tpu.dma_semaphore, #tpu.memory_space<semaphore_mem>>) src(%dma_wait3A_97 : memref<10000x128xf32, #tpu.memory_space<hbm>>) dst(%arg7 : memref<128x128xf32, #tpu.memory_space<vmem>>)
      "tpu.region"() ({
        %run_scoped3A = tpu.sem_alloc : memref<!tpu.dma_semaphore, #tpu.memory_space<semaphore_mem>>
        %dma_start3A_122 = arith.constant 0 : i32
        %dma_start3A_123 = tpu.memref_slice %arg10[%mul3A_92, %dma_start3A_122] : memref<40x128xi32, #tpu.memory_space<vmem>> -> memref<1x128xi32, #tpu.memory_space<vmem>>
        %dma_start3A_124 = tpu.memref_squeeze %dma_start3A_123 : memref<1x128xi32, #tpu.memory_space<vmem>> -> memref<128xi32, #tpu.memory_space<vmem>>
        %dma_start3A_125 = arith.constant 0 : i32
        %dma_start3A_126 = arith.constant 0 : i32
        %dma_start3A_127 = tpu.memref_slice %arg6[%dma_start3A_125, %dma_start3A_126] : memref<10240x128xf32, #tpu.memory_space<vmem_shared>> -> memref<10240x128xf32, #tpu.memory_space<vmem_shared>>
        tpu.enqueue_indirect_dma source(%arg7 : memref<128x128xf32, #tpu.memory_space<vmem>>) target(%dma_start3A_127 : memref<10240x128xf32, #tpu.memory_space<vmem_shared>>) offsets(%dma_start3A_124 : memref<128xi32, #tpu.memory_space<vmem>>) semaphore(%run_scoped3A : memref<!tpu.dma_semaphore, #tpu.memory_space<semaphore_mem>>) {add = true}
        %dma_wait3A_128 = arith.constant 0 : i32
        %dma_wait3A_129 = tpu.memref_slice %arg10[%mul3A_92, %dma_wait3A_128] : memref<40x128xi32, #tpu.memory_space<vmem>> -> memref<1x128xi32, #tpu.memory_space<vmem>>
        %dma_wait3A_130 = tpu.memref_squeeze %dma_wait3A_129 : memref<1x128xi32, #tpu.memory_space<vmem>> -> memref<128xi32, #tpu.memory_space<vmem>>
        %dma_wait3A_131 = arith.constant 0 : i32
        %dma_wait3A_132 = arith.constant 0 : i32
        %dma_wait3A_133 = tpu.memref_slice %arg6[%dma_wait3A_131, %dma_wait3A_132] : memref<10240x128xf32, #tpu.memory_space<vmem_shared>> -> memref<10240x128xf32, #tpu.memory_space<vmem_shared>>
        tpu.wait_indirect_dma semaphore(%run_scoped3A : memref<!tpu.dma_semaphore, #tpu.memory_space<semaphore_mem>>) src(%arg7 : memref<128x128xf32, #tpu.memory_space<vmem>>) dst(%dma_wait3A_133 : memref<10240x128xf32, #tpu.memory_space<vmem_shared>>)
        tpu.yield
      }) : () -> ()
      %mul3A_98 = arith.constant 2 : i32
      %mul3A_99 = arith.muli %mul3A_98, %scan3A_90 : i32
      %add3A_100 = arith.constant 2 : i32
      %add3A_101 = arith.addi %mul3A_99, %add3A_100 : i32
      %lt3A = arith.constant 39 : i32
      %lt3A_102 = arith.cmpi slt, %add3A_101, %lt3A : i32
      %convert_element_type3A = arith.extui %lt3A_102 : i1 to i32
      %cond3A = arith.constant 0 : i32
      %cond3A_103 = arith.cmpi ne, %convert_element_type3A, %cond3A : i32
      scf.if %cond3A_103 {
        %mul3A_122 = arith.constant 2 : i32
        %mul3A_123 = arith.muli %mul3A_122, %scan3A_90 : i32
        %add3A_124 = arith.constant 2 : i32
        %add3A_125 = arith.addi %mul3A_123, %add3A_124 : i32
        %dma_start3A_126 = arith.constant 0 : i32
        %dma_start3A_127 = tpu.memref_slice %arg9[%add3A_125, %dma_start3A_126] : memref<40x128xi32, #tpu.memory_space<vmem>> -> memref<1x128xi32, #tpu.memory_space<vmem>>
        %dma_start3A_128 = tpu.memref_squeeze %dma_start3A_127 : memref<1x128xi32, #tpu.memory_space<vmem>> -> memref<128xi32, #tpu.memory_space<vmem>>
        %dma_start3A_129 = arith.constant 0 : i32
        %dma_start3A_130 = arith.constant 0 : i32
        %dma_start3A_131 = tpu.memref_slice %arg2[%dma_start3A_129, %dma_start3A_130] : memref<10000x128xf32, #tpu.memory_space<hbm>> -> memref<10000x128xf32, #tpu.memory_space<hbm>>
        tpu.enqueue_indirect_dma source(%dma_start3A_131 : memref<10000x128xf32, #tpu.memory_space<hbm>>) target(%arg7 : memref<128x128xf32, #tpu.memory_space<vmem>>) offsets(%dma_start3A_128 : memref<128xi32, #tpu.memory_space<vmem>>) semaphore(%arg12 : memref<!tpu.dma_semaphore, #tpu.memory_space<semaphore_mem>>)
      } else {
      }
      %mul3A_104 = arith.constant 2 : i32
      %mul3A_105 = arith.muli %mul3A_104, %scan3A_90 : i32
      %add3A_106 = arith.constant 1 : i32
      %add3A_107 = arith.addi %mul3A_105, %add3A_106 : i32
      %lt3A_108 = arith.constant 39 : i32
      %lt3A_109 = arith.cmpi slt, %add3A_107, %lt3A_108 : i32
      %convert_element_type3A_110 = arith.extui %lt3A_109 : i1 to i32
      %cond3A_111 = arith.constant 0 : i32
      %cond3A_112 = arith.cmpi ne, %convert_element_type3A_110, %cond3A_111 : i32
      scf.if %cond3A_112 {
        %mul3A_122 = arith.constant 2 : i32
        %mul3A_123 = arith.muli %mul3A_122, %scan3A_90 : i32
        %add3A_124 = arith.constant 1 : i32
        %add3A_125 = arith.addi %mul3A_123, %add3A_124 : i32
        %dma_wait3A_126 = arith.constant 0 : i32
        %dma_wait3A_127 = tpu.memref_slice %arg9[%add3A_125, %dma_wait3A_126] : memref<40x128xi32, #tpu.memory_space<vmem>> -> memref<1x128xi32, #tpu.memory_space<vmem>>
        %dma_wait3A_128 = tpu.memref_squeeze %dma_wait3A_127 : memref<1x128xi32, #tpu.memory_space<vmem>> -> memref<128xi32, #tpu.memory_space<vmem>>
        %dma_wait3A_129 = arith.constant 0 : i32
        %dma_wait3A_130 = arith.constant 0 : i32
        %dma_wait3A_131 = tpu.memref_slice %arg2[%dma_wait3A_129, %dma_wait3A_130] : memref<10000x128xf32, #tpu.memory_space<hbm>> -> memref<10000x128xf32, #tpu.memory_space<hbm>>
        tpu.wait_indirect_dma semaphore(%arg13 : memref<!tpu.dma_semaphore, #tpu.memory_space<semaphore_mem>>) src(%dma_wait3A_131 : memref<10000x128xf32, #tpu.memory_space<hbm>>) dst(%arg8 : memref<128x128xf32, #tpu.memory_space<vmem>>)
        "tpu.region"() ({
          %run_scoped3A = tpu.sem_alloc : memref<!tpu.dma_semaphore, #tpu.memory_space<semaphore_mem>>
          %dma_start3A_132 = arith.constant 0 : i32
          %dma_start3A_133 = tpu.memref_slice %arg10[%add3A_125, %dma_start3A_132] : memref<40x128xi32, #tpu.memory_space<vmem>> -> memref<1x128xi32, #tpu.memory_space<vmem>>
          %dma_start3A_134 = tpu.memref_squeeze %dma_start3A_133 : memref<1x128xi32, #tpu.memory_space<vmem>> -> memref<128xi32, #tpu.memory_space<vmem>>
          %dma_start3A_135 = arith.constant 0 : i32
          %dma_start3A_136 = arith.constant 0 : i32
          %dma_start3A_137 = tpu.memref_slice %arg6[%dma_start3A_135, %dma_start3A_136] : memref<10240x128xf32, #tpu.memory_space<vmem_shared>> -> memref<10240x128xf32, #tpu.memory_space<vmem_shared>>
          tpu.enqueue_indirect_dma source(%arg8 : memref<128x128xf32, #tpu.memory_space<vmem>>) target(%dma_start3A_137 : memref<10240x128xf32, #tpu.memory_space<vmem_shared>>) offsets(%dma_start3A_134 : memref<128xi32, #tpu.memory_space<vmem>>) semaphore(%run_scoped3A : memref<!tpu.dma_semaphore, #tpu.memory_space<semaphore_mem>>) {add = true}
          %dma_wait3A_138 = arith.constant 0 : i32
          %dma_wait3A_139 = tpu.memref_slice %arg10[%add3A_125, %dma_wait3A_138] : memref<40x128xi32, #tpu.memory_space<vmem>> -> memref<1x128xi32, #tpu.memory_space<vmem>>
          %dma_wait3A_140 = tpu.memref_squeeze %dma_wait3A_139 : memref<1x128xi32, #tpu.memory_space<vmem>> -> memref<128xi32, #tpu.memory_space<vmem>>
          %dma_wait3A_141 = arith.constant 0 : i32
          %dma_wait3A_142 = arith.constant 0 : i32
          %dma_wait3A_143 = tpu.memref_slice %arg6[%dma_wait3A_141, %dma_wait3A_142] : memref<10240x128xf32, #tpu.memory_space<vmem_shared>> -> memref<10240x128xf32, #tpu.memory_space<vmem_shared>>
          tpu.wait_indirect_dma semaphore(%run_scoped3A : memref<!tpu.dma_semaphore, #tpu.memory_space<semaphore_mem>>) src(%arg8 : memref<128x128xf32, #tpu.memory_space<vmem>>) dst(%dma_wait3A_143 : memref<10240x128xf32, #tpu.memory_space<vmem_shared>>)
          tpu.yield
        }) : () -> ()
      } else {
      }
      %mul3A_113 = arith.constant 2 : i32
      %mul3A_114 = arith.muli %mul3A_113, %scan3A_90 : i32
      %add3A_115 = arith.constant 3 : i32
      %add3A_116 = arith.addi %mul3A_114, %add3A_115 : i32
      %lt3A_117 = arith.constant 39 : i32
      %lt3A_118 = arith.cmpi slt, %add3A_116, %lt3A_117 : i32
      %convert_element_type3A_119 = arith.extui %lt3A_118 : i1 to i32
      %cond3A_120 = arith.constant 0 : i32
      %cond3A_121 = arith.cmpi ne, %convert_element_type3A_119, %cond3A_120 : i32
      scf.if %cond3A_121 {
        %mul3A_122 = arith.constant 2 : i32
        %mul3A_123 = arith.muli %mul3A_122, %scan3A_90 : i32
        %add3A_124 = arith.constant 3 : i32
        %add3A_125 = arith.addi %mul3A_123, %add3A_124 : i32
        %dma_start3A_126 = arith.constant 0 : i32
        %dma_start3A_127 = tpu.memref_slice %arg9[%add3A_125, %dma_start3A_126] : memref<40x128xi32, #tpu.memory_space<vmem>> -> memref<1x128xi32, #tpu.memory_space<vmem>>
        %dma_start3A_128 = tpu.memref_squeeze %dma_start3A_127 : memref<1x128xi32, #tpu.memory_space<vmem>> -> memref<128xi32, #tpu.memory_space<vmem>>
        %dma_start3A_129 = arith.constant 0 : i32
        %dma_start3A_130 = arith.constant 0 : i32
        %dma_start3A_131 = tpu.memref_slice %arg2[%dma_start3A_129, %dma_start3A_130] : memref<10000x128xf32, #tpu.memory_space<hbm>> -> memref<10000x128xf32, #tpu.memory_space<hbm>>
        tpu.enqueue_indirect_dma source(%dma_start3A_131 : memref<10000x128xf32, #tpu.memory_space<hbm>>) target(%arg8 : memref<128x128xf32, #tpu.memory_space<vmem>>) offsets(%dma_start3A_128 : memref<128xi32, #tpu.memory_space<vmem>>) semaphore(%arg13 : memref<!tpu.dma_semaphore, #tpu.memory_space<semaphore_mem>>)
      } else {
      }
    }
    %scan3A_82 = arith.constant 20 : i32
    %barrier3A_83 = arith.constant 0 : index
    tpu.barrier barrier_id(%barrier3A_83)
    %scan3A_84 = arith.constant 0 : i32
    %scan3A_85 = arith.constant 0 : i32
    %scan3A_86 = arith.constant 5 : i32
    %scan3A_87 = arith.addi %scan3A_85, %scan3A_86 : i32
    %scan3A_88 = arith.constant 1 : i32
    scf.for %scan3A_90 = %scan3A_85 to %scan3A_87 step %scan3A_88  : i32 {
      %mul3A_91 = arith.constant 128 : i32
      %mul3A_92 = arith.muli %scan3A_90, %mul3A_91 : i32
      %add3A_93 = arith.addi %mul3A_4, %mul3A_92 : i32
      "tpu.region"() ({
        %run_scoped3A = tpu.sem_alloc : memref<!tpu.dma_semaphore, #tpu.memory_space<semaphore_mem>>
        %dma_start3A_94 = arith.constant 0 : i32
        %dma_start3A_95 = tpu.memref_slice %arg5[%arg0, %add3A_93, %dma_start3A_94] : memref<2x10240x128xf32, #tpu.memory_space<hbm>> -> memref<1x128x128xf32, #tpu.memory_space<hbm>>
        %dma_start3A_96 = tpu.memref_squeeze %dma_start3A_95 : memref<1x128x128xf32, #tpu.memory_space<hbm>> -> memref<128x128xf32, #tpu.memory_space<hbm>>
        %dma_start3A_97 = arith.constant 0 : i32
        %dma_start3A_98 = tpu.memref_slice %arg6[%add3A_93, %dma_start3A_97] : memref<10240x128xf32, #tpu.memory_space<vmem_shared>> -> memref<128x128xf32, #tpu.memory_space<vmem_shared>>
        tpu.enqueue_dma source(%dma_start3A_98 : memref<128x128xf32, #tpu.memory_space<vmem_shared>>) target(%dma_start3A_96 : memref<128x128xf32, #tpu.memory_space<hbm>>) target_semaphore(%run_scoped3A : memref<!tpu.dma_semaphore, #tpu.memory_space<semaphore_mem>>)
        %dma_wait3A = arith.constant 0 : i32
        %dma_wait3A_99 = tpu.memref_slice %arg5[%arg0, %add3A_93, %dma_wait3A] : memref<2x10240x128xf32, #tpu.memory_space<hbm>> -> memref<1x128x128xf32, #tpu.memory_space<hbm>>
        %dma_wait3A_100 = tpu.memref_squeeze %dma_wait3A_99 : memref<1x128x128xf32, #tpu.memory_space<hbm>> -> memref<128x128xf32, #tpu.memory_space<hbm>>
        %dma_wait3A_101 = arith.constant 0 : i32
        %dma_wait3A_102 = tpu.memref_slice %arg6[%add3A_93, %dma_wait3A_101] : memref<10240x128xf32, #tpu.memory_space<vmem_shared>> -> memref<128x128xf32, #tpu.memory_space<vmem_shared>>
        tpu.wait_dma2 semaphore(%run_scoped3A : memref<!tpu.dma_semaphore, #tpu.memory_space<semaphore_mem>>) src(%dma_wait3A_102 : memref<128x128xf32, #tpu.memory_space<vmem_shared>>) dst(%dma_wait3A_100 : memref<128x128xf32, #tpu.memory_space<hbm>>)
        tpu.yield
      }) : () -> ()
    }
    %scan3A_89 = arith.constant 5 : i32
    return
  }
}

#map = affine_map<(d0, d1) -> (0, 0)>
#map1 = affine_map<(d0, d1) -> (0)>
module attributes {stable_mosaic.version = 14 : i64} {
  func.func @k(%arg0: i32, %arg1: i32, %arg2: memref<10000x128xf32, #tpu.memory_space<hbm>>, %arg3: memref<10000x128xf32, #tpu.memory_space<hbm>>, %arg4: memref<323584xi32, #tpu.memory_space<hbm>>, %arg5: memref<323584xi32, #tpu.memory_space<hbm>>, %arg6: memref<323584x128xf32, #tpu.memory_space<hbm>>, %arg7: memref<128x128xf32, #tpu.memory_space<vmem>>, %arg8: memref<128x128xf32, #tpu.memory_space<vmem>>, %arg9: memref<128x128xf32, #tpu.memory_space<vmem>>, %arg10: memref<128x128xf32, #tpu.memory_space<vmem>>, %arg11: memref<79x128xi32, #tpu.memory_space<vmem>>, %arg12: memref<79x128xi32, #tpu.memory_space<vmem>>, %arg13: memref<!tpu.dma_semaphore, #tpu.memory_space<semaphore_mem>>, %arg14: memref<!tpu.dma_semaphore, #tpu.memory_space<semaphore_mem>>, %arg15: memref<!tpu.dma_semaphore, #tpu.memory_space<semaphore_mem>>) attributes {dimension_semantics = [#tpu.dimension_semantics<core_parallel>, #tpu.dimension_semantics<subcore_parallel>], iteration_bounds = array<i64: 2, 16>, scalar_prefetch = 0 : i64, scratch_operands = 9 : i64, tpu.core_type = #tpu.core_type<sc_vector_subcore>, window_params = [{transform_indices = #map}, {transform_indices = #map}, {transform_indices = #map1}, {transform_indices = #map1}, {transform_indices = #map}]} {
    %mul3A = arith.constant 16 : i32
    %mul3A_0 = arith.muli %arg0, %mul3A : i32
    %add3A = arith.addi %mul3A_0, %arg1 : i32
    %mul3A_1 = arith.constant 10112 : i32
    %mul3A_2 = arith.muli %add3A, %mul3A_1 : i32
    %scan3A = arith.constant 0 : i32
    %scan3A_3 = arith.constant 0 : i32
    %scan3A_4 = arith.constant 79 : i32
    %scan3A_5 = arith.addi %scan3A_3, %scan3A_4 : i32
    %scan3A_6 = arith.constant 1 : i32
    scf.for %scan3A_33 = %scan3A_3 to %scan3A_5 step %scan3A_6  : i32 {
      %mul3A_34 = arith.constant 128 : i32
      %mul3A_35 = arith.muli %scan3A_33, %mul3A_34 : i32
      %add3A_36 = arith.addi %mul3A_2, %mul3A_35 : i32
      %dma_start3A_37 = arith.constant 0 : i32
      %dma_start3A_38 = tpu.memref_slice %arg11[%scan3A_33, %dma_start3A_37] : memref<79x128xi32, #tpu.memory_space<vmem>> -> memref<1x128xi32, #tpu.memory_space<vmem>>
      %dma_start3A_39 = tpu.memref_squeeze %dma_start3A_38 : memref<1x128xi32, #tpu.memory_space<vmem>> -> memref<128xi32, #tpu.memory_space<vmem>>
      %dma_start3A_40 = tpu.memref_slice %arg4[%add3A_36] : memref<323584xi32, #tpu.memory_space<hbm>> -> memref<128xi32, #tpu.memory_space<hbm>>
      %dma_start3A_41 = arith.constant 0 : i32
      %dma_start3A_42 = tpu.memref_slice %arg11[%scan3A_33, %dma_start3A_41] : memref<79x128xi32, #tpu.memory_space<vmem>> -> memref<1x128xi32, #tpu.memory_space<vmem>>
      %dma_start3A_43 = tpu.memref_squeeze %dma_start3A_42 : memref<1x128xi32, #tpu.memory_space<vmem>> -> memref<128xi32, #tpu.memory_space<vmem>>
      %dma_start3A_44 = tpu.memref_slice %arg4[%add3A_36] : memref<323584xi32, #tpu.memory_space<hbm>> -> memref<128xi32, #tpu.memory_space<hbm>>
      tpu.enqueue_dma source(%dma_start3A_44 : memref<128xi32, #tpu.memory_space<hbm>>) target(%dma_start3A_43 : memref<128xi32, #tpu.memory_space<vmem>>) target_semaphore(%arg13 : memref<!tpu.dma_semaphore, #tpu.memory_space<semaphore_mem>>)
      %dma_start3A_45 = arith.constant 0 : i32
      %dma_start3A_46 = tpu.memref_slice %arg12[%scan3A_33, %dma_start3A_45] : memref<79x128xi32, #tpu.memory_space<vmem>> -> memref<1x128xi32, #tpu.memory_space<vmem>>
      %dma_start3A_47 = tpu.memref_squeeze %dma_start3A_46 : memref<1x128xi32, #tpu.memory_space<vmem>> -> memref<128xi32, #tpu.memory_space<vmem>>
      %dma_start3A_48 = tpu.memref_slice %arg5[%add3A_36] : memref<323584xi32, #tpu.memory_space<hbm>> -> memref<128xi32, #tpu.memory_space<hbm>>
      %dma_start3A_49 = arith.constant 0 : i32
      %dma_start3A_50 = tpu.memref_slice %arg12[%scan3A_33, %dma_start3A_49] : memref<79x128xi32, #tpu.memory_space<vmem>> -> memref<1x128xi32, #tpu.memory_space<vmem>>
      %dma_start3A_51 = tpu.memref_squeeze %dma_start3A_50 : memref<1x128xi32, #tpu.memory_space<vmem>> -> memref<128xi32, #tpu.memory_space<vmem>>
      %dma_start3A_52 = tpu.memref_slice %arg5[%add3A_36] : memref<323584xi32, #tpu.memory_space<hbm>> -> memref<128xi32, #tpu.memory_space<hbm>>
      tpu.enqueue_dma source(%dma_start3A_52 : memref<128xi32, #tpu.memory_space<hbm>>) target(%dma_start3A_51 : memref<128xi32, #tpu.memory_space<vmem>>) target_semaphore(%arg13 : memref<!tpu.dma_semaphore, #tpu.memory_space<semaphore_mem>>)
    }
    %scan3A_7 = arith.constant 79 : i32
    %scan3A_8 = arith.constant 0 : i32
    %scan3A_9 = arith.constant 0 : i32
    %scan3A_10 = arith.constant 79 : i32
    %scan3A_11 = arith.addi %scan3A_9, %scan3A_10 : i32
    %scan3A_12 = arith.constant 1 : i32
    scf.for %scan3A_33 = %scan3A_9 to %scan3A_11 step %scan3A_12  : i32 {
      %dma_wait3A = arith.constant 0 : i32
      %dma_wait3A_34 = arith.constant 0 : i32
      %dma_wait3A_35 = tpu.memref_slice %arg11[%dma_wait3A, %dma_wait3A_34] : memref<79x128xi32, #tpu.memory_space<vmem>> -> memref<1x128xi32, #tpu.memory_space<vmem>>
      %dma_wait3A_36 = tpu.memref_squeeze %dma_wait3A_35 : memref<1x128xi32, #tpu.memory_space<vmem>> -> memref<128xi32, #tpu.memory_space<vmem>>
      %dma_wait3A_37 = arith.constant 0 : i32
      %dma_wait3A_38 = tpu.memref_slice %arg4[%dma_wait3A_37] : memref<323584xi32, #tpu.memory_space<hbm>> -> memref<128xi32, #tpu.memory_space<hbm>>
      %dma_wait3A_39 = arith.constant 0 : i32
      %dma_wait3A_40 = tpu.memref_slice %arg11[%dma_wait3A, %dma_wait3A_39] : memref<79x128xi32, #tpu.memory_space<vmem>> -> memref<1x128xi32, #tpu.memory_space<vmem>>
      %dma_wait3A_41 = tpu.memref_squeeze %dma_wait3A_40 : memref<1x128xi32, #tpu.memory_space<vmem>> -> memref<128xi32, #tpu.memory_space<vmem>>
      %dma_wait3A_42 = arith.constant 0 : i32
      %dma_wait3A_43 = tpu.memref_slice %arg4[%dma_wait3A_42] : memref<323584xi32, #tpu.memory_space<hbm>> -> memref<128xi32, #tpu.memory_space<hbm>>
      tpu.wait_dma2 semaphore(%arg13 : memref<!tpu.dma_semaphore, #tpu.memory_space<semaphore_mem>>) src(%dma_wait3A_43 : memref<128xi32, #tpu.memory_space<hbm>>) dst(%dma_wait3A_41 : memref<128xi32, #tpu.memory_space<vmem>>)
      %dma_wait3A_44 = arith.constant 0 : i32
      %dma_wait3A_45 = arith.constant 0 : i32
      %dma_wait3A_46 = tpu.memref_slice %arg12[%dma_wait3A_44, %dma_wait3A_45] : memref<79x128xi32, #tpu.memory_space<vmem>> -> memref<1x128xi32, #tpu.memory_space<vmem>>
      %dma_wait3A_47 = tpu.memref_squeeze %dma_wait3A_46 : memref<1x128xi32, #tpu.memory_space<vmem>> -> memref<128xi32, #tpu.memory_space<vmem>>
      %dma_wait3A_48 = arith.constant 0 : i32
      %dma_wait3A_49 = tpu.memref_slice %arg5[%dma_wait3A_48] : memref<323584xi32, #tpu.memory_space<hbm>> -> memref<128xi32, #tpu.memory_space<hbm>>
      %dma_wait3A_50 = arith.constant 0 : i32
      %dma_wait3A_51 = tpu.memref_slice %arg12[%dma_wait3A_44, %dma_wait3A_50] : memref<79x128xi32, #tpu.memory_space<vmem>> -> memref<1x128xi32, #tpu.memory_space<vmem>>
      %dma_wait3A_52 = tpu.memref_squeeze %dma_wait3A_51 : memref<1x128xi32, #tpu.memory_space<vmem>> -> memref<128xi32, #tpu.memory_space<vmem>>
      %dma_wait3A_53 = arith.constant 0 : i32
      %dma_wait3A_54 = tpu.memref_slice %arg5[%dma_wait3A_53] : memref<323584xi32, #tpu.memory_space<hbm>> -> memref<128xi32, #tpu.memory_space<hbm>>
      tpu.wait_dma2 semaphore(%arg13 : memref<!tpu.dma_semaphore, #tpu.memory_space<semaphore_mem>>) src(%dma_wait3A_54 : memref<128xi32, #tpu.memory_space<hbm>>) dst(%dma_wait3A_52 : memref<128xi32, #tpu.memory_space<vmem>>)
    }
    %scan3A_13 = arith.constant 79 : i32
    %dma_start3A = arith.constant 0 : i32
    %dma_start3A_14 = arith.constant 0 : i32
    %dma_start3A_15 = tpu.memref_slice %arg11[%dma_start3A, %dma_start3A_14] : memref<79x128xi32, #tpu.memory_space<vmem>> -> memref<1x128xi32, #tpu.memory_space<vmem>>
    %dma_start3A_16 = tpu.memref_squeeze %dma_start3A_15 : memref<1x128xi32, #tpu.memory_space<vmem>> -> memref<128xi32, #tpu.memory_space<vmem>>
    %dma_start3A_17 = arith.constant 0 : i32
    %dma_start3A_18 = arith.constant 0 : i32
    %dma_start3A_19 = tpu.memref_slice %arg2[%dma_start3A_17, %dma_start3A_18] : memref<10000x128xf32, #tpu.memory_space<hbm>> -> memref<10000x128xf32, #tpu.memory_space<hbm>>
    tpu.enqueue_indirect_dma source(%dma_start3A_19 : memref<10000x128xf32, #tpu.memory_space<hbm>>) target(%arg7 : memref<128x128xf32, #tpu.memory_space<vmem>>) offsets(%dma_start3A_16 : memref<128xi32, #tpu.memory_space<vmem>>) semaphore(%arg14 : memref<!tpu.dma_semaphore, #tpu.memory_space<semaphore_mem>>)
    %dma_start3A_20 = arith.constant 0 : i32
    %dma_start3A_21 = arith.constant 0 : i32
    %dma_start3A_22 = tpu.memref_slice %arg12[%dma_start3A_20, %dma_start3A_21] : memref<79x128xi32, #tpu.memory_space<vmem>> -> memref<1x128xi32, #tpu.memory_space<vmem>>
    %dma_start3A_23 = tpu.memref_squeeze %dma_start3A_22 : memref<1x128xi32, #tpu.memory_space<vmem>> -> memref<128xi32, #tpu.memory_space<vmem>>
    %dma_start3A_24 = arith.constant 0 : i32
    %dma_start3A_25 = arith.constant 0 : i32
    %dma_start3A_26 = tpu.memref_slice %arg3[%dma_start3A_24, %dma_start3A_25] : memref<10000x128xf32, #tpu.memory_space<hbm>> -> memref<10000x128xf32, #tpu.memory_space<hbm>>
    tpu.enqueue_indirect_dma source(%dma_start3A_26 : memref<10000x128xf32, #tpu.memory_space<hbm>>) target(%arg8 : memref<128x128xf32, #tpu.memory_space<vmem>>) offsets(%dma_start3A_23 : memref<128xi32, #tpu.memory_space<vmem>>) semaphore(%arg14 : memref<!tpu.dma_semaphore, #tpu.memory_space<semaphore_mem>>)
    %scan3A_27 = arith.constant 0 : i32
    %scan3A_28 = arith.constant 0 : i32
    %scan3A_29 = arith.constant 40 : i32
    %scan3A_30 = arith.addi %scan3A_28, %scan3A_29 : i32
    %scan3A_31 = arith.constant 1 : i32
    scf.for %scan3A_33 = %scan3A_28 to %scan3A_30 step %scan3A_31  : i32 {
      %mul3A_34 = arith.constant 2 : i32
      %mul3A_35 = arith.muli %mul3A_34, %scan3A_33 : i32
      %add3A_36 = arith.constant 1 : i32
      %add3A_37 = arith.addi %mul3A_35, %add3A_36 : i32
      %lt3A = arith.constant 79 : i32
      %lt3A_38 = arith.cmpi slt, %add3A_37, %lt3A : i32
      %convert_element_type3A = arith.extui %lt3A_38 : i1 to i32
      %cond3A = arith.constant 0 : i32
      %cond3A_39 = arith.cmpi ne, %convert_element_type3A, %cond3A : i32
      scf.if %cond3A_39 {
        %mul3A_80 = arith.constant 2 : i32
        %mul3A_81 = arith.muli %mul3A_80, %scan3A_33 : i32
        %add3A_82 = arith.constant 1 : i32
        %add3A_83 = arith.addi %mul3A_81, %add3A_82 : i32
        %dma_start3A_84 = arith.constant 0 : i32
        %dma_start3A_85 = tpu.memref_slice %arg11[%add3A_83, %dma_start3A_84] : memref<79x128xi32, #tpu.memory_space<vmem>> -> memref<1x128xi32, #tpu.memory_space<vmem>>
        %dma_start3A_86 = tpu.memref_squeeze %dma_start3A_85 : memref<1x128xi32, #tpu.memory_space<vmem>> -> memref<128xi32, #tpu.memory_space<vmem>>
        %dma_start3A_87 = arith.constant 0 : i32
        %dma_start3A_88 = arith.constant 0 : i32
        %dma_start3A_89 = tpu.memref_slice %arg2[%dma_start3A_87, %dma_start3A_88] : memref<10000x128xf32, #tpu.memory_space<hbm>> -> memref<10000x128xf32, #tpu.memory_space<hbm>>
        tpu.enqueue_indirect_dma source(%dma_start3A_89 : memref<10000x128xf32, #tpu.memory_space<hbm>>) target(%arg9 : memref<128x128xf32, #tpu.memory_space<vmem>>) offsets(%dma_start3A_86 : memref<128xi32, #tpu.memory_space<vmem>>) semaphore(%arg15 : memref<!tpu.dma_semaphore, #tpu.memory_space<semaphore_mem>>)
        %dma_start3A_90 = arith.constant 0 : i32
        %dma_start3A_91 = tpu.memref_slice %arg12[%add3A_83, %dma_start3A_90] : memref<79x128xi32, #tpu.memory_space<vmem>> -> memref<1x128xi32, #tpu.memory_space<vmem>>
        %dma_start3A_92 = tpu.memref_squeeze %dma_start3A_91 : memref<1x128xi32, #tpu.memory_space<vmem>> -> memref<128xi32, #tpu.memory_space<vmem>>
        %dma_start3A_93 = arith.constant 0 : i32
        %dma_start3A_94 = arith.constant 0 : i32
        %dma_start3A_95 = tpu.memref_slice %arg3[%dma_start3A_93, %dma_start3A_94] : memref<10000x128xf32, #tpu.memory_space<hbm>> -> memref<10000x128xf32, #tpu.memory_space<hbm>>
        tpu.enqueue_indirect_dma source(%dma_start3A_95 : memref<10000x128xf32, #tpu.memory_space<hbm>>) target(%arg10 : memref<128x128xf32, #tpu.memory_space<vmem>>) offsets(%dma_start3A_92 : memref<128xi32, #tpu.memory_space<vmem>>) semaphore(%arg15 : memref<!tpu.dma_semaphore, #tpu.memory_space<semaphore_mem>>)
      } else {
      }
      %mul3A_40 = arith.constant 2 : i32
      %mul3A_41 = arith.muli %mul3A_40, %scan3A_33 : i32
      %dma_wait3A = arith.constant 0 : i32
      %dma_wait3A_42 = tpu.memref_slice %arg11[%mul3A_41, %dma_wait3A] : memref<79x128xi32, #tpu.memory_space<vmem>> -> memref<1x128xi32, #tpu.memory_space<vmem>>
      %dma_wait3A_43 = tpu.memref_squeeze %dma_wait3A_42 : memref<1x128xi32, #tpu.memory_space<vmem>> -> memref<128xi32, #tpu.memory_space<vmem>>
      %dma_wait3A_44 = arith.constant 0 : i32
      %dma_wait3A_45 = arith.constant 0 : i32
      %dma_wait3A_46 = tpu.memref_slice %arg2[%dma_wait3A_44, %dma_wait3A_45] : memref<10000x128xf32, #tpu.memory_space<hbm>> -> memref<10000x128xf32, #tpu.memory_space<hbm>>
      tpu.wait_indirect_dma semaphore(%arg14 : memref<!tpu.dma_semaphore, #tpu.memory_space<semaphore_mem>>) src(%dma_wait3A_46 : memref<10000x128xf32, #tpu.memory_space<hbm>>) dst(%arg7 : memref<128x128xf32, #tpu.memory_space<vmem>>)
      %dma_wait3A_47 = arith.constant 0 : i32
      %dma_wait3A_48 = tpu.memref_slice %arg11[%mul3A_41, %dma_wait3A_47] : memref<79x128xi32, #tpu.memory_space<vmem>> -> memref<1x128xi32, #tpu.memory_space<vmem>>
      %dma_wait3A_49 = tpu.memref_squeeze %dma_wait3A_48 : memref<1x128xi32, #tpu.memory_space<vmem>> -> memref<128xi32, #tpu.memory_space<vmem>>
      %dma_wait3A_50 = arith.constant 0 : i32
      %dma_wait3A_51 = arith.constant 0 : i32
      %dma_wait3A_52 = tpu.memref_slice %arg2[%dma_wait3A_50, %dma_wait3A_51] : memref<10000x128xf32, #tpu.memory_space<hbm>> -> memref<10000x128xf32, #tpu.memory_space<hbm>>
      tpu.wait_indirect_dma semaphore(%arg14 : memref<!tpu.dma_semaphore, #tpu.memory_space<semaphore_mem>>) src(%dma_wait3A_52 : memref<10000x128xf32, #tpu.memory_space<hbm>>) dst(%arg8 : memref<128x128xf32, #tpu.memory_space<vmem>>)
      %scan3A_53 = arith.constant 0 : i32
      %scan3A_54 = arith.constant 0 : i32
      %scan3A_55 = arith.constant 128 : i32
      %scan3A_56 = arith.addi %scan3A_54, %scan3A_55 : i32
      %scan3A_57 = arith.constant 1 : i32
      scf.for %scan3A_80 = %scan3A_54 to %scan3A_56 step %scan3A_57  : i32 {
        %get3A = arith.index_cast %scan3A_80 : i32 to index
        %get3A_81 = arith.constant 0 : index
        %get3A_82 = tpu.vector_load %arg7[%get3A, %get3A_81] {strides = array<i32>} : memref<128x128xf32, #tpu.memory_space<vmem>>, vector<1x16xf32>,
        %get3A_83 = vector.shape_cast %get3A_82 : vector<1x16xf32> to vector<16xf32>
        %get3A_84 = arith.index_cast %scan3A_80 : i32 to index
        %get3A_85 = arith.constant 0 : index
        %get3A_86 = tpu.vector_load %arg8[%get3A_84, %get3A_85] {strides = array<i32>} : memref<128x128xf32, #tpu.memory_space<vmem>>, vector<1x16xf32>,
        %get3A_87 = vector.shape_cast %get3A_86 : vector<1x16xf32> to vector<16xf32>
        %add3A_88 = arith.addf %get3A_83, %get3A_87 : vector<16xf32>
        %swap3A = arith.index_cast %scan3A_80 : i32 to index
        %swap3A_89 = arith.constant 0 : index
        %swap3A_90 = tpu.vector_load %arg7[%swap3A, %swap3A_89] {strides = array<i32>} : memref<128x128xf32, #tpu.memory_space<vmem>>, vector<1x16xf32>,
        %swap3A_91 = vector.shape_cast %swap3A_90 : vector<1x16xf32> to vector<16xf32>
        %swap3A_92 = vector.shape_cast %add3A_88 : vector<16xf32> to vector<1x16xf32>
        tpu.vector_store %arg7[%swap3A, %swap3A_89], %swap3A_92 {strides = array<i32>} : memref<128x128xf32, #tpu.memory_space<vmem>>, vector<1x16xf32>,
        %get3A_93 = arith.index_cast %scan3A_80 : i32 to index
        %get3A_94 = arith.constant 16 : index
        %get3A_95 = tpu.vector_load %arg7[%get3A_93, %get3A_94] {strides = array<i32>} : memref<128x128xf32, #tpu.memory_space<vmem>>, vector<1x16xf32>,
        %get3A_96 = vector.shape_cast %get3A_95 : vector<1x16xf32> to vector<16xf32>
        %get3A_97 = arith.index_cast %scan3A_80 : i32 to index
        %get3A_98 = arith.constant 16 : index
        %get3A_99 = tpu.vector_load %arg8[%get3A_97, %get3A_98] {strides = array<i32>} : memref<128x128xf32, #tpu.memory_space<vmem>>, vector<1x16xf32>,
        %get3A_100 = vector.shape_cast %get3A_99 : vector<1x16xf32> to vector<16xf32>
        %add3A_101 = arith.addf %get3A_96, %get3A_100 : vector<16xf32>
        %swap3A_102 = arith.index_cast %scan3A_80 : i32 to index
        %swap3A_103 = arith.constant 16 : index
        %swap3A_104 = tpu.vector_load %arg7[%swap3A_102, %swap3A_103] {strides = array<i32>} : memref<128x128xf32, #tpu.memory_space<vmem>>, vector<1x16xf32>,
        %swap3A_105 = vector.shape_cast %swap3A_104 : vector<1x16xf32> to vector<16xf32>
        %swap3A_106 = vector.shape_cast %add3A_101 : vector<16xf32> to vector<1x16xf32>
        tpu.vector_store %arg7[%swap3A_102, %swap3A_103], %swap3A_106 {strides = array<i32>} : memref<128x128xf32, #tpu.memory_space<vmem>>, vector<1x16xf32>,
        %get3A_107 = arith.index_cast %scan3A_80 : i32 to index
        %get3A_108 = arith.constant 32 : index
        %get3A_109 = tpu.vector_load %arg7[%get3A_107, %get3A_108] {strides = array<i32>} : memref<128x128xf32, #tpu.memory_space<vmem>>, vector<1x16xf32>,
        %get3A_110 = vector.shape_cast %get3A_109 : vector<1x16xf32> to vector<16xf32>
        %get3A_111 = arith.index_cast %scan3A_80 : i32 to index
        %get3A_112 = arith.constant 32 : index
        %get3A_113 = tpu.vector_load %arg8[%get3A_111, %get3A_112] {strides = array<i32>} : memref<128x128xf32, #tpu.memory_space<vmem>>, vector<1x16xf32>,
        %get3A_114 = vector.shape_cast %get3A_113 : vector<1x16xf32> to vector<16xf32>
        %add3A_115 = arith.addf %get3A_110, %get3A_114 : vector<16xf32>
        %swap3A_116 = arith.index_cast %scan3A_80 : i32 to index
        %swap3A_117 = arith.constant 32 : index
        %swap3A_118 = tpu.vector_load %arg7[%swap3A_116, %swap3A_117] {strides = array<i32>} : memref<128x128xf32, #tpu.memory_space<vmem>>, vector<1x16xf32>,
        %swap3A_119 = vector.shape_cast %swap3A_118 : vector<1x16xf32> to vector<16xf32>
        %swap3A_120 = vector.shape_cast %add3A_115 : vector<16xf32> to vector<1x16xf32>
        tpu.vector_store %arg7[%swap3A_116, %swap3A_117], %swap3A_120 {strides = array<i32>} : memref<128x128xf32, #tpu.memory_space<vmem>>, vector<1x16xf32>,
        %get3A_121 = arith.index_cast %scan3A_80 : i32 to index
        %get3A_122 = arith.constant 48 : index
        %get3A_123 = tpu.vector_load %arg7[%get3A_121, %get3A_122] {strides = array<i32>} : memref<128x128xf32, #tpu.memory_space<vmem>>, vector<1x16xf32>,
        %get3A_124 = vector.shape_cast %get3A_123 : vector<1x16xf32> to vector<16xf32>
        %get3A_125 = arith.index_cast %scan3A_80 : i32 to index
        %get3A_126 = arith.constant 48 : index
        %get3A_127 = tpu.vector_load %arg8[%get3A_125, %get3A_126] {strides = array<i32>} : memref<128x128xf32, #tpu.memory_space<vmem>>, vector<1x16xf32>,
        %get3A_128 = vector.shape_cast %get3A_127 : vector<1x16xf32> to vector<16xf32>
        %add3A_129 = arith.addf %get3A_124, %get3A_128 : vector<16xf32>
        %swap3A_130 = arith.index_cast %scan3A_80 : i32 to index
        %swap3A_131 = arith.constant 48 : index
        %swap3A_132 = tpu.vector_load %arg7[%swap3A_130, %swap3A_131] {strides = array<i32>} : memref<128x128xf32, #tpu.memory_space<vmem>>, vector<1x16xf32>,
        %swap3A_133 = vector.shape_cast %swap3A_132 : vector<1x16xf32> to vector<16xf32>
        %swap3A_134 = vector.shape_cast %add3A_129 : vector<16xf32> to vector<1x16xf32>
        tpu.vector_store %arg7[%swap3A_130, %swap3A_131], %swap3A_134 {strides = array<i32>} : memref<128x128xf32, #tpu.memory_space<vmem>>, vector<1x16xf32>,
        %get3A_135 = arith.index_cast %scan3A_80 : i32 to index
        %get3A_136 = arith.constant 64 : index
        %get3A_137 = tpu.vector_load %arg7[%get3A_135, %get3A_136] {strides = array<i32>} : memref<128x128xf32, #tpu.memory_space<vmem>>, vector<1x16xf32>,
        %get3A_138 = vector.shape_cast %get3A_137 : vector<1x16xf32> to vector<16xf32>
        %get3A_139 = arith.index_cast %scan3A_80 : i32 to index
        %get3A_140 = arith.constant 64 : index
        %get3A_141 = tpu.vector_load %arg8[%get3A_139, %get3A_140] {strides = array<i32>} : memref<128x128xf32, #tpu.memory_space<vmem>>, vector<1x16xf32>,
        %get3A_142 = vector.shape_cast %get3A_141 : vector<1x16xf32> to vector<16xf32>
        %add3A_143 = arith.addf %get3A_138, %get3A_142 : vector<16xf32>
        %swap3A_144 = arith.index_cast %scan3A_80 : i32 to index
        %swap3A_145 = arith.constant 64 : index
        %swap3A_146 = tpu.vector_load %arg7[%swap3A_144, %swap3A_145] {strides = array<i32>} : memref<128x128xf32, #tpu.memory_space<vmem>>, vector<1x16xf32>,
        %swap3A_147 = vector.shape_cast %swap3A_146 : vector<1x16xf32> to vector<16xf32>
        %swap3A_148 = vector.shape_cast %add3A_143 : vector<16xf32> to vector<1x16xf32>
        tpu.vector_store %arg7[%swap3A_144, %swap3A_145], %swap3A_148 {strides = array<i32>} : memref<128x128xf32, #tpu.memory_space<vmem>>, vector<1x16xf32>,
        %get3A_149 = arith.index_cast %scan3A_80 : i32 to index
        %get3A_150 = arith.constant 80 : index
        %get3A_151 = tpu.vector_load %arg7[%get3A_149, %get3A_150] {strides = array<i32>} : memref<128x128xf32, #tpu.memory_space<vmem>>, vector<1x16xf32>,
        %get3A_152 = vector.shape_cast %get3A_151 : vector<1x16xf32> to vector<16xf32>
        %get3A_153 = arith.index_cast %scan3A_80 : i32 to index
        %get3A_154 = arith.constant 80 : index
        %get3A_155 = tpu.vector_load %arg8[%get3A_153, %get3A_154] {strides = array<i32>} : memref<128x128xf32, #tpu.memory_space<vmem>>, vector<1x16xf32>,
        %get3A_156 = vector.shape_cast %get3A_155 : vector<1x16xf32> to vector<16xf32>
        %add3A_157 = arith.addf %get3A_152, %get3A_156 : vector<16xf32>
        %swap3A_158 = arith.index_cast %scan3A_80 : i32 to index
        %swap3A_159 = arith.constant 80 : index
        %swap3A_160 = tpu.vector_load %arg7[%swap3A_158, %swap3A_159] {strides = array<i32>} : memref<128x128xf32, #tpu.memory_space<vmem>>, vector<1x16xf32>,
        %swap3A_161 = vector.shape_cast %swap3A_160 : vector<1x16xf32> to vector<16xf32>
        %swap3A_162 = vector.shape_cast %add3A_157 : vector<16xf32> to vector<1x16xf32>
        tpu.vector_store %arg7[%swap3A_158, %swap3A_159], %swap3A_162 {strides = array<i32>} : memref<128x128xf32, #tpu.memory_space<vmem>>, vector<1x16xf32>,
        %get3A_163 = arith.index_cast %scan3A_80 : i32 to index
        %get3A_164 = arith.constant 96 : index
        %get3A_165 = tpu.vector_load %arg7[%get3A_163, %get3A_164] {strides = array<i32>} : memref<128x128xf32, #tpu.memory_space<vmem>>, vector<1x16xf32>,
        %get3A_166 = vector.shape_cast %get3A_165 : vector<1x16xf32> to vector<16xf32>
        %get3A_167 = arith.index_cast %scan3A_80 : i32 to index
        %get3A_168 = arith.constant 96 : index
        %get3A_169 = tpu.vector_load %arg8[%get3A_167, %get3A_168] {strides = array<i32>} : memref<128x128xf32, #tpu.memory_space<vmem>>, vector<1x16xf32>,
        %get3A_170 = vector.shape_cast %get3A_169 : vector<1x16xf32> to vector<16xf32>
        %add3A_171 = arith.addf %get3A_166, %get3A_170 : vector<16xf32>
        %swap3A_172 = arith.index_cast %scan3A_80 : i32 to index
        %swap3A_173 = arith.constant 96 : index
        %swap3A_174 = tpu.vector_load %arg7[%swap3A_172, %swap3A_173] {strides = array<i32>} : memref<128x128xf32, #tpu.memory_space<vmem>>, vector<1x16xf32>,
        %swap3A_175 = vector.shape_cast %swap3A_174 : vector<1x16xf32> to vector<16xf32>
        %swap3A_176 = vector.shape_cast %add3A_171 : vector<16xf32> to vector<1x16xf32>
        tpu.vector_store %arg7[%swap3A_172, %swap3A_173], %swap3A_176 {strides = array<i32>} : memref<128x128xf32, #tpu.memory_space<vmem>>, vector<1x16xf32>,
        %get3A_177 = arith.index_cast %scan3A_80 : i32 to index
        %get3A_178 = arith.constant 112 : index
        %get3A_179 = tpu.vector_load %arg7[%get3A_177, %get3A_178] {strides = array<i32>} : memref<128x128xf32, #tpu.memory_space<vmem>>, vector<1x16xf32>,
        %get3A_180 = vector.shape_cast %get3A_179 : vector<1x16xf32> to vector<16xf32>
        %get3A_181 = arith.index_cast %scan3A_80 : i32 to index
        %get3A_182 = arith.constant 112 : index
        %get3A_183 = tpu.vector_load %arg8[%get3A_181, %get3A_182] {strides = array<i32>} : memref<128x128xf32, #tpu.memory_space<vmem>>, vector<1x16xf32>,
        %get3A_184 = vector.shape_cast %get3A_183 : vector<1x16xf32> to vector<16xf32>
        %add3A_185 = arith.addf %get3A_180, %get3A_184 : vector<16xf32>
        %swap3A_186 = arith.index_cast %scan3A_80 : i32 to index
        %swap3A_187 = arith.constant 112 : index
        %swap3A_188 = tpu.vector_load %arg7[%swap3A_186, %swap3A_187] {strides = array<i32>} : memref<128x128xf32, #tpu.memory_space<vmem>>, vector<1x16xf32>,
        %swap3A_189 = vector.shape_cast %swap3A_188 : vector<1x16xf32> to vector<16xf32>
        %swap3A_190 = vector.shape_cast %add3A_185 : vector<16xf32> to vector<1x16xf32>
        tpu.vector_store %arg7[%swap3A_186, %swap3A_187], %swap3A_190 {strides = array<i32>} : memref<128x128xf32, #tpu.memory_space<vmem>>, vector<1x16xf32>,
      }
      %scan3A_58 = arith.constant 128 : i32
      %mul3A_59 = arith.constant 128 : i32
      %mul3A_60 = arith.muli %mul3A_41, %mul3A_59 : i32
      %add3A_61 = arith.addi %mul3A_2, %mul3A_60 : i32
      "tpu.region"() ({
        %run_scoped3A = tpu.sem_alloc : memref<!tpu.dma_semaphore, #tpu.memory_space<semaphore_mem>>
        %dma_start3A_80 = arith.constant 0 : i32
        %dma_start3A_81 = tpu.memref_slice %arg6[%add3A_61, %dma_start3A_80] : memref<323584x128xf32, #tpu.memory_space<hbm>> -> memref<128x128xf32, #tpu.memory_space<hbm>>
        %dma_start3A_82 = arith.constant 0 : i32
        %dma_start3A_83 = tpu.memref_slice %arg6[%add3A_61, %dma_start3A_82] : memref<323584x128xf32, #tpu.memory_space<hbm>> -> memref<128x128xf32, #tpu.memory_space<hbm>>
        tpu.enqueue_dma source(%arg7 : memref<128x128xf32, #tpu.memory_space<vmem>>) target(%dma_start3A_83 : memref<128x128xf32, #tpu.memory_space<hbm>>) target_semaphore(%run_scoped3A : memref<!tpu.dma_semaphore, #tpu.memory_space<semaphore_mem>>)
        %dma_wait3A_84 = arith.constant 0 : i32
        %dma_wait3A_85 = tpu.memref_slice %arg6[%add3A_61, %dma_wait3A_84] : memref<323584x128xf32, #tpu.memory_space<hbm>> -> memref<128x128xf32, #tpu.memory_space<hbm>>
        %dma_wait3A_86 = arith.constant 0 : i32
        %dma_wait3A_87 = tpu.memref_slice %arg6[%add3A_61, %dma_wait3A_86] : memref<323584x128xf32, #tpu.memory_space<hbm>> -> memref<128x128xf32, #tpu.memory_space<hbm>>
        tpu.wait_dma2 semaphore(%run_scoped3A : memref<!tpu.dma_semaphore, #tpu.memory_space<semaphore_mem>>) src(%arg7 : memref<128x128xf32, #tpu.memory_space<vmem>>) dst(%dma_wait3A_87 : memref<128x128xf32, #tpu.memory_space<hbm>>)
        tpu.yield
      }) : () -> ()
      %mul3A_62 = arith.constant 2 : i32
      %mul3A_63 = arith.muli %mul3A_62, %scan3A_33 : i32
      %add3A_64 = arith.constant 2 : i32
      %add3A_65 = arith.addi %mul3A_63, %add3A_64 : i32
      %lt3A_66 = arith.constant 79 : i32
      %lt3A_67 = arith.cmpi slt, %add3A_65, %lt3A_66 : i32
      %convert_element_type3A_68 = arith.extui %lt3A_67 : i1 to i32
      %cond3A_69 = arith.constant 0 : i32
      %cond3A_70 = arith.cmpi ne, %convert_element_type3A_68, %cond3A_69 : i32
      scf.if %cond3A_70 {
        %mul3A_80 = arith.constant 2 : i32
        %mul3A_81 = arith.muli %mul3A_80, %scan3A_33 : i32
        %add3A_82 = arith.constant 2 : i32
        %add3A_83 = arith.addi %mul3A_81, %add3A_82 : i32
        %dma_start3A_84 = arith.constant 0 : i32
        %dma_start3A_85 = tpu.memref_slice %arg11[%add3A_83, %dma_start3A_84] : memref<79x128xi32, #tpu.memory_space<vmem>> -> memref<1x128xi32, #tpu.memory_space<vmem>>
        %dma_start3A_86 = tpu.memref_squeeze %dma_start3A_85 : memref<1x128xi32, #tpu.memory_space<vmem>> -> memref<128xi32, #tpu.memory_space<vmem>>
        %dma_start3A_87 = arith.constant 0 : i32
        %dma_start3A_88 = arith.constant 0 : i32
        %dma_start3A_89 = tpu.memref_slice %arg2[%dma_start3A_87, %dma_start3A_88] : memref<10000x128xf32, #tpu.memory_space<hbm>> -> memref<10000x128xf32, #tpu.memory_space<hbm>>
        tpu.enqueue_indirect_dma source(%dma_start3A_89 : memref<10000x128xf32, #tpu.memory_space<hbm>>) target(%arg7 : memref<128x128xf32, #tpu.memory_space<vmem>>) offsets(%dma_start3A_86 : memref<128xi32, #tpu.memory_space<vmem>>) semaphore(%arg14 : memref<!tpu.dma_semaphore, #tpu.memory_space<semaphore_mem>>)
        %dma_start3A_90 = arith.constant 0 : i32
        %dma_start3A_91 = tpu.memref_slice %arg12[%add3A_83, %dma_start3A_90] : memref<79x128xi32, #tpu.memory_space<vmem>> -> memref<1x128xi32, #tpu.memory_space<vmem>>
        %dma_start3A_92 = tpu.memref_squeeze %dma_start3A_91 : memref<1x128xi32, #tpu.memory_space<vmem>> -> memref<128xi32, #tpu.memory_space<vmem>>
        %dma_start3A_93 = arith.constant 0 : i32
        %dma_start3A_94 = arith.constant 0 : i32
        %dma_start3A_95 = tpu.memref_slice %arg3[%dma_start3A_93, %dma_start3A_94] : memref<10000x128xf32, #tpu.memory_space<hbm>> -> memref<10000x128xf32, #tpu.memory_space<hbm>>
        tpu.enqueue_indirect_dma source(%dma_start3A_95 : memref<10000x128xf32, #tpu.memory_space<hbm>>) target(%arg8 : memref<128x128xf32, #tpu.memory_space<vmem>>) offsets(%dma_start3A_92 : memref<128xi32, #tpu.memory_space<vmem>>) semaphore(%arg14 : memref<!tpu.dma_semaphore, #tpu.memory_space<semaphore_mem>>)
      } else {
      }
      %mul3A_71 = arith.constant 2 : i32
      %mul3A_72 = arith.muli %mul3A_71, %scan3A_33 : i32
      %add3A_73 = arith.constant 1 : i32
      %add3A_74 = arith.addi %mul3A_72, %add3A_73 : i32
      %lt3A_75 = arith.constant 79 : i32
      %lt3A_76 = arith.cmpi slt, %add3A_74, %lt3A_75 : i32
      %convert_element_type3A_77 = arith.extui %lt3A_76 : i1 to i32
      %cond3A_78 = arith.constant 0 : i32
      %cond3A_79 = arith.cmpi ne, %convert_element_type3A_77, %cond3A_78 : i32
      scf.if %cond3A_79 {
        %mul3A_80 = arith.constant 2 : i32
        %mul3A_81 = arith.muli %mul3A_80, %scan3A_33 : i32
        %add3A_82 = arith.constant 1 : i32
        %add3A_83 = arith.addi %mul3A_81, %add3A_82 : i32
        %dma_wait3A_84 = arith.constant 0 : i32
        %dma_wait3A_85 = tpu.memref_slice %arg11[%add3A_83, %dma_wait3A_84] : memref<79x128xi32, #tpu.memory_space<vmem>> -> memref<1x128xi32, #tpu.memory_space<vmem>>
        %dma_wait3A_86 = tpu.memref_squeeze %dma_wait3A_85 : memref<1x128xi32, #tpu.memory_space<vmem>> -> memref<128xi32, #tpu.memory_space<vmem>>
        %dma_wait3A_87 = arith.constant 0 : i32
        %dma_wait3A_88 = arith.constant 0 : i32
        %dma_wait3A_89 = tpu.memref_slice %arg2[%dma_wait3A_87, %dma_wait3A_88] : memref<10000x128xf32, #tpu.memory_space<hbm>> -> memref<10000x128xf32, #tpu.memory_space<hbm>>
        tpu.wait_indirect_dma semaphore(%arg15 : memref<!tpu.dma_semaphore, #tpu.memory_space<semaphore_mem>>) src(%dma_wait3A_89 : memref<10000x128xf32, #tpu.memory_space<hbm>>) dst(%arg9 : memref<128x128xf32, #tpu.memory_space<vmem>>)
        %dma_wait3A_90 = arith.constant 0 : i32
        %dma_wait3A_91 = tpu.memref_slice %arg11[%add3A_83, %dma_wait3A_90] : memref<79x128xi32, #tpu.memory_space<vmem>> -> memref<1x128xi32, #tpu.memory_space<vmem>>
        %dma_wait3A_92 = tpu.memref_squeeze %dma_wait3A_91 : memref<1x128xi32, #tpu.memory_space<vmem>> -> memref<128xi32, #tpu.memory_space<vmem>>
        %dma_wait3A_93 = arith.constant 0 : i32
        %dma_wait3A_94 = arith.constant 0 : i32
        %dma_wait3A_95 = tpu.memref_slice %arg2[%dma_wait3A_93, %dma_wait3A_94] : memref<10000x128xf32, #tpu.memory_space<hbm>> -> memref<10000x128xf32, #tpu.memory_space<hbm>>
        tpu.wait_indirect_dma semaphore(%arg15 : memref<!tpu.dma_semaphore, #tpu.memory_space<semaphore_mem>>) src(%dma_wait3A_95 : memref<10000x128xf32, #tpu.memory_space<hbm>>) dst(%arg10 : memref<128x128xf32, #tpu.memory_space<vmem>>)
        %scan3A_96 = arith.constant 0 : i32
        %scan3A_97 = arith.constant 0 : i32
        %scan3A_98 = arith.constant 128 : i32
        %scan3A_99 = arith.addi %scan3A_97, %scan3A_98 : i32
        %scan3A_100 = arith.constant 1 : i32
        scf.for %scan3A_105 = %scan3A_97 to %scan3A_99 step %scan3A_100  : i32 {
          %get3A = arith.index_cast %scan3A_105 : i32 to index
          %get3A_106 = arith.constant 0 : index
          %get3A_107 = tpu.vector_load %arg9[%get3A, %get3A_106] {strides = array<i32>} : memref<128x128xf32, #tpu.memory_space<vmem>>, vector<1x16xf32>,
          %get3A_108 = vector.shape_cast %get3A_107 : vector<1x16xf32> to vector<16xf32>
          %get3A_109 = arith.index_cast %scan3A_105 : i32 to index
          %get3A_110 = arith.constant 0 : index
          %get3A_111 = tpu.vector_load %arg10[%get3A_109, %get3A_110] {strides = array<i32>} : memref<128x128xf32, #tpu.memory_space<vmem>>, vector<1x16xf32>,
          %get3A_112 = vector.shape_cast %get3A_111 : vector<1x16xf32> to vector<16xf32>
          %add3A_113 = arith.addf %get3A_108, %get3A_112 : vector<16xf32>
          %swap3A = arith.index_cast %scan3A_105 : i32 to index
          %swap3A_114 = arith.constant 0 : index
          %swap3A_115 = tpu.vector_load %arg9[%swap3A, %swap3A_114] {strides = array<i32>} : memref<128x128xf32, #tpu.memory_space<vmem>>, vector<1x16xf32>,
          %swap3A_116 = vector.shape_cast %swap3A_115 : vector<1x16xf32> to vector<16xf32>
          %swap3A_117 = vector.shape_cast %add3A_113 : vector<16xf32> to vector<1x16xf32>
          tpu.vector_store %arg9[%swap3A, %swap3A_114], %swap3A_117 {strides = array<i32>} : memref<128x128xf32, #tpu.memory_space<vmem>>, vector<1x16xf32>,
          %get3A_118 = arith.index_cast %scan3A_105 : i32 to index
          %get3A_119 = arith.constant 16 : index
          %get3A_120 = tpu.vector_load %arg9[%get3A_118, %get3A_119] {strides = array<i32>} : memref<128x128xf32, #tpu.memory_space<vmem>>, vector<1x16xf32>,
          %get3A_121 = vector.shape_cast %get3A_120 : vector<1x16xf32> to vector<16xf32>
          %get3A_122 = arith.index_cast %scan3A_105 : i32 to index
          %get3A_123 = arith.constant 16 : index
          %get3A_124 = tpu.vector_load %arg10[%get3A_122, %get3A_123] {strides = array<i32>} : memref<128x128xf32, #tpu.memory_space<vmem>>, vector<1x16xf32>,
          %get3A_125 = vector.shape_cast %get3A_124 : vector<1x16xf32> to vector<16xf32>
          %add3A_126 = arith.addf %get3A_121, %get3A_125 : vector<16xf32>
          %swap3A_127 = arith.index_cast %scan3A_105 : i32 to index
          %swap3A_128 = arith.constant 16 : index
          %swap3A_129 = tpu.vector_load %arg9[%swap3A_127, %swap3A_128] {strides = array<i32>} : memref<128x128xf32, #tpu.memory_space<vmem>>, vector<1x16xf32>,
          %swap3A_130 = vector.shape_cast %swap3A_129 : vector<1x16xf32> to vector<16xf32>
          %swap3A_131 = vector.shape_cast %add3A_126 : vector<16xf32> to vector<1x16xf32>
          tpu.vector_store %arg9[%swap3A_127, %swap3A_128], %swap3A_131 {strides = array<i32>} : memref<128x128xf32, #tpu.memory_space<vmem>>, vector<1x16xf32>,
          %get3A_132 = arith.index_cast %scan3A_105 : i32 to index
          %get3A_133 = arith.constant 32 : index
          %get3A_134 = tpu.vector_load %arg9[%get3A_132, %get3A_133] {strides = array<i32>} : memref<128x128xf32, #tpu.memory_space<vmem>>, vector<1x16xf32>,
          %get3A_135 = vector.shape_cast %get3A_134 : vector<1x16xf32> to vector<16xf32>
          %get3A_136 = arith.index_cast %scan3A_105 : i32 to index
          %get3A_137 = arith.constant 32 : index
          %get3A_138 = tpu.vector_load %arg10[%get3A_136, %get3A_137] {strides = array<i32>} : memref<128x128xf32, #tpu.memory_space<vmem>>, vector<1x16xf32>,
          %get3A_139 = vector.shape_cast %get3A_138 : vector<1x16xf32> to vector<16xf32>
          %add3A_140 = arith.addf %get3A_135, %get3A_139 : vector<16xf32>
          %swap3A_141 = arith.index_cast %scan3A_105 : i32 to index
          %swap3A_142 = arith.constant 32 : index
          %swap3A_143 = tpu.vector_load %arg9[%swap3A_141, %swap3A_142] {strides = array<i32>} : memref<128x128xf32, #tpu.memory_space<vmem>>, vector<1x16xf32>,
          %swap3A_144 = vector.shape_cast %swap3A_143 : vector<1x16xf32> to vector<16xf32>
          %swap3A_145 = vector.shape_cast %add3A_140 : vector<16xf32> to vector<1x16xf32>
          tpu.vector_store %arg9[%swap3A_141, %swap3A_142], %swap3A_145 {strides = array<i32>} : memref<128x128xf32, #tpu.memory_space<vmem>>, vector<1x16xf32>,
          %get3A_146 = arith.index_cast %scan3A_105 : i32 to index
          %get3A_147 = arith.constant 48 : index
          %get3A_148 = tpu.vector_load %arg9[%get3A_146, %get3A_147] {strides = array<i32>} : memref<128x128xf32, #tpu.memory_space<vmem>>, vector<1x16xf32>,
          %get3A_149 = vector.shape_cast %get3A_148 : vector<1x16xf32> to vector<16xf32>
          %get3A_150 = arith.index_cast %scan3A_105 : i32 to index
          %get3A_151 = arith.constant 48 : index
          %get3A_152 = tpu.vector_load %arg10[%get3A_150, %get3A_151] {strides = array<i32>} : memref<128x128xf32, #tpu.memory_space<vmem>>, vector<1x16xf32>,
          %get3A_153 = vector.shape_cast %get3A_152 : vector<1x16xf32> to vector<16xf32>
          %add3A_154 = arith.addf %get3A_149, %get3A_153 : vector<16xf32>
          %swap3A_155 = arith.index_cast %scan3A_105 : i32 to index
          %swap3A_156 = arith.constant 48 : index
          %swap3A_157 = tpu.vector_load %arg9[%swap3A_155, %swap3A_156] {strides = array<i32>} : memref<128x128xf32, #tpu.memory_space<vmem>>, vector<1x16xf32>,
          %swap3A_158 = vector.shape_cast %swap3A_157 : vector<1x16xf32> to vector<16xf32>
          %swap3A_159 = vector.shape_cast %add3A_154 : vector<16xf32> to vector<1x16xf32>
          tpu.vector_store %arg9[%swap3A_155, %swap3A_156], %swap3A_159 {strides = array<i32>} : memref<128x128xf32, #tpu.memory_space<vmem>>, vector<1x16xf32>,
          %get3A_160 = arith.index_cast %scan3A_105 : i32 to index
          %get3A_161 = arith.constant 64 : index
          %get3A_162 = tpu.vector_load %arg9[%get3A_160, %get3A_161] {strides = array<i32>} : memref<128x128xf32, #tpu.memory_space<vmem>>, vector<1x16xf32>,
          %get3A_163 = vector.shape_cast %get3A_162 : vector<1x16xf32> to vector<16xf32>
          %get3A_164 = arith.index_cast %scan3A_105 : i32 to index
          %get3A_165 = arith.constant 64 : index
          %get3A_166 = tpu.vector_load %arg10[%get3A_164, %get3A_165] {strides = array<i32>} : memref<128x128xf32, #tpu.memory_space<vmem>>, vector<1x16xf32>,
          %get3A_167 = vector.shape_cast %get3A_166 : vector<1x16xf32> to vector<16xf32>
          %add3A_168 = arith.addf %get3A_163, %get3A_167 : vector<16xf32>
          %swap3A_169 = arith.index_cast %scan3A_105 : i32 to index
          %swap3A_170 = arith.constant 64 : index
          %swap3A_171 = tpu.vector_load %arg9[%swap3A_169, %swap3A_170] {strides = array<i32>} : memref<128x128xf32, #tpu.memory_space<vmem>>, vector<1x16xf32>,
          %swap3A_172 = vector.shape_cast %swap3A_171 : vector<1x16xf32> to vector<16xf32>
          %swap3A_173 = vector.shape_cast %add3A_168 : vector<16xf32> to vector<1x16xf32>
          tpu.vector_store %arg9[%swap3A_169, %swap3A_170], %swap3A_173 {strides = array<i32>} : memref<128x128xf32, #tpu.memory_space<vmem>>, vector<1x16xf32>,
          %get3A_174 = arith.index_cast %scan3A_105 : i32 to index
          %get3A_175 = arith.constant 80 : index
          %get3A_176 = tpu.vector_load %arg9[%get3A_174, %get3A_175] {strides = array<i32>} : memref<128x128xf32, #tpu.memory_space<vmem>>, vector<1x16xf32>,
          %get3A_177 = vector.shape_cast %get3A_176 : vector<1x16xf32> to vector<16xf32>
          %get3A_178 = arith.index_cast %scan3A_105 : i32 to index
          %get3A_179 = arith.constant 80 : index
          %get3A_180 = tpu.vector_load %arg10[%get3A_178, %get3A_179] {strides = array<i32>} : memref<128x128xf32, #tpu.memory_space<vmem>>, vector<1x16xf32>,
          %get3A_181 = vector.shape_cast %get3A_180 : vector<1x16xf32> to vector<16xf32>
          %add3A_182 = arith.addf %get3A_177, %get3A_181 : vector<16xf32>
          %swap3A_183 = arith.index_cast %scan3A_105 : i32 to index
          %swap3A_184 = arith.constant 80 : index
          %swap3A_185 = tpu.vector_load %arg9[%swap3A_183, %swap3A_184] {strides = array<i32>} : memref<128x128xf32, #tpu.memory_space<vmem>>, vector<1x16xf32>,
          %swap3A_186 = vector.shape_cast %swap3A_185 : vector<1x16xf32> to vector<16xf32>
          %swap3A_187 = vector.shape_cast %add3A_182 : vector<16xf32> to vector<1x16xf32>
          tpu.vector_store %arg9[%swap3A_183, %swap3A_184], %swap3A_187 {strides = array<i32>} : memref<128x128xf32, #tpu.memory_space<vmem>>, vector<1x16xf32>,
          %get3A_188 = arith.index_cast %scan3A_105 : i32 to index
          %get3A_189 = arith.constant 96 : index
          %get3A_190 = tpu.vector_load %arg9[%get3A_188, %get3A_189] {strides = array<i32>} : memref<128x128xf32, #tpu.memory_space<vmem>>, vector<1x16xf32>,
          %get3A_191 = vector.shape_cast %get3A_190 : vector<1x16xf32> to vector<16xf32>
          %get3A_192 = arith.index_cast %scan3A_105 : i32 to index
          %get3A_193 = arith.constant 96 : index
          %get3A_194 = tpu.vector_load %arg10[%get3A_192, %get3A_193] {strides = array<i32>} : memref<128x128xf32, #tpu.memory_space<vmem>>, vector<1x16xf32>,
          %get3A_195 = vector.shape_cast %get3A_194 : vector<1x16xf32> to vector<16xf32>
          %add3A_196 = arith.addf %get3A_191, %get3A_195 : vector<16xf32>
          %swap3A_197 = arith.index_cast %scan3A_105 : i32 to index
          %swap3A_198 = arith.constant 96 : index
          %swap3A_199 = tpu.vector_load %arg9[%swap3A_197, %swap3A_198] {strides = array<i32>} : memref<128x128xf32, #tpu.memory_space<vmem>>, vector<1x16xf32>,
          %swap3A_200 = vector.shape_cast %swap3A_199 : vector<1x16xf32> to vector<16xf32>
          %swap3A_201 = vector.shape_cast %add3A_196 : vector<16xf32> to vector<1x16xf32>
          tpu.vector_store %arg9[%swap3A_197, %swap3A_198], %swap3A_201 {strides = array<i32>} : memref<128x128xf32, #tpu.memory_space<vmem>>, vector<1x16xf32>,
          %get3A_202 = arith.index_cast %scan3A_105 : i32 to index
          %get3A_203 = arith.constant 112 : index
          %get3A_204 = tpu.vector_load %arg9[%get3A_202, %get3A_203] {strides = array<i32>} : memref<128x128xf32, #tpu.memory_space<vmem>>, vector<1x16xf32>,
          %get3A_205 = vector.shape_cast %get3A_204 : vector<1x16xf32> to vector<16xf32>
          %get3A_206 = arith.index_cast %scan3A_105 : i32 to index
          %get3A_207 = arith.constant 112 : index
          %get3A_208 = tpu.vector_load %arg10[%get3A_206, %get3A_207] {strides = array<i32>} : memref<128x128xf32, #tpu.memory_space<vmem>>, vector<1x16xf32>,
          %get3A_209 = vector.shape_cast %get3A_208 : vector<1x16xf32> to vector<16xf32>
          %add3A_210 = arith.addf %get3A_205, %get3A_209 : vector<16xf32>
          %swap3A_211 = arith.index_cast %scan3A_105 : i32 to index
          %swap3A_212 = arith.constant 112 : index
          %swap3A_213 = tpu.vector_load %arg9[%swap3A_211, %swap3A_212] {strides = array<i32>} : memref<128x128xf32, #tpu.memory_space<vmem>>, vector<1x16xf32>,
          %swap3A_214 = vector.shape_cast %swap3A_213 : vector<1x16xf32> to vector<16xf32>
          %swap3A_215 = vector.shape_cast %add3A_210 : vector<16xf32> to vector<1x16xf32>
          tpu.vector_store %arg9[%swap3A_211, %swap3A_212], %swap3A_215 {strides = array<i32>} : memref<128x128xf32, #tpu.memory_space<vmem>>, vector<1x16xf32>,
        }
        %scan3A_101 = arith.constant 128 : i32
        %mul3A_102 = arith.constant 128 : i32
        %mul3A_103 = arith.muli %add3A_83, %mul3A_102 : i32
        %add3A_104 = arith.addi %mul3A_2, %mul3A_103 : i32
        "tpu.region"() ({
          %run_scoped3A = tpu.sem_alloc : memref<!tpu.dma_semaphore, #tpu.memory_space<semaphore_mem>>
          %dma_start3A_105 = arith.constant 0 : i32
          %dma_start3A_106 = tpu.memref_slice %arg6[%add3A_104, %dma_start3A_105] : memref<323584x128xf32, #tpu.memory_space<hbm>> -> memref<128x128xf32, #tpu.memory_space<hbm>>
          %dma_start3A_107 = arith.constant 0 : i32
          %dma_start3A_108 = tpu.memref_slice %arg6[%add3A_104, %dma_start3A_107] : memref<323584x128xf32, #tpu.memory_space<hbm>> -> memref<128x128xf32, #tpu.memory_space<hbm>>
          tpu.enqueue_dma source(%arg9 : memref<128x128xf32, #tpu.memory_space<vmem>>) target(%dma_start3A_108 : memref<128x128xf32, #tpu.memory_space<hbm>>) target_semaphore(%run_scoped3A : memref<!tpu.dma_semaphore, #tpu.memory_space<semaphore_mem>>)
          %dma_wait3A_109 = arith.constant 0 : i32
          %dma_wait3A_110 = tpu.memref_slice %arg6[%add3A_104, %dma_wait3A_109] : memref<323584x128xf32, #tpu.memory_space<hbm>> -> memref<128x128xf32, #tpu.memory_space<hbm>>
          %dma_wait3A_111 = arith.constant 0 : i32
          %dma_wait3A_112 = tpu.memref_slice %arg6[%add3A_104, %dma_wait3A_111] : memref<323584x128xf32, #tpu.memory_space<hbm>> -> memref<128x128xf32, #tpu.memory_space<hbm>>
          tpu.wait_dma2 semaphore(%run_scoped3A : memref<!tpu.dma_semaphore, #tpu.memory_space<semaphore_mem>>) src(%arg9 : memref<128x128xf32, #tpu.memory_space<vmem>>) dst(%dma_wait3A_112 : memref<128x128xf32, #tpu.memory_space<hbm>>)
          tpu.yield
        }) : () -> ()
      } else {
      }
    }
    %scan3A_32 = arith.constant 40 : i32
    return
  }
}

module attributes {stable_mosaic.version = 14 : i64} {
  func.func @body(%arg0: i32, %arg1: memref<1000x128xf32, #tpu.memory_space<vmem>>, %arg2: memref<128x128xf32, #tpu.memory_space<vmem>>, %arg3: memref<1x128xf32, #tpu.memory_space<vmem>>, %arg4: memref<1x128xf32, #tpu.memory_space<vmem>>, %arg5: memref<1x128xf32, #tpu.memory_space<vmem>>, %arg6: memref<128x128xf32, #tpu.memory_space<vmem>>, %arg7: memref<2x1000x16xf32, #tpu.memory_space<vmem>>, %arg8: memref<1000x128xf32, #tpu.memory_space<vmem>>, %arg9: memref<1000x128xf32, #tpu.memory_space<vmem>>) attributes {dimension_semantics = [#tpu.dimension_semantics<arbitrary>], iteration_bounds = array<i64: 10>, scalar_prefetch = 0 : i64, scratch_operands = 0 : i64, tpu.core_type = #tpu.core_type<tc>, window_params = [{transform_indices = @transform_0, window_bounds = array<i64: 1000, 128>}, {pipeline_mode = #tpu.pipeline_mode<synchronous>, transform_indices = @transform_1, window_bounds = array<i64: 128, 128>}, {pipeline_mode = #tpu.pipeline_mode<synchronous>, transform_indices = @transform_2, window_bounds = array<i64: 1, 128>}, {pipeline_mode = #tpu.pipeline_mode<synchronous>, transform_indices = @transform_3, window_bounds = array<i64: 1, 128>}, {pipeline_mode = #tpu.pipeline_mode<synchronous>, transform_indices = @transform_4, window_bounds = array<i64: 1, 128>}, {pipeline_mode = #tpu.pipeline_mode<synchronous>, transform_indices = @transform_5, window_bounds = array<i64: 128, 128>}, {transform_indices = @transform_6, window_bounds = array<i64: 2, 1000, 16>}, {transform_indices = @transform_7, window_bounds = array<i64: 1000, 128>}, {transform_indices = @transform_8, window_bounds = array<i64: 1000, 128>}]} {
    %get3A = arith.constant 0 : index
    %get3A_0 = arith.constant 0 : index
    %get3A_1 = vector.load %arg1[%get3A, %get3A_0] : memref<1000x128xf32, #tpu.memory_space<vmem>>, vector<1000x128xf32>
    %get3A_2 = arith.constant 0 : index
    %get3A_3 = arith.constant 0 : index
    %get3A_4 = vector.load %arg2[%get3A_2, %get3A_3] : memref<128x128xf32, #tpu.memory_space<vmem>>, vector<128x128xf32>
    %dot_general3A = arith.constant dense<0.000000e+00> : vector<1000x128xf32>
    %dot_general3A_5 = tpu.matmul %get3A_1, %get3A_4, %dot_general3A {dimension_numbers = #tpu.dot_dimension_numbers<[1], [0], [0], [1], [0, 0, 1, 1], [], []>, transpose_lhs_hint = false} : vector<1000x128xf32>, vector<128x128xf32>, vector<1000x128xf32> -> vector<1000x128xf32>
    %get3A_6 = arith.constant 0 : index
    %get3A_7 = arith.constant 0 : index
    %get3A_8 = vector.load %arg3[%get3A_6, %get3A_7] : memref<1x128xf32, #tpu.memory_space<vmem>>, vector<1x128xf32>
    %add3A = vector.broadcast %get3A_8 : vector<1x128xf32> to vector<1000x128xf32>
    %add3A_9 = arith.addf %dot_general3A_5, %add3A : vector<1000x128xf32>
    %get3A_10 = arith.constant 0 : index
    %get3A_11 = arith.constant 0 : index
    %get3A_12 = vector.load %arg4[%get3A_10, %get3A_11] : memref<1x128xf32, #tpu.memory_space<vmem>>, vector<1x128xf32>
    %get3A_13 = arith.constant 0 : index
    %get3A_14 = arith.constant 0 : index
    %get3A_15 = vector.load %arg5[%get3A_13, %get3A_14] : memref<1x128xf32, #tpu.memory_space<vmem>>, vector<1x128xf32>
    %reduce_sum3A = arith.constant dense<0.000000e+00> : vector<1000xf32>
    %reduce_sum3A_16 = vector.multi_reduction <add>, %add3A_9, %reduce_sum3A [1] : vector<1000x128xf32> to vector<1000xf32>
    %broadcast_in_dim3A = vector.shape_cast %reduce_sum3A_16 : vector<1000xf32> to vector<1000x1xf32>
    %div3A = arith.constant 1.280000e+02 : f32
    %div3A_17 = vector.broadcast %div3A : f32 to vector<1000x1xf32>
    %div3A_18 = arith.divf %broadcast_in_dim3A, %div3A_17 : vector<1000x1xf32>
    %sub3A = vector.broadcast %div3A_18 : vector<1000x1xf32> to vector<1000x128xf32>
    %sub3A_19 = arith.subf %add3A_9, %sub3A : vector<1000x128xf32>
    %integer_pow3A = arith.mulf %sub3A_19, %sub3A_19 : vector<1000x128xf32>
    %reduce_sum3A_20 = arith.constant dense<0.000000e+00> : vector<1000xf32>
    %reduce_sum3A_21 = vector.multi_reduction <add>, %integer_pow3A, %reduce_sum3A_20 [1] : vector<1000x128xf32> to vector<1000xf32>
    %broadcast_in_dim3A_22 = vector.shape_cast %reduce_sum3A_21 : vector<1000xf32> to vector<1000x1xf32>
    %div3A_23 = arith.constant 1.280000e+02 : f32
    %div3A_24 = vector.broadcast %div3A_23 : f32 to vector<1000x1xf32>
    %div3A_25 = arith.divf %broadcast_in_dim3A_22, %div3A_24 : vector<1000x1xf32>
    %sub3A_26 = vector.broadcast %div3A_18 : vector<1000x1xf32> to vector<1000x128xf32>
    %sub3A_27 = arith.subf %add3A_9, %sub3A_26 : vector<1000x128xf32>
    %add3A_28 = arith.constant 9.99999974E-6 : f32
    %add3A_29 = vector.broadcast %add3A_28 : f32 to vector<1000x1xf32>
    %add3A_30 = arith.addf %div3A_25, %add3A_29 : vector<1000x1xf32>
    %rsqrt3A = math.rsqrt %add3A_30 : vector<1000x1xf32>
    %mul3A = vector.broadcast %rsqrt3A : vector<1000x1xf32> to vector<1000x128xf32>
    %mul3A_31 = arith.mulf %sub3A_27, %mul3A : vector<1000x128xf32>
    %mul3A_32 = vector.broadcast %get3A_12 : vector<1x128xf32> to vector<1000x128xf32>
    %mul3A_33 = arith.mulf %mul3A_31, %mul3A_32 : vector<1000x128xf32>
    %add3A_34 = vector.broadcast %get3A_15 : vector<1x128xf32> to vector<1000x128xf32>
    %add3A_35 = arith.addf %mul3A_33, %add3A_34 : vector<1000x128xf32>
    %max3A = arith.constant 0.000000e+00 : f32
    %max3A_36 = vector.broadcast %max3A : f32 to vector<1000x128xf32>
    %max3A_37 = arith.maximumf %add3A_35, %max3A_36 : vector<1000x128xf32>
    %swap3A = arith.constant 0 : index
    %swap3A_38 = arith.constant 0 : index
    %swap3A_39 = vector.load %arg8[%swap3A, %swap3A_38] : memref<1000x128xf32, #tpu.memory_space<vmem>>, vector<1000x128xf32>
    tpu.vector_store %arg8[%swap3A, %swap3A_38], %max3A_37 {strides = array<i32>} : memref<1000x128xf32, #tpu.memory_space<vmem>>, vector<1000x128xf32>,
    %get3A_40 = arith.constant 0 : index
    %get3A_41 = arith.constant 0 : index
    %get3A_42 = arith.constant 0 : index
    %get3A_43 = vector.load %arg7[%get3A_40, %get3A_41, %get3A_42] : memref<2x1000x16xf32, #tpu.memory_space<vmem>>, vector<1x1000x1xf32>
    %get3A_44 = vector.shape_cast %get3A_43 : vector<1x1000x1xf32> to vector<1000x1xf32>
    %get3A_45 = arith.constant 1 : index
    %get3A_46 = arith.constant 0 : index
    %get3A_47 = arith.constant 0 : index
    %get3A_48 = vector.load %arg7[%get3A_45, %get3A_46, %get3A_47] : memref<2x1000x16xf32, #tpu.memory_space<vmem>>, vector<1x1000x1xf32>
    %get3A_49 = vector.shape_cast %get3A_48 : vector<1x1000x1xf32> to vector<1000x1xf32>
    %add3A_50 = arith.addf %get3A_44, %get3A_49 : vector<1000x1xf32>
    %add3A_51 = arith.constant 1.000000e+00 : f32
    %add3A_52 = vector.broadcast %add3A_51 : f32 to vector<1000x1xf32>
    %add3A_53 = arith.addf %add3A_50, %add3A_52 : vector<1000x1xf32>
    %rsqrt3A_54 = math.rsqrt %add3A_53 : vector<1000x1xf32>
    %get3A_55 = arith.constant 0 : index
    %get3A_56 = arith.constant 0 : index
    %get3A_57 = vector.load %arg6[%get3A_55, %get3A_56] : memref<128x128xf32, #tpu.memory_space<vmem>>, vector<128x128xf32>
    %dot_general3A_58 = arith.constant dense<0.000000e+00> : vector<1000x128xf32>
    %dot_general3A_59 = tpu.matmul %max3A_37, %get3A_57, %dot_general3A_58 {dimension_numbers = #tpu.dot_dimension_numbers<[1], [0], [0], [1], [0, 0, 1, 1], [], []>, transpose_lhs_hint = false} : vector<1000x128xf32>, vector<128x128xf32>, vector<1000x128xf32> -> vector<1000x128xf32>
    %mul3A_60 = vector.broadcast %rsqrt3A_54 : vector<1000x1xf32> to vector<1000x128xf32>
    %mul3A_61 = arith.mulf %dot_general3A_59, %mul3A_60 : vector<1000x128xf32>
    %swap3A_62 = arith.constant 0 : index
    %swap3A_63 = arith.constant 0 : index
    %swap3A_64 = vector.load %arg9[%swap3A_62, %swap3A_63] : memref<1000x128xf32, #tpu.memory_space<vmem>>, vector<1000x128xf32>
    tpu.vector_store %arg9[%swap3A_62, %swap3A_63], %mul3A_61 {strides = array<i32>} : memref<1000x128xf32, #tpu.memory_space<vmem>>, vector<1000x128xf32>,
    return
  }
  func.func @transform_0(%arg0: i32) -> (i32, i32) {
    %c0_i32 = arith.constant 0 : i32
    %c0_i32_0 = arith.constant 0 : i32
    return %arg0, %c0_i32 : i32, i32
  }
  func.func @transform_1(%arg0: i32) -> (i32, i32) {
    %c0_i32 = arith.constant 0 : i32
    %c0_i32_0 = arith.constant 0 : i32
    %c0_i32_1 = arith.constant 0 : i32
    return %c0_i32, %c0_i32_0 : i32, i32
  }
  func.func @transform_2(%arg0: i32) -> (i32, i32) {
    %c0_i32 = arith.constant 0 : i32
    %c0_i32_0 = arith.constant 0 : i32
    %c0_i32_1 = arith.constant 0 : i32
    return %c0_i32, %c0_i32_0 : i32, i32
  }
  func.func @transform_3(%arg0: i32) -> (i32, i32) {
    %c0_i32 = arith.constant 0 : i32
    %c0_i32_0 = arith.constant 0 : i32
    %c0_i32_1 = arith.constant 0 : i32
    return %c0_i32, %c0_i32_0 : i32, i32
  }
  func.func @transform_4(%arg0: i32) -> (i32, i32) {
    %c0_i32 = arith.constant 0 : i32
    %c0_i32_0 = arith.constant 0 : i32
    %c0_i32_1 = arith.constant 0 : i32
    return %c0_i32, %c0_i32_0 : i32, i32
  }
  func.func @transform_5(%arg0: i32) -> (i32, i32) {
    %c0_i32 = arith.constant 0 : i32
    %c0_i32_0 = arith.constant 0 : i32
    %c0_i32_1 = arith.constant 0 : i32
    return %c0_i32, %c0_i32_0 : i32, i32
  }
  func.func @transform_6(%arg0: i32) -> (i32, i32, i32) {
    %c0_i32 = arith.constant 0 : i32
    %c0_i32_0 = arith.constant 0 : i32
    %c0_i32_1 = arith.constant 0 : i32
    return %c0_i32, %arg0, %c0_i32_0 : i32, i32, i32
  }
  func.func @transform_7(%arg0: i32) -> (i32, i32) {
    %c0_i32 = arith.constant 0 : i32
    %c0_i32_0 = arith.constant 0 : i32
    return %arg0, %c0_i32 : i32, i32
  }
  func.func @transform_8(%arg0: i32) -> (i32, i32) {
    %c0_i32 = arith.constant 0 : i32
    %c0_i32_0 = arith.constant 0 : i32
    return %arg0, %c0_i32 : i32, i32
  }
}

module attributes {stable_mosaic.version = 14 : i64} {
  func.func @body(%arg0: i32, %arg1: memref<2x1000x128xf32, #tpu.memory_space<vmem>>, %arg2: memref<1000x128xf32, #tpu.memory_space<vmem>>, %arg3: memref<1000x128xf32, #tpu.memory_space<vmem>>, %arg4: memref<2x1000x16xf32, #tpu.memory_space<vmem>>, %arg5: memref<1x128xf32, #tpu.memory_space<vmem>>, %arg6: memref<1x128xf32, #tpu.memory_space<vmem>>, %arg7: memref<1x128xf32, #tpu.memory_space<vmem>>, %arg8: memref<128x128xf32, #tpu.memory_space<vmem>>, %arg9: memref<1000x128xf32, #tpu.memory_space<vmem>>, %arg10: memref<1000x128xf32, #tpu.memory_space<vmem>>) attributes {dimension_semantics = [#tpu.dimension_semantics<arbitrary>], iteration_bounds = array<i64: 10>, scalar_prefetch = 0 : i64, scratch_operands = 0 : i64, tpu.core_type = #tpu.core_type<tc>, window_params = [{transform_indices = @transform_0, window_bounds = array<i64: 2, 1000, 128>}, {transform_indices = @transform_1, window_bounds = array<i64: 1000, 128>}, {transform_indices = @transform_2, window_bounds = array<i64: 1000, 128>}, {transform_indices = @transform_3, window_bounds = array<i64: 2, 1000, 16>}, {pipeline_mode = #tpu.pipeline_mode<synchronous>, transform_indices = @transform_4, window_bounds = array<i64: 1, 128>}, {pipeline_mode = #tpu.pipeline_mode<synchronous>, transform_indices = @transform_5, window_bounds = array<i64: 1, 128>}, {pipeline_mode = #tpu.pipeline_mode<synchronous>, transform_indices = @transform_6, window_bounds = array<i64: 1, 128>}, {pipeline_mode = #tpu.pipeline_mode<synchronous>, transform_indices = @transform_7, window_bounds = array<i64: 128, 128>}, {transform_indices = @transform_8, window_bounds = array<i64: 1000, 128>}, {transform_indices = @transform_9, window_bounds = array<i64: 1000, 128>}]} {
    %get3A = arith.constant 0 : index
    %get3A_0 = arith.constant 0 : index
    %get3A_1 = arith.constant 0 : index
    %get3A_2 = vector.load %arg4[%get3A, %get3A_0, %get3A_1] : memref<2x1000x16xf32, #tpu.memory_space<vmem>>, vector<1x1000x1xf32>
    %get3A_3 = vector.shape_cast %get3A_2 : vector<1x1000x1xf32> to vector<1000x1xf32>
    %get3A_4 = arith.constant 1 : index
    %get3A_5 = arith.constant 0 : index
    %get3A_6 = arith.constant 0 : index
    %get3A_7 = vector.load %arg4[%get3A_4, %get3A_5, %get3A_6] : memref<2x1000x16xf32, #tpu.memory_space<vmem>>, vector<1x1000x1xf32>
    %get3A_8 = vector.shape_cast %get3A_7 : vector<1x1000x1xf32> to vector<1000x1xf32>
    %add3A = arith.addf %get3A_3, %get3A_8 : vector<1000x1xf32>
    %add3A_9 = arith.constant 1.000000e+00 : f32
    %add3A_10 = vector.broadcast %add3A_9 : f32 to vector<1000x1xf32>
    %add3A_11 = arith.addf %add3A, %add3A_10 : vector<1000x1xf32>
    %rsqrt3A = math.rsqrt %add3A_11 : vector<1000x1xf32>
    %get3A_12 = arith.constant 0 : index
    %get3A_13 = arith.constant 0 : index
    %get3A_14 = arith.constant 0 : index
    %get3A_15 = vector.load %arg1[%get3A_12, %get3A_13, %get3A_14] : memref<2x1000x128xf32, #tpu.memory_space<vmem>>, vector<1x1000x128xf32>
    %get3A_16 = vector.shape_cast %get3A_15 : vector<1x1000x128xf32> to vector<1000x128xf32>
    %get3A_17 = arith.constant 1 : index
    %get3A_18 = arith.constant 0 : index
    %get3A_19 = arith.constant 0 : index
    %get3A_20 = vector.load %arg1[%get3A_17, %get3A_18, %get3A_19] : memref<2x1000x128xf32, #tpu.memory_space<vmem>>, vector<1x1000x128xf32>
    %get3A_21 = vector.shape_cast %get3A_20 : vector<1x1000x128xf32> to vector<1000x128xf32>
    %add3A_22 = arith.addf %get3A_16, %get3A_21 : vector<1000x128xf32>
    %get3A_23 = arith.constant 0 : index
    %get3A_24 = arith.constant 0 : index
    %get3A_25 = vector.load %arg2[%get3A_23, %get3A_24] : memref<1000x128xf32, #tpu.memory_space<vmem>>, vector<1000x128xf32>
    %add3A_26 = arith.addf %add3A_22, %get3A_25 : vector<1000x128xf32>
    %mul3A = vector.broadcast %rsqrt3A : vector<1000x1xf32> to vector<1000x128xf32>
    %mul3A_27 = arith.mulf %add3A_26, %mul3A : vector<1000x128xf32>
    %get3A_28 = arith.constant 0 : index
    %get3A_29 = arith.constant 0 : index
    %get3A_30 = vector.load %arg5[%get3A_28, %get3A_29] : memref<1x128xf32, #tpu.memory_space<vmem>>, vector<1x128xf32>
    %add3A_31 = vector.broadcast %get3A_30 : vector<1x128xf32> to vector<1000x128xf32>
    %add3A_32 = arith.addf %mul3A_27, %add3A_31 : vector<1000x128xf32>
    %get3A_33 = arith.constant 0 : index
    %get3A_34 = arith.constant 0 : index
    %get3A_35 = vector.load %arg6[%get3A_33, %get3A_34] : memref<1x128xf32, #tpu.memory_space<vmem>>, vector<1x128xf32>
    %get3A_36 = arith.constant 0 : index
    %get3A_37 = arith.constant 0 : index
    %get3A_38 = vector.load %arg7[%get3A_36, %get3A_37] : memref<1x128xf32, #tpu.memory_space<vmem>>, vector<1x128xf32>
    %reduce_sum3A = arith.constant dense<0.000000e+00> : vector<1000xf32>
    %reduce_sum3A_39 = vector.multi_reduction <add>, %add3A_32, %reduce_sum3A [1] : vector<1000x128xf32> to vector<1000xf32>
    %broadcast_in_dim3A = vector.shape_cast %reduce_sum3A_39 : vector<1000xf32> to vector<1000x1xf32>
    %div3A = arith.constant 1.280000e+02 : f32
    %div3A_40 = vector.broadcast %div3A : f32 to vector<1000x1xf32>
    %div3A_41 = arith.divf %broadcast_in_dim3A, %div3A_40 : vector<1000x1xf32>
    %sub3A = vector.broadcast %div3A_41 : vector<1000x1xf32> to vector<1000x128xf32>
    %sub3A_42 = arith.subf %add3A_32, %sub3A : vector<1000x128xf32>
    %integer_pow3A = arith.mulf %sub3A_42, %sub3A_42 : vector<1000x128xf32>
    %reduce_sum3A_43 = arith.constant dense<0.000000e+00> : vector<1000xf32>
    %reduce_sum3A_44 = vector.multi_reduction <add>, %integer_pow3A, %reduce_sum3A_43 [1] : vector<1000x128xf32> to vector<1000xf32>
    %broadcast_in_dim3A_45 = vector.shape_cast %reduce_sum3A_44 : vector<1000xf32> to vector<1000x1xf32>
    %div3A_46 = arith.constant 1.280000e+02 : f32
    %div3A_47 = vector.broadcast %div3A_46 : f32 to vector<1000x1xf32>
    %div3A_48 = arith.divf %broadcast_in_dim3A_45, %div3A_47 : vector<1000x1xf32>
    %sub3A_49 = vector.broadcast %div3A_41 : vector<1000x1xf32> to vector<1000x128xf32>
    %sub3A_50 = arith.subf %add3A_32, %sub3A_49 : vector<1000x128xf32>
    %add3A_51 = arith.constant 9.99999974E-6 : f32
    %add3A_52 = vector.broadcast %add3A_51 : f32 to vector<1000x1xf32>
    %add3A_53 = arith.addf %div3A_48, %add3A_52 : vector<1000x1xf32>
    %rsqrt3A_54 = math.rsqrt %add3A_53 : vector<1000x1xf32>
    %mul3A_55 = vector.broadcast %rsqrt3A_54 : vector<1000x1xf32> to vector<1000x128xf32>
    %mul3A_56 = arith.mulf %sub3A_50, %mul3A_55 : vector<1000x128xf32>
    %mul3A_57 = vector.broadcast %get3A_35 : vector<1x128xf32> to vector<1000x128xf32>
    %mul3A_58 = arith.mulf %mul3A_56, %mul3A_57 : vector<1000x128xf32>
    %add3A_59 = vector.broadcast %get3A_38 : vector<1x128xf32> to vector<1000x128xf32>
    %add3A_60 = arith.addf %mul3A_58, %add3A_59 : vector<1000x128xf32>
    %max3A = arith.constant 0.000000e+00 : f32
    %max3A_61 = vector.broadcast %max3A : f32 to vector<1000x128xf32>
    %max3A_62 = arith.maximumf %add3A_60, %max3A_61 : vector<1000x128xf32>
    %get3A_63 = arith.constant 0 : index
    %get3A_64 = arith.constant 0 : index
    %get3A_65 = vector.load %arg3[%get3A_63, %get3A_64] : memref<1000x128xf32, #tpu.memory_space<vmem>>, vector<1000x128xf32>
    %add3A_66 = arith.addf %max3A_62, %get3A_65 : vector<1000x128xf32>
    %swap3A = arith.constant 0 : index
    %swap3A_67 = arith.constant 0 : index
    %swap3A_68 = vector.load %arg9[%swap3A, %swap3A_67] : memref<1000x128xf32, #tpu.memory_space<vmem>>, vector<1000x128xf32>
    tpu.vector_store %arg9[%swap3A, %swap3A_67], %add3A_66 {strides = array<i32>} : memref<1000x128xf32, #tpu.memory_space<vmem>>, vector<1000x128xf32>,
    %get3A_69 = arith.constant 0 : index
    %get3A_70 = arith.constant 0 : index
    %get3A_71 = vector.load %arg8[%get3A_69, %get3A_70] : memref<128x128xf32, #tpu.memory_space<vmem>>, vector<128x128xf32>
    %dot_general3A = arith.constant dense<0.000000e+00> : vector<1000x128xf32>
    %dot_general3A_72 = tpu.matmul %add3A_66, %get3A_71, %dot_general3A {dimension_numbers = #tpu.dot_dimension_numbers<[1], [0], [0], [1], [0, 0, 1, 1], [], []>, transpose_lhs_hint = false} : vector<1000x128xf32>, vector<128x128xf32>, vector<1000x128xf32> -> vector<1000x128xf32>
    %mul3A_73 = vector.broadcast %rsqrt3A : vector<1000x1xf32> to vector<1000x128xf32>
    %mul3A_74 = arith.mulf %dot_general3A_72, %mul3A_73 : vector<1000x128xf32>
    %swap3A_75 = arith.constant 0 : index
    %swap3A_76 = arith.constant 0 : index
    %swap3A_77 = vector.load %arg10[%swap3A_75, %swap3A_76] : memref<1000x128xf32, #tpu.memory_space<vmem>>, vector<1000x128xf32>
    tpu.vector_store %arg10[%swap3A_75, %swap3A_76], %mul3A_74 {strides = array<i32>} : memref<1000x128xf32, #tpu.memory_space<vmem>>, vector<1000x128xf32>,
    return
  }
  func.func @transform_0(%arg0: i32) -> (i32, i32, i32) {
    %c0_i32 = arith.constant 0 : i32
    %c0_i32_0 = arith.constant 0 : i32
    %c0_i32_1 = arith.constant 0 : i32
    return %c0_i32, %arg0, %c0_i32_0 : i32, i32, i32
  }
  func.func @transform_1(%arg0: i32) -> (i32, i32) {
    %c0_i32 = arith.constant 0 : i32
    %c0_i32_0 = arith.constant 0 : i32
    return %arg0, %c0_i32 : i32, i32
  }
  func.func @transform_2(%arg0: i32) -> (i32, i32) {
    %c0_i32 = arith.constant 0 : i32
    %c0_i32_0 = arith.constant 0 : i32
    return %arg0, %c0_i32 : i32, i32
  }
  func.func @transform_3(%arg0: i32) -> (i32, i32, i32) {
    %c0_i32 = arith.constant 0 : i32
    %c0_i32_0 = arith.constant 0 : i32
    %c0_i32_1 = arith.constant 0 : i32
    return %c0_i32, %arg0, %c0_i32_0 : i32, i32, i32
  }
  func.func @transform_4(%arg0: i32) -> (i32, i32) {
    %c0_i32 = arith.constant 0 : i32
    %c0_i32_0 = arith.constant 0 : i32
    %c0_i32_1 = arith.constant 0 : i32
    return %c0_i32, %c0_i32_0 : i32, i32
  }
  func.func @transform_5(%arg0: i32) -> (i32, i32) {
    %c0_i32 = arith.constant 0 : i32
    %c0_i32_0 = arith.constant 0 : i32
    %c0_i32_1 = arith.constant 0 : i32
    return %c0_i32, %c0_i32_0 : i32, i32
  }
  func.func @transform_6(%arg0: i32) -> (i32, i32) {
    %c0_i32 = arith.constant 0 : i32
    %c0_i32_0 = arith.constant 0 : i32
    %c0_i32_1 = arith.constant 0 : i32
    return %c0_i32, %c0_i32_0 : i32, i32
  }
  func.func @transform_7(%arg0: i32) -> (i32, i32) {
    %c0_i32 = arith.constant 0 : i32
    %c0_i32_0 = arith.constant 0 : i32
    %c0_i32_1 = arith.constant 0 : i32
    return %c0_i32, %c0_i32_0 : i32, i32
  }
  func.func @transform_8(%arg0: i32) -> (i32, i32) {
    %c0_i32 = arith.constant 0 : i32
    %c0_i32_0 = arith.constant 0 : i32
    return %arg0, %c0_i32 : i32, i32
  }
  func.func @transform_9(%arg0: i32) -> (i32, i32) {
    %c0_i32 = arith.constant 0 : i32
    %c0_i32_0 = arith.constant 0 : i32
    return %arg0, %c0_i32 : i32, i32
  }
}

module attributes {stable_mosaic.version = 14 : i64} {
  func.func @body(%arg0: i32, %arg1: memref<2x1000x128xf32, #tpu.memory_space<vmem>>, %arg2: memref<1000x128xf32, #tpu.memory_space<vmem>>, %arg3: memref<1000x128xf32, #tpu.memory_space<vmem>>, %arg4: memref<2x1000x16xf32, #tpu.memory_space<vmem>>, %arg5: memref<1x128xf32, #tpu.memory_space<vmem>>, %arg6: memref<1x128xf32, #tpu.memory_space<vmem>>, %arg7: memref<1x128xf32, #tpu.memory_space<vmem>>, %arg8: memref<128x128xf32, #tpu.memory_space<vmem>>, %arg9: memref<1x128xf32, #tpu.memory_space<vmem>>, %arg10: memref<128x128xf32, #tpu.memory_space<vmem>>, %arg11: memref<1000x128xf32, #tpu.memory_space<vmem>>, %arg12: memref<1000x128xf32, #tpu.memory_space<vmem>>) attributes {dimension_semantics = [#tpu.dimension_semantics<arbitrary>], iteration_bounds = array<i64: 10>, scalar_prefetch = 0 : i64, scratch_operands = 0 : i64, tpu.core_type = #tpu.core_type<tc>, window_params = [{transform_indices = @transform_0, window_bounds = array<i64: 2, 1000, 128>}, {transform_indices = @transform_1, window_bounds = array<i64: 1000, 128>}, {transform_indices = @transform_2, window_bounds = array<i64: 1000, 128>}, {transform_indices = @transform_3, window_bounds = array<i64: 2, 1000, 16>}, {pipeline_mode = #tpu.pipeline_mode<synchronous>, transform_indices = @transform_4, window_bounds = array<i64: 1, 128>}, {pipeline_mode = #tpu.pipeline_mode<synchronous>, transform_indices = @transform_5, window_bounds = array<i64: 1, 128>}, {pipeline_mode = #tpu.pipeline_mode<synchronous>, transform_indices = @transform_6, window_bounds = array<i64: 1, 128>}, {pipeline_mode = #tpu.pipeline_mode<synchronous>, transform_indices = @transform_7, window_bounds = array<i64: 128, 128>}, {pipeline_mode = #tpu.pipeline_mode<synchronous>, transform_indices = @transform_8, window_bounds = array<i64: 1, 128>}, {pipeline_mode = #tpu.pipeline_mode<synchronous>, transform_indices = @transform_9, window_bounds = array<i64: 128, 128>}, {transform_indices = @transform_10, window_bounds = array<i64: 1000, 128>}, {transform_indices = @transform_11, window_bounds = array<i64: 1000, 128>}]} {
    %get3A = arith.constant 0 : index
    %get3A_0 = arith.constant 0 : index
    %get3A_1 = arith.constant 0 : index
    %get3A_2 = vector.load %arg4[%get3A, %get3A_0, %get3A_1] : memref<2x1000x16xf32, #tpu.memory_space<vmem>>, vector<1x1000x1xf32>
    %get3A_3 = vector.shape_cast %get3A_2 : vector<1x1000x1xf32> to vector<1000x1xf32>
    %get3A_4 = arith.constant 1 : index
    %get3A_5 = arith.constant 0 : index
    %get3A_6 = arith.constant 0 : index
    %get3A_7 = vector.load %arg4[%get3A_4, %get3A_5, %get3A_6] : memref<2x1000x16xf32, #tpu.memory_space<vmem>>, vector<1x1000x1xf32>
    %get3A_8 = vector.shape_cast %get3A_7 : vector<1x1000x1xf32> to vector<1000x1xf32>
    %add3A = arith.addf %get3A_3, %get3A_8 : vector<1000x1xf32>
    %add3A_9 = arith.constant 1.000000e+00 : f32
    %add3A_10 = vector.broadcast %add3A_9 : f32 to vector<1000x1xf32>
    %add3A_11 = arith.addf %add3A, %add3A_10 : vector<1000x1xf32>
    %rsqrt3A = math.rsqrt %add3A_11 : vector<1000x1xf32>
    %get3A_12 = arith.constant 0 : index
    %get3A_13 = arith.constant 0 : index
    %get3A_14 = arith.constant 0 : index
    %get3A_15 = vector.load %arg1[%get3A_12, %get3A_13, %get3A_14] : memref<2x1000x128xf32, #tpu.memory_space<vmem>>, vector<1x1000x128xf32>
    %get3A_16 = vector.shape_cast %get3A_15 : vector<1x1000x128xf32> to vector<1000x128xf32>
    %get3A_17 = arith.constant 1 : index
    %get3A_18 = arith.constant 0 : index
    %get3A_19 = arith.constant 0 : index
    %get3A_20 = vector.load %arg1[%get3A_17, %get3A_18, %get3A_19] : memref<2x1000x128xf32, #tpu.memory_space<vmem>>, vector<1x1000x128xf32>
    %get3A_21 = vector.shape_cast %get3A_20 : vector<1x1000x128xf32> to vector<1000x128xf32>
    %add3A_22 = arith.addf %get3A_16, %get3A_21 : vector<1000x128xf32>
    %get3A_23 = arith.constant 0 : index
    %get3A_24 = arith.constant 0 : index
    %get3A_25 = vector.load %arg2[%get3A_23, %get3A_24] : memref<1000x128xf32, #tpu.memory_space<vmem>>, vector<1000x128xf32>
    %add3A_26 = arith.addf %add3A_22, %get3A_25 : vector<1000x128xf32>
    %mul3A = vector.broadcast %rsqrt3A : vector<1000x1xf32> to vector<1000x128xf32>
    %mul3A_27 = arith.mulf %add3A_26, %mul3A : vector<1000x128xf32>
    %get3A_28 = arith.constant 0 : index
    %get3A_29 = arith.constant 0 : index
    %get3A_30 = vector.load %arg5[%get3A_28, %get3A_29] : memref<1x128xf32, #tpu.memory_space<vmem>>, vector<1x128xf32>
    %add3A_31 = vector.broadcast %get3A_30 : vector<1x128xf32> to vector<1000x128xf32>
    %add3A_32 = arith.addf %mul3A_27, %add3A_31 : vector<1000x128xf32>
    %get3A_33 = arith.constant 0 : index
    %get3A_34 = arith.constant 0 : index
    %get3A_35 = vector.load %arg6[%get3A_33, %get3A_34] : memref<1x128xf32, #tpu.memory_space<vmem>>, vector<1x128xf32>
    %get3A_36 = arith.constant 0 : index
    %get3A_37 = arith.constant 0 : index
    %get3A_38 = vector.load %arg7[%get3A_36, %get3A_37] : memref<1x128xf32, #tpu.memory_space<vmem>>, vector<1x128xf32>
    %reduce_sum3A = arith.constant dense<0.000000e+00> : vector<1000xf32>
    %reduce_sum3A_39 = vector.multi_reduction <add>, %add3A_32, %reduce_sum3A [1] : vector<1000x128xf32> to vector<1000xf32>
    %broadcast_in_dim3A = vector.shape_cast %reduce_sum3A_39 : vector<1000xf32> to vector<1000x1xf32>
    %div3A = arith.constant 1.280000e+02 : f32
    %div3A_40 = vector.broadcast %div3A : f32 to vector<1000x1xf32>
    %div3A_41 = arith.divf %broadcast_in_dim3A, %div3A_40 : vector<1000x1xf32>
    %sub3A = vector.broadcast %div3A_41 : vector<1000x1xf32> to vector<1000x128xf32>
    %sub3A_42 = arith.subf %add3A_32, %sub3A : vector<1000x128xf32>
    %integer_pow3A = arith.mulf %sub3A_42, %sub3A_42 : vector<1000x128xf32>
    %reduce_sum3A_43 = arith.constant dense<0.000000e+00> : vector<1000xf32>
    %reduce_sum3A_44 = vector.multi_reduction <add>, %integer_pow3A, %reduce_sum3A_43 [1] : vector<1000x128xf32> to vector<1000xf32>
    %broadcast_in_dim3A_45 = vector.shape_cast %reduce_sum3A_44 : vector<1000xf32> to vector<1000x1xf32>
    %div3A_46 = arith.constant 1.280000e+02 : f32
    %div3A_47 = vector.broadcast %div3A_46 : f32 to vector<1000x1xf32>
    %div3A_48 = arith.divf %broadcast_in_dim3A_45, %div3A_47 : vector<1000x1xf32>
    %sub3A_49 = vector.broadcast %div3A_41 : vector<1000x1xf32> to vector<1000x128xf32>
    %sub3A_50 = arith.subf %add3A_32, %sub3A_49 : vector<1000x128xf32>
    %add3A_51 = arith.constant 9.99999974E-6 : f32
    %add3A_52 = vector.broadcast %add3A_51 : f32 to vector<1000x1xf32>
    %add3A_53 = arith.addf %div3A_48, %add3A_52 : vector<1000x1xf32>
    %rsqrt3A_54 = math.rsqrt %add3A_53 : vector<1000x1xf32>
    %mul3A_55 = vector.broadcast %rsqrt3A_54 : vector<1000x1xf32> to vector<1000x128xf32>
    %mul3A_56 = arith.mulf %sub3A_50, %mul3A_55 : vector<1000x128xf32>
    %mul3A_57 = vector.broadcast %get3A_35 : vector<1x128xf32> to vector<1000x128xf32>
    %mul3A_58 = arith.mulf %mul3A_56, %mul3A_57 : vector<1000x128xf32>
    %add3A_59 = vector.broadcast %get3A_38 : vector<1x128xf32> to vector<1000x128xf32>
    %add3A_60 = arith.addf %mul3A_58, %add3A_59 : vector<1000x128xf32>
    %max3A = arith.constant 0.000000e+00 : f32
    %max3A_61 = vector.broadcast %max3A : f32 to vector<1000x128xf32>
    %max3A_62 = arith.maximumf %add3A_60, %max3A_61 : vector<1000x128xf32>
    %get3A_63 = arith.constant 0 : index
    %get3A_64 = arith.constant 0 : index
    %get3A_65 = vector.load %arg3[%get3A_63, %get3A_64] : memref<1000x128xf32, #tpu.memory_space<vmem>>, vector<1000x128xf32>
    %add3A_66 = arith.addf %max3A_62, %get3A_65 : vector<1000x128xf32>
    %get3A_67 = arith.constant 0 : index
    %get3A_68 = arith.constant 0 : index
    %get3A_69 = vector.load %arg8[%get3A_67, %get3A_68] : memref<128x128xf32, #tpu.memory_space<vmem>>, vector<128x128xf32>
    %dot_general3A = arith.constant dense<0.000000e+00> : vector<1000x128xf32>
    %dot_general3A_70 = tpu.matmul %add3A_66, %get3A_69, %dot_general3A {dimension_numbers = #tpu.dot_dimension_numbers<[1], [0], [0], [1], [0, 0, 1, 1], [], []>, transpose_lhs_hint = false} : vector<1000x128xf32>, vector<128x128xf32>, vector<1000x128xf32> -> vector<1000x128xf32>
    %get3A_71 = arith.constant 0 : index
    %get3A_72 = arith.constant 0 : index
    %get3A_73 = vector.load %arg9[%get3A_71, %get3A_72] : memref<1x128xf32, #tpu.memory_space<vmem>>, vector<1x128xf32>
    %add3A_74 = vector.broadcast %get3A_73 : vector<1x128xf32> to vector<1000x128xf32>
    %add3A_75 = arith.addf %dot_general3A_70, %add3A_74 : vector<1000x128xf32>
    %swap3A = arith.constant 0 : index
    %swap3A_76 = arith.constant 0 : index
    %swap3A_77 = vector.load %arg11[%swap3A, %swap3A_76] : memref<1000x128xf32, #tpu.memory_space<vmem>>, vector<1000x128xf32>
    tpu.vector_store %arg11[%swap3A, %swap3A_76], %add3A_75 {strides = array<i32>} : memref<1000x128xf32, #tpu.memory_space<vmem>>, vector<1000x128xf32>,
    %get3A_78 = arith.constant 0 : index
    %get3A_79 = arith.constant 0 : index
    %get3A_80 = vector.load %arg10[%get3A_78, %get3A_79] : memref<128x128xf32, #tpu.memory_space<vmem>>, vector<128x128xf32>
    %dot_general3A_81 = arith.constant dense<0.000000e+00> : vector<1000x128xf32>
    %dot_general3A_82 = tpu.matmul %add3A_66, %get3A_80, %dot_general3A_81 {dimension_numbers = #tpu.dot_dimension_numbers<[1], [0], [0], [1], [0, 0, 1, 1], [], []>, transpose_lhs_hint = false} : vector<1000x128xf32>, vector<128x128xf32>, vector<1000x128xf32> -> vector<1000x128xf32>
    %swap3A_83 = arith.constant 0 : index
    %swap3A_84 = arith.constant 0 : index
    %swap3A_85 = vector.load %arg12[%swap3A_83, %swap3A_84] : memref<1000x128xf32, #tpu.memory_space<vmem>>, vector<1000x128xf32>
    tpu.vector_store %arg12[%swap3A_83, %swap3A_84], %dot_general3A_82 {strides = array<i32>} : memref<1000x128xf32, #tpu.memory_space<vmem>>, vector<1000x128xf32>,
    return
  }
  func.func @transform_0(%arg0: i32) -> (i32, i32, i32) {
    %c0_i32 = arith.constant 0 : i32
    %c0_i32_0 = arith.constant 0 : i32
    %c0_i32_1 = arith.constant 0 : i32
    return %c0_i32, %arg0, %c0_i32_0 : i32, i32, i32
  }
  func.func @transform_1(%arg0: i32) -> (i32, i32) {
    %c0_i32 = arith.constant 0 : i32
    %c0_i32_0 = arith.constant 0 : i32
    return %arg0, %c0_i32 : i32, i32
  }
  func.func @transform_2(%arg0: i32) -> (i32, i32) {
    %c0_i32 = arith.constant 0 : i32
    %c0_i32_0 = arith.constant 0 : i32
    return %arg0, %c0_i32 : i32, i32
  }
  func.func @transform_3(%arg0: i32) -> (i32, i32, i32) {
    %c0_i32 = arith.constant 0 : i32
    %c0_i32_0 = arith.constant 0 : i32
    %c0_i32_1 = arith.constant 0 : i32
    return %c0_i32, %arg0, %c0_i32_0 : i32, i32, i32
  }
  func.func @transform_4(%arg0: i32) -> (i32, i32) {
    %c0_i32 = arith.constant 0 : i32
    %c0_i32_0 = arith.constant 0 : i32
    %c0_i32_1 = arith.constant 0 : i32
    return %c0_i32, %c0_i32_0 : i32, i32
  }
  func.func @transform_5(%arg0: i32) -> (i32, i32) {
    %c0_i32 = arith.constant 0 : i32
    %c0_i32_0 = arith.constant 0 : i32
    %c0_i32_1 = arith.constant 0 : i32
    return %c0_i32, %c0_i32_0 : i32, i32
  }
  func.func @transform_6(%arg0: i32) -> (i32, i32) {
    %c0_i32 = arith.constant 0 : i32
    %c0_i32_0 = arith.constant 0 : i32
    %c0_i32_1 = arith.constant 0 : i32
    return %c0_i32, %c0_i32_0 : i32, i32
  }
  func.func @transform_7(%arg0: i32) -> (i32, i32) {
    %c0_i32 = arith.constant 0 : i32
    %c0_i32_0 = arith.constant 0 : i32
    %c0_i32_1 = arith.constant 0 : i32
    return %c0_i32, %c0_i32_0 : i32, i32
  }
  func.func @transform_8(%arg0: i32) -> (i32, i32) {
    %c0_i32 = arith.constant 0 : i32
    %c0_i32_0 = arith.constant 0 : i32
    %c0_i32_1 = arith.constant 0 : i32
    return %c0_i32, %c0_i32_0 : i32, i32
  }
  func.func @transform_9(%arg0: i32) -> (i32, i32) {
    %c0_i32 = arith.constant 0 : i32
    %c0_i32_0 = arith.constant 0 : i32
    %c0_i32_1 = arith.constant 0 : i32
    return %c0_i32, %c0_i32_0 : i32, i32
  }
  func.func @transform_10(%arg0: i32) -> (i32, i32) {
    %c0_i32 = arith.constant 0 : i32
    %c0_i32_0 = arith.constant 0 : i32
    return %arg0, %c0_i32 : i32, i32
  }
  func.func @transform_11(%arg0: i32) -> (i32, i32) {
    %c0_i32 = arith.constant 0 : i32
    %c0_i32_0 = arith.constant 0 : i32
    return %arg0, %c0_i32 : i32, i32
  }
}

module attributes {stable_mosaic.version = 14 : i64} {
  func.func @body(%arg0: i32, %arg1: memref<8192x128xf32, #tpu.memory_space<vmem>>, %arg2: memref<8192x16xf32, #tpu.memory_space<vmem>>, %arg3: memref<16x128xf32, #tpu.memory_space<vmem>>, %arg4: memref<128x64xf32, #tpu.memory_space<vmem>>, %arg5: memref<1x64xf32, #tpu.memory_space<vmem>>, %arg6: memref<1x64xf32, #tpu.memory_space<vmem>>, %arg7: memref<1x1xf32, #tpu.memory_space<vmem>>, %arg8: memref<8192x1xf32, #tpu.memory_space<vmem>>) attributes {dimension_semantics = [#tpu.dimension_semantics<arbitrary>], iteration_bounds = array<i64: 40>, scalar_prefetch = 0 : i64, scratch_operands = 0 : i64, tpu.core_type = #tpu.core_type<tc>, window_params = [{transform_indices = @transform_0, window_bounds = array<i64: 8192, 128>}, {transform_indices = @transform_1, window_bounds = array<i64: 8192, 16>}, {pipeline_mode = #tpu.pipeline_mode<synchronous>, transform_indices = @transform_2, window_bounds = array<i64: 16, 128>}, {pipeline_mode = #tpu.pipeline_mode<synchronous>, transform_indices = @transform_3, window_bounds = array<i64: 128, 64>}, {pipeline_mode = #tpu.pipeline_mode<synchronous>, transform_indices = @transform_4, window_bounds = array<i64: 1, 64>}, {pipeline_mode = #tpu.pipeline_mode<synchronous>, transform_indices = @transform_5, window_bounds = array<i64: 1, 64>}, {pipeline_mode = #tpu.pipeline_mode<synchronous>, transform_indices = @transform_6, window_bounds = array<i64: 1, 1>}, {transform_indices = @transform_7, window_bounds = array<i64: 8192, 1>}]} {
    %get3A = arith.constant 0 : index
    %get3A_0 = arith.constant 0 : index
    %get3A_1 = vector.load %arg1[%get3A, %get3A_0] : memref<8192x128xf32, #tpu.memory_space<vmem>>, vector<8192x128xf32>
    %get3A_2 = arith.constant 0 : index
    %get3A_3 = arith.constant 0 : index
    %get3A_4 = vector.load %arg2[%get3A_2, %get3A_3] : memref<8192x16xf32, #tpu.memory_space<vmem>>, vector<8192x16xf32>
    %get3A_5 = arith.constant 0 : index
    %get3A_6 = arith.constant 0 : index
    %get3A_7 = vector.load %arg3[%get3A_5, %get3A_6] : memref<16x128xf32, #tpu.memory_space<vmem>>, vector<16x128xf32>
    %dot_general3A = arith.constant dense<0.000000e+00> : vector<8192x128xf32>
    %dot_general3A_8 = tpu.matmul %get3A_4, %get3A_7, %dot_general3A {dimension_numbers = #tpu.dot_dimension_numbers<[1], [0], [0], [1], [0, 0, 1, 1], [], []>, transpose_lhs_hint = false} : vector<8192x16xf32>, vector<16x128xf32>, vector<8192x128xf32> -> vector<8192x128xf32>
    %add3A = arith.addf %get3A_1, %dot_general3A_8 : vector<8192x128xf32>
    %max3A = arith.constant 0.000000e+00 : f32
    %max3A_9 = vector.broadcast %max3A : f32 to vector<8192x128xf32>
    %max3A_10 = arith.maximumf %add3A, %max3A_9 : vector<8192x128xf32>
    %get3A_11 = arith.constant 0 : index
    %get3A_12 = arith.constant 0 : index
    %get3A_13 = vector.load %arg4[%get3A_11, %get3A_12] : memref<128x64xf32, #tpu.memory_space<vmem>>, vector<128x64xf32>
    %dot_general3A_14 = arith.constant dense<0.000000e+00> : vector<8192x64xf32>
    %dot_general3A_15 = tpu.matmul %max3A_10, %get3A_13, %dot_general3A_14 {dimension_numbers = #tpu.dot_dimension_numbers<[1], [0], [0], [1], [0, 0, 1, 1], [], []>, transpose_lhs_hint = false} : vector<8192x128xf32>, vector<128x64xf32>, vector<8192x64xf32> -> vector<8192x64xf32>
    %get3A_16 = arith.constant 0 : index
    %get3A_17 = arith.constant 0 : index
    %get3A_18 = vector.load %arg5[%get3A_16, %get3A_17] : memref<1x64xf32, #tpu.memory_space<vmem>>, vector<1x64xf32>
    %add3A_19 = vector.broadcast %get3A_18 : vector<1x64xf32> to vector<8192x64xf32>
    %add3A_20 = arith.addf %dot_general3A_15, %add3A_19 : vector<8192x64xf32>
    %max3A_21 = arith.constant 0.000000e+00 : f32
    %max3A_22 = vector.broadcast %max3A_21 : f32 to vector<8192x64xf32>
    %max3A_23 = arith.maximumf %add3A_20, %max3A_22 : vector<8192x64xf32>
    %get3A_24 = arith.constant 0 : index
    %get3A_25 = arith.constant 0 : index
    %get3A_26 = vector.load %arg6[%get3A_24, %get3A_25] : memref<1x64xf32, #tpu.memory_space<vmem>>, vector<1x64xf32>
    %mul3A = vector.broadcast %get3A_26 : vector<1x64xf32> to vector<8192x64xf32>
    %mul3A_27 = arith.mulf %max3A_23, %mul3A : vector<8192x64xf32>
    %reduce_sum3A = arith.constant dense<0.000000e+00> : vector<8192xf32>
    %reduce_sum3A_28 = vector.multi_reduction <add>, %mul3A_27, %reduce_sum3A [1] : vector<8192x64xf32> to vector<8192xf32>
    %broadcast_in_dim3A = vector.shape_cast %reduce_sum3A_28 : vector<8192xf32> to vector<8192x1xf32>
    %get3A_29 = arith.constant 0 : index
    %get3A_30 = arith.constant 0 : index
    %get3A_31 = vector.load %arg7[%get3A_29, %get3A_30] : memref<1x1xf32, #tpu.memory_space<vmem>>, vector<1x1xf32>
    %add3A_32 = vector.broadcast %get3A_31 : vector<1x1xf32> to vector<8192x1xf32>
    %add3A_33 = arith.addf %broadcast_in_dim3A, %add3A_32 : vector<8192x1xf32>
    %swap3A = arith.constant 0 : index
    %swap3A_34 = arith.constant 0 : index
    %swap3A_35 = vector.load %arg8[%swap3A, %swap3A_34] : memref<8192x1xf32, #tpu.memory_space<vmem>>, vector<8192x1xf32>
    tpu.vector_store %arg8[%swap3A, %swap3A_34], %add3A_33 {strides = array<i32>} : memref<8192x1xf32, #tpu.memory_space<vmem>>, vector<8192x1xf32>,
    return
  }
  func.func @transform_0(%arg0: i32) -> (i32, i32) {
    %c0_i32 = arith.constant 0 : i32
    %c0_i32_0 = arith.constant 0 : i32
    return %arg0, %c0_i32 : i32, i32
  }
  func.func @transform_1(%arg0: i32) -> (i32, i32) {
    %c0_i32 = arith.constant 0 : i32
    %c0_i32_0 = arith.constant 0 : i32
    return %arg0, %c0_i32 : i32, i32
  }
  func.func @transform_2(%arg0: i32) -> (i32, i32) {
    %c0_i32 = arith.constant 0 : i32
    %c0_i32_0 = arith.constant 0 : i32
    %c0_i32_1 = arith.constant 0 : i32
    return %c0_i32, %c0_i32_0 : i32, i32
  }
  func.func @transform_3(%arg0: i32) -> (i32, i32) {
    %c0_i32 = arith.constant 0 : i32
    %c0_i32_0 = arith.constant 0 : i32
    %c0_i32_1 = arith.constant 0 : i32
    return %c0_i32, %c0_i32_0 : i32, i32
  }
  func.func @transform_4(%arg0: i32) -> (i32, i32) {
    %c0_i32 = arith.constant 0 : i32
    %c0_i32_0 = arith.constant 0 : i32
    %c0_i32_1 = arith.constant 0 : i32
    return %c0_i32, %c0_i32_0 : i32, i32
  }
  func.func @transform_5(%arg0: i32) -> (i32, i32) {
    %c0_i32 = arith.constant 0 : i32
    %c0_i32_0 = arith.constant 0 : i32
    %c0_i32_1 = arith.constant 0 : i32
    return %c0_i32, %c0_i32_0 : i32, i32
  }
  func.func @transform_6(%arg0: i32) -> (i32, i32) {
    %c0_i32 = arith.constant 0 : i32
    %c0_i32_0 = arith.constant 0 : i32
    %c0_i32_1 = arith.constant 0 : i32
    return %c0_i32, %c0_i32_0 : i32, i32
  }
  func.func @transform_7(%arg0: i32) -> (i32, i32) {
    %c0_i32 = arith.constant 0 : i32
    %c0_i32_0 = arith.constant 0 : i32
    return %arg0, %c0_i32 : i32, i32
  }
}

</mosaic_0001>

<sc_bundles>
// kernel: kernel.12.cloned.1.call-start
scs
__scs_entry_jumppad:
0x0: {  	(pc) =	sbr.rel $0x88, $3  }
0x1: {  	(tag) =	ssettag $0x0;
	lr =	simm.s32 $0x1  }
0x2: {  	[smem:$0x3F88] =	sst lr;
	_ =	strace $0xD0000000  }
0x3: {  	_ = 	snop  }
0x4: {  	_ = 	snop  }
0x5: {  	_ = 	snop  }
0x6: {  	_ = 	snop  }
0x7: {  	_ = 	snop  }
__scs_overlays_trampoline_lowered:
0x8: {  	[smem:$0x3F97] =	sst s0  }
0x9: {  	[smem:$0x3F98] =	sst s1  }
0xa: {  	[smem:$0x3F99] =	sst s2  }
0xb: {  	[smem:$0x3F9A] =	sst s3  }
0xc: {  	[smem:$0x3F9B] =	sst s4  }
0xd: {  	[smem:$0x3F9C] =	sst s5  }
0xe: {  	[smem:$0x3F9D] =	sst s6  }
0xf: {  	[smem:$0x3F9E] =	sst s7  }
0x10: {  	[smem:$0x3F9F] =	sst s8  }
0x11: {  	[smem:$0x3FA0] =	sst s9;
	s0 =	simm.s32 @!p0 $0x0  }
0x12: {  	s1 =	sld [smem:$0x3F86];
	s0 =	simm.s32 @p0 $0x1  }
0x13: {  	[smem:$0x3FA1] =	sst s0;
	s0 =	simm.s32 @!p1 $0x0  }
0x14: {  	s2 =	sld [smem:$0x3F85];
	s0 =	simm.s32 @p1 $0x1  }
0x15: {  	[smem:$0x3FA2] =	sst s0;
	s0 =	simm.s32 @!p2 $0x0  }
0x16: {  	s3 =	sld [smem:$0x3FDB];
	s0 =	simm.s32 @p2 $0x1  }
0x17: {  	s4 =	simm.s32 $0x1BF5;
	[smem:$0x3FA4] =	sst s0  }
0x18: {  	s0 =	sld [smem:$0x3F87];
	_ =	swait.ge [sflag:s4], $0x0  }
0x19: {  	s7 =	sld [smem:$0x3F88]  }
0x1a: {  	s8 =	sadd.s32 $0xFFFFE003, lr  }
0x1b: {  	s9 =	sadd.s32 $0xFFFFFEF7, lr;
	s5 =	simm.s32 $0xFFFFFFFF;
	p2 =	slt.u32 s8, $0xFFFFF086  }
0x1c: {  	p1 =	slt.u32 s9, $0xF7A;
	s5 =	simm.s32 @!p2 $0x0  }
0x1d: {  	s5 =	simm.s32 @p1 $0x1;
	p0 =	seq.s32 s7, s2  }
0x1e: {  	s7 =	smul.u32 @!p0 $0xF7A, s2;
	p2 =	seq.s32 @!p0 s5, $0x0  }
0x1f: {  	s9 =	smul.u32 $0xF7A, s1;
	s8 =	simm.s32 @!p0 $0x1BF5;
	p2 =	por !p2, p0  }
0x20: {  	[sflag:s8] =	ssyncset.s32 @!p0 $0xFFFFF086;
	s6 =	sadd.s32 @!p0 s3, s7;
	s7 =	simm.s32 @!p0 $0x108  }
0x21: {  	s3 =	sadd.s32 s3, s9;
	s6 =	sadd.s32 @!p0 $0x88, s6;
	s7 =	simm.s32 @p2 $0x1082  }
0x22: {  	[simem:s7], [sflag:s8] =	dma.local @!p0 [hbm:s6], $0xF7A  }
0x23: {  	s9 =	sor.u32 $0xD0000000, s2;
	s6 =	simm.s32 $0x108;
	_ =	swait.ge @!p0 [sflag:s8], $0x0  }
0x24: {  	s3 =	sadd.s32 $0x88, s3;
	s6 =	simm.s32 @!p1 $0x1082;
	[sflag:s4] =	ssyncset.s32 $0xFFFFF086  }
0x25: {  	[simem:s6], [sflag:s4] =	dma.local [hbm:s3], $0xF7A  }
0x26: {  	[smem:$0x3F88] =	sst s1;
	(tag) =	ssettag s2;
	_ =	strace s9  }
0x27: {  	s1 =	sld [smem:$0x3F98]  }
0x28: {  	s2 =	sld [smem:$0x3F99]  }
0x29: {  	s4 =	sld [smem:$0x3F9B]  }
0x2a: {  	p0 =	seq.s32 s5, $0x0;
	s5 =	sld [smem:$0x3F9C]  }
0x2b: {  	s6 =	sld [smem:$0x3F9D]  }
0x2c: {  	s7 =	sld [smem:$0x3F9E]  }
0x2d: {  	s3 =	simm.s32 $0x108;
	s8 =	sld [smem:$0x3F9F]  }
0x2e: {  	s3 =	simm.s32 @!p0 $0x1082;
	s9 =	sld [smem:$0x3FA0]  }
0x2f: {  	lr =	sadd.s32 s0, s3;
	s0 =	sld [smem:$0x3F97]  }
0x30: {  	s3 =	sld [smem:$0x3F9A]  }
0x31: {  	[smem:$0x3FA3] =	sst s10  }
0x32: {  	s10 =	sld [smem:$0x3FA1];
	_ =	sdelay $0x3  }
0x33: {  	p0 =	seq.s32 s10, $0x1;
	s10 =	sld [smem:$0x3FA3];
	_ =	sdelay $0x3  }
0x34: {  	[smem:$0x3FA3] =	sst s10  }
0x35: {  	s10 =	sld [smem:$0x3FA2];
	_ =	sdelay $0x3  }
0x36: {  	p1 =	seq.s32 s10, $0x1;
	s10 =	sld [smem:$0x3FA3];
	_ =	sdelay $0x3  }
0x37: {  	[smem:$0x3FA3] =	sst s10  }
0x38: {  	s10 =	sld [smem:$0x3FA4]  }
0x39: {  	_ = 	snop;
	(pc) =	sbr.ind lr, $3  }
0x3a: {  	_ = 	snop  }
0x3b: {  	_ = 	snop  }
0x3c: {  	p2 =	seq.s32 s10, $0x1;
	s10 =	sld [smem:$0x3FA3]  }
0x3d: {  	_ =	shalt  }
0x3e: {  	_ =	shalt  }
0x3f: {  	_ =	shalt  }
0x40: {  	_ =	shalt  }
0x41: {  	_ =	shalt  }
0x42: {  	_ =	shalt  }
0x43: {  	_ =	shalt  }
0x44: {  	_ =	shalt  }
0x45: {  	_ =	shalt  }
0x46: {  	_ =	shalt  }
0x47: {  	_ =	shalt  }
0x48: {  	_ =	shalt  }
0x49: {  	_ =	shalt  }
0x4a: {  	_ =	shalt  }
0x4b: {  	_ =	shalt  }
0x4c: {  	_ =	shalt  }
0x4d: {  	_ =	shalt  }
0x4e: {  	_ =	shalt  }
0x4f: {  	_ =	shalt  }
0x50: {  	_ =	shalt  }
0x51: {  	_ =	shalt  }
0x52: {  	_ =	shalt  }
0x53: {  	_ =	shalt  }
0x54: {  	_ =	shalt  }
0x55: {  	_ =	shalt  }
0x56: {  	_ =	shalt  }
0x57: {  	_ =	shalt  }
0x58: {  	_ =	shalt  }
0x59: {  	_ =	shalt  }
0x5a: {  	_ =	shalt  }
0x5b: {  	_ =	shalt  }
0x5c: {  	_ =	shalt  }
0x5d: {  	_ =	shalt  }
0x5e: {  	_ =	shalt  }
0x5f: {  	_ =	shalt  }
0x60: {  	_ =	shalt  }
0x61: {  	_ =	shalt  }
0x62: {  	_ =	shalt  }
0x63: {  	_ =	shalt  }
0x64: {  	_ =	shalt  }
0x65: {  	_ =	shalt  }
0x66: {  	_ =	shalt  }
0x67: {  	_ =	shalt  }
0x68: {  	_ =	shalt  }
0x69: {  	_ =	shalt  }
0x6a: {  	_ =	shalt  }
0x6b: {  	_ =	shalt  }
0x6c: {  	_ =	shalt  }
0x6d: {  	_ =	shalt  }
0x6e: {  	_ =	shalt  }
0x6f: {  	_ =	shalt  }
0x70: {  	_ =	shalt  }
0x71: {  	_ =	shalt  }
0x72: {  	_ =	shalt  }
0x73: {  	_ =	shalt  }
0x74: {  	_ =	shalt  }
0x75: {  	_ =	shalt  }
0x76: {  	_ =	shalt  }
0x77: {  	_ =	shalt  }
0x78: {  	_ =	shalt  }
0x79: {  	_ =	shalt  }
0x7a: {  	_ =	shalt  }
0x7b: {  	_ =	shalt  }
0x7c: {  	_ =	shalt  }
0x7d: {  	_ =	shalt  }
0x7e: {  	_ =	shalt  }
0x7f: {  	_ =	shalt  }
0x80: {  	_ =	shalt  }
0x81: {  	_ =	shalt  }
0x82: {  	_ =	shalt  }
0x83: {  	_ =	shalt  }
0x84: {  	_ =	shalt  }
0x85: {  	_ =	shalt  }
0x86: {  	_ =	shalt  }
0x87: {  	_ =	shalt  }
.Lfunc_end0:
.L_simem_size_0:
called_computation_lowered:
.L_overlay_start_0:
0x88: {  	s2 =	sld [smem:$0x3FD9]  }
0x89: {  	s3 =	sld [smem:$0x3FFE];
	_ =	sdelay $0x1  }
0x8a: {  	s1 =	srdreg.scid  }
0x8b: {  	s0 =	sand.u32 $0x1, s1  }
0x8c: {  	s16 =	sshll.u32 s0, $0xA;
	s2 =	sadd.s32 s3, s2  }
0x8d: {  	s2 =	sadd.s32 s2, s16  }
0x8e: {  	[smem:$0x3FAF] =	sst s2  }
0x8f: {  	_ = 	snop  }
0x90: {  	(tm) =	ssettm $0x1  }
0x91: {  	s17 =	sld [smem:$0x3FFB];
	_ =	sdelay $0x3  }
0x92: {  	_ =	strace s17  }
0x93: {  	s2 =	sld [smem:$0x3FFC];
	_ =	sdelay $0x3  }
0x94: {  	_ =	strace s2  }
0x95: {  	s2 =	sld [smem:$0x3FFD];
	_ =	sdelay $0x3  }
0x96: {  	_ =	strace s2  }
0x97: {  	_ =	strace $0x8FFFFFFF  }
0x98: {  	s18 =	sld [smem:$0x3FDB];
	_ =	sdelay $0x1  }
0x99: {  	s19 =	simm.s32 $_scs_section_size  }
0x9a: {  	s4 =	simm.s32 $_size__tile_overlayer_lowered;
	s5 =	simm.s32 $_tile_overlayer_lowered  }
0x9b: {  	s22 =	simm.s32 $0x1BFF;
	s21 =	sshll.u32 s5, $0x1;
	s2 =	sadd.s32 s19, s18  }
0x9c: {  	s6 =	simm.s32 $0x0;
	s20 =	sshll.u32 s4, $0x1;
	s4 =	sadd.s32 s21, s2  }
0x9d: {  	[timem:s6], [sflag:s22] =	dma.local [hbm:s4], s20  }
0x9e: {  	_ =	swait.ge [sflag:s22], s20  }
0x9f: {  	s3 =	ssub.s32 $0x0, s20;
	[sflag:s22] =	ssyncset.done $0x0  }
0xa0: {  	[sflag:s22] =	ssyncadd.s32 s3;
	_ =	sdelay $0x1  }
0xa1: {  	s23 =	simm.s32 $0x1B8B  }
0xa2: {  	_ =	swait.ge [sflag:s23], $0x1  }
0xa3: {  	[sflag:s23] =	ssyncset.done $0x0  }
0xa4: {  	s25 =	simm.s32 $0x1B8E;
	s24 =	sld [smem:$0x3FFE];
	[sflag:s23] =	ssyncadd.s32 $0xFFFFFFFF  }
0xa5: {  	s26 =	simm.s32 $execute0_lowered;
	[smem:$0x3FD2] =	sst s25  }
0xa6: {  	s4 =	sshll.u32 s26, $0x1;
	_ =	strace $0x80000046;
	[dreg:$0x1] =	wrdreg $0xFFFFFFFF  }
0xa7: {  	s28 =	simm.s32 $_size_execute0_lowered;
	s2 =	sadd.s32 s2, s4;
	[dreg:$0x0] =	wrdreg $0x0  }
0xa8: {  	s4 =	sshll.u32 s28, $0x1;
	[dreg:$0x2] =	wrdreg s2  }
0xa9: {  	[dreg:$0x3] =	wrdreg s4  }
0xaa: {  	[dreg:$0x4] =	wrdreg $0xC0  }
0xab: {  	_ =	task [dreg:s6], $0x5FFFF  }
0xac: {  	[dreg:$0x1] =	wrdreg $0xFFFFFFFF  }
0xad: {  	[dreg:$0x0] =	wrdreg $0x60  }
0xae: {  	[dreg:$0x2] =	wrdreg s24  }
0xaf: {  	[dreg:$0x3] =	wrdreg $0x0  }
0xb0: {  	[dreg:$0x4] =	wrdreg $0x9  }
0xb1: {  	_ =	task.clear_ibuf [dreg:s6], $0x5FFFF;
	_ =	strace $0x90000046  }
0xb2: {  	s29 =	simm.s32 $0x9;
	_ =	strace $0x80000048  }
0xb3: {  	_ =	swait.ge [sflag:s29], $0x1  }
0xb4: {  	[sflag:s29] =	ssyncadd.s32 $0xFFFFFFFF  }
0xb5: {  	_ =	strace $0x90000048  }
0xb6: {  	_ =	sfence  }
0xb7: {  	s30 =	sld [smem:$0x0];
	_ =	sdelay $0x2  }
0xb8: {  	s31 =	sshll.u32 s1, $0xD;
	s1 =	sshrl.u32 s1, $0x2  }
0xb9: {  	s3 =	sand.u32 $0x4000, s31;
	s1 =	sadd.s32 s1, s30  }
0xba: {  	s0 =	sor.u32 s3, s0;
	s1 =	sshll.u32 s1, $0x11  }
0xbb: {  	s0 =	sor.u32 s1, s0  }
0xbc: {  	s0 =	sadd.s32 $0x8F2B, s0  }
0xbd: {  	[sflag:s0] =	ssyncadd.remote.s32 $0x1  }
0xbe: {  	_ =	sfence.sel $0xFFFF  }
0xbf: {  	[dreg:$0x0] =	wrdreg $0xFFFFFFFF;
	(pc) =	sbr.abs _section_cstart, $3  }
0xc0: {  	[dreg:$0x1] =	wrdreg $0xFFFFFFFF  }
0xc1: {  	_ =	task.clear_ibuf [dreg:s6], $0x2FFFF;
	_ =	strace $0x9FFFFFFF  }
0xc2: {  	(tm) =	ssettm $0x7FFFFFFF  }
0xc3: {  	_ =	shalt  }
tec
execute0_lowered:
.L_overlay_start_1:
0x0: {  	(tag) =	ssettag $0x1  }
0x1: {  	s4 =	rddreg [dreg:$0x0];
	s0 =	srdreg.scid  }
0x2: {  	s2 =	rddreg [dreg:$0x1];
	s1 =	stileid.u32;
	s3 =	simm.s32 $0x0  }
0x3: {  	s5 =	sand.u32 $0x1, s0;
	s0 =	rddreg [dreg:$0x2];
	s7 =	smul.u32 $0x50000, s1  }
0x4: {  	[smem:$0x7FF] =	sst s3;
	s14 =	smul.u32 $0x14000, s1  }
0x5: {  	s16 =	sadd.s32 $0x19600, s4;
	s6 =	smul.u32 $0x4F00, s5;
	s22 =	ssub.s32 $0x2, s5  }
0x6: {  	s13 =	smul.u32 $0x140000, s5;
	_ =	strace $0x80000047;
	s5 =	sshrl.u32 s22, $0x1  }
0x7: {  	s23 =	sshrl.u32 s7, $0x2;
	s12 =	sadd.s32 $0x4000, s14;
	s17 =	sadd.s32 $0x8000, s14  }
0x8: {  	s28 =	sadd.s32 $0xC000, s14;
	s20 =	sadd.s32 $0x10000, s14;
	s15 =	sadd.s32 s6, s4  }
0x9: {  	s24 =	sadd.s32 s13, s14;
	s8 =	ssub.s32 s22, s5;
	s4 =	sadd.s32 s23, s2  }
0xa: {  	s10 =	sadd.s32 s13, s12;
	s18 =	sadd.s32 s13, s17;
	s21 =	sadd.s32 s12, s2  }
0xb: {  	s19 =	sadd.s32 s13, s28;
	s30 =	sadd.s32 s13, s20;
	s22 =	smul.u32 $0x4F0, s1  }
0xc: {  	s23 =	sadd.s32 s17, s2;
	s17 =	simm.s32 $0x1;
	s25 =	sshrl.u32 s24, $0x3  }
0xd: {  	s6 =	smax.u32 s8, $0x1;
	s7 =	sadd.s32 $0x4000, s4;
	s8 =	sadd.s32 $0x8000, s4  }
0xe: {  	s9 =	sadd.s32 $0xC000, s4;
	s11 =	sshrl.u32 s10, $0x3;
	s10 =	sadd.s32 $0x10000, s4  }
0xf: {  	s26 =	sshrl.u32 s18, $0x3;
	s29 =	sshrl.u32 s19, $0x3;
	s31 =	sshrl.u32 s30, $0x3  }
0x10: {  	s24 =	sadd.s32 s28, s2;
	s18 =	simm.s32 $0xA800;
	s19 =	simm.s32 $0x80  }
0x11: {  	s21 =	sshrl.u32 s21, $0x3;
	s5 =	sadd.s32 s16, s25;
	s11 =	sadd.s32 s16, s11  }
0x12: {  	s12 =	sadd.s32 s16, s26;
	s13 =	sadd.s32 s16, s29;
	s14 =	sadd.s32 s16, s31  }
0x13: {  	s15 =	sadd.s32 s22, s15;
	s25 =	sadd.s32 s20, s2;
	s16 =	simm.s32 $0x6800  }
0x14: {  	s20 =	simm.s32 $0x2800;
	s22 =	sshrl.u32 s23, $0x3;
	s23 =	sshrl.u32 s24, $0x3  }
0x15: {  	v0 =	vimm.f32 $1.000000000e+00;
	v1 =	vimm.f32 $0.0e+00;
	s15 =	sadd.s32 $0x5A00, s15;
	s24 =	sshrl.u32 s25, $0x3;
	s25 =	simm.s32 $0x0  }
.LBB2_1:
0x16: {  	s26 =	simm.s32 $0x200;
	s28 =	simm.s32 $0x0  }
.LBB2_2:
0x17: {  	p0 =	sne.s32 s26, $0xFE00;
	[tilespmem:s28+$0x2800] =	vst v0;
	s29 =	smov.u32 s26;
	s26 =	sadd.s32 $0x200, s26  }
.Ltmp0:
0x18: {  	[tilespmem:s28+$0x6800] =	vst v1;
	(pc) =	sbr.rel @p0 .LBB2_2-.Ltmp0, $2  }
0x19: {  	_ =	sdelay $0x2  }
0x1a: {  	s28 =	sshra.s32 s29, $0x2  }
0x1b: {  	[tilespmem:s28+$0x2800] =	vst v0  }
0x1c: {  	[tilespmem:s28+$0x6800] =	vst v1  }
0x1d: {  	[spmem:s4] =	stream.linear.scatter [tilespmem:s16], [sflag:$0x1], $0x4000, $0x38;
	[tilespmem:$0xA880] =	vst v63  }
0x1e: {  	_ =	swait.ge [sflag:s17], $0x4000  }
0x1f: {  	[sflag:s17] =	ssyncset.done $0x0  }
0x20: {  	[sflag:s17] =	ssyncadd.s32 $0xFFFFC000  }
0x21: {  	[spmem:s7] =	stream.linear.scatter [tilespmem:s16], [sflag:$0x1], $0x4000, $0x38;
	[tilespmem:$0xA880] =	vst v63  }
0x22: {  	_ =	swait.ge [sflag:s17], $0x4000  }
0x23: {  	[sflag:s17] =	ssyncset.done $0x0  }
0x24: {  	[sflag:s17] =	ssyncadd.s32 $0xFFFFC000  }
0x25: {  	[spmem:s8] =	stream.linear.scatter [tilespmem:s16], [sflag:$0x1], $0x4000, $0x38;
	[tilespmem:$0xA880] =	vst v63  }
0x26: {  	_ =	swait.ge [sflag:s17], $0x4000  }
0x27: {  	[sflag:s17] =	ssyncset.done $0x0  }
0x28: {  	[sflag:s17] =	ssyncadd.s32 $0xFFFFC000  }
0x29: {  	[spmem:s9] =	stream.linear.scatter [tilespmem:s16], [sflag:$0x1], $0x4000, $0x38;
	[tilespmem:$0xA880] =	vst v63  }
0x2a: {  	_ =	swait.ge [sflag:s17], $0x4000  }
0x2b: {  	[sflag:s17] =	ssyncset.done $0x0  }
0x2c: {  	[sflag:s17] =	ssyncadd.s32 $0xFFFFC000  }
0x2d: {  	[spmem:s10] =	stream.linear.scatter [tilespmem:s16], [sflag:$0x1], $0x4000, $0x38;
	[tilespmem:$0xA880] =	vst v63  }
0x2e: {  	_ =	swait.ge [sflag:s17], $0x4000  }
0x2f: {  	[sflag:s17] =	ssyncset.done $0x0  }
0x30: {  	[sflag:s17] =	ssyncadd.s32 $0xFFFFC000  }
0x31: {  	s26 =	sadd.s32 $0x0, s15;
	[bflag:$0x0] =	sbarrier.arrive $0xFFFF  }
0x32: {  	[tilespmem:s18], [sflag:$0x1] =	stream.linear.gather [hbm4b:s26+s3], $0x80, $0x38;
	[tilespmem:$0xA880] =	vst v63  }
0x33: {  	_ =	swait.ge [sflag:s17], $0x80  }
0x34: {  	[sflag:s17] =	ssyncset.done $0x0  }
0x35: {  	[sflag:s17] =	ssyncadd.s32 $0xFFFFFF80  }
0x36: {  	[spmem:s2] =	stream.indirect.scatter.add.f32 [tilespmem:s20], [sflag:$0x1], $0x10, s18, s19, $0xb8;
	[tilespmem:$0xA880] =	vst v63  }
0x37: {  	_ =	swait.ge [sflag:s17], $0x800  }
0x38: {  	s28 =	simm.s32 $0x20;
	s26 =	simm.s32 $0x10;
	[sflag:s17] =	ssyncset.done $0x0  }
.LBB2_4:
0x39: {  	s29 =	sadd.s32 s26, s15  }
0x3a: {  	[sflag:s17] =	ssyncadd.s32 $0xFFFFF800;
	s26 =	smov.u32 s28;
	s30 =	sadd.s32 $0x10, s28  }
0x3b: {  	[tilespmem:s18], [sflag:$0x1] =	stream.linear.gather [hbm4b:s29+s3], $0x80, $0x38;
	[tilespmem:$0xA880] =	vst v63  }
0x3c: {  	p0 =	sne.s32 s28, $0x4E0;
	_ =	swait.ge [sflag:s17], $0x80  }
.Ltmp1:
0x3d: {  	[sflag:s17] =	ssyncset.done $0x0;
	(pc) =	sbr.rel @p0 .LBB2_4-.Ltmp1, $4  }
0x3e: {  	[sflag:s17] =	ssyncadd.s32 $0xFFFFFF80  }
0x3f: {  	[spmem:s2] =	stream.indirect.scatter.add.f32 [tilespmem:s20], [sflag:$0x1], $0x10, s18, s19, $0xb8;
	[tilespmem:$0xA880] =	vst v63  }
0x40: {  	_ =	swait.ge [sflag:s17], $0x800  }
0x41: {  	s28 =	smov.u32 s30;
	[sflag:s17] =	ssyncset.done $0x0  }
0x42: {  	s26 =	sadd.s32 s26, s15;
	[sflag:s17] =	ssyncadd.s32 $0xFFFFF800  }
0x43: {  	[tilespmem:s18], [sflag:$0x1] =	stream.linear.gather [hbm4b:s26+s3], $0x80, $0x38;
	[tilespmem:$0xA880] =	vst v63  }
0x44: {  	_ =	swait.ge [sflag:s17], $0x80  }
0x45: {  	[sflag:s17] =	ssyncset.done $0x0  }
0x46: {  	[sflag:s17] =	ssyncadd.s32 $0xFFFFFF80  }
0x47: {  	[spmem:s2] =	stream.indirect.scatter.add.f32 [tilespmem:s20], [sflag:$0x1], $0x10, s18, s19, $0xb8;
	[tilespmem:$0xA880] =	vst v63  }
0x48: {  	_ =	swait.ge [sflag:s17], $0x800  }
0x49: {  	[sflag:s17] =	ssyncset.done $0x0  }
0x4a: {  	s31 =	sshll.u32 s1, $0x6;
	[sflag:s17] =	ssyncadd.s32 $0xFFFFF800  }
0x4b: {  	s28 =	sshrl.u32 s4, $0x3;
	s26 =	sor.u32 $0x1C01, s31;
	[bflag:$0x0] =	sbarrier.arrive $0xFFFF  }
0x4c: {  	[hbm:s5], [sflag:s26] =	dma.local [spmem:s28], $0x800  }
0x4d: {  	_ =	swait.ge [sflag:s17], $0x800  }
0x4e: {  	[sflag:s17] =	ssyncset.done $0x0  }
0x4f: {  	[sflag:s17] =	ssyncadd.s32 $0xFFFFF800  }
0x50: {  	[hbm:s11], [sflag:s26] =	dma.local [spmem:s21], $0x800  }
0x51: {  	_ =	swait.ge [sflag:s17], $0x800  }
0x52: {  	[sflag:s17] =	ssyncset.done $0x0  }
0x53: {  	[sflag:s17] =	ssyncadd.s32 $0xFFFFF800  }
0x54: {  	[hbm:s12], [sflag:s26] =	dma.local [spmem:s22], $0x800  }
0x55: {  	_ =	swait.ge [sflag:s17], $0x800  }
0x56: {  	[sflag:s17] =	ssyncset.done $0x0  }
0x57: {  	[sflag:s17] =	ssyncadd.s32 $0xFFFFF800  }
0x58: {  	[hbm:s13], [sflag:s26] =	dma.local [spmem:s23], $0x800  }
0x59: {  	s25 =	sadd.s32 $0x1, s25;
	_ =	swait.ge [sflag:s17], $0x800  }
0x5a: {  	p0 =	sne.s32 s25, s6;
	[sflag:s17] =	ssyncset.done $0x0  }
.Ltmp2:
0x5b: {  	[sflag:s17] =	ssyncadd.s32 $0xFFFFF800;
	(pc) =	sbr.rel @p0 .LBB2_1-.Ltmp2, $4  }
0x5c: {  	[hbm:s14], [sflag:s26] =	dma.local [spmem:s24], $0x800  }
0x5d: {  	_ =	swait.ge [sflag:s17], $0x800  }
0x5e: {  	[sflag:s17] =	ssyncset.done $0x0  }
0x5f: {  	[sflag:s17] =	ssyncadd.s32 $0xFFFFF800  }
0x60: {  	_ =	sfence.sel $0x180000  }
0x61: {  	[bflag:$0x0] =	sbarrier.arrive $0xFFFF  }
0x62: {  	p0 =	sne.s32 s1, $0x0;
	_ =	strace $0x90000047  }
0x63: {  	s0 =	sadd.s32 @!p0 $0x100000, s0;
	[bflag:$0x2] =	sbarrier.arrive $0xFFFF  }
0x64: {  	[sflag:s0] =	ssyncadd.tile.s32 @!p0 $0x1;
	_ =	shalt  }
.Lfunc_end2:
_tile_overlayer_lowered:
.L_overlay_start_2:
0x65: {  	(tag) =	ssettag $0x2  }
0x66: {  	s0 =	rddreg [dreg:$0x0];
	s2 =	stileid.u32  }
0x67: {  	s1 =	rddreg [dreg:$0x1];
	p0 =	sne.s32 s2, $0x0  }
0x68: {  	s3 =	rddreg [dreg:$0x2];
	[bflag:$0x3] =	sbarrier.arrive $0xFFFF;
	s2 =	simm.s32 @!p0 $0x1C01  }
0x69: {  	[timem:s3], [sflag:s2] =	dma.local @!p0 [hbm:s0], s1  }
0x6a: {  	s0 =	simm.s32 @!p0 $0x1  }
0x6b: {  	_ =	swait.ge @!p0 [sflag:s0], s1  }
0x6c: {  	s1 =	ssub.s32 @!p0 $0x0, s1;
	[sflag:s0] =	ssyncset.done @!p0 $0x0  }
0x6d: {  	[sflag:s0] =	ssyncadd.s32 @!p0 s1  }
0x6e: {  	[bflag:$0x3] =	sbarrier.arrive $0xFFFF  }
0x6f: {  	_ =	shalt  }

// kernel: kernel.15.cloned.1.call-start
scs
__scs_entry_jumppad:
0x0: {  	(pc) =	sbr.rel $0x88, $3  }
0x1: {  	(tag) =	ssettag $0x0;
	lr =	simm.s32 $0x1  }
0x2: {  	[smem:$0x3F88] =	sst lr;
	_ =	strace $0xD0000000  }
0x3: {  	_ = 	snop  }
0x4: {  	_ = 	snop  }
0x5: {  	_ = 	snop  }
0x6: {  	_ = 	snop  }
0x7: {  	_ = 	snop  }
__scs_overlays_trampoline_lowered:
0x8: {  	[smem:$0x3F97] =	sst s0  }
0x9: {  	[smem:$0x3F98] =	sst s1  }
0xa: {  	[smem:$0x3F99] =	sst s2  }
0xb: {  	[smem:$0x3F9A] =	sst s3  }
0xc: {  	[smem:$0x3F9B] =	sst s4  }
0xd: {  	[smem:$0x3F9C] =	sst s5  }
0xe: {  	[smem:$0x3F9D] =	sst s6  }
0xf: {  	[smem:$0x3F9E] =	sst s7  }
0x10: {  	[smem:$0x3F9F] =	sst s8  }
0x11: {  	[smem:$0x3FA0] =	sst s9;
	s0 =	simm.s32 @!p0 $0x0  }
0x12: {  	s1 =	sld [smem:$0x3F86];
	s0 =	simm.s32 @p0 $0x1  }
0x13: {  	[smem:$0x3FA1] =	sst s0;
	s0 =	simm.s32 @!p1 $0x0  }
0x14: {  	s2 =	sld [smem:$0x3F85];
	s0 =	simm.s32 @p1 $0x1  }
0x15: {  	[smem:$0x3FA2] =	sst s0;
	s0 =	simm.s32 @!p2 $0x0  }
0x16: {  	s3 =	sld [smem:$0x3FDB];
	s0 =	simm.s32 @p2 $0x1  }
0x17: {  	s4 =	simm.s32 $0x1BF5;
	[smem:$0x3FA4] =	sst s0  }
0x18: {  	s0 =	sld [smem:$0x3F87];
	_ =	swait.ge [sflag:s4], $0x0  }
0x19: {  	s7 =	sld [smem:$0x3F88]  }
0x1a: {  	s8 =	sadd.s32 $0xFFFFE003, lr  }
0x1b: {  	s9 =	sadd.s32 $0xFFFFFEF7, lr;
	s5 =	simm.s32 $0xFFFFFFFF;
	p2 =	slt.u32 s8, $0xFFFFF086  }
0x1c: {  	p1 =	slt.u32 s9, $0xF7A;
	s5 =	simm.s32 @!p2 $0x0  }
0x1d: {  	s5 =	simm.s32 @p1 $0x1;
	p0 =	seq.s32 s7, s2  }
0x1e: {  	s7 =	smul.u32 @!p0 $0xF7A, s2;
	p2 =	seq.s32 @!p0 s5, $0x0  }
0x1f: {  	s9 =	smul.u32 $0xF7A, s1;
	s8 =	simm.s32 @!p0 $0x1BF5;
	p2 =	por !p2, p0  }
0x20: {  	[sflag:s8] =	ssyncset.s32 @!p0 $0xFFFFF086;
	s6 =	sadd.s32 @!p0 s3, s7;
	s7 =	simm.s32 @!p0 $0x108  }
0x21: {  	s3 =	sadd.s32 s3, s9;
	s6 =	sadd.s32 @!p0 $0x88, s6;
	s7 =	simm.s32 @p2 $0x1082  }
0x22: {  	[simem:s7], [sflag:s8] =	dma.local @!p0 [hbm:s6], $0xF7A  }
0x23: {  	s9 =	sor.u32 $0xD0000000, s2;
	s6 =	simm.s32 $0x108;
	_ =	swait.ge @!p0 [sflag:s8], $0x0  }
0x24: {  	s3 =	sadd.s32 $0x88, s3;
	s6 =	simm.s32 @!p1 $0x1082;
	[sflag:s4] =	ssyncset.s32 $0xFFFFF086  }
0x25: {  	[simem:s6], [sflag:s4] =	dma.local [hbm:s3], $0xF7A  }
0x26: {  	[smem:$0x3F88] =	sst s1;
	(tag) =	ssettag s2;
	_ =	strace s9  }
0x27: {  	s1 =	sld [smem:$0x3F98]  }
0x28: {  	s2 =	sld [smem:$0x3F99]  }
0x29: {  	s4 =	sld [smem:$0x3F9B]  }
0x2a: {  	p0 =	seq.s32 s5, $0x0;
	s5 =	sld [smem:$0x3F9C]  }
0x2b: {  	s6 =	sld [smem:$0x3F9D]  }
0x2c: {  	s7 =	sld [smem:$0x3F9E]  }
0x2d: {  	s3 =	simm.s32 $0x108;
	s8 =	sld [smem:$0x3F9F]  }
0x2e: {  	s3 =	simm.s32 @!p0 $0x1082;
	s9 =	sld [smem:$0x3FA0]  }
0x2f: {  	lr =	sadd.s32 s0, s3;
	s0 =	sld [smem:$0x3F97]  }
0x30: {  	s3 =	sld [smem:$0x3F9A]  }
0x31: {  	[smem:$0x3FA3] =	sst s10  }
0x32: {  	s10 =	sld [smem:$0x3FA1];
	_ =	sdelay $0x3  }
0x33: {  	p0 =	seq.s32 s10, $0x1;
	s10 =	sld [smem:$0x3FA3];
	_ =	sdelay $0x3  }
0x34: {  	[smem:$0x3FA3] =	sst s10  }
0x35: {  	s10 =	sld [smem:$0x3FA2];
	_ =	sdelay $0x3  }
0x36: {  	p1 =	seq.s32 s10, $0x1;
	s10 =	sld [smem:$0x3FA3];
	_ =	sdelay $0x3  }
0x37: {  	[smem:$0x3FA3] =	sst s10  }
0x38: {  	s10 =	sld [smem:$0x3FA4]  }
0x39: {  	_ = 	snop;
	(pc) =	sbr.ind lr, $3  }
0x3a: {  	_ = 	snop  }
0x3b: {  	_ = 	snop  }
0x3c: {  	p2 =	seq.s32 s10, $0x1;
	s10 =	sld [smem:$0x3FA3]  }
0x3d: {  	_ =	shalt  }
0x3e: {  	_ =	shalt  }
0x3f: {  	_ =	shalt  }
0x40: {  	_ =	shalt  }
0x41: {  	_ =	shalt  }
0x42: {  	_ =	shalt  }
0x43: {  	_ =	shalt  }
0x44: {  	_ =	shalt  }
0x45: {  	_ =	shalt  }
0x46: {  	_ =	shalt  }
0x47: {  	_ =	shalt  }
0x48: {  	_ =	shalt  }
0x49: {  	_ =	shalt  }
0x4a: {  	_ =	shalt  }
0x4b: {  	_ =	shalt  }
0x4c: {  	_ =	shalt  }
0x4d: {  	_ =	shalt  }
0x4e: {  	_ =	shalt  }
0x4f: {  	_ =	shalt  }
0x50: {  	_ =	shalt  }
0x51: {  	_ =	shalt  }
0x52: {  	_ =	shalt  }
0x53: {  	_ =	shalt  }
0x54: {  	_ =	shalt  }
0x55: {  	_ =	shalt  }
0x56: {  	_ =	shalt  }
0x57: {  	_ =	shalt  }
0x58: {  	_ =	shalt  }
0x59: {  	_ =	shalt  }
0x5a: {  	_ =	shalt  }
0x5b: {  	_ =	shalt  }
0x5c: {  	_ =	shalt  }
0x5d: {  	_ =	shalt  }
0x5e: {  	_ =	shalt  }
0x5f: {  	_ =	shalt  }
0x60: {  	_ =	shalt  }
0x61: {  	_ =	shalt  }
0x62: {  	_ =	shalt  }
0x63: {  	_ =	shalt  }
0x64: {  	_ =	shalt  }
0x65: {  	_ =	shalt  }
0x66: {  	_ =	shalt  }
0x67: {  	_ =	shalt  }
0x68: {  	_ =	shalt  }
0x69: {  	_ =	shalt  }
0x6a: {  	_ =	shalt  }
0x6b: {  	_ =	shalt  }
0x6c: {  	_ =	shalt  }
0x6d: {  	_ =	shalt  }
0x6e: {  	_ =	shalt  }
0x6f: {  	_ =	shalt  }
0x70: {  	_ =	shalt  }
0x71: {  	_ =	shalt  }
0x72: {  	_ =	shalt  }
0x73: {  	_ =	shalt  }
0x74: {  	_ =	shalt  }
0x75: {  	_ =	shalt  }
0x76: {  	_ =	shalt  }
0x77: {  	_ =	shalt  }
0x78: {  	_ =	shalt  }
0x79: {  	_ =	shalt  }
0x7a: {  	_ =	shalt  }
0x7b: {  	_ =	shalt  }
0x7c: {  	_ =	shalt  }
0x7d: {  	_ =	shalt  }
0x7e: {  	_ =	shalt  }
0x7f: {  	_ =	shalt  }
0x80: {  	_ =	shalt  }
0x81: {  	_ =	shalt  }
0x82: {  	_ =	shalt  }
0x83: {  	_ =	shalt  }
0x84: {  	_ =	shalt  }
0x85: {  	_ =	shalt  }
0x86: {  	_ =	shalt  }
0x87: {  	_ =	shalt  }
.Lfunc_end0:
.L_simem_size_0:
called_computation.1_lowered:
.L_overlay_start_0:
0x88: {  	s2 =	sld [smem:$0x3FD9]  }
0x89: {  	s3 =	sld [smem:$0x3FFE];
	_ =	sdelay $0x1  }
0x8a: {  	s1 =	srdreg.scid  }
0x8b: {  	s0 =	sand.u32 $0x1, s1  }
0x8c: {  	s16 =	sshll.u32 s0, $0xA;
	s2 =	sadd.s32 s3, s2  }
0x8d: {  	s2 =	sadd.s32 s2, s16  }
0x8e: {  	[smem:$0x3FAF] =	sst s2  }
0x8f: {  	_ = 	snop  }
0x90: {  	(tm) =	ssettm $0x1  }
0x91: {  	s17 =	sld [smem:$0x3FFB];
	_ =	sdelay $0x3  }
0x92: {  	_ =	strace s17  }
0x93: {  	s2 =	sld [smem:$0x3FFC];
	_ =	sdelay $0x3  }
0x94: {  	_ =	strace s2  }
0x95: {  	s2 =	sld [smem:$0x3FFD];
	_ =	sdelay $0x3  }
0x96: {  	_ =	strace s2  }
0x97: {  	_ =	strace $0x8FFFFFFF  }
0x98: {  	s18 =	sld [smem:$0x3FDB];
	_ =	sdelay $0x1  }
0x99: {  	s19 =	simm.s32 $_scs_section_size  }
0x9a: {  	s4 =	simm.s32 $_size__tile_overlayer_lowered;
	s5 =	simm.s32 $_tile_overlayer_lowered  }
0x9b: {  	s22 =	simm.s32 $0x1BFF;
	s21 =	sshll.u32 s5, $0x1;
	s2 =	sadd.s32 s19, s18  }
0x9c: {  	s6 =	simm.s32 $0x0;
	s20 =	sshll.u32 s4, $0x1;
	s4 =	sadd.s32 s21, s2  }
0x9d: {  	[timem:s6], [sflag:s22] =	dma.local [hbm:s4], s20  }
0x9e: {  	_ =	swait.ge [sflag:s22], s20  }
0x9f: {  	s3 =	ssub.s32 $0x0, s20;
	[sflag:s22] =	ssyncset.done $0x0  }
0xa0: {  	[sflag:s22] =	ssyncadd.s32 s3;
	_ =	sdelay $0x1  }
0xa1: {  	s23 =	simm.s32 $0x1B8B  }
0xa2: {  	_ =	swait.ge [sflag:s23], $0x1  }
0xa3: {  	[sflag:s23] =	ssyncset.done $0x0  }
0xa4: {  	s25 =	simm.s32 $0x1B8E;
	s24 =	sld [smem:$0x3FFE];
	[sflag:s23] =	ssyncadd.s32 $0xFFFFFFFF  }
0xa5: {  	s26 =	simm.s32 $execute0_lowered;
	[smem:$0x3FD2] =	sst s25  }
0xa6: {  	s4 =	sshll.u32 s26, $0x1;
	_ =	strace $0x80000049;
	[dreg:$0x1] =	wrdreg $0xFFFFFFFF  }
0xa7: {  	s28 =	simm.s32 $_size_execute0_lowered;
	s2 =	sadd.s32 s2, s4;
	[dreg:$0x0] =	wrdreg $0x0  }
0xa8: {  	s4 =	sshll.u32 s28, $0x1;
	[dreg:$0x2] =	wrdreg s2  }
0xa9: {  	[dreg:$0x3] =	wrdreg s4  }
0xaa: {  	[dreg:$0x4] =	wrdreg $0xC0  }
0xab: {  	_ =	task [dreg:s6], $0x5FFFF  }
0xac: {  	[dreg:$0x1] =	wrdreg $0xFFFFFFFF  }
0xad: {  	[dreg:$0x0] =	wrdreg $0x60  }
0xae: {  	[dreg:$0x2] =	wrdreg s24  }
0xaf: {  	[dreg:$0x3] =	wrdreg $0x0  }
0xb0: {  	[dreg:$0x4] =	wrdreg $0x9  }
0xb1: {  	_ =	task.clear_ibuf [dreg:s6], $0x5FFFF;
	_ =	strace $0x90000049  }
0xb2: {  	s29 =	simm.s32 $0x9;
	_ =	strace $0x8000004B  }
0xb3: {  	_ =	swait.ge [sflag:s29], $0x1  }
0xb4: {  	[sflag:s29] =	ssyncadd.s32 $0xFFFFFFFF  }
0xb5: {  	_ =	strace $0x9000004B  }
0xb6: {  	_ =	sfence  }
0xb7: {  	s30 =	sld [smem:$0x0];
	_ =	sdelay $0x2  }
0xb8: {  	s31 =	sshll.u32 s1, $0xD;
	s1 =	sshrl.u32 s1, $0x2  }
0xb9: {  	s3 =	sand.u32 $0x4000, s31;
	s1 =	sadd.s32 s1, s30  }
0xba: {  	s0 =	sor.u32 s3, s0;
	s1 =	sshll.u32 s1, $0x11  }
0xbb: {  	s0 =	sor.u32 s1, s0  }
0xbc: {  	s0 =	sadd.s32 $0x8F2B, s0  }
0xbd: {  	[sflag:s0] =	ssyncadd.remote.s32 $0x1  }
0xbe: {  	_ =	sfence.sel $0xFFFF  }
0xbf: {  	[dreg:$0x0] =	wrdreg $0xFFFFFFFF;
	(pc) =	sbr.abs _section_cstart, $3  }
0xc0: {  	[dreg:$0x1] =	wrdreg $0xFFFFFFFF  }
0xc1: {  	_ =	task.clear_ibuf [dreg:s6], $0x2FFFF;
	_ =	strace $0x9FFFFFFF  }
0xc2: {  	(tm) =	ssettm $0x7FFFFFFF  }
0xc3: {  	_ =	shalt  }
tec
execute0_lowered:
.L_overlay_start_1:
0x0: {  	(tag) =	ssettag $0x1  }
0x1: {  	s0 =	rddreg [dreg:$0x0]  }
0x2: {  	s1 =	rddreg [dreg:$0x1]  }
0x3: {  	s3 =	simm.s32 $0x0;
	s2 =	srdreg.scid;
	s17 =	stileid.u32  }
0x4: {  	s28 =	simm.s32 $0x80;
	s29 =	simm.s32 $0x1C000;
	s30 =	simm.s32 $0x1C080  }
0x5: {  	s31 =	simm.s32 $0x18000;
	[smem:$0x7FF] =	sst s3;
	s7 =	smul.u32 $0x14000, s17  }
0x6: {  	s2 =	sand.u32 $0x1, s2;
	s4 =	sadd.s32 $0x73400, s0;
	s5 =	smul.u32 $0x50000, s17  }
0x7: {  	s8 =	sadd.s32 $0x69600, s0;
	s9 =	sadd.s32 $0x5A00, s0;
	s17 =	smul.u32 $0x2780, s17  }
0x8: {  	s0 =	sadd.s32 $0x9A600, s0;
	s6 =	smul.u32 $0x140000, s2;
	s10 =	ssub.s32 $0x2, s2  }
0x9: {  	_ =	strace $0x8000004A;
	s2 =	smul.u32 $0x27800, s2;
	s12 =	sshrl.u32 s10, $0x1  }
0xa: {  	s5 =	sshrl.u32 s5, $0x2;
	s26 =	sadd.s32 $0x4000, s7;
	s14 =	sadd.s32 $0x8000, s7  }
0xb: {  	s11 =	sadd.s32 s6, s7;
	s10 =	ssub.s32 s10, s12;
	s5 =	sadd.s32 s5, s1  }
0xc: {  	s16 =	sadd.s32 s6, s26;
	s13 =	sadd.s32 s6, s14;
	s23 =	sadd.s32 s14, s1  }
0xd: {  	s22 =	sadd.s32 s17, s2;
	s2 =	simm.s32 $0x3;
	s10 =	smax.u32 s10, $0x1  }
0xe: {  	s11 =	sshrl.u32 s11, $0x3;
	s25 =	sadd.s32 $0x4000, s5;
	[dreg:$0x4] =	wrdreg s10  }
0xf: {  	s15 =	sadd.s32 $0x8000, s5;
	s18 =	sadd.s32 $0xC000, s5;
	[dreg:$0x5] =	wrdreg s25  }
0x10: {  	s19 =	sshrl.u32 s16, $0x3;
	s20 =	sadd.s32 $0x10000, s5;
	[dreg:$0x6] =	wrdreg s15  }
0x11: {  	s13 =	sshrl.u32 s13, $0x3;
	s23 =	sshrl.u32 s23, $0x3;
	[dreg:$0x7] =	wrdreg s18  }
0x12: {  	s11 =	sadd.s32 s0, s11;
	[dreg:$0x8] =	wrdreg s20;
	s21 =	sadd.s32 s0, s19  }
0x13: {  	s10 =	sadd.s32 s26, s1;
	s13 =	sadd.s32 s0, s13;
	s15 =	sadd.s32 $0xC000, s7  }
0x14: {  	s7 =	sadd.s32 $0x10000, s7;
	s26 =	sshrl.u32 s22, $0x3;
	[dreg:$0x3] =	wrdreg s11  }
0x15: {  	s20 =	simm.s32 $0x14000;
	[dreg:$0x9] =	wrdreg s21;
	s16 =	sadd.s32 s6, s15  }
0x16: {  	s6 =	sadd.s32 s6, s7;
	s24 =	sadd.s32 s15, s1;
	s25 =	sadd.s32 s7, s1  }
0x17: {  	s17 =	sadd.s32 s26, s8;
	s21 =	simm.s32 $0x4;
	s7 =	simm.s32 $0x0  }
0x18: {  	s16 =	sshrl.u32 s16, $0x3;
	s6 =	sshrl.u32 s6, $0x3;
	s24 =	sshrl.u32 s24, $0x3  }
0x19: {  	s25 =	sshrl.u32 s25, $0x3;
	s14 =	sadd.s32 s0, s16;
	s15 =	sadd.s32 s0, s6  }
0x1a: {  	s0 =	sadd.s32 $0x1400, s22;
	s16 =	sadd.s32 s26, s9;
	s22 =	sshrl.u32 s10, $0x3  }
0x1b: {  	s26 =	simm.s32 $0x1;
	s6 =	simm.s32 $0x1E700;
	s0 =	sshrl.u32 s0, $0x3  }
0x1c: {  	v0 =	vimm.f32 $0.0e+00;
	s18 =	sadd.s32 s0, s9;
	s19 =	sadd.s32 s0, s8;
	s0 =	simm.s32 $0x2  }
.LBB2_1:
0x1d: {  	s8 =	simm.s32 $0x0;
	s9 =	simm.s32 $0x200  }
.LBB2_2:
0x1e: {  	p0 =	sne.s32 s9, $0xFE00;
	[tilespmem:s8+$0x14070] =	vst v0  }
0x1f: {  	[tilespmem:s8+$0x14000] =	vst v0  }
0x20: {  	[tilespmem:s8+$0x14010] =	vst v0  }
.Ltmp0:
0x21: {  	[tilespmem:s8+$0x14020] =	vst v0;
	(pc) =	sbr.rel @p0 .LBB2_2-.Ltmp0, $4  }
0x22: {  	[tilespmem:s8+$0x14030] =	vst v0  }
0x23: {  	[tilespmem:s8+$0x14040] =	vst v0  }
0x24: {  	[tilespmem:s8+$0x14050] =	vst v0  }
0x25: {  	[tilespmem:s8+$0x14060] =	vst v0;
	s8 =	sshra.s32 s9, $0x2;
	s9 =	sadd.s32 $0x200, s9  }
0x26: {  	[tilespmem:s8+$0x14070] =	vst v0  }
0x27: {  	[tilespmem:s8+$0x14000] =	vst v0  }
0x28: {  	[tilespmem:s8+$0x14010] =	vst v0  }
0x29: {  	[tilespmem:s8+$0x14020] =	vst v0  }
0x2a: {  	[tilespmem:s8+$0x14030] =	vst v0  }
0x2b: {  	[tilespmem:s8+$0x14040] =	vst v0  }
0x2c: {  	[tilespmem:s8+$0x14050] =	vst v0  }
0x2d: {  	[tilespmem:s8+$0x14060] =	vst v0  }
0x2e: {  	[spmem:s5] =	stream.linear.scatter [tilespmem:s20], [sflag:$0x4], $0x4000, $0x38;
	[tilespmem:$0x1E800] =	vst v63  }
0x2f: {  	_ =	swait.ge [sflag:s21], $0x4000  }
0x30: {  	[sflag:s21] =	ssyncset.done $0x0  }
0x31: {  	s11 =	rddreg [dreg:$0x5];
	[sflag:s21] =	ssyncadd.s32 $0xFFFFC000  }
0x32: {  	[spmem:s11] =	stream.linear.scatter [tilespmem:s20], [sflag:$0x4], $0x4000, $0x38;
	[tilespmem:$0x1E800] =	vst v63  }
0x33: {  	_ =	swait.ge [sflag:s21], $0x4000  }
0x34: {  	[sflag:s21] =	ssyncset.done $0x0  }
0x35: {  	s12 =	rddreg [dreg:$0x6];
	[sflag:s21] =	ssyncadd.s32 $0xFFFFC000  }
0x36: {  	[spmem:s12] =	stream.linear.scatter [tilespmem:s20], [sflag:$0x4], $0x4000, $0x38;
	[tilespmem:$0x1E800] =	vst v63  }
0x37: {  	_ =	swait.ge [sflag:s21], $0x4000  }
0x38: {  	[sflag:s21] =	ssyncset.done $0x0  }
0x39: {  	s9 =	rddreg [dreg:$0x7];
	[sflag:s21] =	ssyncadd.s32 $0xFFFFC000  }
0x3a: {  	[spmem:s9] =	stream.linear.scatter [tilespmem:s20], [sflag:$0x4], $0x4000, $0x38;
	[tilespmem:$0x1E800] =	vst v63  }
0x3b: {  	_ =	swait.ge [sflag:s21], $0x4000  }
0x3c: {  	[sflag:s21] =	ssyncset.done $0x0  }
0x3d: {  	s10 =	rddreg [dreg:$0x8];
	[sflag:s21] =	ssyncadd.s32 $0xFFFFC000  }
0x3e: {  	[spmem:s10] =	stream.linear.scatter [tilespmem:s20], [sflag:$0x4], $0x4000, $0x38;
	[tilespmem:$0x1E800] =	vst v63  }
0x3f: {  	_ =	swait.ge [sflag:s21], $0x4000  }
0x40: {  	[sflag:s21] =	ssyncset.done $0x0  }
0x41: {  	s8 =	simm.s32 $0x1D400;
	[sflag:s21] =	ssyncadd.s32 $0xFFFFC000  }
0x42: {  	s11 =	simm.s32 $0x1C000;
	s9 =	sadd.s32 $0x0, s17;
	[bflag:$0x0] =	sbarrier.arrive $0xFFFF  }
0x43: {  	[tilespmem:s11], [sflag:$0x1] =	stream.linear.gather [hbm4b:s9+s3], $0x80, $0x38;
	[tilespmem:$0x1E800] =	vst v63  }
0x44: {  	s12 =	sadd.s32 $0x0, s16;
	s10 =	simm.s32 $0x1C080;
	s9 =	simm.s32 $0x10  }
0x45: {  	[tilespmem:s8], [sflag:$0x1] =	stream.linear.gather [hbm4b:s12+s3], $0x80, $0x38;
	[tilespmem:$0x1E800] =	vst v63  }
.LBB2_4:
0x46: {  	s11 =	sadd.s32 s9, s17  }
0x47: {  	p0 =	sne.s32 s9, $0x270;
	s12 =	smov.u32 s9;
	s9 =	sadd.s32 $0x10, s9  }
0x48: {  	[tilespmem:s10], [sflag:$0x1] =	stream.linear.gather [hbm4b:s11+s3], $0x80, $0x38;
	[tilespmem:$0x1E800] =	vst v63  }
.Ltmp1:
0x49: {  	_ = 	snop;
	(pc) =	sbr.rel @p0 .LBB2_4-.Ltmp1, $4  }
0x4a: {  	s8 =	sadd.s32 $0x80, s8;
	s11 =	sadd.s32 s12, s16  }
0x4b: {  	[tilespmem:s8], [sflag:$0x1] =	stream.linear.gather [hbm4b:s11+s3], $0x80, $0x38;
	[tilespmem:$0x1E800] =	vst v63  }
0x4c: {  	_ = 	snop  }
0x4d: {  	s10 =	sadd.s32 $0x80, s10  }
0x4e: {  	_ =	swait.ge [sflag:s26], $0x80  }
0x4f: {  	[sflag:s26] =	ssyncset.done $0x0  }
0x50: {  	[sflag:s26] =	ssyncadd.s32 $0xFFFFFF80  }
0x51: {  	_ =	swait.ge [sflag:s26], $0x80  }
0x52: {  	s8 =	simm.s32 $0x27;
	[sflag:s26] =	ssyncset.done $0x0  }
.LBB2_6:
0x53: {  	p0 =	sne.s32 s8, $0x1;
	s8 =	sadd.s32 $0xFFFFFFFF, s8;
	[sflag:s26] =	ssyncadd.s32 $0xFFFFFF80  }
.Ltmp2:
0x54: {  	_ =	swait.ge [sflag:s26], $0x80;
	(pc) =	sbr.rel @p0 .LBB2_6-.Ltmp2, $4  }
0x55: {  	[sflag:s26] =	ssyncset.done $0x0  }
0x56: {  	[sflag:s26] =	ssyncadd.s32 $0xFFFFFF80  }
0x57: {  	_ =	swait.ge [sflag:s26], $0x80  }
0x58: {  	[sflag:s26] =	ssyncset.done $0x0  }
0x59: {  	[sflag:s26] =	ssyncadd.s32 $0xFFFFFF80  }
0x5a: {  	[tilespmem:s20], [sflag:$0x2] =	stream.indirect.gather [hbm4b:s4+s28], $0x80, s29, s28, $0xb8;
	[tilespmem:$0x1E800] =	vst v63  }
0x5b: {  	_ = 	snop  }
0x5c: {  	[tilespmem:s31], [sflag:$0x3] =	stream.indirect.gather [hbm4b:s4+s28], $0x80, s30, s28, $0xb8;
	[tilespmem:$0x1E800] =	vst v63  }
0x5d: {  	_ =	swait.ge [sflag:s0], $0x4000  }
0x5e: {  	[sflag:s0] =	ssyncset.done $0x0  }
0x5f: {  	s8 =	simm.s32 $0x1D400;
	[sflag:s0] =	ssyncadd.s32 $0xFFFFC000  }
0x60: {  	[spmem:s1] =	stream.indirect.scatter.add.f32 [tilespmem:s20], [sflag:$0x4], $0x80, s8, s28, $0xb8;
	[tilespmem:$0x1E800] =	vst v63  }
0x61: {  	_ =	swait.ge [sflag:s21], $0x4000  }
0x62: {  	[sflag:s21] =	ssyncset.done $0x0  }
0x63: {  	s11 =	simm.s32 $0x1C100;
	[sflag:s21] =	ssyncadd.s32 $0xFFFFC000  }
0x64: {  	[tilespmem:s20], [sflag:$0x2] =	stream.indirect.gather [hbm4b:s4+s28], $0x80, s11, s28, $0xb8;
	[tilespmem:$0x1E800] =	vst v63  }
0x65: {  	_ =	swait.ge [sflag:s2], $0x4000  }
0x66: {  	[sflag:s2] =	ssyncset.done $0x0  }
0x67: {  	s12 =	simm.s32 $0x1D480;
	[sflag:s2] =	ssyncadd.s32 $0xFFFFC000  }
0x68: {  	[spmem:s1] =	stream.indirect.scatter.add.f32 [tilespmem:s31], [sflag:$0x4], $0x80, s12, s28, $0xb8;
	[tilespmem:$0x1E800] =	vst v63  }
0x69: {  	_ =	swait.ge [sflag:s21], $0x4000  }
0x6a: {  	[sflag:s21] =	ssyncset.done $0x0  }
0x6b: {  	s9 =	simm.s32 $0x1C180;
	s8 =	simm.s32 $0x400;
	[sflag:s21] =	ssyncadd.s32 $0xFFFFC000  }
.LBB2_8:
0x6c: {  	[tilespmem:s31], [sflag:$0x3] =	stream.indirect.gather [hbm4b:s4+s28], $0x80, s9, s28, $0xb8;
	[tilespmem:$0x1E800] =	vst v63  }
0x6d: {  	s9 =	smov.u32 s8  }
0x6e: {  	p0 =	sne.s32 s8, $0x4800;
	s8 =	sadd.s32 $0x400, s8;
	_ =	swait.ge [sflag:s0], $0x4000  }
0x6f: {  	s9 =	sshra.s32 s9, $0x2;
	[sflag:s0] =	ssyncset.done $0x0  }
0x70: {  	s10 =	sadd.s32 $0x1D400, s9;
	[sflag:s0] =	ssyncadd.s32 $0xFFFFC000  }
0x71: {  	[spmem:s1] =	stream.indirect.scatter.add.f32 [tilespmem:s20], [sflag:$0x4], $0x80, s10, s28, $0xb8;
	[tilespmem:$0x1E800] =	vst v63  }
0x72: {  	_ =	swait.ge [sflag:s21], $0x4000  }
0x73: {  	[sflag:s21] =	ssyncset.done $0x0  }
0x74: {  	s10 =	sadd.s32 $0x1C100, s9;
	[sflag:s21] =	ssyncadd.s32 $0xFFFFC000  }
0x75: {  	[tilespmem:s20], [sflag:$0x2] =	stream.indirect.gather [hbm4b:s4+s28], $0x80, s10, s28, $0xb8;
	[tilespmem:$0x1E800] =	vst v63  }
0x76: {  	_ =	swait.ge [sflag:s2], $0x4000  }
0x77: {  	[sflag:s2] =	ssyncset.done $0x0  }
.Ltmp3:
0x78: {  	s10 =	sadd.s32 $0x1D480, s9;
	[sflag:s2] =	ssyncadd.s32 $0xFFFFC000;
	(pc) =	sbr.rel @p0 .LBB2_8-.Ltmp3, $4  }
0x79: {  	[spmem:s1] =	stream.indirect.scatter.add.f32 [tilespmem:s31], [sflag:$0x4], $0x80, s10, s28, $0xb8;
	[tilespmem:$0x1E800] =	vst v63  }
0x7a: {  	_ =	swait.ge [sflag:s21], $0x4000  }
0x7b: {  	[sflag:s21] =	ssyncset.done $0x0  }
0x7c: {  	s9 =	sadd.s32 $0x1C180, s9;
	[sflag:s21] =	ssyncadd.s32 $0xFFFFC000  }
0x7d: {  	[tilespmem:s31], [sflag:$0x3] =	stream.indirect.gather [hbm4b:s4+s28], $0x80, s9, s28, $0xb8;
	[tilespmem:$0x1E800] =	vst v63  }
0x7e: {  	_ =	swait.ge [sflag:s0], $0x4000  }
0x7f: {  	[sflag:s0] =	ssyncset.done $0x0  }
0x80: {  	[sflag:s0] =	ssyncadd.s32 $0xFFFFC000  }
0x81: {  	[spmem:s1] =	stream.indirect.scatter.add.f32 [tilespmem:s20], [sflag:$0x4], $0x80, s6, s28, $0xb8;
	[tilespmem:$0x1E800] =	vst v63  }
0x82: {  	_ =	swait.ge [sflag:s21], $0x4000  }
0x83: {  	[sflag:s21] =	ssyncset.done $0x0  }
0x84: {  	[sflag:s21] =	ssyncadd.s32 $0xFFFFC000  }
0x85: {  	_ =	swait.ge [sflag:s2], $0x4000  }
0x86: {  	[sflag:s2] =	ssyncset.done $0x0  }
0x87: {  	s8 =	simm.s32 $0x1E780;
	[sflag:s2] =	ssyncadd.s32 $0xFFFFC000  }
0x88: {  	[spmem:s1] =	stream.indirect.scatter.add.f32 [tilespmem:s31], [sflag:$0x4], $0x80, s8, s28, $0xb8;
	[tilespmem:$0x1E800] =	vst v63  }
0x89: {  	_ =	swait.ge [sflag:s21], $0x4000  }
0x8a: {  	s10 =	simm.s32 $0x1C000;
	[sflag:s21] =	ssyncset.done $0x0  }
0x8b: {  	s11 =	sadd.s32 $0x0, s19;
	s12 =	sadd.s32 $0x0, s18;
	[sflag:s21] =	ssyncadd.s32 $0xFFFFC000  }
0x8c: {  	[tilespmem:s10], [sflag:$0x1] =	stream.linear.gather [hbm4b:s11+s3], $0x80, $0x38;
	[tilespmem:$0x1E800] =	vst v63  }
0x8d: {  	s9 =	simm.s32 $0x10;
	s8 =	simm.s32 $0x1D400;
	s10 =	simm.s32 $0x1C080  }
0x8e: {  	[tilespmem:s8], [sflag:$0x1] =	stream.linear.gather [hbm4b:s12+s3], $0x80, $0x38;
	[tilespmem:$0x1E800] =	vst v63  }
.LBB2_10:
0x8f: {  	s11 =	sadd.s32 s9, s19  }
0x90: {  	p0 =	sne.s32 s9, $0x260;
	s12 =	smov.u32 s9;
	s9 =	sadd.s32 $0x10, s9  }
0x91: {  	[tilespmem:s10], [sflag:$0x1] =	stream.linear.gather [hbm4b:s11+s3], $0x80, $0x38;
	[tilespmem:$0x1E800] =	vst v63  }
.Ltmp4:
0x92: {  	_ = 	snop;
	(pc) =	sbr.rel @p0 .LBB2_10-.Ltmp4, $4  }
0x93: {  	s8 =	sadd.s32 $0x80, s8;
	s11 =	sadd.s32 s12, s18  }
0x94: {  	[tilespmem:s8], [sflag:$0x1] =	stream.linear.gather [hbm4b:s11+s3], $0x80, $0x38;
	[tilespmem:$0x1E800] =	vst v63  }
0x95: {  	_ = 	snop  }
0x96: {  	s10 =	sadd.s32 $0x80, s10  }
0x97: {  	_ =	swait.ge [sflag:s26], $0x80  }
0x98: {  	[sflag:s26] =	ssyncset.done $0x0  }
0x99: {  	[sflag:s26] =	ssyncadd.s32 $0xFFFFFF80  }
0x9a: {  	_ =	swait.ge [sflag:s26], $0x80  }
0x9b: {  	s8 =	simm.s32 $0x26;
	[sflag:s26] =	ssyncset.done $0x0  }
.LBB2_12:
0x9c: {  	p0 =	sne.s32 s8, $0x1;
	s8 =	sadd.s32 $0xFFFFFFFF, s8;
	[sflag:s26] =	ssyncadd.s32 $0xFFFFFF80  }
.Ltmp5:
0x9d: {  	_ =	swait.ge [sflag:s26], $0x80;
	(pc) =	sbr.rel @p0 .LBB2_12-.Ltmp5, $4  }
0x9e: {  	[sflag:s26] =	ssyncset.done $0x0  }
0x9f: {  	[sflag:s26] =	ssyncadd.s32 $0xFFFFFF80  }
0xa0: {  	_ =	swait.ge [sflag:s26], $0x80  }
0xa1: {  	[sflag:s26] =	ssyncset.done $0x0  }
0xa2: {  	[sflag:s26] =	ssyncadd.s32 $0xFFFFFF80  }
0xa3: {  	[tilespmem:s20], [sflag:$0x2] =	stream.indirect.gather [hbm4b:s4+s28], $0x80, s29, s28, $0xb8;
	[tilespmem:$0x1E800] =	vst v63  }
0xa4: {  	_ = 	snop  }
0xa5: {  	[tilespmem:s31], [sflag:$0x3] =	stream.indirect.gather [hbm4b:s4+s28], $0x80, s30, s28, $0xb8;
	[tilespmem:$0x1E800] =	vst v63  }
0xa6: {  	_ =	swait.ge [sflag:s0], $0x4000  }
0xa7: {  	[sflag:s0] =	ssyncset.done $0x0  }
0xa8: {  	s8 =	simm.s32 $0x1D400;
	[sflag:s0] =	ssyncadd.s32 $0xFFFFC000  }
0xa9: {  	[spmem:s1] =	stream.indirect.scatter.add.f32 [tilespmem:s20], [sflag:$0x4], $0x80, s8, s28, $0xb8;
	[tilespmem:$0x1E800] =	vst v63  }
0xaa: {  	_ =	swait.ge [sflag:s21], $0x4000  }
0xab: {  	[sflag:s21] =	ssyncset.done $0x0  }
0xac: {  	s11 =	simm.s32 $0x1C100;
	[sflag:s21] =	ssyncadd.s32 $0xFFFFC000  }
0xad: {  	[tilespmem:s20], [sflag:$0x2] =	stream.indirect.gather [hbm4b:s4+s28], $0x80, s11, s28, $0xb8;
	[tilespmem:$0x1E800] =	vst v63  }
0xae: {  	_ =	swait.ge [sflag:s2], $0x4000  }
0xaf: {  	[sflag:s2] =	ssyncset.done $0x0  }
0xb0: {  	s12 =	simm.s32 $0x1D480;
	[sflag:s2] =	ssyncadd.s32 $0xFFFFC000  }
0xb1: {  	[spmem:s1] =	stream.indirect.scatter.add.f32 [tilespmem:s31], [sflag:$0x4], $0x80, s12, s28, $0xb8;
	[tilespmem:$0x1E800] =	vst v63  }
0xb2: {  	_ =	swait.ge [sflag:s21], $0x4000  }
0xb3: {  	[sflag:s21] =	ssyncset.done $0x0  }
0xb4: {  	s9 =	simm.s32 $0x1C180;
	s8 =	simm.s32 $0x400;
	[sflag:s21] =	ssyncadd.s32 $0xFFFFC000  }
.LBB2_14:
0xb5: {  	[tilespmem:s31], [sflag:$0x3] =	stream.indirect.gather [hbm4b:s4+s28], $0x80, s9, s28, $0xb8;
	[tilespmem:$0x1E800] =	vst v63  }
0xb6: {  	s9 =	smov.u32 s8  }
0xb7: {  	p0 =	sne.s32 s8, $0x4400;
	s8 =	sadd.s32 $0x400, s8;
	_ =	swait.ge [sflag:s0], $0x4000  }
0xb8: {  	s9 =	sshra.s32 s9, $0x2;
	[sflag:s0] =	ssyncset.done $0x0  }
0xb9: {  	s10 =	sadd.s32 $0x1D400, s9;
	[sflag:s0] =	ssyncadd.s32 $0xFFFFC000  }
0xba: {  	[spmem:s1] =	stream.indirect.scatter.add.f32 [tilespmem:s20], [sflag:$0x4], $0x80, s10, s28, $0xb8;
	[tilespmem:$0x1E800] =	vst v63  }
0xbb: {  	_ =	swait.ge [sflag:s21], $0x4000  }
0xbc: {  	[sflag:s21] =	ssyncset.done $0x0  }
0xbd: {  	s10 =	sadd.s32 $0x1C100, s9;
	[sflag:s21] =	ssyncadd.s32 $0xFFFFC000  }
0xbe: {  	[tilespmem:s20], [sflag:$0x2] =	stream.indirect.gather [hbm4b:s4+s28], $0x80, s10, s28, $0xb8;
	[tilespmem:$0x1E800] =	vst v63  }
0xbf: {  	_ =	swait.ge [sflag:s2], $0x4000  }
0xc0: {  	[sflag:s2] =	ssyncset.done $0x0  }
.Ltmp6:
0xc1: {  	s10 =	sadd.s32 $0x1D480, s9;
	[sflag:s2] =	ssyncadd.s32 $0xFFFFC000;
	(pc) =	sbr.rel @p0 .LBB2_14-.Ltmp6, $4  }
0xc2: {  	[spmem:s1] =	stream.indirect.scatter.add.f32 [tilespmem:s31], [sflag:$0x4], $0x80, s10, s28, $0xb8;
	[tilespmem:$0x1E800] =	vst v63  }
0xc3: {  	_ =	swait.ge [sflag:s21], $0x4000  }
0xc4: {  	[sflag:s21] =	ssyncset.done $0x0  }
0xc5: {  	s9 =	sadd.s32 $0x1C180, s9;
	[sflag:s21] =	ssyncadd.s32 $0xFFFFC000  }
0xc6: {  	[tilespmem:s31], [sflag:$0x3] =	stream.indirect.gather [hbm4b:s4+s28], $0x80, s9, s28, $0xb8;
	[tilespmem:$0x1E800] =	vst v63  }
0xc7: {  	_ =	swait.ge [sflag:s0], $0x4000  }
0xc8: {  	[sflag:s0] =	ssyncset.done $0x0  }
0xc9: {  	s8 =	simm.s32 $0x1E600;
	[sflag:s0] =	ssyncadd.s32 $0xFFFFC000  }
0xca: {  	[spmem:s1] =	stream.indirect.scatter.add.f32 [tilespmem:s20], [sflag:$0x4], $0x80, s8, s28, $0xb8;
	[tilespmem:$0x1E800] =	vst v63  }
0xcb: {  	_ =	swait.ge [sflag:s21], $0x4000  }
0xcc: {  	[sflag:s21] =	ssyncset.done $0x0  }
0xcd: {  	s9 =	simm.s32 $0x1D300;
	[sflag:s21] =	ssyncadd.s32 $0xFFFFC000  }
0xce: {  	[tilespmem:s20], [sflag:$0x2] =	stream.indirect.gather [hbm4b:s4+s28], $0x80, s9, s28, $0xb8;
	[tilespmem:$0x1E800] =	vst v63  }
0xcf: {  	_ =	swait.ge [sflag:s2], $0x4000  }
0xd0: {  	[sflag:s2] =	ssyncset.done $0x0  }
0xd1: {  	s10 =	simm.s32 $0x1E680;
	[sflag:s2] =	ssyncadd.s32 $0xFFFFC000  }
0xd2: {  	[spmem:s1] =	stream.indirect.scatter.add.f32 [tilespmem:s31], [sflag:$0x4], $0x80, s10, s28, $0xb8;
	[tilespmem:$0x1E800] =	vst v63  }
0xd3: {  	_ =	swait.ge [sflag:s21], $0x4000  }
0xd4: {  	[sflag:s21] =	ssyncset.done $0x0  }
0xd5: {  	[sflag:s21] =	ssyncadd.s32 $0xFFFFC000  }
0xd6: {  	_ =	swait.ge [sflag:s0], $0x4000  }
0xd7: {  	[sflag:s0] =	ssyncset.done $0x0  }
0xd8: {  	[sflag:s0] =	ssyncadd.s32 $0xFFFFC000  }
0xd9: {  	[spmem:s1] =	stream.indirect.scatter.add.f32 [tilespmem:s20], [sflag:$0x4], $0x80, s6, s28, $0xb8;
	[tilespmem:$0x1E800] =	vst v63  }
0xda: {  	_ =	swait.ge [sflag:s21], $0x4000  }
0xdb: {  	[sflag:s21] =	ssyncset.done $0x0  }
0xdc: {  	s11 =	stileid.u32;
	[sflag:s21] =	ssyncadd.s32 $0xFFFFC000  }
0xdd: {  	s8 =	sshll.u32 s11, $0x6;
	[bflag:$0x0] =	sbarrier.arrive $0xFFFF  }
0xde: {  	s12 =	sshrl.u32 s5, $0x3;
	s8 =	sor.u32 $0x1C04, s8;
	s10 =	rddreg [dreg:$0x3]  }
0xdf: {  	[hbm:s10], [sflag:s8] =	dma.local [spmem:s12], $0x800  }
0xe0: {  	_ =	swait.ge [sflag:s21], $0x800  }
0xe1: {  	[sflag:s21] =	ssyncset.done $0x0  }
0xe2: {  	s11 =	rddreg [dreg:$0x9];
	[sflag:s21] =	ssyncadd.s32 $0xFFFFF800  }
0xe3: {  	[hbm:s11], [sflag:s8] =	dma.local [spmem:s22], $0x800  }
0xe4: {  	_ =	swait.ge [sflag:s21], $0x800  }
0xe5: {  	[sflag:s21] =	ssyncset.done $0x0  }
0xe6: {  	[sflag:s21] =	ssyncadd.s32 $0xFFFFF800  }
0xe7: {  	[hbm:s13], [sflag:s8] =	dma.local [spmem:s23], $0x800  }
0xe8: {  	_ =	swait.ge [sflag:s21], $0x800  }
0xe9: {  	[sflag:s21] =	ssyncset.done $0x0  }
0xea: {  	[sflag:s21] =	ssyncadd.s32 $0xFFFFF800  }
0xeb: {  	[hbm:s14], [sflag:s8] =	dma.local [spmem:s24], $0x800  }
0xec: {  	_ =	swait.ge [sflag:s21], $0x800  }
0xed: {  	[sflag:s21] =	ssyncset.done $0x0  }
0xee: {  	[sflag:s21] =	ssyncadd.s32 $0xFFFFF800  }
0xef: {  	[hbm:s15], [sflag:s8] =	dma.local [spmem:s25], $0x800  }
0xf0: {  	_ =	swait.ge [sflag:s21], $0x800  }
0xf1: {  	s7 =	sadd.s32 $0x1, s7;
	s12 =	rddreg [dreg:$0x4]  }
0xf2: {  	p0 =	sne.s32 s7, s12  }
.Ltmp7:
0xf3: {  	_ = 	snop;
	(pc) =	sbr.rel @p0 .LBB2_1-.Ltmp7, $3  }
0xf4: {  	_ =	sdelay $0x1  }
0xf5: {  	[sflag:s21] =	ssyncset.done $0x0  }
0xf6: {  	[sflag:s21] =	ssyncadd.s32 $0xFFFFF800  }
0xf7: {  	_ =	sfence.sel $0x180000  }
0xf8: {  	[bflag:$0x0] =	sbarrier.arrive $0xFFFF  }
0xf9: {  	_ =	strace $0x9000004A  }
0xfa: {  	s0 =	stileid.u32;
	[bflag:$0x2] =	sbarrier.arrive $0xFFFF  }
0xfb: {  	p0 =	sne.s32 s0, $0x0;
	s0 =	rddreg [dreg:$0x2]  }
0xfc: {  	s0 =	sadd.s32 @!p0 $0x100000, s0  }
0xfd: {  	[sflag:s0] =	ssyncadd.tile.s32 @!p0 $0x1;
	_ =	shalt  }
.Lfunc_end2:
_tile_overlayer_lowered:
.L_overlay_start_2:
0xfe: {  	(tag) =	ssettag $0x2  }
0xff: {  	s0 =	rddreg [dreg:$0x0];
	s2 =	stileid.u32  }
0x100: {  	s1 =	rddreg [dreg:$0x1];
	p0 =	sne.s32 s2, $0x0  }
0x101: {  	s3 =	rddreg [dreg:$0x2];
	[bflag:$0x3] =	sbarrier.arrive $0xFFFF;
	s2 =	simm.s32 @!p0 $0x1C04  }
0x102: {  	[timem:s3], [sflag:s2] =	dma.local @!p0 [hbm:s0], s1  }
0x103: {  	s0 =	simm.s32 @!p0 $0x4  }
0x104: {  	_ =	swait.ge @!p0 [sflag:s0], s1  }
0x105: {  	s1 =	ssub.s32 @!p0 $0x0, s1;
	[sflag:s0] =	ssyncset.done @!p0 $0x0  }
0x106: {  	[sflag:s0] =	ssyncadd.s32 @!p0 s1  }
0x107: {  	[bflag:$0x3] =	sbarrier.arrive $0xFFFF  }
0x108: {  	_ =	shalt  }

// kernel: kernel.18.cloned.1.call-start
scs
__scs_entry_jumppad:
0x0: {  	(pc) =	sbr.rel $0x88, $3  }
0x1: {  	(tag) =	ssettag $0x0;
	lr =	simm.s32 $0x1  }
0x2: {  	[smem:$0x3F88] =	sst lr;
	_ =	strace $0xD0000000  }
0x3: {  	_ = 	snop  }
0x4: {  	_ = 	snop  }
0x5: {  	_ = 	snop  }
0x6: {  	_ = 	snop  }
0x7: {  	_ = 	snop  }
__scs_overlays_trampoline_lowered:
0x8: {  	[smem:$0x3F97] =	sst s0  }
0x9: {  	[smem:$0x3F98] =	sst s1  }
0xa: {  	[smem:$0x3F99] =	sst s2  }
0xb: {  	[smem:$0x3F9A] =	sst s3  }
0xc: {  	[smem:$0x3F9B] =	sst s4  }
0xd: {  	[smem:$0x3F9C] =	sst s5  }
0xe: {  	[smem:$0x3F9D] =	sst s6  }
0xf: {  	[smem:$0x3F9E] =	sst s7  }
0x10: {  	[smem:$0x3F9F] =	sst s8  }
0x11: {  	[smem:$0x3FA0] =	sst s9;
	s0 =	simm.s32 @!p0 $0x0  }
0x12: {  	s1 =	sld [smem:$0x3F86];
	s0 =	simm.s32 @p0 $0x1  }
0x13: {  	[smem:$0x3FA1] =	sst s0;
	s0 =	simm.s32 @!p1 $0x0  }
0x14: {  	s2 =	sld [smem:$0x3F85];
	s0 =	simm.s32 @p1 $0x1  }
0x15: {  	[smem:$0x3FA2] =	sst s0;
	s0 =	simm.s32 @!p2 $0x0  }
0x16: {  	s3 =	sld [smem:$0x3FDB];
	s0 =	simm.s32 @p2 $0x1  }
0x17: {  	s4 =	simm.s32 $0x1BF5;
	[smem:$0x3FA4] =	sst s0  }
0x18: {  	s0 =	sld [smem:$0x3F87];
	_ =	swait.ge [sflag:s4], $0x0  }
0x19: {  	s7 =	sld [smem:$0x3F88]  }
0x1a: {  	s8 =	sadd.s32 $0xFFFFE003, lr  }
0x1b: {  	s9 =	sadd.s32 $0xFFFFFEF7, lr;
	s5 =	simm.s32 $0xFFFFFFFF;
	p2 =	slt.u32 s8, $0xFFFFF086  }
0x1c: {  	p1 =	slt.u32 s9, $0xF7A;
	s5 =	simm.s32 @!p2 $0x0  }
0x1d: {  	s5 =	simm.s32 @p1 $0x1;
	p0 =	seq.s32 s7, s2  }
0x1e: {  	s7 =	smul.u32 @!p0 $0xF7A, s2;
	p2 =	seq.s32 @!p0 s5, $0x0  }
0x1f: {  	s9 =	smul.u32 $0xF7A, s1;
	s8 =	simm.s32 @!p0 $0x1BF5;
	p2 =	por !p2, p0  }
0x20: {  	[sflag:s8] =	ssyncset.s32 @!p0 $0xFFFFF086;
	s6 =	sadd.s32 @!p0 s3, s7;
	s7 =	simm.s32 @!p0 $0x108  }
0x21: {  	s3 =	sadd.s32 s3, s9;
	s6 =	sadd.s32 @!p0 $0x88, s6;
	s7 =	simm.s32 @p2 $0x1082  }
0x22: {  	[simem:s7], [sflag:s8] =	dma.local @!p0 [hbm:s6], $0xF7A  }
0x23: {  	s9 =	sor.u32 $0xD0000000, s2;
	s6 =	simm.s32 $0x108;
	_ =	swait.ge @!p0 [sflag:s8], $0x0  }
0x24: {  	s3 =	sadd.s32 $0x88, s3;
	s6 =	simm.s32 @!p1 $0x1082;
	[sflag:s4] =	ssyncset.s32 $0xFFFFF086  }
0x25: {  	[simem:s6], [sflag:s4] =	dma.local [hbm:s3], $0xF7A  }
0x26: {  	[smem:$0x3F88] =	sst s1;
	(tag) =	ssettag s2;
	_ =	strace s9  }
0x27: {  	s1 =	sld [smem:$0x3F98]  }
0x28: {  	s2 =	sld [smem:$0x3F99]  }
0x29: {  	s4 =	sld [smem:$0x3F9B]  }
0x2a: {  	p0 =	seq.s32 s5, $0x0;
	s5 =	sld [smem:$0x3F9C]  }
0x2b: {  	s6 =	sld [smem:$0x3F9D]  }
0x2c: {  	s7 =	sld [smem:$0x3F9E]  }
0x2d: {  	s3 =	simm.s32 $0x108;
	s8 =	sld [smem:$0x3F9F]  }
0x2e: {  	s3 =	simm.s32 @!p0 $0x1082;
	s9 =	sld [smem:$0x3FA0]  }
0x2f: {  	lr =	sadd.s32 s0, s3;
	s0 =	sld [smem:$0x3F97]  }
0x30: {  	s3 =	sld [smem:$0x3F9A]  }
0x31: {  	[smem:$0x3FA3] =	sst s10  }
0x32: {  	s10 =	sld [smem:$0x3FA1];
	_ =	sdelay $0x3  }
0x33: {  	p0 =	seq.s32 s10, $0x1;
	s10 =	sld [smem:$0x3FA3];
	_ =	sdelay $0x3  }
0x34: {  	[smem:$0x3FA3] =	sst s10  }
0x35: {  	s10 =	sld [smem:$0x3FA2];
	_ =	sdelay $0x3  }
0x36: {  	p1 =	seq.s32 s10, $0x1;
	s10 =	sld [smem:$0x3FA3];
	_ =	sdelay $0x3  }
0x37: {  	[smem:$0x3FA3] =	sst s10  }
0x38: {  	s10 =	sld [smem:$0x3FA4]  }
0x39: {  	_ = 	snop;
	(pc) =	sbr.ind lr, $3  }
0x3a: {  	_ = 	snop  }
0x3b: {  	_ = 	snop  }
0x3c: {  	p2 =	seq.s32 s10, $0x1;
	s10 =	sld [smem:$0x3FA3]  }
0x3d: {  	_ =	shalt  }
0x3e: {  	_ =	shalt  }
0x3f: {  	_ =	shalt  }
0x40: {  	_ =	shalt  }
0x41: {  	_ =	shalt  }
0x42: {  	_ =	shalt  }
0x43: {  	_ =	shalt  }
0x44: {  	_ =	shalt  }
0x45: {  	_ =	shalt  }
0x46: {  	_ =	shalt  }
0x47: {  	_ =	shalt  }
0x48: {  	_ =	shalt  }
0x49: {  	_ =	shalt  }
0x4a: {  	_ =	shalt  }
0x4b: {  	_ =	shalt  }
0x4c: {  	_ =	shalt  }
0x4d: {  	_ =	shalt  }
0x4e: {  	_ =	shalt  }
0x4f: {  	_ =	shalt  }
0x50: {  	_ =	shalt  }
0x51: {  	_ =	shalt  }
0x52: {  	_ =	shalt  }
0x53: {  	_ =	shalt  }
0x54: {  	_ =	shalt  }
0x55: {  	_ =	shalt  }
0x56: {  	_ =	shalt  }
0x57: {  	_ =	shalt  }
0x58: {  	_ =	shalt  }
0x59: {  	_ =	shalt  }
0x5a: {  	_ =	shalt  }
0x5b: {  	_ =	shalt  }
0x5c: {  	_ =	shalt  }
0x5d: {  	_ =	shalt  }
0x5e: {  	_ =	shalt  }
0x5f: {  	_ =	shalt  }
0x60: {  	_ =	shalt  }
0x61: {  	_ =	shalt  }
0x62: {  	_ =	shalt  }
0x63: {  	_ =	shalt  }
0x64: {  	_ =	shalt  }
0x65: {  	_ =	shalt  }
0x66: {  	_ =	shalt  }
0x67: {  	_ =	shalt  }
0x68: {  	_ =	shalt  }
0x69: {  	_ =	shalt  }
0x6a: {  	_ =	shalt  }
0x6b: {  	_ =	shalt  }
0x6c: {  	_ =	shalt  }
0x6d: {  	_ =	shalt  }
0x6e: {  	_ =	shalt  }
0x6f: {  	_ =	shalt  }
0x70: {  	_ =	shalt  }
0x71: {  	_ =	shalt  }
0x72: {  	_ =	shalt  }
0x73: {  	_ =	shalt  }
0x74: {  	_ =	shalt  }
0x75: {  	_ =	shalt  }
0x76: {  	_ =	shalt  }
0x77: {  	_ =	shalt  }
0x78: {  	_ =	shalt  }
0x79: {  	_ =	shalt  }
0x7a: {  	_ =	shalt  }
0x7b: {  	_ =	shalt  }
0x7c: {  	_ =	shalt  }
0x7d: {  	_ =	shalt  }
0x7e: {  	_ =	shalt  }
0x7f: {  	_ =	shalt  }
0x80: {  	_ =	shalt  }
0x81: {  	_ =	shalt  }
0x82: {  	_ =	shalt  }
0x83: {  	_ =	shalt  }
0x84: {  	_ =	shalt  }
0x85: {  	_ =	shalt  }
0x86: {  	_ =	shalt  }
0x87: {  	_ =	shalt  }
.Lfunc_end0:
.L_simem_size_0:
called_computation.2_lowered:
.L_overlay_start_0:
0x88: {  	s2 =	sld [smem:$0x3FD9]  }
0x89: {  	s3 =	sld [smem:$0x3FFE];
	_ =	sdelay $0x1  }
0x8a: {  	s1 =	srdreg.scid  }
0x8b: {  	s0 =	sand.u32 $0x1, s1  }
0x8c: {  	s16 =	sshll.u32 s0, $0xA;
	s2 =	sadd.s32 s3, s2  }
0x8d: {  	s2 =	sadd.s32 s2, s16  }
0x8e: {  	[smem:$0x3FAF] =	sst s2  }
0x8f: {  	_ = 	snop  }
0x90: {  	(tm) =	ssettm $0x1  }
0x91: {  	s17 =	sld [smem:$0x3FFB];
	_ =	sdelay $0x3  }
0x92: {  	_ =	strace s17  }
0x93: {  	s2 =	sld [smem:$0x3FFC];
	_ =	sdelay $0x3  }
0x94: {  	_ =	strace s2  }
0x95: {  	s2 =	sld [smem:$0x3FFD];
	_ =	sdelay $0x3  }
0x96: {  	_ =	strace s2  }
0x97: {  	_ =	strace $0x8FFFFFFF  }
0x98: {  	s18 =	sld [smem:$0x3FDB];
	_ =	sdelay $0x1  }
0x99: {  	s19 =	simm.s32 $_scs_section_size  }
0x9a: {  	s4 =	simm.s32 $_size__tile_overlayer_lowered;
	s5 =	simm.s32 $_tile_overlayer_lowered  }
0x9b: {  	s22 =	simm.s32 $0x1BFF;
	s21 =	sshll.u32 s5, $0x1;
	s2 =	sadd.s32 s19, s18  }
0x9c: {  	s6 =	simm.s32 $0x0;
	s20 =	sshll.u32 s4, $0x1;
	s4 =	sadd.s32 s21, s2  }
0x9d: {  	[timem:s6], [sflag:s22] =	dma.local [hbm:s4], s20  }
0x9e: {  	_ =	swait.ge [sflag:s22], s20  }
0x9f: {  	s3 =	ssub.s32 $0x0, s20;
	[sflag:s22] =	ssyncset.done $0x0  }
0xa0: {  	[sflag:s22] =	ssyncadd.s32 s3;
	_ =	sdelay $0x1  }
0xa1: {  	s23 =	simm.s32 $0x1B8B  }
0xa2: {  	_ =	swait.ge [sflag:s23], $0x1  }
0xa3: {  	[sflag:s23] =	ssyncset.done $0x0  }
0xa4: {  	s25 =	simm.s32 $0x1B8E;
	s24 =	sld [smem:$0x3FFE];
	[sflag:s23] =	ssyncadd.s32 $0xFFFFFFFF  }
0xa5: {  	s26 =	simm.s32 $execute0_lowered;
	[smem:$0x3FD2] =	sst s25  }
0xa6: {  	s4 =	sshll.u32 s26, $0x1;
	_ =	strace $0x8000004C;
	[dreg:$0x1] =	wrdreg $0xFFFFFFFF  }
0xa7: {  	s28 =	simm.s32 $_size_execute0_lowered;
	s2 =	sadd.s32 s2, s4;
	[dreg:$0x0] =	wrdreg $0x0  }
0xa8: {  	s4 =	sshll.u32 s28, $0x1;
	[dreg:$0x2] =	wrdreg s2  }
0xa9: {  	[dreg:$0x3] =	wrdreg s4  }
0xaa: {  	[dreg:$0x4] =	wrdreg $0xC0  }
0xab: {  	_ =	task [dreg:s6], $0x5FFFF  }
0xac: {  	[dreg:$0x1] =	wrdreg $0xFFFFFFFF  }
0xad: {  	[dreg:$0x0] =	wrdreg $0x60  }
0xae: {  	[dreg:$0x2] =	wrdreg s24  }
0xaf: {  	[dreg:$0x3] =	wrdreg $0x0  }
0xb0: {  	[dreg:$0x4] =	wrdreg $0x9  }
0xb1: {  	_ =	task.clear_ibuf [dreg:s6], $0x5FFFF;
	_ =	strace $0x9000004C  }
0xb2: {  	s29 =	simm.s32 $0x9;
	_ =	strace $0x8000004E  }
0xb3: {  	_ =	swait.ge [sflag:s29], $0x1  }
0xb4: {  	[sflag:s29] =	ssyncadd.s32 $0xFFFFFFFF  }
0xb5: {  	_ =	strace $0x9000004E  }
0xb6: {  	_ =	sfence  }
0xb7: {  	s30 =	sld [smem:$0x0];
	_ =	sdelay $0x2  }
0xb8: {  	s31 =	sshll.u32 s1, $0xD;
	s1 =	sshrl.u32 s1, $0x2  }
0xb9: {  	s3 =	sand.u32 $0x4000, s31;
	s1 =	sadd.s32 s1, s30  }
0xba: {  	s0 =	sor.u32 s3, s0;
	s1 =	sshll.u32 s1, $0x11  }
0xbb: {  	s0 =	sor.u32 s1, s0  }
0xbc: {  	s0 =	sadd.s32 $0x8F2B, s0  }
0xbd: {  	[sflag:s0] =	ssyncadd.remote.s32 $0x1  }
0xbe: {  	_ =	sfence.sel $0xFFFF  }
0xbf: {  	[dreg:$0x0] =	wrdreg $0xFFFFFFFF;
	(pc) =	sbr.abs _section_cstart, $3  }
0xc0: {  	[dreg:$0x1] =	wrdreg $0xFFFFFFFF  }
0xc1: {  	_ =	task.clear_ibuf [dreg:s6], $0x2FFFF;
	_ =	strace $0x9FFFFFFF  }
0xc2: {  	(tm) =	ssettm $0x7FFFFFFF  }
0xc3: {  	_ =	shalt  }
tec
execute0_lowered:
.L_overlay_start_1:
0x0: {  	(tag) =	ssettag $0x1  }
0x1: {  	s0 =	rddreg [dreg:$0x0]  }
0x2: {  	s1 =	rddreg [dreg:$0x1]  }
0x3: {  	s3 =	simm.s32 $0x0;
	s2 =	srdreg.scid;
	s17 =	stileid.u32  }
0x4: {  	s28 =	simm.s32 $0x80;
	s29 =	simm.s32 $0x1C000;
	s30 =	simm.s32 $0x1C080  }
0x5: {  	s31 =	simm.s32 $0x18000;
	[smem:$0x7FF] =	sst s3;
	s7 =	smul.u32 $0x14000, s17  }
0x6: {  	s2 =	sand.u32 $0x1, s2;
	s4 =	sadd.s32 $0x73400, s0;
	s5 =	smul.u32 $0x50000, s17  }
0x7: {  	s8 =	sadd.s32 $0x69600, s0;
	s9 =	sadd.s32 $0x5A00, s0;
	s17 =	smul.u32 $0x2780, s17  }
0x8: {  	s0 =	sadd.s32 $0x9A600, s0;
	s6 =	smul.u32 $0x140000, s2;
	s10 =	ssub.s32 $0x2, s2  }
0x9: {  	_ =	strace $0x8000004D;
	s2 =	smul.u32 $0x27800, s2;
	s12 =	sshrl.u32 s10, $0x1  }
0xa: {  	s5 =	sshrl.u32 s5, $0x2;
	s26 =	sadd.s32 $0x4000, s7;
	s14 =	sadd.s32 $0x8000, s7  }
0xb: {  	s11 =	sadd.s32 s6, s7;
	s10 =	ssub.s32 s10, s12;
	s5 =	sadd.s32 s5, s1  }
0xc: {  	s16 =	sadd.s32 s6, s26;
	s13 =	sadd.s32 s6, s14;
	s23 =	sadd.s32 s14, s1  }
0xd: {  	s22 =	sadd.s32 s17, s2;
	s2 =	simm.s32 $0x3;
	s10 =	smax.u32 s10, $0x1  }
0xe: {  	s11 =	sshrl.u32 s11, $0x3;
	s25 =	sadd.s32 $0x4000, s5;
	[dreg:$0x4] =	wrdreg s10  }
0xf: {  	s15 =	sadd.s32 $0x8000, s5;
	s18 =	sadd.s32 $0xC000, s5;
	[dreg:$0x5] =	wrdreg s25  }
0x10: {  	s19 =	sshrl.u32 s16, $0x3;
	s20 =	sadd.s32 $0x10000, s5;
	[dreg:$0x6] =	wrdreg s15  }
0x11: {  	s13 =	sshrl.u32 s13, $0x3;
	s23 =	sshrl.u32 s23, $0x3;
	[dreg:$0x7] =	wrdreg s18  }
0x12: {  	s11 =	sadd.s32 s0, s11;
	[dreg:$0x8] =	wrdreg s20;
	s21 =	sadd.s32 s0, s19  }
0x13: {  	s10 =	sadd.s32 s26, s1;
	s13 =	sadd.s32 s0, s13;
	s15 =	sadd.s32 $0xC000, s7  }
0x14: {  	s7 =	sadd.s32 $0x10000, s7;
	s26 =	sshrl.u32 s22, $0x3;
	[dreg:$0x3] =	wrdreg s11  }
0x15: {  	s20 =	simm.s32 $0x14000;
	[dreg:$0x9] =	wrdreg s21;
	s16 =	sadd.s32 s6, s15  }
0x16: {  	s6 =	sadd.s32 s6, s7;
	s24 =	sadd.s32 s15, s1;
	s25 =	sadd.s32 s7, s1  }
0x17: {  	s17 =	sadd.s32 s26, s8;
	s21 =	simm.s32 $0x4;
	s7 =	simm.s32 $0x0  }
0x18: {  	s16 =	sshrl.u32 s16, $0x3;
	s6 =	sshrl.u32 s6, $0x3;
	s24 =	sshrl.u32 s24, $0x3  }
0x19: {  	s25 =	sshrl.u32 s25, $0x3;
	s14 =	sadd.s32 s0, s16;
	s15 =	sadd.s32 s0, s6  }
0x1a: {  	s0 =	sadd.s32 $0x1400, s22;
	s16 =	sadd.s32 s26, s9;
	s22 =	sshrl.u32 s10, $0x3  }
0x1b: {  	s26 =	simm.s32 $0x1;
	s6 =	simm.s32 $0x1E700;
	s0 =	sshrl.u32 s0, $0x3  }
0x1c: {  	v0 =	vimm.f32 $0.0e+00;
	s18 =	sadd.s32 s0, s9;
	s19 =	sadd.s32 s0, s8;
	s0 =	simm.s32 $0x2  }
.LBB2_1:
0x1d: {  	s8 =	simm.s32 $0x0;
	s9 =	simm.s32 $0x200  }
.LBB2_2:
0x1e: {  	p0 =	sne.s32 s9, $0xFE00;
	[tilespmem:s8+$0x14070] =	vst v0  }
0x1f: {  	[tilespmem:s8+$0x14000] =	vst v0  }
0x20: {  	[tilespmem:s8+$0x14010] =	vst v0  }
.Ltmp0:
0x21: {  	[tilespmem:s8+$0x14020] =	vst v0;
	(pc) =	sbr.rel @p0 .LBB2_2-.Ltmp0, $4  }
0x22: {  	[tilespmem:s8+$0x14030] =	vst v0  }
0x23: {  	[tilespmem:s8+$0x14040] =	vst v0  }
0x24: {  	[tilespmem:s8+$0x14050] =	vst v0  }
0x25: {  	[tilespmem:s8+$0x14060] =	vst v0;
	s8 =	sshra.s32 s9, $0x2;
	s9 =	sadd.s32 $0x200, s9  }
0x26: {  	[tilespmem:s8+$0x14070] =	vst v0  }
0x27: {  	[tilespmem:s8+$0x14000] =	vst v0  }
0x28: {  	[tilespmem:s8+$0x14010] =	vst v0  }
0x29: {  	[tilespmem:s8+$0x14020] =	vst v0  }
0x2a: {  	[tilespmem:s8+$0x14030] =	vst v0  }
0x2b: {  	[tilespmem:s8+$0x14040] =	vst v0  }
0x2c: {  	[tilespmem:s8+$0x14050] =	vst v0  }
0x2d: {  	[tilespmem:s8+$0x14060] =	vst v0  }
0x2e: {  	[spmem:s5] =	stream.linear.scatter [tilespmem:s20], [sflag:$0x4], $0x4000, $0x38;
	[tilespmem:$0x1E800] =	vst v63  }
0x2f: {  	_ =	swait.ge [sflag:s21], $0x4000  }
0x30: {  	[sflag:s21] =	ssyncset.done $0x0  }
0x31: {  	s11 =	rddreg [dreg:$0x5];
	[sflag:s21] =	ssyncadd.s32 $0xFFFFC000  }
0x32: {  	[spmem:s11] =	stream.linear.scatter [tilespmem:s20], [sflag:$0x4], $0x4000, $0x38;
	[tilespmem:$0x1E800] =	vst v63  }
0x33: {  	_ =	swait.ge [sflag:s21], $0x4000  }
0x34: {  	[sflag:s21] =	ssyncset.done $0x0  }
0x35: {  	s12 =	rddreg [dreg:$0x6];
	[sflag:s21] =	ssyncadd.s32 $0xFFFFC000  }
0x36: {  	[spmem:s12] =	stream.linear.scatter [tilespmem:s20], [sflag:$0x4], $0x4000, $0x38;
	[tilespmem:$0x1E800] =	vst v63  }
0x37: {  	_ =	swait.ge [sflag:s21], $0x4000  }
0x38: {  	[sflag:s21] =	ssyncset.done $0x0  }
0x39: {  	s9 =	rddreg [dreg:$0x7];
	[sflag:s21] =	ssyncadd.s32 $0xFFFFC000  }
0x3a: {  	[spmem:s9] =	stream.linear.scatter [tilespmem:s20], [sflag:$0x4], $0x4000, $0x38;
	[tilespmem:$0x1E800] =	vst v63  }
0x3b: {  	_ =	swait.ge [sflag:s21], $0x4000  }
0x3c: {  	[sflag:s21] =	ssyncset.done $0x0  }
0x3d: {  	s10 =	rddreg [dreg:$0x8];
	[sflag:s21] =	ssyncadd.s32 $0xFFFFC000  }
0x3e: {  	[spmem:s10] =	stream.linear.scatter [tilespmem:s20], [sflag:$0x4], $0x4000, $0x38;
	[tilespmem:$0x1E800] =	vst v63  }
0x3f: {  	_ =	swait.ge [sflag:s21], $0x4000  }
0x40: {  	[sflag:s21] =	ssyncset.done $0x0  }
0x41: {  	s8 =	simm.s32 $0x1D400;
	[sflag:s21] =	ssyncadd.s32 $0xFFFFC000  }
0x42: {  	s11 =	simm.s32 $0x1C000;
	s9 =	sadd.s32 $0x0, s17;
	[bflag:$0x0] =	sbarrier.arrive $0xFFFF  }
0x43: {  	[tilespmem:s11], [sflag:$0x1] =	stream.linear.gather [hbm4b:s9+s3], $0x80, $0x38;
	[tilespmem:$0x1E800] =	vst v63  }
0x44: {  	s12 =	sadd.s32 $0x0, s16;
	s10 =	simm.s32 $0x1C080;
	s9 =	simm.s32 $0x10  }
0x45: {  	[tilespmem:s8], [sflag:$0x1] =	stream.linear.gather [hbm4b:s12+s3], $0x80, $0x38;
	[tilespmem:$0x1E800] =	vst v63  }
.LBB2_4:
0x46: {  	s11 =	sadd.s32 s9, s17  }
0x47: {  	p0 =	sne.s32 s9, $0x270;
	s12 =	smov.u32 s9;
	s9 =	sadd.s32 $0x10, s9  }
0x48: {  	[tilespmem:s10], [sflag:$0x1] =	stream.linear.gather [hbm4b:s11+s3], $0x80, $0x38;
	[tilespmem:$0x1E800] =	vst v63  }
.Ltmp1:
0x49: {  	_ = 	snop;
	(pc) =	sbr.rel @p0 .LBB2_4-.Ltmp1, $4  }
0x4a: {  	s8 =	sadd.s32 $0x80, s8;
	s11 =	sadd.s32 s12, s16  }
0x4b: {  	[tilespmem:s8], [sflag:$0x1] =	stream.linear.gather [hbm4b:s11+s3], $0x80, $0x38;
	[tilespmem:$0x1E800] =	vst v63  }
0x4c: {  	_ = 	snop  }
0x4d: {  	s10 =	sadd.s32 $0x80, s10  }
0x4e: {  	_ =	swait.ge [sflag:s26], $0x80  }
0x4f: {  	[sflag:s26] =	ssyncset.done $0x0  }
0x50: {  	[sflag:s26] =	ssyncadd.s32 $0xFFFFFF80  }
0x51: {  	_ =	swait.ge [sflag:s26], $0x80  }
0x52: {  	s8 =	simm.s32 $0x27;
	[sflag:s26] =	ssyncset.done $0x0  }
.LBB2_6:
0x53: {  	p0 =	sne.s32 s8, $0x1;
	s8 =	sadd.s32 $0xFFFFFFFF, s8;
	[sflag:s26] =	ssyncadd.s32 $0xFFFFFF80  }
.Ltmp2:
0x54: {  	_ =	swait.ge [sflag:s26], $0x80;
	(pc) =	sbr.rel @p0 .LBB2_6-.Ltmp2, $4  }
0x55: {  	[sflag:s26] =	ssyncset.done $0x0  }
0x56: {  	[sflag:s26] =	ssyncadd.s32 $0xFFFFFF80  }
0x57: {  	_ =	swait.ge [sflag:s26], $0x80  }
0x58: {  	[sflag:s26] =	ssyncset.done $0x0  }
0x59: {  	[sflag:s26] =	ssyncadd.s32 $0xFFFFFF80  }
0x5a: {  	[tilespmem:s20], [sflag:$0x2] =	stream.indirect.gather [hbm4b:s4+s28], $0x80, s29, s28, $0xb8;
	[tilespmem:$0x1E800] =	vst v63  }
0x5b: {  	_ = 	snop  }
0x5c: {  	[tilespmem:s31], [sflag:$0x3] =	stream.indirect.gather [hbm4b:s4+s28], $0x80, s30, s28, $0xb8;
	[tilespmem:$0x1E800] =	vst v63  }
0x5d: {  	_ =	swait.ge [sflag:s0], $0x4000  }
0x5e: {  	[sflag:s0] =	ssyncset.done $0x0  }
0x5f: {  	s8 =	simm.s32 $0x1D400;
	[sflag:s0] =	ssyncadd.s32 $0xFFFFC000  }
0x60: {  	[spmem:s1] =	stream.indirect.scatter.add.f32 [tilespmem:s20], [sflag:$0x4], $0x80, s8, s28, $0xb8;
	[tilespmem:$0x1E800] =	vst v63  }
0x61: {  	_ =	swait.ge [sflag:s21], $0x4000  }
0x62: {  	[sflag:s21] =	ssyncset.done $0x0  }
0x63: {  	s11 =	simm.s32 $0x1C100;
	[sflag:s21] =	ssyncadd.s32 $0xFFFFC000  }
0x64: {  	[tilespmem:s20], [sflag:$0x2] =	stream.indirect.gather [hbm4b:s4+s28], $0x80, s11, s28, $0xb8;
	[tilespmem:$0x1E800] =	vst v63  }
0x65: {  	_ =	swait.ge [sflag:s2], $0x4000  }
0x66: {  	[sflag:s2] =	ssyncset.done $0x0  }
0x67: {  	s12 =	simm.s32 $0x1D480;
	[sflag:s2] =	ssyncadd.s32 $0xFFFFC000  }
0x68: {  	[spmem:s1] =	stream.indirect.scatter.add.f32 [tilespmem:s31], [sflag:$0x4], $0x80, s12, s28, $0xb8;
	[tilespmem:$0x1E800] =	vst v63  }
0x69: {  	_ =	swait.ge [sflag:s21], $0x4000  }
0x6a: {  	[sflag:s21] =	ssyncset.done $0x0  }
0x6b: {  	s9 =	simm.s32 $0x1C180;
	s8 =	simm.s32 $0x400;
	[sflag:s21] =	ssyncadd.s32 $0xFFFFC000  }
.LBB2_8:
0x6c: {  	[tilespmem:s31], [sflag:$0x3] =	stream.indirect.gather [hbm4b:s4+s28], $0x80, s9, s28, $0xb8;
	[tilespmem:$0x1E800] =	vst v63  }
0x6d: {  	s9 =	smov.u32 s8  }
0x6e: {  	p0 =	sne.s32 s8, $0x4800;
	s8 =	sadd.s32 $0x400, s8;
	_ =	swait.ge [sflag:s0], $0x4000  }
0x6f: {  	s9 =	sshra.s32 s9, $0x2;
	[sflag:s0] =	ssyncset.done $0x0  }
0x70: {  	s10 =	sadd.s32 $0x1D400, s9;
	[sflag:s0] =	ssyncadd.s32 $0xFFFFC000  }
0x71: {  	[spmem:s1] =	stream.indirect.scatter.add.f32 [tilespmem:s20], [sflag:$0x4], $0x80, s10, s28, $0xb8;
	[tilespmem:$0x1E800] =	vst v63  }
0x72: {  	_ =	swait.ge [sflag:s21], $0x4000  }
0x73: {  	[sflag:s21] =	ssyncset.done $0x0  }
0x74: {  	s10 =	sadd.s32 $0x1C100, s9;
	[sflag:s21] =	ssyncadd.s32 $0xFFFFC000  }
0x75: {  	[tilespmem:s20], [sflag:$0x2] =	stream.indirect.gather [hbm4b:s4+s28], $0x80, s10, s28, $0xb8;
	[tilespmem:$0x1E800] =	vst v63  }
0x76: {  	_ =	swait.ge [sflag:s2], $0x4000  }
0x77: {  	[sflag:s2] =	ssyncset.done $0x0  }
.Ltmp3:
0x78: {  	s10 =	sadd.s32 $0x1D480, s9;
	[sflag:s2] =	ssyncadd.s32 $0xFFFFC000;
	(pc) =	sbr.rel @p0 .LBB2_8-.Ltmp3, $4  }
0x79: {  	[spmem:s1] =	stream.indirect.scatter.add.f32 [tilespmem:s31], [sflag:$0x4], $0x80, s10, s28, $0xb8;
	[tilespmem:$0x1E800] =	vst v63  }
0x7a: {  	_ =	swait.ge [sflag:s21], $0x4000  }
0x7b: {  	[sflag:s21] =	ssyncset.done $0x0  }
0x7c: {  	s9 =	sadd.s32 $0x1C180, s9;
	[sflag:s21] =	ssyncadd.s32 $0xFFFFC000  }
0x7d: {  	[tilespmem:s31], [sflag:$0x3] =	stream.indirect.gather [hbm4b:s4+s28], $0x80, s9, s28, $0xb8;
	[tilespmem:$0x1E800] =	vst v63  }
0x7e: {  	_ =	swait.ge [sflag:s0], $0x4000  }
0x7f: {  	[sflag:s0] =	ssyncset.done $0x0  }
0x80: {  	[sflag:s0] =	ssyncadd.s32 $0xFFFFC000  }
0x81: {  	[spmem:s1] =	stream.indirect.scatter.add.f32 [tilespmem:s20], [sflag:$0x4], $0x80, s6, s28, $0xb8;
	[tilespmem:$0x1E800] =	vst v63  }
0x82: {  	_ =	swait.ge [sflag:s21], $0x4000  }
0x83: {  	[sflag:s21] =	ssyncset.done $0x0  }
0x84: {  	[sflag:s21] =	ssyncadd.s32 $0xFFFFC000  }
0x85: {  	_ =	swait.ge [sflag:s2], $0x4000  }
0x86: {  	[sflag:s2] =	ssyncset.done $0x0  }
0x87: {  	s8 =	simm.s32 $0x1E780;
	[sflag:s2] =	ssyncadd.s32 $0xFFFFC000  }
0x88: {  	[spmem:s1] =	stream.indirect.scatter.add.f32 [tilespmem:s31], [sflag:$0x4], $0x80, s8, s28, $0xb8;
	[tilespmem:$0x1E800] =	vst v63  }
0x89: {  	_ =	swait.ge [sflag:s21], $0x4000  }
0x8a: {  	s10 =	simm.s32 $0x1C000;
	[sflag:s21] =	ssyncset.done $0x0  }
0x8b: {  	s11 =	sadd.s32 $0x0, s19;
	s12 =	sadd.s32 $0x0, s18;
	[sflag:s21] =	ssyncadd.s32 $0xFFFFC000  }
0x8c: {  	[tilespmem:s10], [sflag:$0x1] =	stream.linear.gather [hbm4b:s11+s3], $0x80, $0x38;
	[tilespmem:$0x1E800] =	vst v63  }
0x8d: {  	s9 =	simm.s32 $0x10;
	s8 =	simm.s32 $0x1D400;
	s10 =	simm.s32 $0x1C080  }
0x8e: {  	[tilespmem:s8], [sflag:$0x1] =	stream.linear.gather [hbm4b:s12+s3], $0x80, $0x38;
	[tilespmem:$0x1E800] =	vst v63  }
.LBB2_10:
0x8f: {  	s11 =	sadd.s32 s9, s19  }
0x90: {  	p0 =	sne.s32 s9, $0x260;
	s12 =	smov.u32 s9;
	s9 =	sadd.s32 $0x10, s9  }
0x91: {  	[tilespmem:s10], [sflag:$0x1] =	stream.linear.gather [hbm4b:s11+s3], $0x80, $0x38;
	[tilespmem:$0x1E800] =	vst v63  }
.Ltmp4:
0x92: {  	_ = 	snop;
	(pc) =	sbr.rel @p0 .LBB2_10-.Ltmp4, $4  }
0x93: {  	s8 =	sadd.s32 $0x80, s8;
	s11 =	sadd.s32 s12, s18  }
0x94: {  	[tilespmem:s8], [sflag:$0x1] =	stream.linear.gather [hbm4b:s11+s3], $0x80, $0x38;
	[tilespmem:$0x1E800] =	vst v63  }
0x95: {  	_ = 	snop  }
0x96: {  	s10 =	sadd.s32 $0x80, s10  }
0x97: {  	_ =	swait.ge [sflag:s26], $0x80  }
0x98: {  	[sflag:s26] =	ssyncset.done $0x0  }
0x99: {  	[sflag:s26] =	ssyncadd.s32 $0xFFFFFF80  }
0x9a: {  	_ =	swait.ge [sflag:s26], $0x80  }
0x9b: {  	s8 =	simm.s32 $0x26;
	[sflag:s26] =	ssyncset.done $0x0  }
.LBB2_12:
0x9c: {  	p0 =	sne.s32 s8, $0x1;
	s8 =	sadd.s32 $0xFFFFFFFF, s8;
	[sflag:s26] =	ssyncadd.s32 $0xFFFFFF80  }
.Ltmp5:
0x9d: {  	_ =	swait.ge [sflag:s26], $0x80;
	(pc) =	sbr.rel @p0 .LBB2_12-.Ltmp5, $4  }
0x9e: {  	[sflag:s26] =	ssyncset.done $0x0  }
0x9f: {  	[sflag:s26] =	ssyncadd.s32 $0xFFFFFF80  }
0xa0: {  	_ =	swait.ge [sflag:s26], $0x80  }
0xa1: {  	[sflag:s26] =	ssyncset.done $0x0  }
0xa2: {  	[sflag:s26] =	ssyncadd.s32 $0xFFFFFF80  }
0xa3: {  	[tilespmem:s20], [sflag:$0x2] =	stream.indirect.gather [hbm4b:s4+s28], $0x80, s29, s28, $0xb8;
	[tilespmem:$0x1E800] =	vst v63  }
0xa4: {  	_ = 	snop  }
0xa5: {  	[tilespmem:s31], [sflag:$0x3] =	stream.indirect.gather [hbm4b:s4+s28], $0x80, s30, s28, $0xb8;
	[tilespmem:$0x1E800] =	vst v63  }
0xa6: {  	_ =	swait.ge [sflag:s0], $0x4000  }
0xa7: {  	[sflag:s0] =	ssyncset.done $0x0  }
0xa8: {  	s8 =	simm.s32 $0x1D400;
	[sflag:s0] =	ssyncadd.s32 $0xFFFFC000  }
0xa9: {  	[spmem:s1] =	stream.indirect.scatter.add.f32 [tilespmem:s20], [sflag:$0x4], $0x80, s8, s28, $0xb8;
	[tilespmem:$0x1E800] =	vst v63  }
0xaa: {  	_ =	swait.ge [sflag:s21], $0x4000  }
0xab: {  	[sflag:s21] =	ssyncset.done $0x0  }
0xac: {  	s11 =	simm.s32 $0x1C100;
	[sflag:s21] =	ssyncadd.s32 $0xFFFFC000  }
0xad: {  	[tilespmem:s20], [sflag:$0x2] =	stream.indirect.gather [hbm4b:s4+s28], $0x80, s11, s28, $0xb8;
	[tilespmem:$0x1E800] =	vst v63  }
0xae: {  	_ =	swait.ge [sflag:s2], $0x4000  }
0xaf: {  	[sflag:s2] =	ssyncset.done $0x0  }
0xb0: {  	s12 =	simm.s32 $0x1D480;
	[sflag:s2] =	ssyncadd.s32 $0xFFFFC000  }
0xb1: {  	[spmem:s1] =	stream.indirect.scatter.add.f32 [tilespmem:s31], [sflag:$0x4], $0x80, s12, s28, $0xb8;
	[tilespmem:$0x1E800] =	vst v63  }
0xb2: {  	_ =	swait.ge [sflag:s21], $0x4000  }
0xb3: {  	[sflag:s21] =	ssyncset.done $0x0  }
0xb4: {  	s9 =	simm.s32 $0x1C180;
	s8 =	simm.s32 $0x400;
	[sflag:s21] =	ssyncadd.s32 $0xFFFFC000  }
.LBB2_14:
0xb5: {  	[tilespmem:s31], [sflag:$0x3] =	stream.indirect.gather [hbm4b:s4+s28], $0x80, s9, s28, $0xb8;
	[tilespmem:$0x1E800] =	vst v63  }
0xb6: {  	s9 =	smov.u32 s8  }
0xb7: {  	p0 =	sne.s32 s8, $0x4400;
	s8 =	sadd.s32 $0x400, s8;
	_ =	swait.ge [sflag:s0], $0x4000  }
0xb8: {  	s9 =	sshra.s32 s9, $0x2;
	[sflag:s0] =	ssyncset.done $0x0  }
0xb9: {  	s10 =	sadd.s32 $0x1D400, s9;
	[sflag:s0] =	ssyncadd.s32 $0xFFFFC000  }
0xba: {  	[spmem:s1] =	stream.indirect.scatter.add.f32 [tilespmem:s20], [sflag:$0x4], $0x80, s10, s28, $0xb8;
	[tilespmem:$0x1E800] =	vst v63  }
0xbb: {  	_ =	swait.ge [sflag:s21], $0x4000  }
0xbc: {  	[sflag:s21] =	ssyncset.done $0x0  }
0xbd: {  	s10 =	sadd.s32 $0x1C100, s9;
	[sflag:s21] =	ssyncadd.s32 $0xFFFFC000  }
0xbe: {  	[tilespmem:s20], [sflag:$0x2] =	stream.indirect.gather [hbm4b:s4+s28], $0x80, s10, s28, $0xb8;
	[tilespmem:$0x1E800] =	vst v63  }
0xbf: {  	_ =	swait.ge [sflag:s2], $0x4000  }
0xc0: {  	[sflag:s2] =	ssyncset.done $0x0  }
.Ltmp6:
0xc1: {  	s10 =	sadd.s32 $0x1D480, s9;
	[sflag:s2] =	ssyncadd.s32 $0xFFFFC000;
	(pc) =	sbr.rel @p0 .LBB2_14-.Ltmp6, $4  }
0xc2: {  	[spmem:s1] =	stream.indirect.scatter.add.f32 [tilespmem:s31], [sflag:$0x4], $0x80, s10, s28, $0xb8;
	[tilespmem:$0x1E800] =	vst v63  }
0xc3: {  	_ =	swait.ge [sflag:s21], $0x4000  }
0xc4: {  	[sflag:s21] =	ssyncset.done $0x0  }
0xc5: {  	s9 =	sadd.s32 $0x1C180, s9;
	[sflag:s21] =	ssyncadd.s32 $0xFFFFC000  }
0xc6: {  	[tilespmem:s31], [sflag:$0x3] =	stream.indirect.gather [hbm4b:s4+s28], $0x80, s9, s28, $0xb8;
	[tilespmem:$0x1E800] =	vst v63  }
0xc7: {  	_ =	swait.ge [sflag:s0], $0x4000  }
0xc8: {  	[sflag:s0] =	ssyncset.done $0x0  }
0xc9: {  	s8 =	simm.s32 $0x1E600;
	[sflag:s0] =	ssyncadd.s32 $0xFFFFC000  }
0xca: {  	[spmem:s1] =	stream.indirect.scatter.add.f32 [tilespmem:s20], [sflag:$0x4], $0x80, s8, s28, $0xb8;
	[tilespmem:$0x1E800] =	vst v63  }
0xcb: {  	_ =	swait.ge [sflag:s21], $0x4000  }
0xcc: {  	[sflag:s21] =	ssyncset.done $0x0  }
0xcd: {  	s9 =	simm.s32 $0x1D300;
	[sflag:s21] =	ssyncadd.s32 $0xFFFFC000  }
0xce: {  	[tilespmem:s20], [sflag:$0x2] =	stream.indirect.gather [hbm4b:s4+s28], $0x80, s9, s28, $0xb8;
	[tilespmem:$0x1E800] =	vst v63  }
0xcf: {  	_ =	swait.ge [sflag:s2], $0x4000  }
0xd0: {  	[sflag:s2] =	ssyncset.done $0x0  }
0xd1: {  	s10 =	simm.s32 $0x1E680;
	[sflag:s2] =	ssyncadd.s32 $0xFFFFC000  }
0xd2: {  	[spmem:s1] =	stream.indirect.scatter.add.f32 [tilespmem:s31], [sflag:$0x4], $0x80, s10, s28, $0xb8;
	[tilespmem:$0x1E800] =	vst v63  }
0xd3: {  	_ =	swait.ge [sflag:s21], $0x4000  }
0xd4: {  	[sflag:s21] =	ssyncset.done $0x0  }
0xd5: {  	[sflag:s21] =	ssyncadd.s32 $0xFFFFC000  }
0xd6: {  	_ =	swait.ge [sflag:s0], $0x4000  }
0xd7: {  	[sflag:s0] =	ssyncset.done $0x0  }
0xd8: {  	[sflag:s0] =	ssyncadd.s32 $0xFFFFC000  }
0xd9: {  	[spmem:s1] =	stream.indirect.scatter.add.f32 [tilespmem:s20], [sflag:$0x4], $0x80, s6, s28, $0xb8;
	[tilespmem:$0x1E800] =	vst v63  }
0xda: {  	_ =	swait.ge [sflag:s21], $0x4000  }
0xdb: {  	[sflag:s21] =	ssyncset.done $0x0  }
0xdc: {  	s11 =	stileid.u32;
	[sflag:s21] =	ssyncadd.s32 $0xFFFFC000  }
0xdd: {  	s8 =	sshll.u32 s11, $0x6;
	[bflag:$0x0] =	sbarrier.arrive $0xFFFF  }
0xde: {  	s12 =	sshrl.u32 s5, $0x3;
	s8 =	sor.u32 $0x1C04, s8;
	s10 =	rddreg [dreg:$0x3]  }
0xdf: {  	[hbm:s10], [sflag:s8] =	dma.local [spmem:s12], $0x800  }
0xe0: {  	_ =	swait.ge [sflag:s21], $0x800  }
0xe1: {  	[sflag:s21] =	ssyncset.done $0x0  }
0xe2: {  	s11 =	rddreg [dreg:$0x9];
	[sflag:s21] =	ssyncadd.s32 $0xFFFFF800  }
0xe3: {  	[hbm:s11], [sflag:s8] =	dma.local [spmem:s22], $0x800  }
0xe4: {  	_ =	swait.ge [sflag:s21], $0x800  }
0xe5: {  	[sflag:s21] =	ssyncset.done $0x0  }
0xe6: {  	[sflag:s21] =	ssyncadd.s32 $0xFFFFF800  }
0xe7: {  	[hbm:s13], [sflag:s8] =	dma.local [spmem:s23], $0x800  }
0xe8: {  	_ =	swait.ge [sflag:s21], $0x800  }
0xe9: {  	[sflag:s21] =	ssyncset.done $0x0  }
0xea: {  	[sflag:s21] =	ssyncadd.s32 $0xFFFFF800  }
0xeb: {  	[hbm:s14], [sflag:s8] =	dma.local [spmem:s24], $0x800  }
0xec: {  	_ =	swait.ge [sflag:s21], $0x800  }
0xed: {  	[sflag:s21] =	ssyncset.done $0x0  }
0xee: {  	[sflag:s21] =	ssyncadd.s32 $0xFFFFF800  }
0xef: {  	[hbm:s15], [sflag:s8] =	dma.local [spmem:s25], $0x800  }
0xf0: {  	_ =	swait.ge [sflag:s21], $0x800  }
0xf1: {  	s7 =	sadd.s32 $0x1, s7;
	s12 =	rddreg [dreg:$0x4]  }
0xf2: {  	p0 =	sne.s32 s7, s12  }
.Ltmp7:
0xf3: {  	_ = 	snop;
	(pc) =	sbr.rel @p0 .LBB2_1-.Ltmp7, $3  }
0xf4: {  	_ =	sdelay $0x1  }
0xf5: {  	[sflag:s21] =	ssyncset.done $0x0  }
0xf6: {  	[sflag:s21] =	ssyncadd.s32 $0xFFFFF800  }
0xf7: {  	_ =	sfence.sel $0x180000  }
0xf8: {  	[bflag:$0x0] =	sbarrier.arrive $0xFFFF  }
0xf9: {  	_ =	strace $0x9000004D  }
0xfa: {  	s0 =	stileid.u32;
	[bflag:$0x2] =	sbarrier.arrive $0xFFFF  }
0xfb: {  	p0 =	sne.s32 s0, $0x0;
	s0 =	rddreg [dreg:$0x2]  }
0xfc: {  	s0 =	sadd.s32 @!p0 $0x100000, s0  }
0xfd: {  	[sflag:s0] =	ssyncadd.tile.s32 @!p0 $0x1;
	_ =	shalt  }
.Lfunc_end2:
_tile_overlayer_lowered:
.L_overlay_start_2:
0xfe: {  	(tag) =	ssettag $0x2  }
0xff: {  	s0 =	rddreg [dreg:$0x0];
	s2 =	stileid.u32  }
0x100: {  	s1 =	rddreg [dreg:$0x1];
	p0 =	sne.s32 s2, $0x0  }
0x101: {  	s3 =	rddreg [dreg:$0x2];
	[bflag:$0x3] =	sbarrier.arrive $0xFFFF;
	s2 =	simm.s32 @!p0 $0x1C04  }
0x102: {  	[timem:s3], [sflag:s2] =	dma.local @!p0 [hbm:s0], s1  }
0x103: {  	s0 =	simm.s32 @!p0 $0x4  }
0x104: {  	_ =	swait.ge @!p0 [sflag:s0], s1  }
0x105: {  	s1 =	ssub.s32 @!p0 $0x0, s1;
	[sflag:s0] =	ssyncset.done @!p0 $0x0  }
0x106: {  	[sflag:s0] =	ssyncadd.s32 @!p0 s1  }
0x107: {  	[bflag:$0x3] =	sbarrier.arrive $0xFFFF  }
0x108: {  	_ =	shalt  }

// kernel: kernel.21.cloned.1.call-start
scs
__scs_entry_jumppad:
0x0: {  	(pc) =	sbr.rel $0x88, $3  }
0x1: {  	(tag) =	ssettag $0x0;
	lr =	simm.s32 $0x1  }
0x2: {  	[smem:$0x3F88] =	sst lr;
	_ =	strace $0xD0000000  }
0x3: {  	_ = 	snop  }
0x4: {  	_ = 	snop  }
0x5: {  	_ = 	snop  }
0x6: {  	_ = 	snop  }
0x7: {  	_ = 	snop  }
__scs_overlays_trampoline_lowered:
0x8: {  	[smem:$0x3F97] =	sst s0  }
0x9: {  	[smem:$0x3F98] =	sst s1  }
0xa: {  	[smem:$0x3F99] =	sst s2  }
0xb: {  	[smem:$0x3F9A] =	sst s3  }
0xc: {  	[smem:$0x3F9B] =	sst s4  }
0xd: {  	[smem:$0x3F9C] =	sst s5  }
0xe: {  	[smem:$0x3F9D] =	sst s6  }
0xf: {  	[smem:$0x3F9E] =	sst s7  }
0x10: {  	[smem:$0x3F9F] =	sst s8  }
0x11: {  	[smem:$0x3FA0] =	sst s9;
	s0 =	simm.s32 @!p0 $0x0  }
0x12: {  	s1 =	sld [smem:$0x3F86];
	s0 =	simm.s32 @p0 $0x1  }
0x13: {  	[smem:$0x3FA1] =	sst s0;
	s0 =	simm.s32 @!p1 $0x0  }
0x14: {  	s2 =	sld [smem:$0x3F85];
	s0 =	simm.s32 @p1 $0x1  }
0x15: {  	[smem:$0x3FA2] =	sst s0;
	s0 =	simm.s32 @!p2 $0x0  }
0x16: {  	s3 =	sld [smem:$0x3FDB];
	s0 =	simm.s32 @p2 $0x1  }
0x17: {  	s4 =	simm.s32 $0x1BF5;
	[smem:$0x3FA4] =	sst s0  }
0x18: {  	s0 =	sld [smem:$0x3F87];
	_ =	swait.ge [sflag:s4], $0x0  }
0x19: {  	s7 =	sld [smem:$0x3F88]  }
0x1a: {  	s8 =	sadd.s32 $0xFFFFE003, lr  }
0x1b: {  	s9 =	sadd.s32 $0xFFFFFEF7, lr;
	s5 =	simm.s32 $0xFFFFFFFF;
	p2 =	slt.u32 s8, $0xFFFFF086  }
0x1c: {  	p1 =	slt.u32 s9, $0xF7A;
	s5 =	simm.s32 @!p2 $0x0  }
0x1d: {  	s5 =	simm.s32 @p1 $0x1;
	p0 =	seq.s32 s7, s2  }
0x1e: {  	s7 =	smul.u32 @!p0 $0xF7A, s2;
	p2 =	seq.s32 @!p0 s5, $0x0  }
0x1f: {  	s9 =	smul.u32 $0xF7A, s1;
	s8 =	simm.s32 @!p0 $0x1BF5;
	p2 =	por !p2, p0  }
0x20: {  	[sflag:s8] =	ssyncset.s32 @!p0 $0xFFFFF086;
	s6 =	sadd.s32 @!p0 s3, s7;
	s7 =	simm.s32 @!p0 $0x108  }
0x21: {  	s3 =	sadd.s32 s3, s9;
	s6 =	sadd.s32 @!p0 $0x88, s6;
	s7 =	simm.s32 @p2 $0x1082  }
0x22: {  	[simem:s7], [sflag:s8] =	dma.local @!p0 [hbm:s6], $0xF7A  }
0x23: {  	s9 =	sor.u32 $0xD0000000, s2;
	s6 =	simm.s32 $0x108;
	_ =	swait.ge @!p0 [sflag:s8], $0x0  }
0x24: {  	s3 =	sadd.s32 $0x88, s3;
	s6 =	simm.s32 @!p1 $0x1082;
	[sflag:s4] =	ssyncset.s32 $0xFFFFF086  }
0x25: {  	[simem:s6], [sflag:s4] =	dma.local [hbm:s3], $0xF7A  }
0x26: {  	[smem:$0x3F88] =	sst s1;
	(tag) =	ssettag s2;
	_ =	strace s9  }
0x27: {  	s1 =	sld [smem:$0x3F98]  }
0x28: {  	s2 =	sld [smem:$0x3F99]  }
0x29: {  	s4 =	sld [smem:$0x3F9B]  }
0x2a: {  	p0 =	seq.s32 s5, $0x0;
	s5 =	sld [smem:$0x3F9C]  }
0x2b: {  	s6 =	sld [smem:$0x3F9D]  }
0x2c: {  	s7 =	sld [smem:$0x3F9E]  }
0x2d: {  	s3 =	simm.s32 $0x108;
	s8 =	sld [smem:$0x3F9F]  }
0x2e: {  	s3 =	simm.s32 @!p0 $0x1082;
	s9 =	sld [smem:$0x3FA0]  }
0x2f: {  	lr =	sadd.s32 s0, s3;
	s0 =	sld [smem:$0x3F97]  }
0x30: {  	s3 =	sld [smem:$0x3F9A]  }
0x31: {  	[smem:$0x3FA3] =	sst s10  }
0x32: {  	s10 =	sld [smem:$0x3FA1];
	_ =	sdelay $0x3  }
0x33: {  	p0 =	seq.s32 s10, $0x1;
	s10 =	sld [smem:$0x3FA3];
	_ =	sdelay $0x3  }
0x34: {  	[smem:$0x3FA3] =	sst s10  }
0x35: {  	s10 =	sld [smem:$0x3FA2];
	_ =	sdelay $0x3  }
0x36: {  	p1 =	seq.s32 s10, $0x1;
	s10 =	sld [smem:$0x3FA3];
	_ =	sdelay $0x3  }
0x37: {  	[smem:$0x3FA3] =	sst s10  }
0x38: {  	s10 =	sld [smem:$0x3FA4]  }
0x39: {  	_ = 	snop;
	(pc) =	sbr.ind lr, $3  }
0x3a: {  	_ = 	snop  }
0x3b: {  	_ = 	snop  }
0x3c: {  	p2 =	seq.s32 s10, $0x1;
	s10 =	sld [smem:$0x3FA3]  }
0x3d: {  	_ =	shalt  }
0x3e: {  	_ =	shalt  }
0x3f: {  	_ =	shalt  }
0x40: {  	_ =	shalt  }
0x41: {  	_ =	shalt  }
0x42: {  	_ =	shalt  }
0x43: {  	_ =	shalt  }
0x44: {  	_ =	shalt  }
0x45: {  	_ =	shalt  }
0x46: {  	_ =	shalt  }
0x47: {  	_ =	shalt  }
0x48: {  	_ =	shalt  }
0x49: {  	_ =	shalt  }
0x4a: {  	_ =	shalt  }
0x4b: {  	_ =	shalt  }
0x4c: {  	_ =	shalt  }
0x4d: {  	_ =	shalt  }
0x4e: {  	_ =	shalt  }
0x4f: {  	_ =	shalt  }
0x50: {  	_ =	shalt  }
0x51: {  	_ =	shalt  }
0x52: {  	_ =	shalt  }
0x53: {  	_ =	shalt  }
0x54: {  	_ =	shalt  }
0x55: {  	_ =	shalt  }
0x56: {  	_ =	shalt  }
0x57: {  	_ =	shalt  }
0x58: {  	_ =	shalt  }
0x59: {  	_ =	shalt  }
0x5a: {  	_ =	shalt  }
0x5b: {  	_ =	shalt  }
0x5c: {  	_ =	shalt  }
0x5d: {  	_ =	shalt  }
0x5e: {  	_ =	shalt  }
0x5f: {  	_ =	shalt  }
0x60: {  	_ =	shalt  }
0x61: {  	_ =	shalt  }
0x62: {  	_ =	shalt  }
0x63: {  	_ =	shalt  }
0x64: {  	_ =	shalt  }
0x65: {  	_ =	shalt  }
0x66: {  	_ =	shalt  }
0x67: {  	_ =	shalt  }
0x68: {  	_ =	shalt  }
0x69: {  	_ =	shalt  }
0x6a: {  	_ =	shalt  }
0x6b: {  	_ =	shalt  }
0x6c: {  	_ =	shalt  }
0x6d: {  	_ =	shalt  }
0x6e: {  	_ =	shalt  }
0x6f: {  	_ =	shalt  }
0x70: {  	_ =	shalt  }
0x71: {  	_ =	shalt  }
0x72: {  	_ =	shalt  }
0x73: {  	_ =	shalt  }
0x74: {  	_ =	shalt  }
0x75: {  	_ =	shalt  }
0x76: {  	_ =	shalt  }
0x77: {  	_ =	shalt  }
0x78: {  	_ =	shalt  }
0x79: {  	_ =	shalt  }
0x7a: {  	_ =	shalt  }
0x7b: {  	_ =	shalt  }
0x7c: {  	_ =	shalt  }
0x7d: {  	_ =	shalt  }
0x7e: {  	_ =	shalt  }
0x7f: {  	_ =	shalt  }
0x80: {  	_ =	shalt  }
0x81: {  	_ =	shalt  }
0x82: {  	_ =	shalt  }
0x83: {  	_ =	shalt  }
0x84: {  	_ =	shalt  }
0x85: {  	_ =	shalt  }
0x86: {  	_ =	shalt  }
0x87: {  	_ =	shalt  }
.Lfunc_end0:
.L_simem_size_0:
called_computation.3_lowered:
.L_overlay_start_0:
0x88: {  	s2 =	sld [smem:$0x3FD9]  }
0x89: {  	s3 =	sld [smem:$0x3FFE];
	_ =	sdelay $0x1  }
0x8a: {  	s1 =	srdreg.scid  }
0x8b: {  	s0 =	sand.u32 $0x1, s1  }
0x8c: {  	s16 =	sshll.u32 s0, $0xA;
	s2 =	sadd.s32 s3, s2  }
0x8d: {  	s2 =	sadd.s32 s2, s16  }
0x8e: {  	[smem:$0x3FAF] =	sst s2  }
0x8f: {  	_ = 	snop  }
0x90: {  	(tm) =	ssettm $0x1  }
0x91: {  	s17 =	sld [smem:$0x3FFB];
	_ =	sdelay $0x3  }
0x92: {  	_ =	strace s17  }
0x93: {  	s2 =	sld [smem:$0x3FFC];
	_ =	sdelay $0x3  }
0x94: {  	_ =	strace s2  }
0x95: {  	s2 =	sld [smem:$0x3FFD];
	_ =	sdelay $0x3  }
0x96: {  	_ =	strace s2  }
0x97: {  	_ =	strace $0x8FFFFFFF  }
0x98: {  	s18 =	sld [smem:$0x3FDB];
	_ =	sdelay $0x1  }
0x99: {  	s19 =	simm.s32 $_scs_section_size  }
0x9a: {  	s4 =	simm.s32 $_size__tile_overlayer_lowered;
	s5 =	simm.s32 $_tile_overlayer_lowered  }
0x9b: {  	s22 =	simm.s32 $0x1BFF;
	s21 =	sshll.u32 s5, $0x1;
	s2 =	sadd.s32 s19, s18  }
0x9c: {  	s6 =	simm.s32 $0x0;
	s20 =	sshll.u32 s4, $0x1;
	s4 =	sadd.s32 s21, s2  }
0x9d: {  	[timem:s6], [sflag:s22] =	dma.local [hbm:s4], s20  }
0x9e: {  	_ =	swait.ge [sflag:s22], s20  }
0x9f: {  	s3 =	ssub.s32 $0x0, s20;
	[sflag:s22] =	ssyncset.done $0x0  }
0xa0: {  	[sflag:s22] =	ssyncadd.s32 s3;
	_ =	sdelay $0x1  }
0xa1: {  	s23 =	simm.s32 $0x1B8B  }
0xa2: {  	_ =	swait.ge [sflag:s23], $0x1  }
0xa3: {  	[sflag:s23] =	ssyncset.done $0x0  }
0xa4: {  	s25 =	simm.s32 $0x1B8E;
	s24 =	sld [smem:$0x3FFE];
	[sflag:s23] =	ssyncadd.s32 $0xFFFFFFFF  }
0xa5: {  	s26 =	simm.s32 $execute0_lowered;
	[smem:$0x3FD2] =	sst s25  }
0xa6: {  	s4 =	sshll.u32 s26, $0x1;
	_ =	strace $0x8000004F;
	[dreg:$0x1] =	wrdreg $0xFFFFFFFF  }
0xa7: {  	s28 =	simm.s32 $_size_execute0_lowered;
	s2 =	sadd.s32 s2, s4;
	[dreg:$0x0] =	wrdreg $0x0  }
0xa8: {  	s4 =	sshll.u32 s28, $0x1;
	[dreg:$0x2] =	wrdreg s2  }
0xa9: {  	[dreg:$0x3] =	wrdreg s4  }
0xaa: {  	[dreg:$0x4] =	wrdreg $0xC0  }
0xab: {  	_ =	task [dreg:s6], $0x5FFFF  }
0xac: {  	[dreg:$0x1] =	wrdreg $0xFFFFFFFF  }
0xad: {  	[dreg:$0x0] =	wrdreg $0x60  }
0xae: {  	[dreg:$0x2] =	wrdreg s24  }
0xaf: {  	[dreg:$0x3] =	wrdreg $0x0  }
0xb0: {  	[dreg:$0x4] =	wrdreg $0x9  }
0xb1: {  	_ =	task.clear_ibuf [dreg:s6], $0x5FFFF;
	_ =	strace $0x9000004F  }
0xb2: {  	s29 =	simm.s32 $0x9;
	_ =	strace $0x80000051  }
0xb3: {  	_ =	swait.ge [sflag:s29], $0x1  }
0xb4: {  	[sflag:s29] =	ssyncadd.s32 $0xFFFFFFFF  }
0xb5: {  	_ =	strace $0x90000051  }
0xb6: {  	_ =	sfence  }
0xb7: {  	s30 =	sld [smem:$0x0];
	_ =	sdelay $0x2  }
0xb8: {  	s31 =	sshll.u32 s1, $0xD;
	s1 =	sshrl.u32 s1, $0x2  }
0xb9: {  	s3 =	sand.u32 $0x4000, s31;
	s1 =	sadd.s32 s1, s30  }
0xba: {  	s0 =	sor.u32 s3, s0;
	s1 =	sshll.u32 s1, $0x11  }
0xbb: {  	s0 =	sor.u32 s1, s0  }
0xbc: {  	s0 =	sadd.s32 $0x8F2B, s0  }
0xbd: {  	[sflag:s0] =	ssyncadd.remote.s32 $0x1  }
0xbe: {  	_ =	sfence.sel $0xFFFF  }
0xbf: {  	[dreg:$0x0] =	wrdreg $0xFFFFFFFF;
	(pc) =	sbr.abs _section_cstart, $3  }
0xc0: {  	[dreg:$0x1] =	wrdreg $0xFFFFFFFF  }
0xc1: {  	_ =	task.clear_ibuf [dreg:s6], $0x2FFFF;
	_ =	strace $0x9FFFFFFF  }
0xc2: {  	(tm) =	ssettm $0x7FFFFFFF  }
0xc3: {  	_ =	shalt  }
tec
execute0_lowered:
.L_overlay_start_1:
0x0: {  	(tag) =	ssettag $0x1  }
0x1: {  	s0 =	rddreg [dreg:$0x0]  }
0x2: {  	s1 =	rddreg [dreg:$0x1]  }
0x3: {  	s3 =	simm.s32 $0x0;
	s2 =	srdreg.scid;
	s17 =	stileid.u32  }
0x4: {  	s28 =	simm.s32 $0x80;
	s29 =	simm.s32 $0x1C000;
	s30 =	simm.s32 $0x1C080  }
0x5: {  	s31 =	simm.s32 $0x18000;
	[smem:$0x7FF] =	sst s3;
	s7 =	smul.u32 $0x14000, s17  }
0x6: {  	s2 =	sand.u32 $0x1, s2;
	s4 =	sadd.s32 $0x73400, s0;
	s5 =	smul.u32 $0x50000, s17  }
0x7: {  	s8 =	sadd.s32 $0x69600, s0;
	s9 =	sadd.s32 $0x5A00, s0;
	s17 =	smul.u32 $0x2780, s17  }
0x8: {  	s0 =	sadd.s32 $0x9A600, s0;
	s6 =	smul.u32 $0x140000, s2;
	s10 =	ssub.s32 $0x2, s2  }
0x9: {  	_ =	strace $0x80000050;
	s2 =	smul.u32 $0x27800, s2;
	s12 =	sshrl.u32 s10, $0x1  }
0xa: {  	s5 =	sshrl.u32 s5, $0x2;
	s26 =	sadd.s32 $0x4000, s7;
	s14 =	sadd.s32 $0x8000, s7  }
0xb: {  	s11 =	sadd.s32 s6, s7;
	s10 =	ssub.s32 s10, s12;
	s5 =	sadd.s32 s5, s1  }
0xc: {  	s16 =	sadd.s32 s6, s26;
	s13 =	sadd.s32 s6, s14;
	s23 =	sadd.s32 s14, s1  }
0xd: {  	s22 =	sadd.s32 s17, s2;
	s2 =	simm.s32 $0x3;
	s10 =	smax.u32 s10, $0x1  }
0xe: {  	s11 =	sshrl.u32 s11, $0x3;
	s25 =	sadd.s32 $0x4000, s5;
	[dreg:$0x4] =	wrdreg s10  }
0xf: {  	s15 =	sadd.s32 $0x8000, s5;
	s18 =	sadd.s32 $0xC000, s5;
	[dreg:$0x5] =	wrdreg s25  }
0x10: {  	s19 =	sshrl.u32 s16, $0x3;
	s20 =	sadd.s32 $0x10000, s5;
	[dreg:$0x6] =	wrdreg s15  }
0x11: {  	s13 =	sshrl.u32 s13, $0x3;
	s23 =	sshrl.u32 s23, $0x3;
	[dreg:$0x7] =	wrdreg s18  }
0x12: {  	s11 =	sadd.s32 s0, s11;
	[dreg:$0x8] =	wrdreg s20;
	s21 =	sadd.s32 s0, s19  }
0x13: {  	s10 =	sadd.s32 s26, s1;
	s13 =	sadd.s32 s0, s13;
	s15 =	sadd.s32 $0xC000, s7  }
0x14: {  	s7 =	sadd.s32 $0x10000, s7;
	s26 =	sshrl.u32 s22, $0x3;
	[dreg:$0x3] =	wrdreg s11  }
0x15: {  	s20 =	simm.s32 $0x14000;
	[dreg:$0x9] =	wrdreg s21;
	s16 =	sadd.s32 s6, s15  }
0x16: {  	s6 =	sadd.s32 s6, s7;
	s24 =	sadd.s32 s15, s1;
	s25 =	sadd.s32 s7, s1  }
0x17: {  	s17 =	sadd.s32 s26, s8;
	s21 =	simm.s32 $0x4;
	s7 =	simm.s32 $0x0  }
0x18: {  	s16 =	sshrl.u32 s16, $0x3;
	s6 =	sshrl.u32 s6, $0x3;
	s24 =	sshrl.u32 s24, $0x3  }
0x19: {  	s25 =	sshrl.u32 s25, $0x3;
	s14 =	sadd.s32 s0, s16;
	s15 =	sadd.s32 s0, s6  }
0x1a: {  	s0 =	sadd.s32 $0x1400, s22;
	s16 =	sadd.s32 s26, s9;
	s22 =	sshrl.u32 s10, $0x3  }
0x1b: {  	s26 =	simm.s32 $0x1;
	s6 =	simm.s32 $0x1E700;
	s0 =	sshrl.u32 s0, $0x3  }
0x1c: {  	v0 =	vimm.f32 $0.0e+00;
	s18 =	sadd.s32 s0, s9;
	s19 =	sadd.s32 s0, s8;
	s0 =	simm.s32 $0x2  }
.LBB2_1:
0x1d: {  	s8 =	simm.s32 $0x0;
	s9 =	simm.s32 $0x200  }
.LBB2_2:
0x1e: {  	p0 =	sne.s32 s9, $0xFE00;
	[tilespmem:s8+$0x14070] =	vst v0  }
0x1f: {  	[tilespmem:s8+$0x14000] =	vst v0  }
0x20: {  	[tilespmem:s8+$0x14010] =	vst v0  }
.Ltmp0:
0x21: {  	[tilespmem:s8+$0x14020] =	vst v0;
	(pc) =	sbr.rel @p0 .LBB2_2-.Ltmp0, $4  }
0x22: {  	[tilespmem:s8+$0x14030] =	vst v0  }
0x23: {  	[tilespmem:s8+$0x14040] =	vst v0  }
0x24: {  	[tilespmem:s8+$0x14050] =	vst v0  }
0x25: {  	[tilespmem:s8+$0x14060] =	vst v0;
	s8 =	sshra.s32 s9, $0x2;
	s9 =	sadd.s32 $0x200, s9  }
0x26: {  	[tilespmem:s8+$0x14070] =	vst v0  }
0x27: {  	[tilespmem:s8+$0x14000] =	vst v0  }
0x28: {  	[tilespmem:s8+$0x14010] =	vst v0  }
0x29: {  	[tilespmem:s8+$0x14020] =	vst v0  }
0x2a: {  	[tilespmem:s8+$0x14030] =	vst v0  }
0x2b: {  	[tilespmem:s8+$0x14040] =	vst v0  }
0x2c: {  	[tilespmem:s8+$0x14050] =	vst v0  }
0x2d: {  	[tilespmem:s8+$0x14060] =	vst v0  }
0x2e: {  	[spmem:s5] =	stream.linear.scatter [tilespmem:s20], [sflag:$0x4], $0x4000, $0x38;
	[tilespmem:$0x1E800] =	vst v63  }
0x2f: {  	_ =	swait.ge [sflag:s21], $0x4000  }
0x30: {  	[sflag:s21] =	ssyncset.done $0x0  }
0x31: {  	s11 =	rddreg [dreg:$0x5];
	[sflag:s21] =	ssyncadd.s32 $0xFFFFC000  }
0x32: {  	[spmem:s11] =	stream.linear.scatter [tilespmem:s20], [sflag:$0x4], $0x4000, $0x38;
	[tilespmem:$0x1E800] =	vst v63  }
0x33: {  	_ =	swait.ge [sflag:s21], $0x4000  }
0x34: {  	[sflag:s21] =	ssyncset.done $0x0  }
0x35: {  	s12 =	rddreg [dreg:$0x6];
	[sflag:s21] =	ssyncadd.s32 $0xFFFFC000  }
0x36: {  	[spmem:s12] =	stream.linear.scatter [tilespmem:s20], [sflag:$0x4], $0x4000, $0x38;
	[tilespmem:$0x1E800] =	vst v63  }
0x37: {  	_ =	swait.ge [sflag:s21], $0x4000  }
0x38: {  	[sflag:s21] =	ssyncset.done $0x0  }
0x39: {  	s9 =	rddreg [dreg:$0x7];
	[sflag:s21] =	ssyncadd.s32 $0xFFFFC000  }
0x3a: {  	[spmem:s9] =	stream.linear.scatter [tilespmem:s20], [sflag:$0x4], $0x4000, $0x38;
	[tilespmem:$0x1E800] =	vst v63  }
0x3b: {  	_ =	swait.ge [sflag:s21], $0x4000  }
0x3c: {  	[sflag:s21] =	ssyncset.done $0x0  }
0x3d: {  	s10 =	rddreg [dreg:$0x8];
	[sflag:s21] =	ssyncadd.s32 $0xFFFFC000  }
0x3e: {  	[spmem:s10] =	stream.linear.scatter [tilespmem:s20], [sflag:$0x4], $0x4000, $0x38;
	[tilespmem:$0x1E800] =	vst v63  }
0x3f: {  	_ =	swait.ge [sflag:s21], $0x4000  }
0x40: {  	[sflag:s21] =	ssyncset.done $0x0  }
0x41: {  	s8 =	simm.s32 $0x1D400;
	[sflag:s21] =	ssyncadd.s32 $0xFFFFC000  }
0x42: {  	s11 =	simm.s32 $0x1C000;
	s9 =	sadd.s32 $0x0, s17;
	[bflag:$0x0] =	sbarrier.arrive $0xFFFF  }
0x43: {  	[tilespmem:s11], [sflag:$0x1] =	stream.linear.gather [hbm4b:s9+s3], $0x80, $0x38;
	[tilespmem:$0x1E800] =	vst v63  }
0x44: {  	s12 =	sadd.s32 $0x0, s16;
	s10 =	simm.s32 $0x1C080;
	s9 =	simm.s32 $0x10  }
0x45: {  	[tilespmem:s8], [sflag:$0x1] =	stream.linear.gather [hbm4b:s12+s3], $0x80, $0x38;
	[tilespmem:$0x1E800] =	vst v63  }
.LBB2_4:
0x46: {  	s11 =	sadd.s32 s9, s17  }
0x47: {  	p0 =	sne.s32 s9, $0x270;
	s12 =	smov.u32 s9;
	s9 =	sadd.s32 $0x10, s9  }
0x48: {  	[tilespmem:s10], [sflag:$0x1] =	stream.linear.gather [hbm4b:s11+s3], $0x80, $0x38;
	[tilespmem:$0x1E800] =	vst v63  }
.Ltmp1:
0x49: {  	_ = 	snop;
	(pc) =	sbr.rel @p0 .LBB2_4-.Ltmp1, $4  }
0x4a: {  	s8 =	sadd.s32 $0x80, s8;
	s11 =	sadd.s32 s12, s16  }
0x4b: {  	[tilespmem:s8], [sflag:$0x1] =	stream.linear.gather [hbm4b:s11+s3], $0x80, $0x38;
	[tilespmem:$0x1E800] =	vst v63  }
0x4c: {  	_ = 	snop  }
0x4d: {  	s10 =	sadd.s32 $0x80, s10  }
0x4e: {  	_ =	swait.ge [sflag:s26], $0x80  }
0x4f: {  	[sflag:s26] =	ssyncset.done $0x0  }
0x50: {  	[sflag:s26] =	ssyncadd.s32 $0xFFFFFF80  }
0x51: {  	_ =	swait.ge [sflag:s26], $0x80  }
0x52: {  	s8 =	simm.s32 $0x27;
	[sflag:s26] =	ssyncset.done $0x0  }
.LBB2_6:
0x53: {  	p0 =	sne.s32 s8, $0x1;
	s8 =	sadd.s32 $0xFFFFFFFF, s8;
	[sflag:s26] =	ssyncadd.s32 $0xFFFFFF80  }
.Ltmp2:
0x54: {  	_ =	swait.ge [sflag:s26], $0x80;
	(pc) =	sbr.rel @p0 .LBB2_6-.Ltmp2, $4  }
0x55: {  	[sflag:s26] =	ssyncset.done $0x0  }
0x56: {  	[sflag:s26] =	ssyncadd.s32 $0xFFFFFF80  }
0x57: {  	_ =	swait.ge [sflag:s26], $0x80  }
0x58: {  	[sflag:s26] =	ssyncset.done $0x0  }
0x59: {  	[sflag:s26] =	ssyncadd.s32 $0xFFFFFF80  }
0x5a: {  	[tilespmem:s20], [sflag:$0x2] =	stream.indirect.gather [hbm4b:s4+s28], $0x80, s29, s28, $0xb8;
	[tilespmem:$0x1E800] =	vst v63  }
0x5b: {  	_ = 	snop  }
0x5c: {  	[tilespmem:s31], [sflag:$0x3] =	stream.indirect.gather [hbm4b:s4+s28], $0x80, s30, s28, $0xb8;
	[tilespmem:$0x1E800] =	vst v63  }
0x5d: {  	_ =	swait.ge [sflag:s0], $0x4000  }
0x5e: {  	[sflag:s0] =	ssyncset.done $0x0  }
0x5f: {  	s8 =	simm.s32 $0x1D400;
	[sflag:s0] =	ssyncadd.s32 $0xFFFFC000  }
0x60: {  	[spmem:s1] =	stream.indirect.scatter.add.f32 [tilespmem:s20], [sflag:$0x4], $0x80, s8, s28, $0xb8;
	[tilespmem:$0x1E800] =	vst v63  }
0x61: {  	_ =	swait.ge [sflag:s21], $0x4000  }
0x62: {  	[sflag:s21] =	ssyncset.done $0x0  }
0x63: {  	s11 =	simm.s32 $0x1C100;
	[sflag:s21] =	ssyncadd.s32 $0xFFFFC000  }
0x64: {  	[tilespmem:s20], [sflag:$0x2] =	stream.indirect.gather [hbm4b:s4+s28], $0x80, s11, s28, $0xb8;
	[tilespmem:$0x1E800] =	vst v63  }
0x65: {  	_ =	swait.ge [sflag:s2], $0x4000  }
0x66: {  	[sflag:s2] =	ssyncset.done $0x0  }
0x67: {  	s12 =	simm.s32 $0x1D480;
	[sflag:s2] =	ssyncadd.s32 $0xFFFFC000  }
0x68: {  	[spmem:s1] =	stream.indirect.scatter.add.f32 [tilespmem:s31], [sflag:$0x4], $0x80, s12, s28, $0xb8;
	[tilespmem:$0x1E800] =	vst v63  }
0x69: {  	_ =	swait.ge [sflag:s21], $0x4000  }
0x6a: {  	[sflag:s21] =	ssyncset.done $0x0  }
0x6b: {  	s9 =	simm.s32 $0x1C180;
	s8 =	simm.s32 $0x400;
	[sflag:s21] =	ssyncadd.s32 $0xFFFFC000  }
.LBB2_8:
0x6c: {  	[tilespmem:s31], [sflag:$0x3] =	stream.indirect.gather [hbm4b:s4+s28], $0x80, s9, s28, $0xb8;
	[tilespmem:$0x1E800] =	vst v63  }
0x6d: {  	s9 =	smov.u32 s8  }
0x6e: {  	p0 =	sne.s32 s8, $0x4800;
	s8 =	sadd.s32 $0x400, s8;
	_ =	swait.ge [sflag:s0], $0x4000  }
0x6f: {  	s9 =	sshra.s32 s9, $0x2;
	[sflag:s0] =	ssyncset.done $0x0  }
0x70: {  	s10 =	sadd.s32 $0x1D400, s9;
	[sflag:s0] =	ssyncadd.s32 $0xFFFFC000  }
0x71: {  	[spmem:s1] =	stream.indirect.scatter.add.f32 [tilespmem:s20], [sflag:$0x4], $0x80, s10, s28, $0xb8;
	[tilespmem:$0x1E800] =	vst v63  }
0x72: {  	_ =	swait.ge [sflag:s21], $0x4000  }
0x73: {  	[sflag:s21] =	ssyncset.done $0x0  }
0x74: {  	s10 =	sadd.s32 $0x1C100, s9;
	[sflag:s21] =	ssyncadd.s32 $0xFFFFC000  }
0x75: {  	[tilespmem:s20], [sflag:$0x2] =	stream.indirect.gather [hbm4b:s4+s28], $0x80, s10, s28, $0xb8;
	[tilespmem:$0x1E800] =	vst v63  }
0x76: {  	_ =	swait.ge [sflag:s2], $0x4000  }
0x77: {  	[sflag:s2] =	ssyncset.done $0x0  }
.Ltmp3:
0x78: {  	s10 =	sadd.s32 $0x1D480, s9;
	[sflag:s2] =	ssyncadd.s32 $0xFFFFC000;
	(pc) =	sbr.rel @p0 .LBB2_8-.Ltmp3, $4  }
0x79: {  	[spmem:s1] =	stream.indirect.scatter.add.f32 [tilespmem:s31], [sflag:$0x4], $0x80, s10, s28, $0xb8;
	[tilespmem:$0x1E800] =	vst v63  }
0x7a: {  	_ =	swait.ge [sflag:s21], $0x4000  }
0x7b: {  	[sflag:s21] =	ssyncset.done $0x0  }
0x7c: {  	s9 =	sadd.s32 $0x1C180, s9;
	[sflag:s21] =	ssyncadd.s32 $0xFFFFC000  }
0x7d: {  	[tilespmem:s31], [sflag:$0x3] =	stream.indirect.gather [hbm4b:s4+s28], $0x80, s9, s28, $0xb8;
	[tilespmem:$0x1E800] =	vst v63  }
0x7e: {  	_ =	swait.ge [sflag:s0], $0x4000  }
0x7f: {  	[sflag:s0] =	ssyncset.done $0x0  }
0x80: {  	[sflag:s0] =	ssyncadd.s32 $0xFFFFC000  }
0x81: {  	[spmem:s1] =	stream.indirect.scatter.add.f32 [tilespmem:s20], [sflag:$0x4], $0x80, s6, s28, $0xb8;
	[tilespmem:$0x1E800] =	vst v63  }
0x82: {  	_ =	swait.ge [sflag:s21], $0x4000  }
0x83: {  	[sflag:s21] =	ssyncset.done $0x0  }
0x84: {  	[sflag:s21] =	ssyncadd.s32 $0xFFFFC000  }
0x85: {  	_ =	swait.ge [sflag:s2], $0x4000  }
0x86: {  	[sflag:s2] =	ssyncset.done $0x0  }
0x87: {  	s8 =	simm.s32 $0x1E780;
	[sflag:s2] =	ssyncadd.s32 $0xFFFFC000  }
0x88: {  	[spmem:s1] =	stream.indirect.scatter.add.f32 [tilespmem:s31], [sflag:$0x4], $0x80, s8, s28, $0xb8;
	[tilespmem:$0x1E800] =	vst v63  }
0x89: {  	_ =	swait.ge [sflag:s21], $0x4000  }
0x8a: {  	s10 =	simm.s32 $0x1C000;
	[sflag:s21] =	ssyncset.done $0x0  }
0x8b: {  	s11 =	sadd.s32 $0x0, s19;
	s12 =	sadd.s32 $0x0, s18;
	[sflag:s21] =	ssyncadd.s32 $0xFFFFC000  }
0x8c: {  	[tilespmem:s10], [sflag:$0x1] =	stream.linear.gather [hbm4b:s11+s3], $0x80, $0x38;
	[tilespmem:$0x1E800] =	vst v63  }
0x8d: {  	s9 =	simm.s32 $0x10;
	s8 =	simm.s32 $0x1D400;
	s10 =	simm.s32 $0x1C080  }
0x8e: {  	[tilespmem:s8], [sflag:$0x1] =	stream.linear.gather [hbm4b:s12+s3], $0x80, $0x38;
	[tilespmem:$0x1E800] =	vst v63  }
.LBB2_10:
0x8f: {  	s11 =	sadd.s32 s9, s19  }
0x90: {  	p0 =	sne.s32 s9, $0x260;
	s12 =	smov.u32 s9;
	s9 =	sadd.s32 $0x10, s9  }
0x91: {  	[tilespmem:s10], [sflag:$0x1] =	stream.linear.gather [hbm4b:s11+s3], $0x80, $0x38;
	[tilespmem:$0x1E800] =	vst v63  }
.Ltmp4:
0x92: {  	_ = 	snop;
	(pc) =	sbr.rel @p0 .LBB2_10-.Ltmp4, $4  }
0x93: {  	s8 =	sadd.s32 $0x80, s8;
	s11 =	sadd.s32 s12, s18  }
0x94: {  	[tilespmem:s8], [sflag:$0x1] =	stream.linear.gather [hbm4b:s11+s3], $0x80, $0x38;
	[tilespmem:$0x1E800] =	vst v63  }
0x95: {  	_ = 	snop  }
0x96: {  	s10 =	sadd.s32 $0x80, s10  }
0x97: {  	_ =	swait.ge [sflag:s26], $0x80  }
0x98: {  	[sflag:s26] =	ssyncset.done $0x0  }
0x99: {  	[sflag:s26] =	ssyncadd.s32 $0xFFFFFF80  }
0x9a: {  	_ =	swait.ge [sflag:s26], $0x80  }
0x9b: {  	s8 =	simm.s32 $0x26;
	[sflag:s26] =	ssyncset.done $0x0  }
.LBB2_12:
0x9c: {  	p0 =	sne.s32 s8, $0x1;
	s8 =	sadd.s32 $0xFFFFFFFF, s8;
	[sflag:s26] =	ssyncadd.s32 $0xFFFFFF80  }
.Ltmp5:
0x9d: {  	_ =	swait.ge [sflag:s26], $0x80;
	(pc) =	sbr.rel @p0 .LBB2_12-.Ltmp5, $4  }
0x9e: {  	[sflag:s26] =	ssyncset.done $0x0  }
0x9f: {  	[sflag:s26] =	ssyncadd.s32 $0xFFFFFF80  }
0xa0: {  	_ =	swait.ge [sflag:s26], $0x80  }
0xa1: {  	[sflag:s26] =	ssyncset.done $0x0  }
0xa2: {  	[sflag:s26] =	ssyncadd.s32 $0xFFFFFF80  }
0xa3: {  	[tilespmem:s20], [sflag:$0x2] =	stream.indirect.gather [hbm4b:s4+s28], $0x80, s29, s28, $0xb8;
	[tilespmem:$0x1E800] =	vst v63  }
0xa4: {  	_ = 	snop  }
0xa5: {  	[tilespmem:s31], [sflag:$0x3] =	stream.indirect.gather [hbm4b:s4+s28], $0x80, s30, s28, $0xb8;
	[tilespmem:$0x1E800] =	vst v63  }
0xa6: {  	_ =	swait.ge [sflag:s0], $0x4000  }
0xa7: {  	[sflag:s0] =	ssyncset.done $0x0  }
0xa8: {  	s8 =	simm.s32 $0x1D400;
	[sflag:s0] =	ssyncadd.s32 $0xFFFFC000  }
0xa9: {  	[spmem:s1] =	stream.indirect.scatter.add.f32 [tilespmem:s20], [sflag:$0x4], $0x80, s8, s28, $0xb8;
	[tilespmem:$0x1E800] =	vst v63  }
0xaa: {  	_ =	swait.ge [sflag:s21], $0x4000  }
0xab: {  	[sflag:s21] =	ssyncset.done $0x0  }
0xac: {  	s11 =	simm.s32 $0x1C100;
	[sflag:s21] =	ssyncadd.s32 $0xFFFFC000  }
0xad: {  	[tilespmem:s20], [sflag:$0x2] =	stream.indirect.gather [hbm4b:s4+s28], $0x80, s11, s28, $0xb8;
	[tilespmem:$0x1E800] =	vst v63  }
0xae: {  	_ =	swait.ge [sflag:s2], $0x4000  }
0xaf: {  	[sflag:s2] =	ssyncset.done $0x0  }
0xb0: {  	s12 =	simm.s32 $0x1D480;
	[sflag:s2] =	ssyncadd.s32 $0xFFFFC000  }
0xb1: {  	[spmem:s1] =	stream.indirect.scatter.add.f32 [tilespmem:s31], [sflag:$0x4], $0x80, s12, s28, $0xb8;
	[tilespmem:$0x1E800] =	vst v63  }
0xb2: {  	_ =	swait.ge [sflag:s21], $0x4000  }
0xb3: {  	[sflag:s21] =	ssyncset.done $0x0  }
0xb4: {  	s9 =	simm.s32 $0x1C180;
	s8 =	simm.s32 $0x400;
	[sflag:s21] =	ssyncadd.s32 $0xFFFFC000  }
.LBB2_14:
0xb5: {  	[tilespmem:s31], [sflag:$0x3] =	stream.indirect.gather [hbm4b:s4+s28], $0x80, s9, s28, $0xb8;
	[tilespmem:$0x1E800] =	vst v63  }
0xb6: {  	s9 =	smov.u32 s8  }
0xb7: {  	p0 =	sne.s32 s8, $0x4400;
	s8 =	sadd.s32 $0x400, s8;
	_ =	swait.ge [sflag:s0], $0x4000  }
0xb8: {  	s9 =	sshra.s32 s9, $0x2;
	[sflag:s0] =	ssyncset.done $0x0  }
0xb9: {  	s10 =	sadd.s32 $0x1D400, s9;
	[sflag:s0] =	ssyncadd.s32 $0xFFFFC000  }
0xba: {  	[spmem:s1] =	stream.indirect.scatter.add.f32 [tilespmem:s20], [sflag:$0x4], $0x80, s10, s28, $0xb8;
	[tilespmem:$0x1E800] =	vst v63  }
0xbb: {  	_ =	swait.ge [sflag:s21], $0x4000  }
0xbc: {  	[sflag:s21] =	ssyncset.done $0x0  }
0xbd: {  	s10 =	sadd.s32 $0x1C100, s9;
	[sflag:s21] =	ssyncadd.s32 $0xFFFFC000  }
0xbe: {  	[tilespmem:s20], [sflag:$0x2] =	stream.indirect.gather [hbm4b:s4+s28], $0x80, s10, s28, $0xb8;
	[tilespmem:$0x1E800] =	vst v63  }
0xbf: {  	_ =	swait.ge [sflag:s2], $0x4000  }
0xc0: {  	[sflag:s2] =	ssyncset.done $0x0  }
.Ltmp6:
0xc1: {  	s10 =	sadd.s32 $0x1D480, s9;
	[sflag:s2] =	ssyncadd.s32 $0xFFFFC000;
	(pc) =	sbr.rel @p0 .LBB2_14-.Ltmp6, $4  }
0xc2: {  	[spmem:s1] =	stream.indirect.scatter.add.f32 [tilespmem:s31], [sflag:$0x4], $0x80, s10, s28, $0xb8;
	[tilespmem:$0x1E800] =	vst v63  }
0xc3: {  	_ =	swait.ge [sflag:s21], $0x4000  }
0xc4: {  	[sflag:s21] =	ssyncset.done $0x0  }
0xc5: {  	s9 =	sadd.s32 $0x1C180, s9;
	[sflag:s21] =	ssyncadd.s32 $0xFFFFC000  }
0xc6: {  	[tilespmem:s31], [sflag:$0x3] =	stream.indirect.gather [hbm4b:s4+s28], $0x80, s9, s28, $0xb8;
	[tilespmem:$0x1E800] =	vst v63  }
0xc7: {  	_ =	swait.ge [sflag:s0], $0x4000  }
0xc8: {  	[sflag:s0] =	ssyncset.done $0x0  }
0xc9: {  	s8 =	simm.s32 $0x1E600;
	[sflag:s0] =	ssyncadd.s32 $0xFFFFC000  }
0xca: {  	[spmem:s1] =	stream.indirect.scatter.add.f32 [tilespmem:s20], [sflag:$0x4], $0x80, s8, s28, $0xb8;
	[tilespmem:$0x1E800] =	vst v63  }
0xcb: {  	_ =	swait.ge [sflag:s21], $0x4000  }
0xcc: {  	[sflag:s21] =	ssyncset.done $0x0  }
0xcd: {  	s9 =	simm.s32 $0x1D300;
	[sflag:s21] =	ssyncadd.s32 $0xFFFFC000  }
0xce: {  	[tilespmem:s20], [sflag:$0x2] =	stream.indirect.gather [hbm4b:s4+s28], $0x80, s9, s28, $0xb8;
	[tilespmem:$0x1E800] =	vst v63  }
0xcf: {  	_ =	swait.ge [sflag:s2], $0x4000  }
0xd0: {  	[sflag:s2] =	ssyncset.done $0x0  }
0xd1: {  	s10 =	simm.s32 $0x1E680;
	[sflag:s2] =	ssyncadd.s32 $0xFFFFC000  }
0xd2: {  	[spmem:s1] =	stream.indirect.scatter.add.f32 [tilespmem:s31], [sflag:$0x4], $0x80, s10, s28, $0xb8;
	[tilespmem:$0x1E800] =	vst v63  }
0xd3: {  	_ =	swait.ge [sflag:s21], $0x4000  }
0xd4: {  	[sflag:s21] =	ssyncset.done $0x0  }
0xd5: {  	[sflag:s21] =	ssyncadd.s32 $0xFFFFC000  }
0xd6: {  	_ =	swait.ge [sflag:s0], $0x4000  }
0xd7: {  	[sflag:s0] =	ssyncset.done $0x0  }
0xd8: {  	[sflag:s0] =	ssyncadd.s32 $0xFFFFC000  }
0xd9: {  	[spmem:s1] =	stream.indirect.scatter.add.f32 [tilespmem:s20], [sflag:$0x4], $0x80, s6, s28, $0xb8;
	[tilespmem:$0x1E800] =	vst v63  }
0xda: {  	_ =	swait.ge [sflag:s21], $0x4000  }
0xdb: {  	[sflag:s21] =	ssyncset.done $0x0  }
0xdc: {  	s11 =	stileid.u32;
	[sflag:s21] =	ssyncadd.s32 $0xFFFFC000  }
0xdd: {  	s8 =	sshll.u32 s11, $0x6;
	[bflag:$0x0] =	sbarrier.arrive $0xFFFF  }
0xde: {  	s12 =	sshrl.u32 s5, $0x3;
	s8 =	sor.u32 $0x1C04, s8;
	s10 =	rddreg [dreg:$0x3]  }
0xdf: {  	[hbm:s10], [sflag:s8] =	dma.local [spmem:s12], $0x800  }
0xe0: {  	_ =	swait.ge [sflag:s21], $0x800  }
0xe1: {  	[sflag:s21] =	ssyncset.done $0x0  }
0xe2: {  	s11 =	rddreg [dreg:$0x9];
	[sflag:s21] =	ssyncadd.s32 $0xFFFFF800  }
0xe3: {  	[hbm:s11], [sflag:s8] =	dma.local [spmem:s22], $0x800  }
0xe4: {  	_ =	swait.ge [sflag:s21], $0x800  }
0xe5: {  	[sflag:s21] =	ssyncset.done $0x0  }
0xe6: {  	[sflag:s21] =	ssyncadd.s32 $0xFFFFF800  }
0xe7: {  	[hbm:s13], [sflag:s8] =	dma.local [spmem:s23], $0x800  }
0xe8: {  	_ =	swait.ge [sflag:s21], $0x800  }
0xe9: {  	[sflag:s21] =	ssyncset.done $0x0  }
0xea: {  	[sflag:s21] =	ssyncadd.s32 $0xFFFFF800  }
0xeb: {  	[hbm:s14], [sflag:s8] =	dma.local [spmem:s24], $0x800  }
0xec: {  	_ =	swait.ge [sflag:s21], $0x800  }
0xed: {  	[sflag:s21] =	ssyncset.done $0x0  }
0xee: {  	[sflag:s21] =	ssyncadd.s32 $0xFFFFF800  }
0xef: {  	[hbm:s15], [sflag:s8] =	dma.local [spmem:s25], $0x800  }
0xf0: {  	_ =	swait.ge [sflag:s21], $0x800  }
0xf1: {  	s7 =	sadd.s32 $0x1, s7;
	s12 =	rddreg [dreg:$0x4]  }
0xf2: {  	p0 =	sne.s32 s7, s12  }
.Ltmp7:
0xf3: {  	_ = 	snop;
	(pc) =	sbr.rel @p0 .LBB2_1-.Ltmp7, $3  }
0xf4: {  	_ =	sdelay $0x1  }
0xf5: {  	[sflag:s21] =	ssyncset.done $0x0  }
0xf6: {  	[sflag:s21] =	ssyncadd.s32 $0xFFFFF800  }
0xf7: {  	_ =	sfence.sel $0x180000  }
0xf8: {  	[bflag:$0x0] =	sbarrier.arrive $0xFFFF  }
0xf9: {  	_ =	strace $0x90000050  }
0xfa: {  	s0 =	stileid.u32;
	[bflag:$0x2] =	sbarrier.arrive $0xFFFF  }
0xfb: {  	p0 =	sne.s32 s0, $0x0;
	s0 =	rddreg [dreg:$0x2]  }
0xfc: {  	s0 =	sadd.s32 @!p0 $0x100000, s0  }
0xfd: {  	[sflag:s0] =	ssyncadd.tile.s32 @!p0 $0x1;
	_ =	shalt  }
.Lfunc_end2:
_tile_overlayer_lowered:
.L_overlay_start_2:
0xfe: {  	(tag) =	ssettag $0x2  }
0xff: {  	s0 =	rddreg [dreg:$0x0];
	s2 =	stileid.u32  }
0x100: {  	s1 =	rddreg [dreg:$0x1];
	p0 =	sne.s32 s2, $0x0  }
0x101: {  	s3 =	rddreg [dreg:$0x2];
	[bflag:$0x3] =	sbarrier.arrive $0xFFFF;
	s2 =	simm.s32 @!p0 $0x1C04  }
0x102: {  	[timem:s3], [sflag:s2] =	dma.local @!p0 [hbm:s0], s1  }
0x103: {  	s0 =	simm.s32 @!p0 $0x4  }
0x104: {  	_ =	swait.ge @!p0 [sflag:s0], s1  }
0x105: {  	s1 =	ssub.s32 @!p0 $0x0, s1;
	[sflag:s0] =	ssyncset.done @!p0 $0x0  }
0x106: {  	[sflag:s0] =	ssyncadd.s32 @!p0 s1  }
0x107: {  	[bflag:$0x3] =	sbarrier.arrive $0xFFFF  }
0x108: {  	_ =	shalt  }

// kernel: kernel.24.cloned.1.call-start
scs
__scs_entry_jumppad:
0x0: {  	(pc) =	sbr.rel $0x88, $3  }
0x1: {  	(tag) =	ssettag $0x0;
	lr =	simm.s32 $0x1  }
0x2: {  	[smem:$0x3F88] =	sst lr;
	_ =	strace $0xD0000000  }
0x3: {  	_ = 	snop  }
0x4: {  	_ = 	snop  }
0x5: {  	_ = 	snop  }
0x6: {  	_ = 	snop  }
0x7: {  	_ = 	snop  }
__scs_overlays_trampoline_lowered:
0x8: {  	[smem:$0x3F97] =	sst s0  }
0x9: {  	[smem:$0x3F98] =	sst s1  }
0xa: {  	[smem:$0x3F99] =	sst s2  }
0xb: {  	[smem:$0x3F9A] =	sst s3  }
0xc: {  	[smem:$0x3F9B] =	sst s4  }
0xd: {  	[smem:$0x3F9C] =	sst s5  }
0xe: {  	[smem:$0x3F9D] =	sst s6  }
0xf: {  	[smem:$0x3F9E] =	sst s7  }
0x10: {  	[smem:$0x3F9F] =	sst s8  }
0x11: {  	[smem:$0x3FA0] =	sst s9;
	s0 =	simm.s32 @!p0 $0x0  }
0x12: {  	s1 =	sld [smem:$0x3F86];
	s0 =	simm.s32 @p0 $0x1  }
0x13: {  	[smem:$0x3FA1] =	sst s0;
	s0 =	simm.s32 @!p1 $0x0  }
0x14: {  	s2 =	sld [smem:$0x3F85];
	s0 =	simm.s32 @p1 $0x1  }
0x15: {  	[smem:$0x3FA2] =	sst s0;
	s0 =	simm.s32 @!p2 $0x0  }
0x16: {  	s3 =	sld [smem:$0x3FDB];
	s0 =	simm.s32 @p2 $0x1  }
0x17: {  	s4 =	simm.s32 $0x1BF5;
	[smem:$0x3FA4] =	sst s0  }
0x18: {  	s0 =	sld [smem:$0x3F87];
	_ =	swait.ge [sflag:s4], $0x0  }
0x19: {  	s7 =	sld [smem:$0x3F88]  }
0x1a: {  	s8 =	sadd.s32 $0xFFFFE003, lr  }
0x1b: {  	s9 =	sadd.s32 $0xFFFFFEF7, lr;
	s5 =	simm.s32 $0xFFFFFFFF;
	p2 =	slt.u32 s8, $0xFFFFF086  }
0x1c: {  	p1 =	slt.u32 s9, $0xF7A;
	s5 =	simm.s32 @!p2 $0x0  }
0x1d: {  	s5 =	simm.s32 @p1 $0x1;
	p0 =	seq.s32 s7, s2  }
0x1e: {  	s7 =	smul.u32 @!p0 $0xF7A, s2;
	p2 =	seq.s32 @!p0 s5, $0x0  }
0x1f: {  	s9 =	smul.u32 $0xF7A, s1;
	s8 =	simm.s32 @!p0 $0x1BF5;
	p2 =	por !p2, p0  }
0x20: {  	[sflag:s8] =	ssyncset.s32 @!p0 $0xFFFFF086;
	s6 =	sadd.s32 @!p0 s3, s7;
	s7 =	simm.s32 @!p0 $0x108  }
0x21: {  	s3 =	sadd.s32 s3, s9;
	s6 =	sadd.s32 @!p0 $0x88, s6;
	s7 =	simm.s32 @p2 $0x1082  }
0x22: {  	[simem:s7], [sflag:s8] =	dma.local @!p0 [hbm:s6], $0xF7A  }
0x23: {  	s9 =	sor.u32 $0xD0000000, s2;
	s6 =	simm.s32 $0x108;
	_ =	swait.ge @!p0 [sflag:s8], $0x0  }
0x24: {  	s3 =	sadd.s32 $0x88, s3;
	s6 =	simm.s32 @!p1 $0x1082;
	[sflag:s4] =	ssyncset.s32 $0xFFFFF086  }
0x25: {  	[simem:s6], [sflag:s4] =	dma.local [hbm:s3], $0xF7A  }
0x26: {  	[smem:$0x3F88] =	sst s1;
	(tag) =	ssettag s2;
	_ =	strace s9  }
0x27: {  	s1 =	sld [smem:$0x3F98]  }
0x28: {  	s2 =	sld [smem:$0x3F99]  }
0x29: {  	s4 =	sld [smem:$0x3F9B]  }
0x2a: {  	p0 =	seq.s32 s5, $0x0;
	s5 =	sld [smem:$0x3F9C]  }
0x2b: {  	s6 =	sld [smem:$0x3F9D]  }
0x2c: {  	s7 =	sld [smem:$0x3F9E]  }
0x2d: {  	s3 =	simm.s32 $0x108;
	s8 =	sld [smem:$0x3F9F]  }
0x2e: {  	s3 =	simm.s32 @!p0 $0x1082;
	s9 =	sld [smem:$0x3FA0]  }
0x2f: {  	lr =	sadd.s32 s0, s3;
	s0 =	sld [smem:$0x3F97]  }
0x30: {  	s3 =	sld [smem:$0x3F9A]  }
0x31: {  	[smem:$0x3FA3] =	sst s10  }
0x32: {  	s10 =	sld [smem:$0x3FA1];
	_ =	sdelay $0x3  }
0x33: {  	p0 =	seq.s32 s10, $0x1;
	s10 =	sld [smem:$0x3FA3];
	_ =	sdelay $0x3  }
0x34: {  	[smem:$0x3FA3] =	sst s10  }
0x35: {  	s10 =	sld [smem:$0x3FA2];
	_ =	sdelay $0x3  }
0x36: {  	p1 =	seq.s32 s10, $0x1;
	s10 =	sld [smem:$0x3FA3];
	_ =	sdelay $0x3  }
0x37: {  	[smem:$0x3FA3] =	sst s10  }
0x38: {  	s10 =	sld [smem:$0x3FA4]  }
0x39: {  	_ = 	snop;
	(pc) =	sbr.ind lr, $3  }
0x3a: {  	_ = 	snop  }
0x3b: {  	_ = 	snop  }
0x3c: {  	p2 =	seq.s32 s10, $0x1;
	s10 =	sld [smem:$0x3FA3]  }
0x3d: {  	_ =	shalt  }
0x3e: {  	_ =	shalt  }
0x3f: {  	_ =	shalt  }
0x40: {  	_ =	shalt  }
0x41: {  	_ =	shalt  }
0x42: {  	_ =	shalt  }
0x43: {  	_ =	shalt  }
0x44: {  	_ =	shalt  }
0x45: {  	_ =	shalt  }
0x46: {  	_ =	shalt  }
0x47: {  	_ =	shalt  }
0x48: {  	_ =	shalt  }
0x49: {  	_ =	shalt  }
0x4a: {  	_ =	shalt  }
0x4b: {  	_ =	shalt  }
0x4c: {  	_ =	shalt  }
0x4d: {  	_ =	shalt  }
0x4e: {  	_ =	shalt  }
0x4f: {  	_ =	shalt  }
0x50: {  	_ =	shalt  }
0x51: {  	_ =	shalt  }
0x52: {  	_ =	shalt  }
0x53: {  	_ =	shalt  }
0x54: {  	_ =	shalt  }
0x55: {  	_ =	shalt  }
0x56: {  	_ =	shalt  }
0x57: {  	_ =	shalt  }
0x58: {  	_ =	shalt  }
0x59: {  	_ =	shalt  }
0x5a: {  	_ =	shalt  }
0x5b: {  	_ =	shalt  }
0x5c: {  	_ =	shalt  }
0x5d: {  	_ =	shalt  }
0x5e: {  	_ =	shalt  }
0x5f: {  	_ =	shalt  }
0x60: {  	_ =	shalt  }
0x61: {  	_ =	shalt  }
0x62: {  	_ =	shalt  }
0x63: {  	_ =	shalt  }
0x64: {  	_ =	shalt  }
0x65: {  	_ =	shalt  }
0x66: {  	_ =	shalt  }
0x67: {  	_ =	shalt  }
0x68: {  	_ =	shalt  }
0x69: {  	_ =	shalt  }
0x6a: {  	_ =	shalt  }
0x6b: {  	_ =	shalt  }
0x6c: {  	_ =	shalt  }
0x6d: {  	_ =	shalt  }
0x6e: {  	_ =	shalt  }
0x6f: {  	_ =	shalt  }
0x70: {  	_ =	shalt  }
0x71: {  	_ =	shalt  }
0x72: {  	_ =	shalt  }
0x73: {  	_ =	shalt  }
0x74: {  	_ =	shalt  }
0x75: {  	_ =	shalt  }
0x76: {  	_ =	shalt  }
0x77: {  	_ =	shalt  }
0x78: {  	_ =	shalt  }
0x79: {  	_ =	shalt  }
0x7a: {  	_ =	shalt  }
0x7b: {  	_ =	shalt  }
0x7c: {  	_ =	shalt  }
0x7d: {  	_ =	shalt  }
0x7e: {  	_ =	shalt  }
0x7f: {  	_ =	shalt  }
0x80: {  	_ =	shalt  }
0x81: {  	_ =	shalt  }
0x82: {  	_ =	shalt  }
0x83: {  	_ =	shalt  }
0x84: {  	_ =	shalt  }
0x85: {  	_ =	shalt  }
0x86: {  	_ =	shalt  }
0x87: {  	_ =	shalt  }
.Lfunc_end0:
.L_simem_size_0:
called_computation.4_lowered:
.L_overlay_start_0:
0x88: {  	s2 =	sld [smem:$0x3FD9]  }
0x89: {  	s3 =	sld [smem:$0x3FFE];
	_ =	sdelay $0x1  }
0x8a: {  	s1 =	srdreg.scid  }
0x8b: {  	s0 =	sand.u32 $0x1, s1  }
0x8c: {  	s16 =	sshll.u32 s0, $0xA;
	s2 =	sadd.s32 s3, s2  }
0x8d: {  	s2 =	sadd.s32 s2, s16  }
0x8e: {  	[smem:$0x3FAF] =	sst s2  }
0x8f: {  	_ = 	snop  }
0x90: {  	(tm) =	ssettm $0x1  }
0x91: {  	s17 =	sld [smem:$0x3FFB];
	_ =	sdelay $0x3  }
0x92: {  	_ =	strace s17  }
0x93: {  	s2 =	sld [smem:$0x3FFC];
	_ =	sdelay $0x3  }
0x94: {  	_ =	strace s2  }
0x95: {  	s2 =	sld [smem:$0x3FFD];
	_ =	sdelay $0x3  }
0x96: {  	_ =	strace s2  }
0x97: {  	_ =	strace $0x8FFFFFFF  }
0x98: {  	s18 =	sld [smem:$0x3FDB];
	_ =	sdelay $0x1  }
0x99: {  	s19 =	simm.s32 $_scs_section_size  }
0x9a: {  	s4 =	simm.s32 $_size__tile_overlayer_lowered;
	s5 =	simm.s32 $_tile_overlayer_lowered  }
0x9b: {  	s22 =	simm.s32 $0x1BFF;
	s21 =	sshll.u32 s5, $0x1;
	s2 =	sadd.s32 s19, s18  }
0x9c: {  	s6 =	simm.s32 $0x0;
	s20 =	sshll.u32 s4, $0x1;
	s4 =	sadd.s32 s21, s2  }
0x9d: {  	[timem:s6], [sflag:s22] =	dma.local [hbm:s4], s20  }
0x9e: {  	_ =	swait.ge [sflag:s22], s20  }
0x9f: {  	s3 =	ssub.s32 $0x0, s20;
	[sflag:s22] =	ssyncset.done $0x0  }
0xa0: {  	[sflag:s22] =	ssyncadd.s32 s3;
	_ =	sdelay $0x1  }
0xa1: {  	s23 =	simm.s32 $0x1B8B  }
0xa2: {  	_ =	swait.ge [sflag:s23], $0x1  }
0xa3: {  	[sflag:s23] =	ssyncset.done $0x0  }
0xa4: {  	s25 =	simm.s32 $0x1B8E;
	s24 =	sld [smem:$0x3FFE];
	[sflag:s23] =	ssyncadd.s32 $0xFFFFFFFF  }
0xa5: {  	s26 =	simm.s32 $execute0_lowered;
	[smem:$0x3FD2] =	sst s25  }
0xa6: {  	s4 =	sshll.u32 s26, $0x1;
	_ =	strace $0x80000052;
	[dreg:$0x1] =	wrdreg $0xFFFFFFFF  }
0xa7: {  	s28 =	simm.s32 $_size_execute0_lowered;
	s2 =	sadd.s32 s2, s4;
	[dreg:$0x0] =	wrdreg $0x0  }
0xa8: {  	s4 =	sshll.u32 s28, $0x1;
	[dreg:$0x2] =	wrdreg s2  }
0xa9: {  	[dreg:$0x3] =	wrdreg s4  }
0xaa: {  	[dreg:$0x4] =	wrdreg $0xC0  }
0xab: {  	_ =	task [dreg:s6], $0x5FFFF  }
0xac: {  	[dreg:$0x1] =	wrdreg $0xFFFFFFFF  }
0xad: {  	[dreg:$0x0] =	wrdreg $0x60  }
0xae: {  	[dreg:$0x2] =	wrdreg s24  }
0xaf: {  	[dreg:$0x3] =	wrdreg $0x9  }
0xb0: {  	_ =	task.clear_ibuf [dreg:s6], $0x4FFFF;
	_ =	strace $0x90000052  }
0xb1: {  	s29 =	simm.s32 $0x9;
	_ =	strace $0x80000054  }
0xb2: {  	_ =	swait.ge [sflag:s29], $0x1  }
0xb3: {  	[sflag:s29] =	ssyncadd.s32 $0xFFFFFFFF  }
0xb4: {  	_ =	strace $0x90000054  }
0xb5: {  	_ =	sfence  }
0xb6: {  	s30 =	sld [smem:$0x0];
	_ =	sdelay $0x2  }
0xb7: {  	s31 =	sshll.u32 s1, $0xD;
	s1 =	sshrl.u32 s1, $0x2  }
0xb8: {  	s3 =	sand.u32 $0x4000, s31;
	s1 =	sadd.s32 s1, s30  }
0xb9: {  	s0 =	sor.u32 s3, s0;
	s1 =	sshll.u32 s1, $0x11  }
0xba: {  	s0 =	sor.u32 s1, s0  }
0xbb: {  	s0 =	sadd.s32 $0x8F2B, s0  }
0xbc: {  	[sflag:s0] =	ssyncadd.remote.s32 $0x1  }
0xbd: {  	_ =	sfence.sel $0xFFFF  }
0xbe: {  	[dreg:$0x0] =	wrdreg $0xFFFFFFFF;
	(pc) =	sbr.abs _section_cstart, $3  }
0xbf: {  	[dreg:$0x1] =	wrdreg $0xFFFFFFFF  }
0xc0: {  	_ =	task.clear_ibuf [dreg:s6], $0x2FFFF;
	_ =	strace $0x9FFFFFFF  }
0xc1: {  	(tm) =	ssettm $0x7FFFFFFF  }
tec
execute0_lowered:
.L_overlay_start_1:
0x0: {  	(tag) =	ssettag $0x1  }
0x1: {  	s0 =	srdreg.scid  }
0x2: {  	s5 =	rddreg [dreg:$0x0];
	s1 =	stileid.u32;
	s2 =	simm.s32 $0x0  }
0x3: {  	s10 =	simm.s32 $0x1;
	s11 =	simm.s32 $0x80;
	s12 =	simm.s32 $0x10000  }
0x4: {  	s13 =	simm.s32 $0x12800;
	s14 =	simm.s32 $0x4000;
	s15 =	simm.s32 $0x2  }
0x5: {  	s16 =	simm.s32 $0x5;
	s17 =	simm.s32 $0x3;
	s18 =	simm.s32 $0x8000  }
0x6: {  	s19 =	simm.s32 $0x4;
	s6 =	sand.u32 $0x1, s0;
	s0 =	rddreg [dreg:$0x1]  }
0x7: {  	s20 =	simm.s32 $0x0;
	s7 =	smul.u32 $0x2780, s1;
	[smem:$0x7FF] =	sst s2  }
0x8: {  	s3 =	sadd.s32 $0x19600, s5;
	s4 =	smul.u32 $0x27800, s6;
	_ =	strace $0x80000053  }
.Ltmp0:
0x9: {  	s8 =	ssub.s32 $0x2, s6;
	s6 =	sshll.u32 s6, $0x4;
	(pc) =	sbr.rel .LBB2_1-.Ltmp0, $4  }
0xa: {  	s31 =	sshrl.u32 s8, $0x1;
	s6 =	sor.u32 s1, s6;
	s7 =	sadd.s32 s7, s4  }
0xb: {  	s4 =	sadd.s32 $0x40800, s5;
	s6 =	smul.u32 $0x13C000, s6;
	s7 =	sshrl.u32 s7, $0x3  }
0xc: {  	s9 =	sadd.s32 s7, s5;
	s5 =	sadd.s32 $0x73400, s5;
	s7 =	ssub.s32 s8, s31  }
0xd: {  	s7 =	smax.u32 s7, $0x1;
	s8 =	sadd.s32 $0xF800, s9;
	s9 =	sadd.s32 $0x69600, s9  }
.LBB2_13:
0xe: {  	s20 =	sadd.s32 $0x1, s20  }
0xf: {  	p0 =	sne.s32 s20, s7  }
.Ltmp1:
0x10: {  	_ = 	snop;
	(pc) =	sbr.rel @!p0 .LBB2_14-.Ltmp1, $1  }
0x11: {  	_ =	sdelay $0x3  }
.LBB2_1:
0x12: {  	s21 =	sadd.s32 $0x0, s9;
	s31 =	sadd.s32 $0x0, s8  }
0x13: {  	[tilespmem:s12], [sflag:$0x1] =	stream.linear.gather [hbm4b:s21+s2], $0x80, $0x38;
	[tilespmem:$0x15000] =	vst v63  }
0x14: {  	s22 =	simm.s32 $0x10080;
	s23 =	simm.s32 $0x12800;
	s21 =	simm.s32 $0x10  }
0x15: {  	[tilespmem:s13], [sflag:$0x1] =	stream.linear.gather [hbm4b:s31+s2], $0x80, $0x38;
	[tilespmem:$0x15000] =	vst v63  }
.LBB2_2:
0x16: {  	s24 =	sadd.s32 s21, s9  }
0x17: {  	p0 =	sne.s32 s21, $0x4E0;
	s25 =	smov.u32 s21;
	s21 =	sadd.s32 $0x10, s21  }
0x18: {  	[tilespmem:s22], [sflag:$0x1] =	stream.linear.gather [hbm4b:s24+s2], $0x80, $0x38;
	[tilespmem:$0x15000] =	vst v63  }
.Ltmp2:
0x19: {  	_ = 	snop;
	(pc) =	sbr.rel @p0 .LBB2_2-.Ltmp2, $4  }
0x1a: {  	s23 =	sadd.s32 $0x80, s23;
	s24 =	sadd.s32 s25, s8  }
0x1b: {  	[tilespmem:s23], [sflag:$0x1] =	stream.linear.gather [hbm4b:s24+s2], $0x80, $0x38;
	[tilespmem:$0x15000] =	vst v63  }
0x1c: {  	_ = 	snop  }
0x1d: {  	s22 =	sadd.s32 $0x80, s22  }
0x1e: {  	_ =	swait.ge [sflag:s10], $0x80  }
0x1f: {  	[sflag:s10] =	ssyncset.done $0x0  }
0x20: {  	[sflag:s10] =	ssyncadd.s32 $0xFFFFFF80  }
0x21: {  	_ =	swait.ge [sflag:s10], $0x80  }
0x22: {  	s21 =	simm.s32 $0x4E;
	[sflag:s10] =	ssyncset.done $0x0  }
.LBB2_4:
0x23: {  	p0 =	sne.s32 s21, $0x1;
	s21 =	sadd.s32 $0xFFFFFFFF, s21;
	[sflag:s10] =	ssyncadd.s32 $0xFFFFFF80  }
.Ltmp3:
0x24: {  	_ =	swait.ge [sflag:s10], $0x80;
	(pc) =	sbr.rel @p0 .LBB2_4-.Ltmp3, $4  }
0x25: {  	[sflag:s10] =	ssyncset.done $0x0  }
0x26: {  	[sflag:s10] =	ssyncadd.s32 $0xFFFFFF80  }
0x27: {  	_ =	swait.ge [sflag:s10], $0x80  }
0x28: {  	[sflag:s10] =	ssyncset.done $0x0  }
.Ltmp4:
0x29: {  	(pc) =	sbr.rel .LBB2_6-.Ltmp4, $4  }
0x2a: {  	[sflag:s10] =	ssyncadd.s32 $0xFFFFFF80;
	s21 =	simm.s32 $0x0  }
0x2b: {  	[tilespmem:s21], [sflag:$0x2] =	stream.indirect.gather [hbm4b:s3+s11], $0x80, s12, s11, $0xb8;
	[tilespmem:$0x15000] =	vst v63  }
0x2c: {  	_ = 	snop  }
0x2d: {  	[tilespmem:s14], [sflag:$0x2] =	stream.indirect.gather [hbm4b:s4+s11], $0x80, s13, s11, $0xb8;
	[tilespmem:$0x15000] =	vst v63  }
.LBB2_12:
0x2e: {  	s21 =	sadd.s32 $0x1, s21  }
0x2f: {  	p0 =	sne.s32 s21, $0x28  }
.Ltmp5:
0x30: {  	_ = 	snop;
	(pc) =	sbr.rel @!p0 .LBB2_13-.Ltmp5, $1  }
0x31: {  	_ =	sdelay $0x3  }
.LBB2_6:
0x32: {  	s22 =	sshllo.u32 s21, $0x1  }
0x33: {  	p0 =	sgt.u32 s22, $0x4E  }
0x34: {  	s23 =	sshll.u32 @!p0 s22, $0x7  }
0x35: {  	s25 =	simm.s32 @!p0 $0x80;
	s26 =	simm.s32 @!p0 $0x8000;
	s24 =	sadd.s32 @!p0 $0x10000, s23  }
0x36: {  	[tilespmem:s26], [sflag:$0x3] =	stream.indirect.gather @!p0 [hbm4b:s3+s25], $0x80, s24, s25, $0xb8;
	[tilespmem:$0x15000] =	vst v63  }
0x37: {  	s23 =	sadd.s32 @!p0 $0x12800, s23;
	s24 =	simm.s32 @!p0 $0xC000  }
0x38: {  	[tilespmem:s24], [sflag:$0x3] =	stream.indirect.gather @!p0 [hbm4b:s4+s25], $0x80, s23, s25, $0xb8;
	[tilespmem:$0x15000] =	vst v63  }
0x39: {  	_ =	swait.ge [sflag:s15], $0x4000  }
0x3a: {  	[sflag:s15] =	ssyncset.done $0x0  }
0x3b: {  	[sflag:s15] =	ssyncadd.s32 $0xFFFFC000  }
0x3c: {  	_ =	swait.ge [sflag:s15], $0x4000  }
0x3d: {  	[sflag:s15] =	ssyncset.done $0x0  }
0x3e: {  	s23 =	simm.s32 $0x0;
	[sflag:s15] =	ssyncadd.s32 $0xFFFFC000  }
0x3f: {  	v7 =	vld [tilespmem:s23+$0x4000]  }
0x40: {  	v11 =	vld [tilespmem:s23+$0x4010]  }
0x41: {  	v5 =	vld [tilespmem:s23+$0x4020]  }
0x42: {  	v4 =	vld [tilespmem:s23+$0x4030]  }
0x43: {  	v3 =	vld [tilespmem:s23+$0x4040]  }
0x44: {  	v2 =	vld [tilespmem:s23+$0x4050]  }
0x45: {  	v1 =	vld [tilespmem:s23+$0x4060]  }
0x46: {  	v0 =	vld [tilespmem:s23+$0x4070]  }
0x47: {  	v12 =	vld [tilespmem:s23+$0x0]  }
0x48: {  	v13 =	vld [tilespmem:s23+$0x10]  }
0x49: {  	v10 =	vld [tilespmem:s23+$0x20]  }
0x4a: {  	v9 =	vld [tilespmem:s23+$0x30]  }
0x4b: {  	v8 =	vld [tilespmem:s23+$0x40]  }
0x4c: {  	v6 =	vld [tilespmem:s23+$0x50];
	v12 =	vadd.f32 v7, v12  }
0x4d: {  	s24 =	simm.s32 $0x200;
	v11 =	vadd.f32 v11, v13;
	v7 =	vld [tilespmem:s23+$0x60]  }
.LBB2_7:
0x4e: {  	s25 =	sshra.s32 s24, $0x2;
	p1 =	sne.s32 s24, $0xFE00;
	[tilespmem:s23+$0x0] =	vst v12;
	v5 =	vadd.f32 v5, v10;
	v10 =	vld [tilespmem:s23+$0x70]  }
0x4f: {  	v12 =	vld [tilespmem:s25+$0x4000];
	[tilespmem:s23+$0x10] =	vst v11;
	v4 =	vadd.f32 v4, v9  }
0x50: {  	v11 =	vld [tilespmem:s25+$0x4010];
	[tilespmem:s23+$0x20] =	vst v5;
	v3 =	vadd.f32 v3, v8  }
0x51: {  	v5 =	vld [tilespmem:s25+$0x4020];
	[tilespmem:s23+$0x30] =	vst v4;
	v2 =	vadd.f32 v2, v6  }
0x52: {  	v4 =	vld [tilespmem:s25+$0x4030];
	[tilespmem:s23+$0x40] =	vst v3;
	v1 =	vadd.f32 v1, v7  }
0x53: {  	v3 =	vld [tilespmem:s25+$0x4040];
	[tilespmem:s23+$0x50] =	vst v2;
	v0 =	vadd.f32 v0, v10  }
0x54: {  	v2 =	vld [tilespmem:s25+$0x4050];
	[tilespmem:s23+$0x60] =	vst v1  }
0x55: {  	v1 =	vld [tilespmem:s25+$0x4060];
	[tilespmem:s23+$0x70] =	vst v0;
	s23 =	smov.u32 s25  }
0x56: {  	v0 =	vld [tilespmem:s23+$0x4070]  }
0x57: {  	v6 =	vld [tilespmem:s23+$0x0]  }
0x58: {  	v7 =	vld [tilespmem:s23+$0x10]  }
.Ltmp6:
0x59: {  	v10 =	vld [tilespmem:s23+$0x20];
	(pc) =	sbr.rel @p1 .LBB2_7-.Ltmp6, $4  }
0x5a: {  	v9 =	vld [tilespmem:s23+$0x30]  }
0x5b: {  	v8 =	vld [tilespmem:s23+$0x40]  }
0x5c: {  	v12 =	vadd.f32 v12, v6;
	v6 =	vld [tilespmem:s23+$0x50]  }
0x5d: {  	s24 =	sadd.s32 $0x200, s24;
	v11 =	vadd.f32 v11, v7;
	v7 =	vld [tilespmem:s23+$0x60]  }
0x5e: {  	[tilespmem:s23+$0x0] =	vst v12;
	v5 =	vadd.f32 v5, v10;
	v63 =	vld [tilespmem:s23+$0x70]  }
0x5f: {  	[tilespmem:s23+$0x10] =	vst v11;
	v4 =	vadd.f32 v4, v9  }
0x60: {  	[tilespmem:s23+$0x20] =	vst v5;
	v3 =	vadd.f32 v3, v8  }
0x61: {  	[tilespmem:s23+$0x30] =	vst v4;
	v2 =	vadd.f32 v2, v6  }
0x62: {  	s24 =	sshll.u32 s21, $0xF;
	[tilespmem:s23+$0x40] =	vst v3;
	v1 =	vadd.f32 v1, v7  }
0x63: {  	s24 =	sadd.s32 s6, s24;
	[tilespmem:s23+$0x50] =	vst v2;
	v0 =	vadd.f32 v0, v63  }
0x64: {  	s24 =	sshrl.u32 s24, $0x3;
	[tilespmem:s23+$0x60] =	vst v1  }
0x65: {  	p1 =	seq.s32 s21, $0x27;
	s31 =	sadd.s32 s5, s24;
	[tilespmem:s23+$0x70] =	vst v0  }
0x66: {  	[hbm4b:s31+s2] =	stream.linear.scatter [tilespmem:s2], [sflag:$0x5], $0x4000, $0x38;
	[tilespmem:$0x15000] =	vst v63  }
0x67: {  	s25 =	simm.s32 @!p1 $0x80;
	_ =	swait.ge [sflag:s16], $0x4000  }
.Ltmp7:
0x68: {  	s23 =	sshll.u32 @!p1 s21, $0x8;
	[sflag:s16] =	ssyncset.done $0x0;
	(pc) =	sbr.rel @p0 .LBB2_12-.Ltmp7, $4  }
0x69: {  	s26 =	simm.s32 @!p1 $0x0;
	s24 =	sadd.s32 @!p1 $0x10100, s23;
	[sflag:s16] =	ssyncadd.s32 $0xFFFFC000  }
0x6a: {  	[tilespmem:s26], [sflag:$0x2] =	stream.indirect.gather @!p1 [hbm4b:s3+s25], $0x80, s24, s25, $0xb8;
	[tilespmem:$0x15000] =	vst v63  }
0x6b: {  	s23 =	sadd.s32 @!p1 $0x12900, s23;
	s24 =	simm.s32 @!p1 $0x4000  }
0x6c: {  	[tilespmem:s24], [sflag:$0x2] =	stream.indirect.gather @!p1 [hbm4b:s4+s25], $0x80, s23, s25, $0xb8;
	[tilespmem:$0x15000] =	vst v63  }
0x6d: {  	_ =	swait.ge [sflag:s17], $0x4000  }
0x6e: {  	[sflag:s17] =	ssyncset.done $0x0  }
0x6f: {  	[sflag:s17] =	ssyncadd.s32 $0xFFFFC000  }
0x70: {  	_ =	swait.ge [sflag:s17], $0x4000  }
0x71: {  	[sflag:s17] =	ssyncset.done $0x0  }
0x72: {  	s23 =	simm.s32 $0x0;
	[sflag:s17] =	ssyncadd.s32 $0xFFFFC000  }
0x73: {  	v7 =	vld [tilespmem:s23+$0xC000]  }
0x74: {  	v11 =	vld [tilespmem:s23+$0xC010]  }
0x75: {  	v5 =	vld [tilespmem:s23+$0xC020]  }
0x76: {  	v4 =	vld [tilespmem:s23+$0xC030]  }
0x77: {  	v3 =	vld [tilespmem:s23+$0xC040]  }
0x78: {  	v2 =	vld [tilespmem:s23+$0xC050]  }
0x79: {  	v1 =	vld [tilespmem:s23+$0xC060]  }
0x7a: {  	v0 =	vld [tilespmem:s23+$0xC070]  }
0x7b: {  	v12 =	vld [tilespmem:s23+$0x8000]  }
0x7c: {  	v13 =	vld [tilespmem:s23+$0x8010]  }
0x7d: {  	v10 =	vld [tilespmem:s23+$0x8020]  }
0x7e: {  	v9 =	vld [tilespmem:s23+$0x8030]  }
0x7f: {  	v8 =	vld [tilespmem:s23+$0x8040]  }
0x80: {  	v6 =	vld [tilespmem:s23+$0x8050];
	v12 =	vadd.f32 v7, v12  }
0x81: {  	s24 =	simm.s32 $0x200;
	v11 =	vadd.f32 v11, v13;
	v7 =	vld [tilespmem:s23+$0x8060]  }
.LBB2_10:
0x82: {  	s25 =	sshra.s32 s24, $0x2;
	p0 =	sne.s32 s24, $0xFE00;
	[tilespmem:s23+$0x8000] =	vst v12;
	v5 =	vadd.f32 v5, v10;
	v10 =	vld [tilespmem:s23+$0x8070]  }
0x83: {  	v12 =	vld [tilespmem:s25+$0xC000];
	[tilespmem:s23+$0x8010] =	vst v11;
	v4 =	vadd.f32 v4, v9  }
0x84: {  	v11 =	vld [tilespmem:s25+$0xC010];
	[tilespmem:s23+$0x8020] =	vst v5;
	v3 =	vadd.f32 v3, v8  }
0x85: {  	v5 =	vld [tilespmem:s25+$0xC020];
	[tilespmem:s23+$0x8030] =	vst v4;
	v2 =	vadd.f32 v2, v6  }
0x86: {  	v4 =	vld [tilespmem:s25+$0xC030];
	[tilespmem:s23+$0x8040] =	vst v3;
	v1 =	vadd.f32 v1, v7  }
0x87: {  	v3 =	vld [tilespmem:s25+$0xC040];
	[tilespmem:s23+$0x8050] =	vst v2;
	v0 =	vadd.f32 v0, v10  }
0x88: {  	v2 =	vld [tilespmem:s25+$0xC050];
	[tilespmem:s23+$0x8060] =	vst v1  }
0x89: {  	v1 =	vld [tilespmem:s25+$0xC060];
	[tilespmem:s23+$0x8070] =	vst v0;
	s23 =	smov.u32 s25  }
0x8a: {  	v0 =	vld [tilespmem:s23+$0xC070]  }
0x8b: {  	v6 =	vld [tilespmem:s23+$0x8000]  }
0x8c: {  	v7 =	vld [tilespmem:s23+$0x8010]  }
.Ltmp8:
0x8d: {  	v10 =	vld [tilespmem:s23+$0x8020];
	(pc) =	sbr.rel @p0 .LBB2_10-.Ltmp8, $4  }
0x8e: {  	v9 =	vld [tilespmem:s23+$0x8030]  }
0x8f: {  	v8 =	vld [tilespmem:s23+$0x8040]  }
0x90: {  	v12 =	vadd.f32 v12, v6;
	v6 =	vld [tilespmem:s23+$0x8050]  }
0x91: {  	s24 =	sadd.s32 $0x200, s24;
	v11 =	vadd.f32 v11, v7;
	v7 =	vld [tilespmem:s23+$0x8060]  }
0x92: {  	[tilespmem:s23+$0x8000] =	vst v12;
	v5 =	vadd.f32 v5, v10;
	v63 =	vld [tilespmem:s23+$0x8070]  }
0x93: {  	[tilespmem:s23+$0x8010] =	vst v11;
	v4 =	vadd.f32 v4, v9  }
0x94: {  	[tilespmem:s23+$0x8020] =	vst v5;
	v3 =	vadd.f32 v3, v8  }
0x95: {  	[tilespmem:s23+$0x8030] =	vst v4;
	v2 =	vadd.f32 v2, v6  }
0x96: {  	s22 =	sshll.u32 s22, $0xE;
	[tilespmem:s23+$0x8040] =	vst v3;
	v1 =	vadd.f32 v1, v7  }
0x97: {  	s22 =	sadd.s32 s6, s22;
	[tilespmem:s23+$0x8050] =	vst v2;
	v0 =	vadd.f32 v0, v63  }
0x98: {  	s22 =	sshrl.u32 s22, $0x3;
	[tilespmem:s23+$0x8060] =	vst v1  }
.Ltmp9:
0x99: {  	s22 =	sadd.s32 s5, s22;
	[tilespmem:s23+$0x8070] =	vst v0;
	(pc) =	sbr.rel .LBB2_12-.Ltmp9, $4  }
0x9a: {  	[hbm4b:s22+s2] =	stream.linear.scatter [tilespmem:s18], [sflag:$0x4], $0x4000, $0x38;
	[tilespmem:$0x15000] =	vst v63  }
0x9b: {  	_ =	swait.ge [sflag:s19], $0x4000  }
0x9c: {  	[sflag:s19] =	ssyncset.done $0x0  }
0x9d: {  	[sflag:s19] =	ssyncadd.s32 $0xFFFFC000  }
.LBB2_14:
0x9e: {  	_ =	sfence.sel $0x180000  }
0x9f: {  	[bflag:$0x0] =	sbarrier.arrive $0xFFFF  }
0xa0: {  	p0 =	sne.s32 s1, $0x0;
	_ =	strace $0x90000053  }
0xa1: {  	s0 =	sadd.s32 @!p0 $0x100000, s0;
	[bflag:$0x2] =	sbarrier.arrive $0xFFFF  }
0xa2: {  	[sflag:s0] =	ssyncadd.tile.s32 @!p0 $0x1;
	_ =	shalt  }
.Lfunc_end2:
_tile_overlayer_lowered:
.L_overlay_start_2:
0xa3: {  	(tag) =	ssettag $0x2  }
0xa4: {  	s0 =	rddreg [dreg:$0x0];
	s2 =	stileid.u32  }
0xa5: {  	s1 =	rddreg [dreg:$0x1];
	p0 =	sne.s32 s2, $0x0  }
0xa6: {  	s3 =	rddreg [dreg:$0x2];
	[bflag:$0x3] =	sbarrier.arrive $0xFFFF;
	s2 =	simm.s32 @!p0 $0x1C04  }
0xa7: {  	[timem:s3], [sflag:s2] =	dma.local @!p0 [hbm:s0], s1  }
0xa8: {  	s0 =	simm.s32 @!p0 $0x4  }
0xa9: {  	_ =	swait.ge @!p0 [sflag:s0], s1  }
0xaa: {  	s1 =	ssub.s32 @!p0 $0x0, s1;
	[sflag:s0] =	ssyncset.done @!p0 $0x0  }
0xab: {  	[sflag:s0] =	ssyncadd.s32 @!p0 s1  }
0xac: {  	[bflag:$0x3] =	sbarrier.arrive $0xFFFF  }
0xad: {  	_ =	shalt  }

</sc_bundles>
